<compile_context>
chip_gen: v7x
topology: tpu7x:2x2x1
jax: 0.10.2.dev20260603
libtpu: 0.0.44.dev20260713+nightly
codegen_flags: <defaults>
</compile_context>

<pallas_src>
import functools

import jax
import jax.numpy as jnp
from jax import lax
from jax.experimental import pallas as pl
from jax.experimental.pallas import tpu as pltpu
from jax.experimental.pallas import tpu_sc as plsc

TOTAL = 16384
D = 1024
NSEG = 16
SPLIT = 4096
NC = 2
NS = 16
NW = NC * NS
TPW = SPLIT // NW
CH = 32
NCH = TPW // CH
LANES = 16
DCHUNKS = D // LANES
RTC = 1024
GTC = (TOTAL - SPLIT) // RTC


def _sc_segment_sum(flat, cu_pad):
    mesh = plsc.VectorSubcoreMesh(
        core_axis_name="c", subcore_axis_name="s", num_cores=NC, num_subcores=NS
    )

    @functools.partial(
        pl.kernel,
        out_type=jax.ShapeDtypeStruct((NW, NSEG, D), jnp.float32),
        mesh=mesh,
        scratch_types=[
            pltpu.VMEM((CH, D), jnp.float32),
            pltpu.VMEM((CH, D), jnp.float32),
            pltpu.VMEM((NSEG, D), jnp.float32),
            pltpu.VMEM((2 * LANES,), jnp.int32),
            pltpu.SemaphoreType.DMA,
            pltpu.SemaphoreType.DMA,
        ],
    )
    def body(flat_hbm, cu_hbm, out_hbm, buf0, buf1, acc, cu_v, sem0, sem1):
        cid = lax.axis_index("c")
        sid = lax.axis_index("s")
        wid = sid * NC + cid
        lo = wid * TPW

        pltpu.sync_copy(cu_hbm, cu_v)
        c0 = cu_v[0:LANES]
        cu_s = [c0[k] for k in range(1, NSEG)]

        def seg_of(pos):
            s = jnp.int32(0)
            for k in range(NSEG - 1):
                s = s + (pos >= cu_s[k]).astype(jnp.int32)
            return s

        zero = jnp.zeros((LANES,), jnp.float32)

        def zero_body(j, _):
            for t in range(NSEG):
                acc[t, pl.ds(j * LANES, LANES)] = zero
            return 0

        lax.fori_loop(0, DCHUNKS, zero_body, 0)

        bufs = (buf0, buf1)
        sems = (sem0, sem1)

        def start_copy(c, b):
            pltpu.async_copy(flat_hbm.at[pl.ds(lo + c * CH, CH)], bufs[b], sems[b])

        def wait_copy(b):
            pltpu.make_async_copy(flat_hbm.at[pl.ds(lo, CH)], bufs[b], sems[b]).wait()

        def process(buf, base):
            sfirst = seg_of(base)
            slast = seg_of(base + CH - 1)

            def fast(_):
                @plsc.parallel_loop(0, DCHUNKS, step=1, unroll=2)
                def dbody(d):
                    col = pl.ds(d * LANES, LANES)
                    regs = [buf[r, col] for r in range(8)]
                    for r in range(8, CH):
                        regs[r % 8] = regs[r % 8] + buf[r, col]
                    t01 = regs[0] + regs[1]
                    t23 = regs[2] + regs[3]
                    t45 = regs[4] + regs[5]
                    t67 = regs[6] + regs[7]
                    plsc.addupdate(
                        acc.at[sfirst, col], (t01 + t23) + (t45 + t67)
                    )

                return 0

            def slow(_):
                def row_body(r, _):
                    seg = seg_of(base + r)
                    for d in range(DCHUNKS):
                        col = pl.ds(d * LANES, LANES)
                        plsc.addupdate(acc.at[seg, col], buf[r, col])
                    return 0

                lax.fori_loop(0, CH, row_body, 0)
                return 0

            lax.cond(sfirst == slast, fast, slow, 0)

        start_copy(0, 0)

        def group_body(g, _):
            c = 2 * g
            wait_copy(0)
            start_copy(c + 1, 1)
            process(buf0, lo + c * CH)
            wait_copy(1)
            start_copy(jnp.minimum(c + 2, NCH - 1), 0)
            process(buf1, lo + (c + 1) * CH)
            return 0

        lax.fori_loop(0, NCH // 2, group_body, 0)
        wait_copy(0)

        pltpu.sync_copy(acc, out_hbm.at[wid])

    return body(flat, cu_pad)


def _tc_partial_sum(flat, cu_2d):
    def tc_body(cu_sref, cu_vref, x_ref, o_ref):
        i = pl.program_id(0)
        base = SPLIT + i * RTC

        def seg_scalar(pos):
            s = jnp.int32(0)
            for k in range(1, NSEG):
                s = s + (pos >= cu_sref[0, k]).astype(jnp.int32)
            return s

        sfirst = seg_scalar(base)
        slast = seg_scalar(base + RTC - 1)

        @pl.when(i == 0)
        def _init():
            o_ref[...] = jnp.zeros((NSEG, D), jnp.float32)

        def fast(_):
            rs = jnp.sum(x_ref[...], axis=0, keepdims=True)
            o_ref[pl.ds(sfirst, 1), :] += rs
            return 0

        def slow(_):
            pos = base + lax.broadcasted_iota(jnp.int32, (RTC, 1), 0)
            bounds = cu_vref[0:1, 1:NSEG]
            seg = jnp.sum(
                (pos >= bounds).astype(jnp.int32), axis=1, keepdims=True
            )
            onehot = (
                seg == lax.broadcasted_iota(jnp.int32, (RTC, NSEG), 1)
            ).astype(jnp.float32)
            o_ref[...] += lax.dot_general(
                onehot,
                x_ref[...],
                (((0,), (0,)), ((), ())),
                preferred_element_type=jnp.float32,
            )
            return 0

        lax.cond(sfirst == slast, fast, slow, 0)

    return pl.pallas_call(
        tc_body,
        grid=(GTC,),
        in_specs=[
            pl.BlockSpec(memory_space=pltpu.SMEM),
            pl.BlockSpec((8, 2 * LANES), lambda i: (0, 0)),
            pl.BlockSpec((RTC, D), lambda i: (SPLIT // RTC + i, 0)),
        ],
        out_specs=pl.BlockSpec((NSEG, D), lambda i: (0, 0)),
        out_shape=jax.ShapeDtypeStruct((NSEG, D), jnp.float32),
    )(cu_2d, cu_2d, flat)


def kernel(flat, cu_seqlens):
    cu_pad = jnp.concatenate(
        [cu_seqlens, jnp.zeros((2 * LANES - cu_seqlens.shape[0],), jnp.int32)]
    )
    cu_2d = jnp.broadcast_to(cu_pad[None, :], (8, 2 * LANES))
    tc_part = _tc_partial_sum(flat, cu_2d)
    partials = _sc_segment_sum(flat, cu_pad)
    return partials.sum(axis=0) + tc_part

# --- scband reference (transcript-rebuilt; emitter-appended) ---
"""Pipeline reference for scband-sum-48653389529327 (READ-ONLY COPY).

The authoritative reference and input builder live on the scoring server;
editing this copy changes nothing except your own understanding.
"""

import jax, jax.numpy as jnp
import numpy as np

B = 16
TOTAL_TOKENS = 16384
D = 1024


def setup_inputs(seed: int = 0) -> dict:
    key = jax.random.key(seed)
    k1, k2 = jax.random.split(key)
    flat = jax.random.normal(k1, (TOTAL_TOKENS, D), dtype=jnp.float32)
    # ragged row boundaries: cu_seqlens[0]=0, cu_seqlens[-1]=TOTAL_TOKENS, interior sorted
    inner = jnp.sort(jax.random.randint(k2, (B - 1,), 0, TOTAL_TOKENS)).astype(jnp.int32)
    cu_seqlens = jnp.concatenate([
        jnp.zeros((1,), dtype=jnp.int32),
        inner,
        jnp.full((1,), TOTAL_TOKENS, dtype=jnp.int32),
    ])
    return {"flat": flat, "cu_seqlens": cu_seqlens}


def reference(flat, cu_seqlens):
    # Equivalent of tf.math.reduce_sum(ragged, axis=1): sum tokens within each ragged row.
    total = flat.shape[0]
    num_segments = cu_seqlens.shape[0] - 1
    positions = jnp.arange(total)
    # row id for each flat token; empty rows get zero-sum naturally via segment_sum
    segment_ids = jnp.searchsorted(cu_seqlens, positions, side='right') - 1
    out = jax.ops.segment_sum(flat, segment_ids, num_segments=num_segments)
    return out

if __name__ == "__main__":
    import jax
    _d = setup_inputs()
    print(jax.jit(kernel)(*tuple(_d.values())))

</pallas_src>

<mosaic_0001>
#map = affine_map<(d0, d1) -> (0, 0)>
#map1 = affine_map<(d0, d1) -> (0)>
#map2 = affine_map<(d0, d1) -> (0, 0, 0)>
module attributes {stable_mosaic.version = 14 : i64} {
  func.func @body(%arg0: i32, %arg1: i32, %arg2: memref<16384x1024xf32, #tpu.memory_space<hbm>>, %arg3: memref<32xi32, #tpu.memory_space<hbm>>, %arg4: memref<32x16x1024xf32, #tpu.memory_space<hbm>>, %arg5: memref<32x1024xf32, #tpu.memory_space<vmem>>, %arg6: memref<32x1024xf32, #tpu.memory_space<vmem>>, %arg7: memref<16x1024xf32, #tpu.memory_space<vmem>>, %arg8: memref<32xi32, #tpu.memory_space<vmem>>, %arg9: memref<!tpu.dma_semaphore, #tpu.memory_space<semaphore_mem>>, %arg10: memref<!tpu.dma_semaphore, #tpu.memory_space<semaphore_mem>>) attributes {dimension_semantics = [#tpu.dimension_semantics<core_parallel>, #tpu.dimension_semantics<subcore_parallel>], iteration_bounds = array<i64: 2, 16>, scalar_prefetch = 0 : i64, scratch_operands = 6 : i64, tpu.core_type = #tpu.core_type<sc_vector_subcore>, window_params = [{transform_indices = #map}, {transform_indices = #map1}, {transform_indices = #map2}]} {
    %mul3A = arith.constant 2 : i32
    %mul3A_0 = arith.muli %arg1, %mul3A : i32
    %add3A = arith.addi %mul3A_0, %arg0 : i32
    %mul3A_1 = arith.constant 128 : i32
    %mul3A_2 = arith.muli %add3A, %mul3A_1 : i32
    "tpu.region"() ({
      %run_scoped3A = tpu.sem_alloc : memref<!tpu.dma_semaphore, #tpu.memory_space<semaphore_mem>>
      tpu.enqueue_dma source(%arg3 : memref<32xi32, #tpu.memory_space<hbm>>) target(%arg8 : memref<32xi32, #tpu.memory_space<vmem>>) target_semaphore(%run_scoped3A : memref<!tpu.dma_semaphore, #tpu.memory_space<semaphore_mem>>)
      tpu.wait_dma2 semaphore(%run_scoped3A : memref<!tpu.dma_semaphore, #tpu.memory_space<semaphore_mem>>) src(%arg3 : memref<32xi32, #tpu.memory_space<hbm>>) dst(%arg8 : memref<32xi32, #tpu.memory_space<vmem>>)
      tpu.yield
    }) : () -> ()
    %get3A = arith.constant 0 : index
    %get3A_3 = tpu.vector_load %arg8[%get3A] {strides = array<i32>} : memref<32xi32, #tpu.memory_space<vmem>>, vector<16xi32>,
    %get3A_4 = vector.shape_cast %get3A_3 : vector<16xi32> to vector<16xi32>
    %slice3A = vector.extract_strided_slice %get3A_4 {offsets = [1], sizes = [1], strides = [1]} : vector<16xi32> to vector<1xi32>
    %squeeze3A = vector.extract %slice3A[0] : i32 from vector<1xi32>
    %slice3A_5 = vector.extract_strided_slice %get3A_4 {offsets = [2], sizes = [1], strides = [1]} : vector<16xi32> to vector<1xi32>
    %squeeze3A_6 = vector.extract %slice3A_5[0] : i32 from vector<1xi32>
    %slice3A_7 = vector.extract_strided_slice %get3A_4 {offsets = [3], sizes = [1], strides = [1]} : vector<16xi32> to vector<1xi32>
    %squeeze3A_8 = vector.extract %slice3A_7[0] : i32 from vector<1xi32>
    %slice3A_9 = vector.extract_strided_slice %get3A_4 {offsets = [4], sizes = [1], strides = [1]} : vector<16xi32> to vector<1xi32>
    %squeeze3A_10 = vector.extract %slice3A_9[0] : i32 from vector<1xi32>
    %slice3A_11 = vector.extract_strided_slice %get3A_4 {offsets = [5], sizes = [1], strides = [1]} : vector<16xi32> to vector<1xi32>
    %squeeze3A_12 = vector.extract %slice3A_11[0] : i32 from vector<1xi32>
    %slice3A_13 = vector.extract_strided_slice %get3A_4 {offsets = [6], sizes = [1], strides = [1]} : vector<16xi32> to vector<1xi32>
    %squeeze3A_14 = vector.extract %slice3A_13[0] : i32 from vector<1xi32>
    %slice3A_15 = vector.extract_strided_slice %get3A_4 {offsets = [7], sizes = [1], strides = [1]} : vector<16xi32> to vector<1xi32>
    %squeeze3A_16 = vector.extract %slice3A_15[0] : i32 from vector<1xi32>
    %slice3A_17 = vector.extract_strided_slice %get3A_4 {offsets = [8], sizes = [1], strides = [1]} : vector<16xi32> to vector<1xi32>
    %squeeze3A_18 = vector.extract %slice3A_17[0] : i32 from vector<1xi32>
    %slice3A_19 = vector.extract_strided_slice %get3A_4 {offsets = [9], sizes = [1], strides = [1]} : vector<16xi32> to vector<1xi32>
    %squeeze3A_20 = vector.extract %slice3A_19[0] : i32 from vector<1xi32>
    %slice3A_21 = vector.extract_strided_slice %get3A_4 {offsets = [10], sizes = [1], strides = [1]} : vector<16xi32> to vector<1xi32>
    %squeeze3A_22 = vector.extract %slice3A_21[0] : i32 from vector<1xi32>
    %slice3A_23 = vector.extract_strided_slice %get3A_4 {offsets = [11], sizes = [1], strides = [1]} : vector<16xi32> to vector<1xi32>
    %squeeze3A_24 = vector.extract %slice3A_23[0] : i32 from vector<1xi32>
    %slice3A_25 = vector.extract_strided_slice %get3A_4 {offsets = [12], sizes = [1], strides = [1]} : vector<16xi32> to vector<1xi32>
    %squeeze3A_26 = vector.extract %slice3A_25[0] : i32 from vector<1xi32>
    %slice3A_27 = vector.extract_strided_slice %get3A_4 {offsets = [13], sizes = [1], strides = [1]} : vector<16xi32> to vector<1xi32>
    %squeeze3A_28 = vector.extract %slice3A_27[0] : i32 from vector<1xi32>
    %slice3A_29 = vector.extract_strided_slice %get3A_4 {offsets = [14], sizes = [1], strides = [1]} : vector<16xi32> to vector<1xi32>
    %squeeze3A_30 = vector.extract %slice3A_29[0] : i32 from vector<1xi32>
    %slice3A_31 = vector.extract_strided_slice %get3A_4 {offsets = [15], sizes = [1], strides = [1]} : vector<16xi32> to vector<1xi32>
    %squeeze3A_32 = vector.extract %slice3A_31[0] : i32 from vector<1xi32>
    %broadcast_in_dim3A = arith.constant 0.000000e+00 : f32
    %broadcast_in_dim3A_33 = vector.broadcast %broadcast_in_dim3A : f32 to vector<16xf32>
    %scan3A = arith.constant 0 : i32
    %scan3A_34 = arith.constant 0 : i32
    %scan3A_35 = arith.constant 64 : i32
    %scan3A_36 = arith.addi %scan3A_34, %scan3A_35 : i32
    %scan3A_37 = arith.constant 1 : i32
    %scan3A_38 = scf.for %scan3A_55 = %scan3A_34 to %scan3A_36 step %scan3A_37 iter_args(%scan3A_56 = %scan3A) -> (i32)  : i32 {
      %mul3A_57 = arith.constant 16 : i32
      %mul3A_58 = arith.muli %scan3A_55, %mul3A_57 : i32
      %swap3A = arith.constant 0 : i32
      %swap3A_59 = arith.index_cast %swap3A : i32 to index
      %swap3A_60 = arith.index_cast %mul3A_58 : i32 to index
      %swap3A_61 = tpu.vector_load %arg7[%swap3A_59, %swap3A_60] {strides = array<i32>} : memref<16x1024xf32, #tpu.memory_space<vmem>>, vector<1x16xf32>,
      %swap3A_62 = vector.shape_cast %swap3A_61 : vector<1x16xf32> to vector<16xf32>
      %swap3A_63 = vector.shape_cast %broadcast_in_dim3A_33 : vector<16xf32> to vector<1x16xf32>
      tpu.vector_store %arg7[%swap3A_59, %swap3A_60], %swap3A_63 {strides = array<i32>} : memref<16x1024xf32, #tpu.memory_space<vmem>>, vector<1x16xf32>,
      %mul3A_64 = arith.constant 16 : i32
      %mul3A_65 = arith.muli %scan3A_55, %mul3A_64 : i32
      %swap3A_66 = arith.constant 1 : i32
      %swap3A_67 = arith.index_cast %swap3A_66 : i32 to index
      %swap3A_68 = arith.index_cast %mul3A_65 : i32 to index
      %swap3A_69 = tpu.vector_load %arg7[%swap3A_67, %swap3A_68] {strides = array<i32>} : memref<16x1024xf32, #tpu.memory_space<vmem>>, vector<1x16xf32>,
      %swap3A_70 = vector.shape_cast %swap3A_69 : vector<1x16xf32> to vector<16xf32>
      %swap3A_71 = vector.shape_cast %broadcast_in_dim3A_33 : vector<16xf32> to vector<1x16xf32>
      tpu.vector_store %arg7[%swap3A_67, %swap3A_68], %swap3A_71 {strides = array<i32>} : memref<16x1024xf32, #tpu.memory_space<vmem>>, vector<1x16xf32>,
      %mul3A_72 = arith.constant 16 : i32
      %mul3A_73 = arith.muli %scan3A_55, %mul3A_72 : i32
      %swap3A_74 = arith.constant 2 : i32
      %swap3A_75 = arith.index_cast %swap3A_74 : i32 to index
      %swap3A_76 = arith.index_cast %mul3A_73 : i32 to index
      %swap3A_77 = tpu.vector_load %arg7[%swap3A_75, %swap3A_76] {strides = array<i32>} : memref<16x1024xf32, #tpu.memory_space<vmem>>, vector<1x16xf32>,
      %swap3A_78 = vector.shape_cast %swap3A_77 : vector<1x16xf32> to vector<16xf32>
      %swap3A_79 = vector.shape_cast %broadcast_in_dim3A_33 : vector<16xf32> to vector<1x16xf32>
      tpu.vector_store %arg7[%swap3A_75, %swap3A_76], %swap3A_79 {strides = array<i32>} : memref<16x1024xf32, #tpu.memory_space<vmem>>, vector<1x16xf32>,
      %mul3A_80 = arith.constant 16 : i32
      %mul3A_81 = arith.muli %scan3A_55, %mul3A_80 : i32
      %swap3A_82 = arith.constant 3 : i32
      %swap3A_83 = arith.index_cast %swap3A_82 : i32 to index
      %swap3A_84 = arith.index_cast %mul3A_81 : i32 to index
      %swap3A_85 = tpu.vector_load %arg7[%swap3A_83, %swap3A_84] {strides = array<i32>} : memref<16x1024xf32, #tpu.memory_space<vmem>>, vector<1x16xf32>,
      %swap3A_86 = vector.shape_cast %swap3A_85 : vector<1x16xf32> to vector<16xf32>
      %swap3A_87 = vector.shape_cast %broadcast_in_dim3A_33 : vector<16xf32> to vector<1x16xf32>
      tpu.vector_store %arg7[%swap3A_83, %swap3A_84], %swap3A_87 {strides = array<i32>} : memref<16x1024xf32, #tpu.memory_space<vmem>>, vector<1x16xf32>,
      %mul3A_88 = arith.constant 16 : i32
      %mul3A_89 = arith.muli %scan3A_55, %mul3A_88 : i32
      %swap3A_90 = arith.constant 4 : i32
      %swap3A_91 = arith.index_cast %swap3A_90 : i32 to index
      %swap3A_92 = arith.index_cast %mul3A_89 : i32 to index
      %swap3A_93 = tpu.vector_load %arg7[%swap3A_91, %swap3A_92] {strides = array<i32>} : memref<16x1024xf32, #tpu.memory_space<vmem>>, vector<1x16xf32>,
      %swap3A_94 = vector.shape_cast %swap3A_93 : vector<1x16xf32> to vector<16xf32>
      %swap3A_95 = vector.shape_cast %broadcast_in_dim3A_33 : vector<16xf32> to vector<1x16xf32>
      tpu.vector_store %arg7[%swap3A_91, %swap3A_92], %swap3A_95 {strides = array<i32>} : memref<16x1024xf32, #tpu.memory_space<vmem>>, vector<1x16xf32>,
      %mul3A_96 = arith.constant 16 : i32
      %mul3A_97 = arith.muli %scan3A_55, %mul3A_96 : i32
      %swap3A_98 = arith.constant 5 : i32
      %swap3A_99 = arith.index_cast %swap3A_98 : i32 to index
      %swap3A_100 = arith.index_cast %mul3A_97 : i32 to index
      %swap3A_101 = tpu.vector_load %arg7[%swap3A_99, %swap3A_100] {strides = array<i32>} : memref<16x1024xf32, #tpu.memory_space<vmem>>, vector<1x16xf32>,
      %swap3A_102 = vector.shape_cast %swap3A_101 : vector<1x16xf32> to vector<16xf32>
      %swap3A_103 = vector.shape_cast %broadcast_in_dim3A_33 : vector<16xf32> to vector<1x16xf32>
      tpu.vector_store %arg7[%swap3A_99, %swap3A_100], %swap3A_103 {strides = array<i32>} : memref<16x1024xf32, #tpu.memory_space<vmem>>, vector<1x16xf32>,
      %mul3A_104 = arith.constant 16 : i32
      %mul3A_105 = arith.muli %scan3A_55, %mul3A_104 : i32
      %swap3A_106 = arith.constant 6 : i32
      %swap3A_107 = arith.index_cast %swap3A_106 : i32 to index
      %swap3A_108 = arith.index_cast %mul3A_105 : i32 to index
      %swap3A_109 = tpu.vector_load %arg7[%swap3A_107, %swap3A_108] {strides = array<i32>} : memref<16x1024xf32, #tpu.memory_space<vmem>>, vector<1x16xf32>,
      %swap3A_110 = vector.shape_cast %swap3A_109 : vector<1x16xf32> to vector<16xf32>
      %swap3A_111 = vector.shape_cast %broadcast_in_dim3A_33 : vector<16xf32> to vector<1x16xf32>
      tpu.vector_store %arg7[%swap3A_107, %swap3A_108], %swap3A_111 {strides = array<i32>} : memref<16x1024xf32, #tpu.memory_space<vmem>>, vector<1x16xf32>,
      %mul3A_112 = arith.constant 16 : i32
      %mul3A_113 = arith.muli %scan3A_55, %mul3A_112 : i32
      %swap3A_114 = arith.constant 7 : i32
      %swap3A_115 = arith.index_cast %swap3A_114 : i32 to index
      %swap3A_116 = arith.index_cast %mul3A_113 : i32 to index
      %swap3A_117 = tpu.vector_load %arg7[%swap3A_115, %swap3A_116] {strides = array<i32>} : memref<16x1024xf32, #tpu.memory_space<vmem>>, vector<1x16xf32>,
      %swap3A_118 = vector.shape_cast %swap3A_117 : vector<1x16xf32> to vector<16xf32>
      %swap3A_119 = vector.shape_cast %broadcast_in_dim3A_33 : vector<16xf32> to vector<1x16xf32>
      tpu.vector_store %arg7[%swap3A_115, %swap3A_116], %swap3A_119 {strides = array<i32>} : memref<16x1024xf32, #tpu.memory_space<vmem>>, vector<1x16xf32>,
      %mul3A_120 = arith.constant 16 : i32
      %mul3A_121 = arith.muli %scan3A_55, %mul3A_120 : i32
      %swap3A_122 = arith.constant 8 : i32
      %swap3A_123 = arith.index_cast %swap3A_122 : i32 to index
      %swap3A_124 = arith.index_cast %mul3A_121 : i32 to index
      %swap3A_125 = tpu.vector_load %arg7[%swap3A_123, %swap3A_124] {strides = array<i32>} : memref<16x1024xf32, #tpu.memory_space<vmem>>, vector<1x16xf32>,
      %swap3A_126 = vector.shape_cast %swap3A_125 : vector<1x16xf32> to vector<16xf32>
      %swap3A_127 = vector.shape_cast %broadcast_in_dim3A_33 : vector<16xf32> to vector<1x16xf32>
      tpu.vector_store %arg7[%swap3A_123, %swap3A_124], %swap3A_127 {strides = array<i32>} : memref<16x1024xf32, #tpu.memory_space<vmem>>, vector<1x16xf32>,
      %mul3A_128 = arith.constant 16 : i32
      %mul3A_129 = arith.muli %scan3A_55, %mul3A_128 : i32
      %swap3A_130 = arith.constant 9 : i32
      %swap3A_131 = arith.index_cast %swap3A_130 : i32 to index
      %swap3A_132 = arith.index_cast %mul3A_129 : i32 to index
      %swap3A_133 = tpu.vector_load %arg7[%swap3A_131, %swap3A_132] {strides = array<i32>} : memref<16x1024xf32, #tpu.memory_space<vmem>>, vector<1x16xf32>,
      %swap3A_134 = vector.shape_cast %swap3A_133 : vector<1x16xf32> to vector<16xf32>
      %swap3A_135 = vector.shape_cast %broadcast_in_dim3A_33 : vector<16xf32> to vector<1x16xf32>
      tpu.vector_store %arg7[%swap3A_131, %swap3A_132], %swap3A_135 {strides = array<i32>} : memref<16x1024xf32, #tpu.memory_space<vmem>>, vector<1x16xf32>,
      %mul3A_136 = arith.constant 16 : i32
      %mul3A_137 = arith.muli %scan3A_55, %mul3A_136 : i32
      %swap3A_138 = arith.constant 10 : i32
      %swap3A_139 = arith.index_cast %swap3A_138 : i32 to index
      %swap3A_140 = arith.index_cast %mul3A_137 : i32 to index
      %swap3A_141 = tpu.vector_load %arg7[%swap3A_139, %swap3A_140] {strides = array<i32>} : memref<16x1024xf32, #tpu.memory_space<vmem>>, vector<1x16xf32>,
      %swap3A_142 = vector.shape_cast %swap3A_141 : vector<1x16xf32> to vector<16xf32>
      %swap3A_143 = vector.shape_cast %broadcast_in_dim3A_33 : vector<16xf32> to vector<1x16xf32>
      tpu.vector_store %arg7[%swap3A_139, %swap3A_140], %swap3A_143 {strides = array<i32>} : memref<16x1024xf32, #tpu.memory_space<vmem>>, vector<1x16xf32>,
      %mul3A_144 = arith.constant 16 : i32
      %mul3A_145 = arith.muli %scan3A_55, %mul3A_144 : i32
      %swap3A_146 = arith.constant 11 : i32
      %swap3A_147 = arith.index_cast %swap3A_146 : i32 to index
      %swap3A_148 = arith.index_cast %mul3A_145 : i32 to index
      %swap3A_149 = tpu.vector_load %arg7[%swap3A_147, %swap3A_148] {strides = array<i32>} : memref<16x1024xf32, #tpu.memory_space<vmem>>, vector<1x16xf32>,
      %swap3A_150 = vector.shape_cast %swap3A_149 : vector<1x16xf32> to vector<16xf32>
      %swap3A_151 = vector.shape_cast %broadcast_in_dim3A_33 : vector<16xf32> to vector<1x16xf32>
      tpu.vector_store %arg7[%swap3A_147, %swap3A_148], %swap3A_151 {strides = array<i32>} : memref<16x1024xf32, #tpu.memory_space<vmem>>, vector<1x16xf32>,
      %mul3A_152 = arith.constant 16 : i32
      %mul3A_153 = arith.muli %scan3A_55, %mul3A_152 : i32
      %swap3A_154 = arith.constant 12 : i32
      %swap3A_155 = arith.index_cast %swap3A_154 : i32 to index
      %swap3A_156 = arith.index_cast %mul3A_153 : i32 to index
      %swap3A_157 = tpu.vector_load %arg7[%swap3A_155, %swap3A_156] {strides = array<i32>} : memref<16x1024xf32, #tpu.memory_space<vmem>>, vector<1x16xf32>,
      %swap3A_158 = vector.shape_cast %swap3A_157 : vector<1x16xf32> to vector<16xf32>
      %swap3A_159 = vector.shape_cast %broadcast_in_dim3A_33 : vector<16xf32> to vector<1x16xf32>
      tpu.vector_store %arg7[%swap3A_155, %swap3A_156], %swap3A_159 {strides = array<i32>} : memref<16x1024xf32, #tpu.memory_space<vmem>>, vector<1x16xf32>,
      %mul3A_160 = arith.constant 16 : i32
      %mul3A_161 = arith.muli %scan3A_55, %mul3A_160 : i32
      %swap3A_162 = arith.constant 13 : i32
      %swap3A_163 = arith.index_cast %swap3A_162 : i32 to index
      %swap3A_164 = arith.index_cast %mul3A_161 : i32 to index
      %swap3A_165 = tpu.vector_load %arg7[%swap3A_163, %swap3A_164] {strides = array<i32>} : memref<16x1024xf32, #tpu.memory_space<vmem>>, vector<1x16xf32>,
      %swap3A_166 = vector.shape_cast %swap3A_165 : vector<1x16xf32> to vector<16xf32>
      %swap3A_167 = vector.shape_cast %broadcast_in_dim3A_33 : vector<16xf32> to vector<1x16xf32>
      tpu.vector_store %arg7[%swap3A_163, %swap3A_164], %swap3A_167 {strides = array<i32>} : memref<16x1024xf32, #tpu.memory_space<vmem>>, vector<1x16xf32>,
      %mul3A_168 = arith.constant 16 : i32
      %mul3A_169 = arith.muli %scan3A_55, %mul3A_168 : i32
      %swap3A_170 = arith.constant 14 : i32
      %swap3A_171 = arith.index_cast %swap3A_170 : i32 to index
      %swap3A_172 = arith.index_cast %mul3A_169 : i32 to index
      %swap3A_173 = tpu.vector_load %arg7[%swap3A_171, %swap3A_172] {strides = array<i32>} : memref<16x1024xf32, #tpu.memory_space<vmem>>, vector<1x16xf32>,
      %swap3A_174 = vector.shape_cast %swap3A_173 : vector<1x16xf32> to vector<16xf32>
      %swap3A_175 = vector.shape_cast %broadcast_in_dim3A_33 : vector<16xf32> to vector<1x16xf32>
      tpu.vector_store %arg7[%swap3A_171, %swap3A_172], %swap3A_175 {strides = array<i32>} : memref<16x1024xf32, #tpu.memory_space<vmem>>, vector<1x16xf32>,
      %mul3A_176 = arith.constant 16 : i32
      %mul3A_177 = arith.muli %scan3A_55, %mul3A_176 : i32
      %swap3A_178 = arith.constant 15 : i32
      %swap3A_179 = arith.index_cast %swap3A_178 : i32 to index
      %swap3A_180 = arith.index_cast %mul3A_177 : i32 to index
      %swap3A_181 = tpu.vector_load %arg7[%swap3A_179, %swap3A_180] {strides = array<i32>} : memref<16x1024xf32, #tpu.memory_space<vmem>>, vector<1x16xf32>,
      %swap3A_182 = vector.shape_cast %swap3A_181 : vector<1x16xf32> to vector<16xf32>
      %swap3A_183 = vector.shape_cast %broadcast_in_dim3A_33 : vector<16xf32> to vector<1x16xf32>
      tpu.vector_store %arg7[%swap3A_179, %swap3A_180], %swap3A_183 {strides = array<i32>} : memref<16x1024xf32, #tpu.memory_space<vmem>>, vector<1x16xf32>,
      %scan3A_184 = arith.constant 0 : i32
      scf.yield %scan3A_184 : i32
    }
    %scan3A_39 = arith.constant 64 : i32
    %add3A_40 = arith.constant 0 : i32
    %add3A_41 = arith.addi %mul3A_2, %add3A_40 : i32
    %dma_start3A = arith.constant 0 : i32
    %dma_start3A_42 = tpu.memref_slice %arg2[%add3A_41, %dma_start3A] : memref<16384x1024xf32, #tpu.memory_space<hbm>> -> memref<32x1024xf32, #tpu.memory_space<hbm>>
    %dma_start3A_43 = arith.constant 0 : i32
    %dma_start3A_44 = tpu.memref_slice %arg2[%add3A_41, %dma_start3A_43] : memref<16384x1024xf32, #tpu.memory_space<hbm>> -> memref<32x1024xf32, #tpu.memory_space<hbm>>
    tpu.enqueue_dma source(%dma_start3A_44 : memref<32x1024xf32, #tpu.memory_space<hbm>>) target(%arg5 : memref<32x1024xf32, #tpu.memory_space<vmem>>) target_semaphore(%arg9 : memref<!tpu.dma_semaphore, #tpu.memory_space<semaphore_mem>>)
    %scan3A_45 = arith.constant 0 : i32
    %scan3A_46 = arith.constant 0 : i32
    %scan3A_47 = arith.constant 2 : i32
    %scan3A_48 = arith.addi %scan3A_46, %scan3A_47 : i32
    %scan3A_49 = arith.constant 1 : i32
    %scan3A_50 = scf.for %scan3A_55 = %scan3A_46 to %scan3A_48 step %scan3A_49 iter_args(%scan3A_56 = %scan3A_45) -> (i32)  : i32 {
      %mul3A_57 = arith.constant 2 : i32
      %mul3A_58 = arith.muli %mul3A_57, %scan3A_55 : i32
      %dma_wait3A_59 = arith.constant 0 : i32
      %dma_wait3A_60 = tpu.memref_slice %arg2[%mul3A_2, %dma_wait3A_59] : memref<16384x1024xf32, #tpu.memory_space<hbm>> -> memref<32x1024xf32, #tpu.memory_space<hbm>>
      %dma_wait3A_61 = arith.constant 0 : i32
      %dma_wait3A_62 = tpu.memref_slice %arg2[%mul3A_2, %dma_wait3A_61] : memref<16384x1024xf32, #tpu.memory_space<hbm>> -> memref<32x1024xf32, #tpu.memory_space<hbm>>
      tpu.wait_dma2 semaphore(%arg9 : memref<!tpu.dma_semaphore, #tpu.memory_space<semaphore_mem>>) src(%dma_wait3A_62 : memref<32x1024xf32, #tpu.memory_space<hbm>>) dst(%arg5 : memref<32x1024xf32, #tpu.memory_space<vmem>>)
      %add3A_63 = arith.constant 1 : i32
      %add3A_64 = arith.addi %mul3A_58, %add3A_63 : i32
      %mul3A_65 = arith.constant 32 : i32
      %mul3A_66 = arith.muli %add3A_64, %mul3A_65 : i32
      %add3A_67 = arith.addi %mul3A_2, %mul3A_66 : i32
      %dma_start3A_68 = arith.constant 0 : i32
      %dma_start3A_69 = tpu.memref_slice %arg2[%add3A_67, %dma_start3A_68] : memref<16384x1024xf32, #tpu.memory_space<hbm>> -> memref<32x1024xf32, #tpu.memory_space<hbm>>
      %dma_start3A_70 = arith.constant 0 : i32
      %dma_start3A_71 = tpu.memref_slice %arg2[%add3A_67, %dma_start3A_70] : memref<16384x1024xf32, #tpu.memory_space<hbm>> -> memref<32x1024xf32, #tpu.memory_space<hbm>>
      tpu.enqueue_dma source(%dma_start3A_71 : memref<32x1024xf32, #tpu.memory_space<hbm>>) target(%arg6 : memref<32x1024xf32, #tpu.memory_space<vmem>>) target_semaphore(%arg10 : memref<!tpu.dma_semaphore, #tpu.memory_space<semaphore_mem>>)
      %mul3A_72 = arith.constant 32 : i32
      %mul3A_73 = arith.muli %mul3A_58, %mul3A_72 : i32
      %add3A_74 = arith.addi %mul3A_2, %mul3A_73 : i32
      %ge3A = arith.cmpi sge, %add3A_74, %squeeze3A : i32
      %convert_element_type3A = arith.extui %ge3A : i1 to i32
      %add3A_75 = arith.constant 0 : i32
      %add3A_76 = arith.addi %add3A_75, %convert_element_type3A : i32
      %ge3A_77 = arith.cmpi sge, %add3A_74, %squeeze3A_6 : i32
      %convert_element_type3A_78 = arith.extui %ge3A_77 : i1 to i32
      %add3A_79 = arith.addi %add3A_76, %convert_element_type3A_78 : i32
      %ge3A_80 = arith.cmpi sge, %add3A_74, %squeeze3A_8 : i32
      %convert_element_type3A_81 = arith.extui %ge3A_80 : i1 to i32
      %add3A_82 = arith.addi %add3A_79, %convert_element_type3A_81 : i32
      %ge3A_83 = arith.cmpi sge, %add3A_74, %squeeze3A_10 : i32
      %convert_element_type3A_84 = arith.extui %ge3A_83 : i1 to i32
      %add3A_85 = arith.addi %add3A_82, %convert_element_type3A_84 : i32
      %ge3A_86 = arith.cmpi sge, %add3A_74, %squeeze3A_12 : i32
      %convert_element_type3A_87 = arith.extui %ge3A_86 : i1 to i32
      %add3A_88 = arith.addi %add3A_85, %convert_element_type3A_87 : i32
      %ge3A_89 = arith.cmpi sge, %add3A_74, %squeeze3A_14 : i32
      %convert_element_type3A_90 = arith.extui %ge3A_89 : i1 to i32
      %add3A_91 = arith.addi %add3A_88, %convert_element_type3A_90 : i32
      %ge3A_92 = arith.cmpi sge, %add3A_74, %squeeze3A_16 : i32
      %convert_element_type3A_93 = arith.extui %ge3A_92 : i1 to i32
      %add3A_94 = arith.addi %add3A_91, %convert_element_type3A_93 : i32
      %ge3A_95 = arith.cmpi sge, %add3A_74, %squeeze3A_18 : i32
      %convert_element_type3A_96 = arith.extui %ge3A_95 : i1 to i32
      %add3A_97 = arith.addi %add3A_94, %convert_element_type3A_96 : i32
      %ge3A_98 = arith.cmpi sge, %add3A_74, %squeeze3A_20 : i32
      %convert_element_type3A_99 = arith.extui %ge3A_98 : i1 to i32
      %add3A_100 = arith.addi %add3A_97, %convert_element_type3A_99 : i32
      %ge3A_101 = arith.cmpi sge, %add3A_74, %squeeze3A_22 : i32
      %convert_element_type3A_102 = arith.extui %ge3A_101 : i1 to i32
      %add3A_103 = arith.addi %add3A_100, %convert_element_type3A_102 : i32
      %ge3A_104 = arith.cmpi sge, %add3A_74, %squeeze3A_24 : i32
      %convert_element_type3A_105 = arith.extui %ge3A_104 : i1 to i32
      %add3A_106 = arith.addi %add3A_103, %convert_element_type3A_105 : i32
      %ge3A_107 = arith.cmpi sge, %add3A_74, %squeeze3A_26 : i32
      %convert_element_type3A_108 = arith.extui %ge3A_107 : i1 to i32
      %add3A_109 = arith.addi %add3A_106, %convert_element_type3A_108 : i32
      %ge3A_110 = arith.cmpi sge, %add3A_74, %squeeze3A_28 : i32
      %convert_element_type3A_111 = arith.extui %ge3A_110 : i1 to i32
      %add3A_112 = arith.addi %add3A_109, %convert_element_type3A_111 : i32
      %ge3A_113 = arith.cmpi sge, %add3A_74, %squeeze3A_30 : i32
      %convert_element_type3A_114 = arith.extui %ge3A_113 : i1 to i32
      %add3A_115 = arith.addi %add3A_112, %convert_element_type3A_114 : i32
      %ge3A_116 = arith.cmpi sge, %add3A_74, %squeeze3A_32 : i32
      %convert_element_type3A_117 = arith.extui %ge3A_116 : i1 to i32
      %add3A_118 = arith.addi %add3A_115, %convert_element_type3A_117 : i32
      %add3A_119 = arith.constant 32 : i32
      %add3A_120 = arith.addi %add3A_74, %add3A_119 : i32
      %sub3A = arith.constant 1 : i32
      %sub3A_121 = arith.subi %add3A_120, %sub3A : i32
      %ge3A_122 = arith.cmpi sge, %sub3A_121, %squeeze3A : i32
      %convert_element_type3A_123 = arith.extui %ge3A_122 : i1 to i32
      %add3A_124 = arith.constant 0 : i32
      %add3A_125 = arith.addi %add3A_124, %convert_element_type3A_123 : i32
      %ge3A_126 = arith.cmpi sge, %sub3A_121, %squeeze3A_6 : i32
      %convert_element_type3A_127 = arith.extui %ge3A_126 : i1 to i32
      %add3A_128 = arith.addi %add3A_125, %convert_element_type3A_127 : i32
      %ge3A_129 = arith.cmpi sge, %sub3A_121, %squeeze3A_8 : i32
      %convert_element_type3A_130 = arith.extui %ge3A_129 : i1 to i32
      %add3A_131 = arith.addi %add3A_128, %convert_element_type3A_130 : i32
      %ge3A_132 = arith.cmpi sge, %sub3A_121, %squeeze3A_10 : i32
      %convert_element_type3A_133 = arith.extui %ge3A_132 : i1 to i32
      %add3A_134 = arith.addi %add3A_131, %convert_element_type3A_133 : i32
      %ge3A_135 = arith.cmpi sge, %sub3A_121, %squeeze3A_12 : i32
      %convert_element_type3A_136 = arith.extui %ge3A_135 : i1 to i32
      %add3A_137 = arith.addi %add3A_134, %convert_element_type3A_136 : i32
      %ge3A_138 = arith.cmpi sge, %sub3A_121, %squeeze3A_14 : i32
      %convert_element_type3A_139 = arith.extui %ge3A_138 : i1 to i32
      %add3A_140 = arith.addi %add3A_137, %convert_element_type3A_139 : i32
      %ge3A_141 = arith.cmpi sge, %sub3A_121, %squeeze3A_16 : i32
      %convert_element_type3A_142 = arith.extui %ge3A_141 : i1 to i32
      %add3A_143 = arith.addi %add3A_140, %convert_element_type3A_142 : i32
      %ge3A_144 = arith.cmpi sge, %sub3A_121, %squeeze3A_18 : i32
      %convert_element_type3A_145 = arith.extui %ge3A_144 : i1 to i32
      %add3A_146 = arith.addi %add3A_143, %convert_element_type3A_145 : i32
      %ge3A_147 = arith.cmpi sge, %sub3A_121, %squeeze3A_20 : i32
      %convert_element_type3A_148 = arith.extui %ge3A_147 : i1 to i32
      %add3A_149 = arith.addi %add3A_146, %convert_element_type3A_148 : i32
      %ge3A_150 = arith.cmpi sge, %sub3A_121, %squeeze3A_22 : i32
      %convert_element_type3A_151 = arith.extui %ge3A_150 : i1 to i32
      %add3A_152 = arith.addi %add3A_149, %convert_element_type3A_151 : i32
      %ge3A_153 = arith.cmpi sge, %sub3A_121, %squeeze3A_24 : i32
      %convert_element_type3A_154 = arith.extui %ge3A_153 : i1 to i32
      %add3A_155 = arith.addi %add3A_152, %convert_element_type3A_154 : i32
      %ge3A_156 = arith.cmpi sge, %sub3A_121, %squeeze3A_26 : i32
      %convert_element_type3A_157 = arith.extui %ge3A_156 : i1 to i32
      %add3A_158 = arith.addi %add3A_155, %convert_element_type3A_157 : i32
      %ge3A_159 = arith.cmpi sge, %sub3A_121, %squeeze3A_28 : i32
      %convert_element_type3A_160 = arith.extui %ge3A_159 : i1 to i32
      %add3A_161 = arith.addi %add3A_158, %convert_element_type3A_160 : i32
      %ge3A_162 = arith.cmpi sge, %sub3A_121, %squeeze3A_30 : i32
      %convert_element_type3A_163 = arith.extui %ge3A_162 : i1 to i32
      %add3A_164 = arith.addi %add3A_161, %convert_element_type3A_163 : i32
      %ge3A_165 = arith.cmpi sge, %sub3A_121, %squeeze3A_32 : i32
      %convert_element_type3A_166 = arith.extui %ge3A_165 : i1 to i32
      %add3A_167 = arith.addi %add3A_164, %convert_element_type3A_166 : i32
      %eq3A = arith.cmpi eq, %add3A_118, %add3A_167 : i32
      %convert_element_type3A_168 = arith.extui %eq3A : i1 to i32
      %cond3A = arith.constant 0 : i32
      %cond3A_169 = arith.constant 0 : i32
      %cond3A_170 = arith.cmpi ne, %convert_element_type3A_168, %cond3A_169 : i32
      %cond3A_171 = scf.if %cond3A_170 -> (i32) {
        %parallel_loop3A = arith.constant 0 : i32
        %parallel_loop3A_294 = arith.constant 64 : i32
        %parallel_loop3A_295 = arith.constant 1 : i32
        scf.for %parallel_loop3A_297 = %parallel_loop3A to %parallel_loop3A_294 step %parallel_loop3A_295  : i32 {
          %parallel_loop3A_298 = arith.constant 16 : i32
          %parallel_loop3A_299 = arith.muli %parallel_loop3A_297, %parallel_loop3A_298 : i32
          %parallel_loop3A_300 = arith.constant 0 : i32
          %parallel_loop3A_301 = arith.index_cast %parallel_loop3A_300 : i32 to index
          %parallel_loop3A_302 = arith.index_cast %parallel_loop3A_299 : i32 to index
          %parallel_loop3A_303 = tpu.vector_load %arg5[%parallel_loop3A_301, %parallel_loop3A_302] {strides = array<i32>} : memref<32x1024xf32, #tpu.memory_space<vmem>>, vector<1x16xf32>,
          %parallel_loop3A_304 = vector.shape_cast %parallel_loop3A_303 : vector<1x16xf32> to vector<16xf32>
          %parallel_loop3A_305 = arith.constant 1 : i32
          %parallel_loop3A_306 = arith.index_cast %parallel_loop3A_305 : i32 to index
          %parallel_loop3A_307 = arith.index_cast %parallel_loop3A_299 : i32 to index
          %parallel_loop3A_308 = tpu.vector_load %arg5[%parallel_loop3A_306, %parallel_loop3A_307] {strides = array<i32>} : memref<32x1024xf32, #tpu.memory_space<vmem>>, vector<1x16xf32>,
          %parallel_loop3A_309 = vector.shape_cast %parallel_loop3A_308 : vector<1x16xf32> to vector<16xf32>
          %parallel_loop3A_310 = arith.constant 2 : i32
          %parallel_loop3A_311 = arith.index_cast %parallel_loop3A_310 : i32 to index
          %parallel_loop3A_312 = arith.index_cast %parallel_loop3A_299 : i32 to index
          %parallel_loop3A_313 = tpu.vector_load %arg5[%parallel_loop3A_311, %parallel_loop3A_312] {strides = array<i32>} : memref<32x1024xf32, #tpu.memory_space<vmem>>, vector<1x16xf32>,
          %parallel_loop3A_314 = vector.shape_cast %parallel_loop3A_313 : vector<1x16xf32> to vector<16xf32>
          %parallel_loop3A_315 = arith.constant 3 : i32
          %parallel_loop3A_316 = arith.index_cast %parallel_loop3A_315 : i32 to index
          %parallel_loop3A_317 = arith.index_cast %parallel_loop3A_299 : i32 to index
          %parallel_loop3A_318 = tpu.vector_load %arg5[%parallel_loop3A_316, %parallel_loop3A_317] {strides = array<i32>} : memref<32x1024xf32, #tpu.memory_space<vmem>>, vector<1x16xf32>,
          %parallel_loop3A_319 = vector.shape_cast %parallel_loop3A_318 : vector<1x16xf32> to vector<16xf32>
          %parallel_loop3A_320 = arith.constant 4 : i32
          %parallel_loop3A_321 = arith.index_cast %parallel_loop3A_320 : i32 to index
          %parallel_loop3A_322 = arith.index_cast %parallel_loop3A_299 : i32 to index
          %parallel_loop3A_323 = tpu.vector_load %arg5[%parallel_loop3A_321, %parallel_loop3A_322] {strides = array<i32>} : memref<32x1024xf32, #tpu.memory_space<vmem>>, vector<1x16xf32>,
          %parallel_loop3A_324 = vector.shape_cast %parallel_loop3A_323 : vector<1x16xf32> to vector<16xf32>
          %parallel_loop3A_325 = arith.constant 5 : i32
          %parallel_loop3A_326 = arith.index_cast %parallel_loop3A_325 : i32 to index
          %parallel_loop3A_327 = arith.index_cast %parallel_loop3A_299 : i32 to index
          %parallel_loop3A_328 = tpu.vector_load %arg5[%parallel_loop3A_326, %parallel_loop3A_327] {strides = array<i32>} : memref<32x1024xf32, #tpu.memory_space<vmem>>, vector<1x16xf32>,
          %parallel_loop3A_329 = vector.shape_cast %parallel_loop3A_328 : vector<1x16xf32> to vector<16xf32>
          %parallel_loop3A_330 = arith.constant 6 : i32
          %parallel_loop3A_331 = arith.index_cast %parallel_loop3A_330 : i32 to index
          %parallel_loop3A_332 = arith.index_cast %parallel_loop3A_299 : i32 to index
          %parallel_loop3A_333 = tpu.vector_load %arg5[%parallel_loop3A_331, %parallel_loop3A_332] {strides = array<i32>} : memref<32x1024xf32, #tpu.memory_space<vmem>>, vector<1x16xf32>,
          %parallel_loop3A_334 = vector.shape_cast %parallel_loop3A_333 : vector<1x16xf32> to vector<16xf32>
          %parallel_loop3A_335 = arith.constant 7 : i32
          %parallel_loop3A_336 = arith.index_cast %parallel_loop3A_335 : i32 to index
          %parallel_loop3A_337 = arith.index_cast %parallel_loop3A_299 : i32 to index
          %parallel_loop3A_338 = tpu.vector_load %arg5[%parallel_loop3A_336, %parallel_loop3A_337] {strides = array<i32>} : memref<32x1024xf32, #tpu.memory_space<vmem>>, vector<1x16xf32>,
          %parallel_loop3A_339 = vector.shape_cast %parallel_loop3A_338 : vector<1x16xf32> to vector<16xf32>
          %parallel_loop3A_340 = arith.constant 8 : i32
          %parallel_loop3A_341 = arith.index_cast %parallel_loop3A_340 : i32 to index
          %parallel_loop3A_342 = arith.index_cast %parallel_loop3A_299 : i32 to index
          %parallel_loop3A_343 = tpu.vector_load %arg5[%parallel_loop3A_341, %parallel_loop3A_342] {strides = array<i32>} : memref<32x1024xf32, #tpu.memory_space<vmem>>, vector<1x16xf32>,
          %parallel_loop3A_344 = vector.shape_cast %parallel_loop3A_343 : vector<1x16xf32> to vector<16xf32>
          %parallel_loop3A_345 = arith.addf %parallel_loop3A_304, %parallel_loop3A_344 : vector<16xf32>
          %parallel_loop3A_346 = arith.constant 9 : i32
          %parallel_loop3A_347 = arith.index_cast %parallel_loop3A_346 : i32 to index
          %parallel_loop3A_348 = arith.index_cast %parallel_loop3A_299 : i32 to index
          %parallel_loop3A_349 = tpu.vector_load %arg5[%parallel_loop3A_347, %parallel_loop3A_348] {strides = array<i32>} : memref<32x1024xf32, #tpu.memory_space<vmem>>, vector<1x16xf32>,
          %parallel_loop3A_350 = vector.shape_cast %parallel_loop3A_349 : vector<1x16xf32> to vector<16xf32>
          %parallel_loop3A_351 = arith.addf %parallel_loop3A_309, %parallel_loop3A_350 : vector<16xf32>
          %parallel_loop3A_352 = arith.constant 10 : i32
          %parallel_loop3A_353 = arith.index_cast %parallel_loop3A_352 : i32 to index
          %parallel_loop3A_354 = arith.index_cast %parallel_loop3A_299 : i32 to index
          %parallel_loop3A_355 = tpu.vector_load %arg5[%parallel_loop3A_353, %parallel_loop3A_354] {strides = array<i32>} : memref<32x1024xf32, #tpu.memory_space<vmem>>, vector<1x16xf32>,
          %parallel_loop3A_356 = vector.shape_cast %parallel_loop3A_355 : vector<1x16xf32> to vector<16xf32>
          %parallel_loop3A_357 = arith.addf %parallel_loop3A_314, %parallel_loop3A_356 : vector<16xf32>
          %parallel_loop3A_358 = arith.constant 11 : i32
          %parallel_loop3A_359 = arith.index_cast %parallel_loop3A_358 : i32 to index
          %parallel_loop3A_360 = arith.index_cast %parallel_loop3A_299 : i32 to index
          %parallel_loop3A_361 = tpu.vector_load %arg5[%parallel_loop3A_359, %parallel_loop3A_360] {strides = array<i32>} : memref<32x1024xf32, #tpu.memory_space<vmem>>, vector<1x16xf32>,
          %parallel_loop3A_362 = vector.shape_cast %parallel_loop3A_361 : vector<1x16xf32> to vector<16xf32>
          %parallel_loop3A_363 = arith.addf %parallel_loop3A_319, %parallel_loop3A_362 : vector<16xf32>
          %parallel_loop3A_364 = arith.constant 12 : i32
          %parallel_loop3A_365 = arith.index_cast %parallel_loop3A_364 : i32 to index
          %parallel_loop3A_366 = arith.index_cast %parallel_loop3A_299 : i32 to index
          %parallel_loop3A_367 = tpu.vector_load %arg5[%parallel_loop3A_365, %parallel_loop3A_366] {strides = array<i32>} : memref<32x1024xf32, #tpu.memory_space<vmem>>, vector<1x16xf32>,
          %parallel_loop3A_368 = vector.shape_cast %parallel_loop3A_367 : vector<1x16xf32> to vector<16xf32>
          %parallel_loop3A_369 = arith.addf %parallel_loop3A_324, %parallel_loop3A_368 : vector<16xf32>
          %parallel_loop3A_370 = arith.constant 13 : i32
          %parallel_loop3A_371 = arith.index_cast %parallel_loop3A_370 : i32 to index
          %parallel_loop3A_372 = arith.index_cast %parallel_loop3A_299 : i32 to index
          %parallel_loop3A_373 = tpu.vector_load %arg5[%parallel_loop3A_371, %parallel_loop3A_372] {strides = array<i32>} : memref<32x1024xf32, #tpu.memory_space<vmem>>, vector<1x16xf32>,
          %parallel_loop3A_374 = vector.shape_cast %parallel_loop3A_373 : vector<1x16xf32> to vector<16xf32>
          %parallel_loop3A_375 = arith.addf %parallel_loop3A_329, %parallel_loop3A_374 : vector<16xf32>
          %parallel_loop3A_376 = arith.constant 14 : i32
          %parallel_loop3A_377 = arith.index_cast %parallel_loop3A_376 : i32 to index
          %parallel_loop3A_378 = arith.index_cast %parallel_loop3A_299 : i32 to index
          %parallel_loop3A_379 = tpu.vector_load %arg5[%parallel_loop3A_377, %parallel_loop3A_378] {strides = array<i32>} : memref<32x1024xf32, #tpu.memory_space<vmem>>, vector<1x16xf32>,
          %parallel_loop3A_380 = vector.shape_cast %parallel_loop3A_379 : vector<1x16xf32> to vector<16xf32>
          %parallel_loop3A_381 = arith.addf %parallel_loop3A_334, %parallel_loop3A_380 : vector<16xf32>
          %parallel_loop3A_382 = arith.constant 15 : i32
          %parallel_loop3A_383 = arith.index_cast %parallel_loop3A_382 : i32 to index
          %parallel_loop3A_384 = arith.index_cast %parallel_loop3A_299 : i32 to index
          %parallel_loop3A_385 = tpu.vector_load %arg5[%parallel_loop3A_383, %parallel_loop3A_384] {strides = array<i32>} : memref<32x1024xf32, #tpu.memory_space<vmem>>, vector<1x16xf32>,
          %parallel_loop3A_386 = vector.shape_cast %parallel_loop3A_385 : vector<1x16xf32> to vector<16xf32>
          %parallel_loop3A_387 = arith.addf %parallel_loop3A_339, %parallel_loop3A_386 : vector<16xf32>
          %parallel_loop3A_388 = arith.constant 16 : i32
          %parallel_loop3A_389 = arith.index_cast %parallel_loop3A_388 : i32 to index
          %parallel_loop3A_390 = arith.index_cast %parallel_loop3A_299 : i32 to index
          %parallel_loop3A_391 = tpu.vector_load %arg5[%parallel_loop3A_389, %parallel_loop3A_390] {strides = array<i32>} : memref<32x1024xf32, #tpu.memory_space<vmem>>, vector<1x16xf32>,
          %parallel_loop3A_392 = vector.shape_cast %parallel_loop3A_391 : vector<1x16xf32> to vector<16xf32>
          %parallel_loop3A_393 = arith.addf %parallel_loop3A_345, %parallel_loop3A_392 : vector<16xf32>
          %parallel_loop3A_394 = arith.constant 17 : i32
          %parallel_loop3A_395 = arith.index_cast %parallel_loop3A_394 : i32 to index
          %parallel_loop3A_396 = arith.index_cast %parallel_loop3A_299 : i32 to index
          %parallel_loop3A_397 = tpu.vector_load %arg5[%parallel_loop3A_395, %parallel_loop3A_396] {strides = array<i32>} : memref<32x1024xf32, #tpu.memory_space<vmem>>, vector<1x16xf32>,
          %parallel_loop3A_398 = vector.shape_cast %parallel_loop3A_397 : vector<1x16xf32> to vector<16xf32>
          %parallel_loop3A_399 = arith.addf %parallel_loop3A_351, %parallel_loop3A_398 : vector<16xf32>
          %parallel_loop3A_400 = arith.constant 18 : i32
          %parallel_loop3A_401 = arith.index_cast %parallel_loop3A_400 : i32 to index
          %parallel_loop3A_402 = arith.index_cast %parallel_loop3A_299 : i32 to index
          %parallel_loop3A_403 = tpu.vector_load %arg5[%parallel_loop3A_401, %parallel_loop3A_402] {strides = array<i32>} : memref<32x1024xf32, #tpu.memory_space<vmem>>, vector<1x16xf32>,
          %parallel_loop3A_404 = vector.shape_cast %parallel_loop3A_403 : vector<1x16xf32> to vector<16xf32>
          %parallel_loop3A_405 = arith.addf %parallel_loop3A_357, %parallel_loop3A_404 : vector<16xf32>
          %parallel_loop3A_406 = arith.constant 19 : i32
          %parallel_loop3A_407 = arith.index_cast %parallel_loop3A_406 : i32 to index
          %parallel_loop3A_408 = arith.index_cast %parallel_loop3A_299 : i32 to index
          %parallel_loop3A_409 = tpu.vector_load %arg5[%parallel_loop3A_407, %parallel_loop3A_408] {strides = array<i32>} : memref<32x1024xf32, #tpu.memory_space<vmem>>, vector<1x16xf32>,
          %parallel_loop3A_410 = vector.shape_cast %parallel_loop3A_409 : vector<1x16xf32> to vector<16xf32>
          %parallel_loop3A_411 = arith.addf %parallel_loop3A_363, %parallel_loop3A_410 : vector<16xf32>
          %parallel_loop3A_412 = arith.constant 20 : i32
          %parallel_loop3A_413 = arith.index_cast %parallel_loop3A_412 : i32 to index
          %parallel_loop3A_414 = arith.index_cast %parallel_loop3A_299 : i32 to index
          %parallel_loop3A_415 = tpu.vector_load %arg5[%parallel_loop3A_413, %parallel_loop3A_414] {strides = array<i32>} : memref<32x1024xf32, #tpu.memory_space<vmem>>, vector<1x16xf32>,
          %parallel_loop3A_416 = vector.shape_cast %parallel_loop3A_415 : vector<1x16xf32> to vector<16xf32>
          %parallel_loop3A_417 = arith.addf %parallel_loop3A_369, %parallel_loop3A_416 : vector<16xf32>
          %parallel_loop3A_418 = arith.constant 21 : i32
          %parallel_loop3A_419 = arith.index_cast %parallel_loop3A_418 : i32 to index
          %parallel_loop3A_420 = arith.index_cast %parallel_loop3A_299 : i32 to index
          %parallel_loop3A_421 = tpu.vector_load %arg5[%parallel_loop3A_419, %parallel_loop3A_420] {strides = array<i32>} : memref<32x1024xf32, #tpu.memory_space<vmem>>, vector<1x16xf32>,
          %parallel_loop3A_422 = vector.shape_cast %parallel_loop3A_421 : vector<1x16xf32> to vector<16xf32>
          %parallel_loop3A_423 = arith.addf %parallel_loop3A_375, %parallel_loop3A_422 : vector<16xf32>
          %parallel_loop3A_424 = arith.constant 22 : i32
          %parallel_loop3A_425 = arith.index_cast %parallel_loop3A_424 : i32 to index
          %parallel_loop3A_426 = arith.index_cast %parallel_loop3A_299 : i32 to index
          %parallel_loop3A_427 = tpu.vector_load %arg5[%parallel_loop3A_425, %parallel_loop3A_426] {strides = array<i32>} : memref<32x1024xf32, #tpu.memory_space<vmem>>, vector<1x16xf32>,
          %parallel_loop3A_428 = vector.shape_cast %parallel_loop3A_427 : vector<1x16xf32> to vector<16xf32>
          %parallel_loop3A_429 = arith.addf %parallel_loop3A_381, %parallel_loop3A_428 : vector<16xf32>
          %parallel_loop3A_430 = arith.constant 23 : i32
          %parallel_loop3A_431 = arith.index_cast %parallel_loop3A_430 : i32 to index
          %parallel_loop3A_432 = arith.index_cast %parallel_loop3A_299 : i32 to index
          %parallel_loop3A_433 = tpu.vector_load %arg5[%parallel_loop3A_431, %parallel_loop3A_432] {strides = array<i32>} : memref<32x1024xf32, #tpu.memory_space<vmem>>, vector<1x16xf32>,
          %parallel_loop3A_434 = vector.shape_cast %parallel_loop3A_433 : vector<1x16xf32> to vector<16xf32>
          %parallel_loop3A_435 = arith.addf %parallel_loop3A_387, %parallel_loop3A_434 : vector<16xf32>
          %parallel_loop3A_436 = arith.constant 24 : i32
          %parallel_loop3A_437 = arith.index_cast %parallel_loop3A_436 : i32 to index
          %parallel_loop3A_438 = arith.index_cast %parallel_loop3A_299 : i32 to index
          %parallel_loop3A_439 = tpu.vector_load %arg5[%parallel_loop3A_437, %parallel_loop3A_438] {strides = array<i32>} : memref<32x1024xf32, #tpu.memory_space<vmem>>, vector<1x16xf32>,
          %parallel_loop3A_440 = vector.shape_cast %parallel_loop3A_439 : vector<1x16xf32> to vector<16xf32>
          %parallel_loop3A_441 = arith.addf %parallel_loop3A_393, %parallel_loop3A_440 : vector<16xf32>
          %parallel_loop3A_442 = arith.constant 25 : i32
          %parallel_loop3A_443 = arith.index_cast %parallel_loop3A_442 : i32 to index
          %parallel_loop3A_444 = arith.index_cast %parallel_loop3A_299 : i32 to index
          %parallel_loop3A_445 = tpu.vector_load %arg5[%parallel_loop3A_443, %parallel_loop3A_444] {strides = array<i32>} : memref<32x1024xf32, #tpu.memory_space<vmem>>, vector<1x16xf32>,
          %parallel_loop3A_446 = vector.shape_cast %parallel_loop3A_445 : vector<1x16xf32> to vector<16xf32>
          %parallel_loop3A_447 = arith.addf %parallel_loop3A_399, %parallel_loop3A_446 : vector<16xf32>
          %parallel_loop3A_448 = arith.constant 26 : i32
          %parallel_loop3A_449 = arith.index_cast %parallel_loop3A_448 : i32 to index
          %parallel_loop3A_450 = arith.index_cast %parallel_loop3A_299 : i32 to index
          %parallel_loop3A_451 = tpu.vector_load %arg5[%parallel_loop3A_449, %parallel_loop3A_450] {strides = array<i32>} : memref<32x1024xf32, #tpu.memory_space<vmem>>, vector<1x16xf32>,
          %parallel_loop3A_452 = vector.shape_cast %parallel_loop3A_451 : vector<1x16xf32> to vector<16xf32>
          %parallel_loop3A_453 = arith.addf %parallel_loop3A_405, %parallel_loop3A_452 : vector<16xf32>
          %parallel_loop3A_454 = arith.constant 27 : i32
          %parallel_loop3A_455 = arith.index_cast %parallel_loop3A_454 : i32 to index
          %parallel_loop3A_456 = arith.index_cast %parallel_loop3A_299 : i32 to index
          %parallel_loop3A_457 = tpu.vector_load %arg5[%parallel_loop3A_455, %parallel_loop3A_456] {strides = array<i32>} : memref<32x1024xf32, #tpu.memory_space<vmem>>, vector<1x16xf32>,
          %parallel_loop3A_458 = vector.shape_cast %parallel_loop3A_457 : vector<1x16xf32> to vector<16xf32>
          %parallel_loop3A_459 = arith.addf %parallel_loop3A_411, %parallel_loop3A_458 : vector<16xf32>
          %parallel_loop3A_460 = arith.constant 28 : i32
          %parallel_loop3A_461 = arith.index_cast %parallel_loop3A_460 : i32 to index
          %parallel_loop3A_462 = arith.index_cast %parallel_loop3A_299 : i32 to index
          %parallel_loop3A_463 = tpu.vector_load %arg5[%parallel_loop3A_461, %parallel_loop3A_462] {strides = array<i32>} : memref<32x1024xf32, #tpu.memory_space<vmem>>, vector<1x16xf32>,
          %parallel_loop3A_464 = vector.shape_cast %parallel_loop3A_463 : vector<1x16xf32> to vector<16xf32>
          %parallel_loop3A_465 = arith.addf %parallel_loop3A_417, %parallel_loop3A_464 : vector<16xf32>
          %parallel_loop3A_466 = arith.constant 29 : i32
          %parallel_loop3A_467 = arith.index_cast %parallel_loop3A_466 : i32 to index
          %parallel_loop3A_468 = arith.index_cast %parallel_loop3A_299 : i32 to index
          %parallel_loop3A_469 = tpu.vector_load %arg5[%parallel_loop3A_467, %parallel_loop3A_468] {strides = array<i32>} : memref<32x1024xf32, #tpu.memory_space<vmem>>, vector<1x16xf32>,
          %parallel_loop3A_470 = vector.shape_cast %parallel_loop3A_469 : vector<1x16xf32> to vector<16xf32>
          %parallel_loop3A_471 = arith.addf %parallel_loop3A_423, %parallel_loop3A_470 : vector<16xf32>
          %parallel_loop3A_472 = arith.constant 30 : i32
          %parallel_loop3A_473 = arith.index_cast %parallel_loop3A_472 : i32 to index
          %parallel_loop3A_474 = arith.index_cast %parallel_loop3A_299 : i32 to index
          %parallel_loop3A_475 = tpu.vector_load %arg5[%parallel_loop3A_473, %parallel_loop3A_474] {strides = array<i32>} : memref<32x1024xf32, #tpu.memory_space<vmem>>, vector<1x16xf32>,
          %parallel_loop3A_476 = vector.shape_cast %parallel_loop3A_475 : vector<1x16xf32> to vector<16xf32>
          %parallel_loop3A_477 = arith.addf %parallel_loop3A_429, %parallel_loop3A_476 : vector<16xf32>
          %parallel_loop3A_478 = arith.constant 31 : i32
          %parallel_loop3A_479 = arith.index_cast %parallel_loop3A_478 : i32 to index
          %parallel_loop3A_480 = arith.index_cast %parallel_loop3A_299 : i32 to index
          %parallel_loop3A_481 = tpu.vector_load %arg5[%parallel_loop3A_479, %parallel_loop3A_480] {strides = array<i32>} : memref<32x1024xf32, #tpu.memory_space<vmem>>, vector<1x16xf32>,
          %parallel_loop3A_482 = vector.shape_cast %parallel_loop3A_481 : vector<1x16xf32> to vector<16xf32>
          %parallel_loop3A_483 = arith.addf %parallel_loop3A_435, %parallel_loop3A_482 : vector<16xf32>
          %parallel_loop3A_484 = arith.addf %parallel_loop3A_441, %parallel_loop3A_447 : vector<16xf32>
          %parallel_loop3A_485 = arith.addf %parallel_loop3A_453, %parallel_loop3A_459 : vector<16xf32>
          %parallel_loop3A_486 = arith.addf %parallel_loop3A_465, %parallel_loop3A_471 : vector<16xf32>
          %parallel_loop3A_487 = arith.addf %parallel_loop3A_477, %parallel_loop3A_483 : vector<16xf32>
          %parallel_loop3A_488 = arith.addf %parallel_loop3A_484, %parallel_loop3A_485 : vector<16xf32>
          %parallel_loop3A_489 = arith.addf %parallel_loop3A_486, %parallel_loop3A_487 : vector<16xf32>
          %parallel_loop3A_490 = arith.addf %parallel_loop3A_488, %parallel_loop3A_489 : vector<16xf32>
          %parallel_loop3A_491 = arith.index_cast %add3A_118 : i32 to index
          %parallel_loop3A_492 = arith.index_cast %parallel_loop3A_299 : i32 to index
          %parallel_loop3A_493 = tpu.vector_load %arg7[%parallel_loop3A_491, %parallel_loop3A_492] {strides = array<i32>} : memref<16x1024xf32, #tpu.memory_space<vmem>>, vector<1x16xf32>,
          %parallel_loop3A_494 = vector.shape_cast %parallel_loop3A_493 : vector<1x16xf32> to vector<16xf32>
          %parallel_loop3A_495 = vector.shape_cast %parallel_loop3A_490 : vector<16xf32> to vector<1x16xf32>
          tpu.vector_store %arg7[%parallel_loop3A_491, %parallel_loop3A_492], %parallel_loop3A_495 {add = true, strides = array<i32>} : memref<16x1024xf32, #tpu.memory_space<vmem>>, vector<1x16xf32>,
        } {sc.loop_unroll_factor = 2 : i64, sc.parallel_access}
        %cond3A_296 = arith.constant 0 : i32
        scf.yield %cond3A_296 : i32
      } else {
        %scan3A_294 = arith.constant 0 : i32
        %scan3A_295 = arith.constant 0 : i32
        %scan3A_296 = arith.constant 32 : i32
        %scan3A_297 = arith.addi %scan3A_295, %scan3A_296 : i32
        %scan3A_298 = arith.constant 1 : i32
        %scan3A_299 = scf.for %scan3A_302 = %scan3A_295 to %scan3A_297 step %scan3A_298 iter_args(%scan3A_303 = %scan3A_294) -> (i32)  : i32 {
          %add3A_304 = arith.addi %add3A_74, %scan3A_302 : i32
          %ge3A_305 = arith.cmpi sge, %add3A_304, %squeeze3A : i32
          %convert_element_type3A_306 = arith.extui %ge3A_305 : i1 to i32
          %add3A_307 = arith.constant 0 : i32
          %add3A_308 = arith.addi %add3A_307, %convert_element_type3A_306 : i32
          %ge3A_309 = arith.cmpi sge, %add3A_304, %squeeze3A_6 : i32
          %convert_element_type3A_310 = arith.extui %ge3A_309 : i1 to i32
          %add3A_311 = arith.addi %add3A_308, %convert_element_type3A_310 : i32
          %ge3A_312 = arith.cmpi sge, %add3A_304, %squeeze3A_8 : i32
          %convert_element_type3A_313 = arith.extui %ge3A_312 : i1 to i32
          %add3A_314 = arith.addi %add3A_311, %convert_element_type3A_313 : i32
          %ge3A_315 = arith.cmpi sge, %add3A_304, %squeeze3A_10 : i32
          %convert_element_type3A_316 = arith.extui %ge3A_315 : i1 to i32
          %add3A_317 = arith.addi %add3A_314, %convert_element_type3A_316 : i32
          %ge3A_318 = arith.cmpi sge, %add3A_304, %squeeze3A_12 : i32
          %convert_element_type3A_319 = arith.extui %ge3A_318 : i1 to i32
          %add3A_320 = arith.addi %add3A_317, %convert_element_type3A_319 : i32
          %ge3A_321 = arith.cmpi sge, %add3A_304, %squeeze3A_14 : i32
          %convert_element_type3A_322 = arith.extui %ge3A_321 : i1 to i32
          %add3A_323 = arith.addi %add3A_320, %convert_element_type3A_322 : i32
          %ge3A_324 = arith.cmpi sge, %add3A_304, %squeeze3A_16 : i32
          %convert_element_type3A_325 = arith.extui %ge3A_324 : i1 to i32
          %add3A_326 = arith.addi %add3A_323, %convert_element_type3A_325 : i32
          %ge3A_327 = arith.cmpi sge, %add3A_304, %squeeze3A_18 : i32
          %convert_element_type3A_328 = arith.extui %ge3A_327 : i1 to i32
          %add3A_329 = arith.addi %add3A_326, %convert_element_type3A_328 : i32
          %ge3A_330 = arith.cmpi sge, %add3A_304, %squeeze3A_20 : i32
          %convert_element_type3A_331 = arith.extui %ge3A_330 : i1 to i32
          %add3A_332 = arith.addi %add3A_329, %convert_element_type3A_331 : i32
          %ge3A_333 = arith.cmpi sge, %add3A_304, %squeeze3A_22 : i32
          %convert_element_type3A_334 = arith.extui %ge3A_333 : i1 to i32
          %add3A_335 = arith.addi %add3A_332, %convert_element_type3A_334 : i32
          %ge3A_336 = arith.cmpi sge, %add3A_304, %squeeze3A_24 : i32
          %convert_element_type3A_337 = arith.extui %ge3A_336 : i1 to i32
          %add3A_338 = arith.addi %add3A_335, %convert_element_type3A_337 : i32
          %ge3A_339 = arith.cmpi sge, %add3A_304, %squeeze3A_26 : i32
          %convert_element_type3A_340 = arith.extui %ge3A_339 : i1 to i32
          %add3A_341 = arith.addi %add3A_338, %convert_element_type3A_340 : i32
          %ge3A_342 = arith.cmpi sge, %add3A_304, %squeeze3A_28 : i32
          %convert_element_type3A_343 = arith.extui %ge3A_342 : i1 to i32
          %add3A_344 = arith.addi %add3A_341, %convert_element_type3A_343 : i32
          %ge3A_345 = arith.cmpi sge, %add3A_304, %squeeze3A_30 : i32
          %convert_element_type3A_346 = arith.extui %ge3A_345 : i1 to i32
          %add3A_347 = arith.addi %add3A_344, %convert_element_type3A_346 : i32
          %ge3A_348 = arith.cmpi sge, %add3A_304, %squeeze3A_32 : i32
          %convert_element_type3A_349 = arith.extui %ge3A_348 : i1 to i32
          %add3A_350 = arith.addi %add3A_347, %convert_element_type3A_349 : i32
          %get3A_351 = arith.index_cast %scan3A_302 : i32 to index
          %get3A_352 = arith.constant 0 : index
          %get3A_353 = tpu.vector_load %arg5[%get3A_351, %get3A_352] {strides = array<i32>} : memref<32x1024xf32, #tpu.memory_space<vmem>>, vector<1x16xf32>,
          %get3A_354 = vector.shape_cast %get3A_353 : vector<1x16xf32> to vector<16xf32>
          %swap3A = arith.index_cast %add3A_350 : i32 to index
          %swap3A_355 = arith.constant 0 : index
          %swap3A_356 = tpu.vector_load %arg7[%swap3A, %swap3A_355] {strides = array<i32>} : memref<16x1024xf32, #tpu.memory_space<vmem>>, vector<1x16xf32>,
          %swap3A_357 = vector.shape_cast %swap3A_356 : vector<1x16xf32> to vector<16xf32>
          %swap3A_358 = vector.shape_cast %get3A_354 : vector<16xf32> to vector<1x16xf32>
          tpu.vector_store %arg7[%swap3A, %swap3A_355], %swap3A_358 {add = true, strides = array<i32>} : memref<16x1024xf32, #tpu.memory_space<vmem>>, vector<1x16xf32>,
          %get3A_359 = arith.index_cast %scan3A_302 : i32 to index
          %get3A_360 = arith.constant 16 : index
          %get3A_361 = tpu.vector_load %arg5[%get3A_359, %get3A_360] {strides = array<i32>} : memref<32x1024xf32, #tpu.memory_space<vmem>>, vector<1x16xf32>,
          %get3A_362 = vector.shape_cast %get3A_361 : vector<1x16xf32> to vector<16xf32>
          %swap3A_363 = arith.index_cast %add3A_350 : i32 to index
          %swap3A_364 = arith.constant 16 : index
          %swap3A_365 = tpu.vector_load %arg7[%swap3A_363, %swap3A_364] {strides = array<i32>} : memref<16x1024xf32, #tpu.memory_space<vmem>>, vector<1x16xf32>,
          %swap3A_366 = vector.shape_cast %swap3A_365 : vector<1x16xf32> to vector<16xf32>
          %swap3A_367 = vector.shape_cast %get3A_362 : vector<16xf32> to vector<1x16xf32>
          tpu.vector_store %arg7[%swap3A_363, %swap3A_364], %swap3A_367 {add = true, strides = array<i32>} : memref<16x1024xf32, #tpu.memory_space<vmem>>, vector<1x16xf32>,
          %get3A_368 = arith.index_cast %scan3A_302 : i32 to index
          %get3A_369 = arith.constant 32 : index
          %get3A_370 = tpu.vector_load %arg5[%get3A_368, %get3A_369] {strides = array<i32>} : memref<32x1024xf32, #tpu.memory_space<vmem>>, vector<1x16xf32>,
          %get3A_371 = vector.shape_cast %get3A_370 : vector<1x16xf32> to vector<16xf32>
          %swap3A_372 = arith.index_cast %add3A_350 : i32 to index
          %swap3A_373 = arith.constant 32 : index
          %swap3A_374 = tpu.vector_load %arg7[%swap3A_372, %swap3A_373] {strides = array<i32>} : memref<16x1024xf32, #tpu.memory_space<vmem>>, vector<1x16xf32>,
          %swap3A_375 = vector.shape_cast %swap3A_374 : vector<1x16xf32> to vector<16xf32>
          %swap3A_376 = vector.shape_cast %get3A_371 : vector<16xf32> to vector<1x16xf32>
          tpu.vector_store %arg7[%swap3A_372, %swap3A_373], %swap3A_376 {add = true, strides = array<i32>} : memref<16x1024xf32, #tpu.memory_space<vmem>>, vector<1x16xf32>,
          %get3A_377 = arith.index_cast %scan3A_302 : i32 to index
          %get3A_378 = arith.constant 48 : index
          %get3A_379 = tpu.vector_load %arg5[%get3A_377, %get3A_378] {strides = array<i32>} : memref<32x1024xf32, #tpu.memory_space<vmem>>, vector<1x16xf32>,
          %get3A_380 = vector.shape_cast %get3A_379 : vector<1x16xf32> to vector<16xf32>
          %swap3A_381 = arith.index_cast %add3A_350 : i32 to index
          %swap3A_382 = arith.constant 48 : index
          %swap3A_383 = tpu.vector_load %arg7[%swap3A_381, %swap3A_382] {strides = array<i32>} : memref<16x1024xf32, #tpu.memory_space<vmem>>, vector<1x16xf32>,
          %swap3A_384 = vector.shape_cast %swap3A_383 : vector<1x16xf32> to vector<16xf32>
          %swap3A_385 = vector.shape_cast %get3A_380 : vector<16xf32> to vector<1x16xf32>
          tpu.vector_store %arg7[%swap3A_381, %swap3A_382], %swap3A_385 {add = true, strides = array<i32>} : memref<16x1024xf32, #tpu.memory_space<vmem>>, vector<1x16xf32>,
          %get3A_386 = arith.index_cast %scan3A_302 : i32 to index
          %get3A_387 = arith.constant 64 : index
          %get3A_388 = tpu.vector_load %arg5[%get3A_386, %get3A_387] {strides = array<i32>} : memref<32x1024xf32, #tpu.memory_space<vmem>>, vector<1x16xf32>,
          %get3A_389 = vector.shape_cast %get3A_388 : vector<1x16xf32> to vector<16xf32>
          %swap3A_390 = arith.index_cast %add3A_350 : i32 to index
          %swap3A_391 = arith.constant 64 : index
          %swap3A_392 = tpu.vector_load %arg7[%swap3A_390, %swap3A_391] {strides = array<i32>} : memref<16x1024xf32, #tpu.memory_space<vmem>>, vector<1x16xf32>,
          %swap3A_393 = vector.shape_cast %swap3A_392 : vector<1x16xf32> to vector<16xf32>
          %swap3A_394 = vector.shape_cast %get3A_389 : vector<16xf32> to vector<1x16xf32>
          tpu.vector_store %arg7[%swap3A_390, %swap3A_391], %swap3A_394 {add = true, strides = array<i32>} : memref<16x1024xf32, #tpu.memory_space<vmem>>, vector<1x16xf32>,
          %get3A_395 = arith.index_cast %scan3A_302 : i32 to index
          %get3A_396 = arith.constant 80 : index
          %get3A_397 = tpu.vector_load %arg5[%get3A_395, %get3A_396] {strides = array<i32>} : memref<32x1024xf32, #tpu.memory_space<vmem>>, vector<1x16xf32>,
          %get3A_398 = vector.shape_cast %get3A_397 : vector<1x16xf32> to vector<16xf32>
          %swap3A_399 = arith.index_cast %add3A_350 : i32 to index
          %swap3A_400 = arith.constant 80 : index
          %swap3A_401 = tpu.vector_load %arg7[%swap3A_399, %swap3A_400] {strides = array<i32>} : memref<16x1024xf32, #tpu.memory_space<vmem>>, vector<1x16xf32>,
          %swap3A_402 = vector.shape_cast %swap3A_401 : vector<1x16xf32> to vector<16xf32>
          %swap3A_403 = vector.shape_cast %get3A_398 : vector<16xf32> to vector<1x16xf32>
          tpu.vector_store %arg7[%swap3A_399, %swap3A_400], %swap3A_403 {add = true, strides = array<i32>} : memref<16x1024xf32, #tpu.memory_space<vmem>>, vector<1x16xf32>,
          %get3A_404 = arith.index_cast %scan3A_302 : i32 to index
          %get3A_405 = arith.constant 96 : index
          %get3A_406 = tpu.vector_load %arg5[%get3A_404, %get3A_405] {strides = array<i32>} : memref<32x1024xf32, #tpu.memory_space<vmem>>, vector<1x16xf32>,
          %get3A_407 = vector.shape_cast %get3A_406 : vector<1x16xf32> to vector<16xf32>
          %swap3A_408 = arith.index_cast %add3A_350 : i32 to index
          %swap3A_409 = arith.constant 96 : index
          %swap3A_410 = tpu.vector_load %arg7[%swap3A_408, %swap3A_409] {strides = array<i32>} : memref<16x1024xf32, #tpu.memory_space<vmem>>, vector<1x16xf32>,
          %swap3A_411 = vector.shape_cast %swap3A_410 : vector<1x16xf32> to vector<16xf32>
          %swap3A_412 = vector.shape_cast %get3A_407 : vector<16xf32> to vector<1x16xf32>
          tpu.vector_store %arg7[%swap3A_408, %swap3A_409], %swap3A_412 {add = true, strides = array<i32>} : memref<16x1024xf32, #tpu.memory_space<vmem>>, vector<1x16xf32>,
          %get3A_413 = arith.index_cast %scan3A_302 : i32 to index
          %get3A_414 = arith.constant 112 : index
          %get3A_415 = tpu.vector_load %arg5[%get3A_413, %get3A_414] {strides = array<i32>} : memref<32x1024xf32, #tpu.memory_space<vmem>>, vector<1x16xf32>,
          %get3A_416 = vector.shape_cast %get3A_415 : vector<1x16xf32> to vector<16xf32>
          %swap3A_417 = arith.index_cast %add3A_350 : i32 to index
          %swap3A_418 = arith.constant 112 : index
          %swap3A_419 = tpu.vector_load %arg7[%swap3A_417, %swap3A_418] {strides = array<i32>} : memref<16x1024xf32, #tpu.memory_space<vmem>>, vector<1x16xf32>,
          %swap3A_420 = vector.shape_cast %swap3A_419 : vector<1x16xf32> to vector<16xf32>
          %swap3A_421 = vector.shape_cast %get3A_416 : vector<16xf32> to vector<1x16xf32>
          tpu.vector_store %arg7[%swap3A_417, %swap3A_418], %swap3A_421 {add = true, strides = array<i32>} : memref<16x1024xf32, #tpu.memory_space<vmem>>, vector<1x16xf32>,
          %get3A_422 = arith.index_cast %scan3A_302 : i32 to index
          %get3A_423 = arith.constant 128 : index
          %get3A_424 = tpu.vector_load %arg5[%get3A_422, %get3A_423] {strides = array<i32>} : memref<32x1024xf32, #tpu.memory_space<vmem>>, vector<1x16xf32>,
          %get3A_425 = vector.shape_cast %get3A_424 : vector<1x16xf32> to vector<16xf32>
          %swap3A_426 = arith.index_cast %add3A_350 : i32 to index
          %swap3A_427 = arith.constant 128 : index
          %swap3A_428 = tpu.vector_load %arg7[%swap3A_426, %swap3A_427] {strides = array<i32>} : memref<16x1024xf32, #tpu.memory_space<vmem>>, vector<1x16xf32>,
          %swap3A_429 = vector.shape_cast %swap3A_428 : vector<1x16xf32> to vector<16xf32>
          %swap3A_430 = vector.shape_cast %get3A_425 : vector<16xf32> to vector<1x16xf32>
          tpu.vector_store %arg7[%swap3A_426, %swap3A_427], %swap3A_430 {add = true, strides = array<i32>} : memref<16x1024xf32, #tpu.memory_space<vmem>>, vector<1x16xf32>,
          %get3A_431 = arith.index_cast %scan3A_302 : i32 to index
          %get3A_432 = arith.constant 144 : index
          %get3A_433 = tpu.vector_load %arg5[%get3A_431, %get3A_432] {strides = array<i32>} : memref<32x1024xf32, #tpu.memory_space<vmem>>, vector<1x16xf32>,
          %get3A_434 = vector.shape_cast %get3A_433 : vector<1x16xf32> to vector<16xf32>
          %swap3A_435 = arith.index_cast %add3A_350 : i32 to index
          %swap3A_436 = arith.constant 144 : index
          %swap3A_437 = tpu.vector_load %arg7[%swap3A_435, %swap3A_436] {strides = array<i32>} : memref<16x1024xf32, #tpu.memory_space<vmem>>, vector<1x16xf32>,
          %swap3A_438 = vector.shape_cast %swap3A_437 : vector<1x16xf32> to vector<16xf32>
          %swap3A_439 = vector.shape_cast %get3A_434 : vector<16xf32> to vector<1x16xf32>
          tpu.vector_store %arg7[%swap3A_435, %swap3A_436], %swap3A_439 {add = true, strides = array<i32>} : memref<16x1024xf32, #tpu.memory_space<vmem>>, vector<1x16xf32>,
          %get3A_440 = arith.index_cast %scan3A_302 : i32 to index
          %get3A_441 = arith.constant 160 : index
          %get3A_442 = tpu.vector_load %arg5[%get3A_440, %get3A_441] {strides = array<i32>} : memref<32x1024xf32, #tpu.memory_space<vmem>>, vector<1x16xf32>,
          %get3A_443 = vector.shape_cast %get3A_442 : vector<1x16xf32> to vector<16xf32>
          %swap3A_444 = arith.index_cast %add3A_350 : i32 to index
          %swap3A_445 = arith.constant 160 : index
          %swap3A_446 = tpu.vector_load %arg7[%swap3A_444, %swap3A_445] {strides = array<i32>} : memref<16x1024xf32, #tpu.memory_space<vmem>>, vector<1x16xf32>,
          %swap3A_447 = vector.shape_cast %swap3A_446 : vector<1x16xf32> to vector<16xf32>
          %swap3A_448 = vector.shape_cast %get3A_443 : vector<16xf32> to vector<1x16xf32>
          tpu.vector_store %arg7[%swap3A_444, %swap3A_445], %swap3A_448 {add = true, strides = array<i32>} : memref<16x1024xf32, #tpu.memory_space<vmem>>, vector<1x16xf32>,
          %get3A_449 = arith.index_cast %scan3A_302 : i32 to index
          %get3A_450 = arith.constant 176 : index
          %get3A_451 = tpu.vector_load %arg5[%get3A_449, %get3A_450] {strides = array<i32>} : memref<32x1024xf32, #tpu.memory_space<vmem>>, vector<1x16xf32>,
          %get3A_452 = vector.shape_cast %get3A_451 : vector<1x16xf32> to vector<16xf32>
          %swap3A_453 = arith.index_cast %add3A_350 : i32 to index
          %swap3A_454 = arith.constant 176 : index
          %swap3A_455 = tpu.vector_load %arg7[%swap3A_453, %swap3A_454] {strides = array<i32>} : memref<16x1024xf32, #tpu.memory_space<vmem>>, vector<1x16xf32>,
          %swap3A_456 = vector.shape_cast %swap3A_455 : vector<1x16xf32> to vector<16xf32>
          %swap3A_457 = vector.shape_cast %get3A_452 : vector<16xf32> to vector<1x16xf32>
          tpu.vector_store %arg7[%swap3A_453, %swap3A_454], %swap3A_457 {add = true, strides = array<i32>} : memref<16x1024xf32, #tpu.memory_space<vmem>>, vector<1x16xf32>,
          %get3A_458 = arith.index_cast %scan3A_302 : i32 to index
          %get3A_459 = arith.constant 192 : index
          %get3A_460 = tpu.vector_load %arg5[%get3A_458, %get3A_459] {strides = array<i32>} : memref<32x1024xf32, #tpu.memory_space<vmem>>, vector<1x16xf32>,
          %get3A_461 = vector.shape_cast %get3A_460 : vector<1x16xf32> to vector<16xf32>
          %swap3A_462 = arith.index_cast %add3A_350 : i32 to index
          %swap3A_463 = arith.constant 192 : index
          %swap3A_464 = tpu.vector_load %arg7[%swap3A_462, %swap3A_463] {strides = array<i32>} : memref<16x1024xf32, #tpu.memory_space<vmem>>, vector<1x16xf32>,
          %swap3A_465 = vector.shape_cast %swap3A_464 : vector<1x16xf32> to vector<16xf32>
          %swap3A_466 = vector.shape_cast %get3A_461 : vector<16xf32> to vector<1x16xf32>
          tpu.vector_store %arg7[%swap3A_462, %swap3A_463], %swap3A_466 {add = true, strides = array<i32>} : memref<16x1024xf32, #tpu.memory_space<vmem>>, vector<1x16xf32>,
          %get3A_467 = arith.index_cast %scan3A_302 : i32 to index
          %get3A_468 = arith.constant 208 : index
          %get3A_469 = tpu.vector_load %arg5[%get3A_467, %get3A_468] {strides = array<i32>} : memref<32x1024xf32, #tpu.memory_space<vmem>>, vector<1x16xf32>,
          %get3A_470 = vector.shape_cast %get3A_469 : vector<1x16xf32> to vector<16xf32>
          %swap3A_471 = arith.index_cast %add3A_350 : i32 to index
          %swap3A_472 = arith.constant 208 : index
          %swap3A_473 = tpu.vector_load %arg7[%swap3A_471, %swap3A_472] {strides = array<i32>} : memref<16x1024xf32, #tpu.memory_space<vmem>>, vector<1x16xf32>,
          %swap3A_474 = vector.shape_cast %swap3A_473 : vector<1x16xf32> to vector<16xf32>
          %swap3A_475 = vector.shape_cast %get3A_470 : vector<16xf32> to vector<1x16xf32>
          tpu.vector_store %arg7[%swap3A_471, %swap3A_472], %swap3A_475 {add = true, strides = array<i32>} : memref<16x1024xf32, #tpu.memory_space<vmem>>, vector<1x16xf32>,
          %get3A_476 = arith.index_cast %scan3A_302 : i32 to index
          %get3A_477 = arith.constant 224 : index
          %get3A_478 = tpu.vector_load %arg5[%get3A_476, %get3A_477] {strides = array<i32>} : memref<32x1024xf32, #tpu.memory_space<vmem>>, vector<1x16xf32>,
          %get3A_479 = vector.shape_cast %get3A_478 : vector<1x16xf32> to vector<16xf32>
          %swap3A_480 = arith.index_cast %add3A_350 : i32 to index
          %swap3A_481 = arith.constant 224 : index
          %swap3A_482 = tpu.vector_load %arg7[%swap3A_480, %swap3A_481] {strides = array<i32>} : memref<16x1024xf32, #tpu.memory_space<vmem>>, vector<1x16xf32>,
          %swap3A_483 = vector.shape_cast %swap3A_482 : vector<1x16xf32> to vector<16xf32>
          %swap3A_484 = vector.shape_cast %get3A_479 : vector<16xf32> to vector<1x16xf32>
          tpu.vector_store %arg7[%swap3A_480, %swap3A_481], %swap3A_484 {add = true, strides = array<i32>} : memref<16x1024xf32, #tpu.memory_space<vmem>>, vector<1x16xf32>,
          %get3A_485 = arith.index_cast %scan3A_302 : i32 to index
          %get3A_486 = arith.constant 240 : index
          %get3A_487 = tpu.vector_load %arg5[%get3A_485, %get3A_486] {strides = array<i32>} : memref<32x1024xf32, #tpu.memory_space<vmem>>, vector<1x16xf32>,
          %get3A_488 = vector.shape_cast %get3A_487 : vector<1x16xf32> to vector<16xf32>
          %swap3A_489 = arith.index_cast %add3A_350 : i32 to index
          %swap3A_490 = arith.constant 240 : index
          %swap3A_491 = tpu.vector_load %arg7[%swap3A_489, %swap3A_490] {strides = array<i32>} : memref<16x1024xf32, #tpu.memory_space<vmem>>, vector<1x16xf32>,
          %swap3A_492 = vector.shape_cast %swap3A_491 : vector<1x16xf32> to vector<16xf32>
          %swap3A_493 = vector.shape_cast %get3A_488 : vector<16xf32> to vector<1x16xf32>
          tpu.vector_store %arg7[%swap3A_489, %swap3A_490], %swap3A_493 {add = true, strides = array<i32>} : memref<16x1024xf32, #tpu.memory_space<vmem>>, vector<1x16xf32>,
          %get3A_494 = arith.index_cast %scan3A_302 : i32 to index
          %get3A_495 = arith.constant 256 : index
          %get3A_496 = tpu.vector_load %arg5[%get3A_494, %get3A_495] {strides = array<i32>} : memref<32x1024xf32, #tpu.memory_space<vmem>>, vector<1x16xf32>,
          %get3A_497 = vector.shape_cast %get3A_496 : vector<1x16xf32> to vector<16xf32>
          %swap3A_498 = arith.index_cast %add3A_350 : i32 to index
          %swap3A_499 = arith.constant 256 : index
          %swap3A_500 = tpu.vector_load %arg7[%swap3A_498, %swap3A_499] {strides = array<i32>} : memref<16x1024xf32, #tpu.memory_space<vmem>>, vector<1x16xf32>,
          %swap3A_501 = vector.shape_cast %swap3A_500 : vector<1x16xf32> to vector<16xf32>
          %swap3A_502 = vector.shape_cast %get3A_497 : vector<16xf32> to vector<1x16xf32>
          tpu.vector_store %arg7[%swap3A_498, %swap3A_499], %swap3A_502 {add = true, strides = array<i32>} : memref<16x1024xf32, #tpu.memory_space<vmem>>, vector<1x16xf32>,
          %get3A_503 = arith.index_cast %scan3A_302 : i32 to index
          %get3A_504 = arith.constant 272 : index
          %get3A_505 = tpu.vector_load %arg5[%get3A_503, %get3A_504] {strides = array<i32>} : memref<32x1024xf32, #tpu.memory_space<vmem>>, vector<1x16xf32>,
          %get3A_506 = vector.shape_cast %get3A_505 : vector<1x16xf32> to vector<16xf32>
          %swap3A_507 = arith.index_cast %add3A_350 : i32 to index
          %swap3A_508 = arith.constant 272 : index
          %swap3A_509 = tpu.vector_load %arg7[%swap3A_507, %swap3A_508] {strides = array<i32>} : memref<16x1024xf32, #tpu.memory_space<vmem>>, vector<1x16xf32>,
          %swap3A_510 = vector.shape_cast %swap3A_509 : vector<1x16xf32> to vector<16xf32>
          %swap3A_511 = vector.shape_cast %get3A_506 : vector<16xf32> to vector<1x16xf32>
          tpu.vector_store %arg7[%swap3A_507, %swap3A_508], %swap3A_511 {add = true, strides = array<i32>} : memref<16x1024xf32, #tpu.memory_space<vmem>>, vector<1x16xf32>,
          %get3A_512 = arith.index_cast %scan3A_302 : i32 to index
          %get3A_513 = arith.constant 288 : index
          %get3A_514 = tpu.vector_load %arg5[%get3A_512, %get3A_513] {strides = array<i32>} : memref<32x1024xf32, #tpu.memory_space<vmem>>, vector<1x16xf32>,
          %get3A_515 = vector.shape_cast %get3A_514 : vector<1x16xf32> to vector<16xf32>
          %swap3A_516 = arith.index_cast %add3A_350 : i32 to index
          %swap3A_517 = arith.constant 288 : index
          %swap3A_518 = tpu.vector_load %arg7[%swap3A_516, %swap3A_517] {strides = array<i32>} : memref<16x1024xf32, #tpu.memory_space<vmem>>, vector<1x16xf32>,
          %swap3A_519 = vector.shape_cast %swap3A_518 : vector<1x16xf32> to vector<16xf32>
          %swap3A_520 = vector.shape_cast %get3A_515 : vector<16xf32> to vector<1x16xf32>
          tpu.vector_store %arg7[%swap3A_516, %swap3A_517], %swap3A_520 {add = true, strides = array<i32>} : memref<16x1024xf32, #tpu.memory_space<vmem>>, vector<1x16xf32>,
          %get3A_521 = arith.index_cast %scan3A_302 : i32 to index
          %get3A_522 = arith.constant 304 : index
          %get3A_523 = tpu.vector_load %arg5[%get3A_521, %get3A_522] {strides = array<i32>} : memref<32x1024xf32, #tpu.memory_space<vmem>>, vector<1x16xf32>,
          %get3A_524 = vector.shape_cast %get3A_523 : vector<1x16xf32> to vector<16xf32>
          %swap3A_525 = arith.index_cast %add3A_350 : i32 to index
          %swap3A_526 = arith.constant 304 : index
          %swap3A_527 = tpu.vector_load %arg7[%swap3A_525, %swap3A_526] {strides = array<i32>} : memref<16x1024xf32, #tpu.memory_space<vmem>>, vector<1x16xf32>,
          %swap3A_528 = vector.shape_cast %swap3A_527 : vector<1x16xf32> to vector<16xf32>
          %swap3A_529 = vector.shape_cast %get3A_524 : vector<16xf32> to vector<1x16xf32>
          tpu.vector_store %arg7[%swap3A_525, %swap3A_526], %swap3A_529 {add = true, strides = array<i32>} : memref<16x1024xf32, #tpu.memory_space<vmem>>, vector<1x16xf32>,
          %get3A_530 = arith.index_cast %scan3A_302 : i32 to index
          %get3A_531 = arith.constant 320 : index
          %get3A_532 = tpu.vector_load %arg5[%get3A_530, %get3A_531] {strides = array<i32>} : memref<32x1024xf32, #tpu.memory_space<vmem>>, vector<1x16xf32>,
          %get3A_533 = vector.shape_cast %get3A_532 : vector<1x16xf32> to vector<16xf32>
          %swap3A_534 = arith.index_cast %add3A_350 : i32 to index
          %swap3A_535 = arith.constant 320 : index
          %swap3A_536 = tpu.vector_load %arg7[%swap3A_534, %swap3A_535] {strides = array<i32>} : memref<16x1024xf32, #tpu.memory_space<vmem>>, vector<1x16xf32>,
          %swap3A_537 = vector.shape_cast %swap3A_536 : vector<1x16xf32> to vector<16xf32>
          %swap3A_538 = vector.shape_cast %get3A_533 : vector<16xf32> to vector<1x16xf32>
          tpu.vector_store %arg7[%swap3A_534, %swap3A_535], %swap3A_538 {add = true, strides = array<i32>} : memref<16x1024xf32, #tpu.memory_space<vmem>>, vector<1x16xf32>,
          %get3A_539 = arith.index_cast %scan3A_302 : i32 to index
          %get3A_540 = arith.constant 336 : index
          %get3A_541 = tpu.vector_load %arg5[%get3A_539, %get3A_540] {strides = array<i32>} : memref<32x1024xf32, #tpu.memory_space<vmem>>, vector<1x16xf32>,
          %get3A_542 = vector.shape_cast %get3A_541 : vector<1x16xf32> to vector<16xf32>
          %swap3A_543 = arith.index_cast %add3A_350 : i32 to index
          %swap3A_544 = arith.constant 336 : index
          %swap3A_545 = tpu.vector_load %arg7[%swap3A_543, %swap3A_544] {strides = array<i32>} : memref<16x1024xf32, #tpu.memory_space<vmem>>, vector<1x16xf32>,
          %swap3A_546 = vector.shape_cast %swap3A_545 : vector<1x16xf32> to vector<16xf32>
          %swap3A_547 = vector.shape_cast %get3A_542 : vector<16xf32> to vector<1x16xf32>
          tpu.vector_store %arg7[%swap3A_543, %swap3A_544], %swap3A_547 {add = true, strides = array<i32>} : memref<16x1024xf32, #tpu.memory_space<vmem>>, vector<1x16xf32>,
          %get3A_548 = arith.index_cast %scan3A_302 : i32 to index
          %get3A_549 = arith.constant 352 : index
          %get3A_550 = tpu.vector_load %arg5[%get3A_548, %get3A_549] {strides = array<i32>} : memref<32x1024xf32, #tpu.memory_space<vmem>>, vector<1x16xf32>,
          %get3A_551 = vector.shape_cast %get3A_550 : vector<1x16xf32> to vector<16xf32>
          %swap3A_552 = arith.index_cast %add3A_350 : i32 to index
          %swap3A_553 = arith.constant 352 : index
          %swap3A_554 = tpu.vector_load %arg7[%swap3A_552, %swap3A_553] {strides = array<i32>} : memref<16x1024xf32, #tpu.memory_space<vmem>>, vector<1x16xf32>,
          %swap3A_555 = vector.shape_cast %swap3A_554 : vector<1x16xf32> to vector<16xf32>
          %swap3A_556 = vector.shape_cast %get3A_551 : vector<16xf32> to vector<1x16xf32>
          tpu.vector_store %arg7[%swap3A_552, %swap3A_553], %swap3A_556 {add = true, strides = array<i32>} : memref<16x1024xf32, #tpu.memory_space<vmem>>, vector<1x16xf32>,
          %get3A_557 = arith.index_cast %scan3A_302 : i32 to index
          %get3A_558 = arith.constant 368 : index
          %get3A_559 = tpu.vector_load %arg5[%get3A_557, %get3A_558] {strides = array<i32>} : memref<32x1024xf32, #tpu.memory_space<vmem>>, vector<1x16xf32>,
          %get3A_560 = vector.shape_cast %get3A_559 : vector<1x16xf32> to vector<16xf32>
          %swap3A_561 = arith.index_cast %add3A_350 : i32 to index
          %swap3A_562 = arith.constant 368 : index
          %swap3A_563 = tpu.vector_load %arg7[%swap3A_561, %swap3A_562] {strides = array<i32>} : memref<16x1024xf32, #tpu.memory_space<vmem>>, vector<1x16xf32>,
          %swap3A_564 = vector.shape_cast %swap3A_563 : vector<1x16xf32> to vector<16xf32>
          %swap3A_565 = vector.shape_cast %get3A_560 : vector<16xf32> to vector<1x16xf32>
          tpu.vector_store %arg7[%swap3A_561, %swap3A_562], %swap3A_565 {add = true, strides = array<i32>} : memref<16x1024xf32, #tpu.memory_space<vmem>>, vector<1x16xf32>,
          %get3A_566 = arith.index_cast %scan3A_302 : i32 to index
          %get3A_567 = arith.constant 384 : index
          %get3A_568 = tpu.vector_load %arg5[%get3A_566, %get3A_567] {strides = array<i32>} : memref<32x1024xf32, #tpu.memory_space<vmem>>, vector<1x16xf32>,
          %get3A_569 = vector.shape_cast %get3A_568 : vector<1x16xf32> to vector<16xf32>
          %swap3A_570 = arith.index_cast %add3A_350 : i32 to index
          %swap3A_571 = arith.constant 384 : index
          %swap3A_572 = tpu.vector_load %arg7[%swap3A_570, %swap3A_571] {strides = array<i32>} : memref<16x1024xf32, #tpu.memory_space<vmem>>, vector<1x16xf32>,
          %swap3A_573 = vector.shape_cast %swap3A_572 : vector<1x16xf32> to vector<16xf32>
          %swap3A_574 = vector.shape_cast %get3A_569 : vector<16xf32> to vector<1x16xf32>
          tpu.vector_store %arg7[%swap3A_570, %swap3A_571], %swap3A_574 {add = true, strides = array<i32>} : memref<16x1024xf32, #tpu.memory_space<vmem>>, vector<1x16xf32>,
          %get3A_575 = arith.index_cast %scan3A_302 : i32 to index
          %get3A_576 = arith.constant 400 : index
          %get3A_577 = tpu.vector_load %arg5[%get3A_575, %get3A_576] {strides = array<i32>} : memref<32x1024xf32, #tpu.memory_space<vmem>>, vector<1x16xf32>,
          %get3A_578 = vector.shape_cast %get3A_577 : vector<1x16xf32> to vector<16xf32>
          %swap3A_579 = arith.index_cast %add3A_350 : i32 to index
          %swap3A_580 = arith.constant 400 : index
          %swap3A_581 = tpu.vector_load %arg7[%swap3A_579, %swap3A_580] {strides = array<i32>} : memref<16x1024xf32, #tpu.memory_space<vmem>>, vector<1x16xf32>,
          %swap3A_582 = vector.shape_cast %swap3A_581 : vector<1x16xf32> to vector<16xf32>
          %swap3A_583 = vector.shape_cast %get3A_578 : vector<16xf32> to vector<1x16xf32>
          tpu.vector_store %arg7[%swap3A_579, %swap3A_580], %swap3A_583 {add = true, strides = array<i32>} : memref<16x1024xf32, #tpu.memory_space<vmem>>, vector<1x16xf32>,
          %get3A_584 = arith.index_cast %scan3A_302 : i32 to index
          %get3A_585 = arith.constant 416 : index
          %get3A_586 = tpu.vector_load %arg5[%get3A_584, %get3A_585] {strides = array<i32>} : memref<32x1024xf32, #tpu.memory_space<vmem>>, vector<1x16xf32>,
          %get3A_587 = vector.shape_cast %get3A_586 : vector<1x16xf32> to vector<16xf32>
          %swap3A_588 = arith.index_cast %add3A_350 : i32 to index
          %swap3A_589 = arith.constant 416 : index
          %swap3A_590 = tpu.vector_load %arg7[%swap3A_588, %swap3A_589] {strides = array<i32>} : memref<16x1024xf32, #tpu.memory_space<vmem>>, vector<1x16xf32>,
          %swap3A_591 = vector.shape_cast %swap3A_590 : vector<1x16xf32> to vector<16xf32>
          %swap3A_592 = vector.shape_cast %get3A_587 : vector<16xf32> to vector<1x16xf32>
          tpu.vector_store %arg7[%swap3A_588, %swap3A_589], %swap3A_592 {add = true, strides = array<i32>} : memref<16x1024xf32, #tpu.memory_space<vmem>>, vector<1x16xf32>,
          %get3A_593 = arith.index_cast %scan3A_302 : i32 to index
          %get3A_594 = arith.constant 432 : index
          %get3A_595 = tpu.vector_load %arg5[%get3A_593, %get3A_594] {strides = array<i32>} : memref<32x1024xf32, #tpu.memory_space<vmem>>, vector<1x16xf32>,
          %get3A_596 = vector.shape_cast %get3A_595 : vector<1x16xf32> to vector<16xf32>
          %swap3A_597 = arith.index_cast %add3A_350 : i32 to index
          %swap3A_598 = arith.constant 432 : index
          %swap3A_599 = tpu.vector_load %arg7[%swap3A_597, %swap3A_598] {strides = array<i32>} : memref<16x1024xf32, #tpu.memory_space<vmem>>, vector<1x16xf32>,
          %swap3A_600 = vector.shape_cast %swap3A_599 : vector<1x16xf32> to vector<16xf32>
          %swap3A_601 = vector.shape_cast %get3A_596 : vector<16xf32> to vector<1x16xf32>
          tpu.vector_store %arg7[%swap3A_597, %swap3A_598], %swap3A_601 {add = true, strides = array<i32>} : memref<16x1024xf32, #tpu.memory_space<vmem>>, vector<1x16xf32>,
          %get3A_602 = arith.index_cast %scan3A_302 : i32 to index
          %get3A_603 = arith.constant 448 : index
          %get3A_604 = tpu.vector_load %arg5[%get3A_602, %get3A_603] {strides = array<i32>} : memref<32x1024xf32, #tpu.memory_space<vmem>>, vector<1x16xf32>,
          %get3A_605 = vector.shape_cast %get3A_604 : vector<1x16xf32> to vector<16xf32>
          %swap3A_606 = arith.index_cast %add3A_350 : i32 to index
          %swap3A_607 = arith.constant 448 : index
          %swap3A_608 = tpu.vector_load %arg7[%swap3A_606, %swap3A_607] {strides = array<i32>} : memref<16x1024xf32, #tpu.memory_space<vmem>>, vector<1x16xf32>,
          %swap3A_609 = vector.shape_cast %swap3A_608 : vector<1x16xf32> to vector<16xf32>
          %swap3A_610 = vector.shape_cast %get3A_605 : vector<16xf32> to vector<1x16xf32>
          tpu.vector_store %arg7[%swap3A_606, %swap3A_607], %swap3A_610 {add = true, strides = array<i32>} : memref<16x1024xf32, #tpu.memory_space<vmem>>, vector<1x16xf32>,
          %get3A_611 = arith.index_cast %scan3A_302 : i32 to index
          %get3A_612 = arith.constant 464 : index
          %get3A_613 = tpu.vector_load %arg5[%get3A_611, %get3A_612] {strides = array<i32>} : memref<32x1024xf32, #tpu.memory_space<vmem>>, vector<1x16xf32>,
          %get3A_614 = vector.shape_cast %get3A_613 : vector<1x16xf32> to vector<16xf32>
          %swap3A_615 = arith.index_cast %add3A_350 : i32 to index
          %swap3A_616 = arith.constant 464 : index
          %swap3A_617 = tpu.vector_load %arg7[%swap3A_615, %swap3A_616] {strides = array<i32>} : memref<16x1024xf32, #tpu.memory_space<vmem>>, vector<1x16xf32>,
          %swap3A_618 = vector.shape_cast %swap3A_617 : vector<1x16xf32> to vector<16xf32>
          %swap3A_619 = vector.shape_cast %get3A_614 : vector<16xf32> to vector<1x16xf32>
          tpu.vector_store %arg7[%swap3A_615, %swap3A_616], %swap3A_619 {add = true, strides = array<i32>} : memref<16x1024xf32, #tpu.memory_space<vmem>>, vector<1x16xf32>,
          %get3A_620 = arith.index_cast %scan3A_302 : i32 to index
          %get3A_621 = arith.constant 480 : index
          %get3A_622 = tpu.vector_load %arg5[%get3A_620, %get3A_621] {strides = array<i32>} : memref<32x1024xf32, #tpu.memory_space<vmem>>, vector<1x16xf32>,
          %get3A_623 = vector.shape_cast %get3A_622 : vector<1x16xf32> to vector<16xf32>
          %swap3A_624 = arith.index_cast %add3A_350 : i32 to index
          %swap3A_625 = arith.constant 480 : index
          %swap3A_626 = tpu.vector_load %arg7[%swap3A_624, %swap3A_625] {strides = array<i32>} : memref<16x1024xf32, #tpu.memory_space<vmem>>, vector<1x16xf32>,
          %swap3A_627 = vector.shape_cast %swap3A_626 : vector<1x16xf32> to vector<16xf32>
          %swap3A_628 = vector.shape_cast %get3A_623 : vector<16xf32> to vector<1x16xf32>
          tpu.vector_store %arg7[%swap3A_624, %swap3A_625], %swap3A_628 {add = true, strides = array<i32>} : memref<16x1024xf32, #tpu.memory_space<vmem>>, vector<1x16xf32>,
          %get3A_629 = arith.index_cast %scan3A_302 : i32 to index
          %get3A_630 = arith.constant 496 : index
          %get3A_631 = tpu.vector_load %arg5[%get3A_629, %get3A_630] {strides = array<i32>} : memref<32x1024xf32, #tpu.memory_space<vmem>>, vector<1x16xf32>,
          %get3A_632 = vector.shape_cast %get3A_631 : vector<1x16xf32> to vector<16xf32>
          %swap3A_633 = arith.index_cast %add3A_350 : i32 to index
          %swap3A_634 = arith.constant 496 : index
          %swap3A_635 = tpu.vector_load %arg7[%swap3A_633, %swap3A_634] {strides = array<i32>} : memref<16x1024xf32, #tpu.memory_space<vmem>>, vector<1x16xf32>,
          %swap3A_636 = vector.shape_cast %swap3A_635 : vector<1x16xf32> to vector<16xf32>
          %swap3A_637 = vector.shape_cast %get3A_632 : vector<16xf32> to vector<1x16xf32>
          tpu.vector_store %arg7[%swap3A_633, %swap3A_634], %swap3A_637 {add = true, strides = array<i32>} : memref<16x1024xf32, #tpu.memory_space<vmem>>, vector<1x16xf32>,
          %get3A_638 = arith.index_cast %scan3A_302 : i32 to index
          %get3A_639 = arith.constant 512 : index
          %get3A_640 = tpu.vector_load %arg5[%get3A_638, %get3A_639] {strides = array<i32>} : memref<32x1024xf32, #tpu.memory_space<vmem>>, vector<1x16xf32>,
          %get3A_641 = vector.shape_cast %get3A_640 : vector<1x16xf32> to vector<16xf32>
          %swap3A_642 = arith.index_cast %add3A_350 : i32 to index
          %swap3A_643 = arith.constant 512 : index
          %swap3A_644 = tpu.vector_load %arg7[%swap3A_642, %swap3A_643] {strides = array<i32>} : memref<16x1024xf32, #tpu.memory_space<vmem>>, vector<1x16xf32>,
          %swap3A_645 = vector.shape_cast %swap3A_644 : vector<1x16xf32> to vector<16xf32>
          %swap3A_646 = vector.shape_cast %get3A_641 : vector<16xf32> to vector<1x16xf32>
          tpu.vector_store %arg7[%swap3A_642, %swap3A_643], %swap3A_646 {add = true, strides = array<i32>} : memref<16x1024xf32, #tpu.memory_space<vmem>>, vector<1x16xf32>,
          %get3A_647 = arith.index_cast %scan3A_302 : i32 to index
          %get3A_648 = arith.constant 528 : index
          %get3A_649 = tpu.vector_load %arg5[%get3A_647, %get3A_648] {strides = array<i32>} : memref<32x1024xf32, #tpu.memory_space<vmem>>, vector<1x16xf32>,
          %get3A_650 = vector.shape_cast %get3A_649 : vector<1x16xf32> to vector<16xf32>
          %swap3A_651 = arith.index_cast %add3A_350 : i32 to index
          %swap3A_652 = arith.constant 528 : index
          %swap3A_653 = tpu.vector_load %arg7[%swap3A_651, %swap3A_652] {strides = array<i32>} : memref<16x1024xf32, #tpu.memory_space<vmem>>, vector<1x16xf32>,
          %swap3A_654 = vector.shape_cast %swap3A_653 : vector<1x16xf32> to vector<16xf32>
          %swap3A_655 = vector.shape_cast %get3A_650 : vector<16xf32> to vector<1x16xf32>
          tpu.vector_store %arg7[%swap3A_651, %swap3A_652], %swap3A_655 {add = true, strides = array<i32>} : memref<16x1024xf32, #tpu.memory_space<vmem>>, vector<1x16xf32>,
          %get3A_656 = arith.index_cast %scan3A_302 : i32 to index
          %get3A_657 = arith.constant 544 : index
          %get3A_658 = tpu.vector_load %arg5[%get3A_656, %get3A_657] {strides = array<i32>} : memref<32x1024xf32, #tpu.memory_space<vmem>>, vector<1x16xf32>,
          %get3A_659 = vector.shape_cast %get3A_658 : vector<1x16xf32> to vector<16xf32>
          %swap3A_660 = arith.index_cast %add3A_350 : i32 to index
          %swap3A_661 = arith.constant 544 : index
          %swap3A_662 = tpu.vector_load %arg7[%swap3A_660, %swap3A_661] {strides = array<i32>} : memref<16x1024xf32, #tpu.memory_space<vmem>>, vector<1x16xf32>,
          %swap3A_663 = vector.shape_cast %swap3A_662 : vector<1x16xf32> to vector<16xf32>
          %swap3A_664 = vector.shape_cast %get3A_659 : vector<16xf32> to vector<1x16xf32>
          tpu.vector_store %arg7[%swap3A_660, %swap3A_661], %swap3A_664 {add = true, strides = array<i32>} : memref<16x1024xf32, #tpu.memory_space<vmem>>, vector<1x16xf32>,
          %get3A_665 = arith.index_cast %scan3A_302 : i32 to index
          %get3A_666 = arith.constant 560 : index
          %get3A_667 = tpu.vector_load %arg5[%get3A_665, %get3A_666] {strides = array<i32>} : memref<32x1024xf32, #tpu.memory_space<vmem>>, vector<1x16xf32>,
          %get3A_668 = vector.shape_cast %get3A_667 : vector<1x16xf32> to vector<16xf32>
          %swap3A_669 = arith.index_cast %add3A_350 : i32 to index
          %swap3A_670 = arith.constant 560 : index
          %swap3A_671 = tpu.vector_load %arg7[%swap3A_669, %swap3A_670] {strides = array<i32>} : memref<16x1024xf32, #tpu.memory_space<vmem>>, vector<1x16xf32>,
          %swap3A_672 = vector.shape_cast %swap3A_671 : vector<1x16xf32> to vector<16xf32>
          %swap3A_673 = vector.shape_cast %get3A_668 : vector<16xf32> to vector<1x16xf32>
          tpu.vector_store %arg7[%swap3A_669, %swap3A_670], %swap3A_673 {add = true, strides = array<i32>} : memref<16x1024xf32, #tpu.memory_space<vmem>>, vector<1x16xf32>,
          %get3A_674 = arith.index_cast %scan3A_302 : i32 to index
          %get3A_675 = arith.constant 576 : index
          %get3A_676 = tpu.vector_load %arg5[%get3A_674, %get3A_675] {strides = array<i32>} : memref<32x1024xf32, #tpu.memory_space<vmem>>, vector<1x16xf32>,
          %get3A_677 = vector.shape_cast %get3A_676 : vector<1x16xf32> to vector<16xf32>
          %swap3A_678 = arith.index_cast %add3A_350 : i32 to index
          %swap3A_679 = arith.constant 576 : index
          %swap3A_680 = tpu.vector_load %arg7[%swap3A_678, %swap3A_679] {strides = array<i32>} : memref<16x1024xf32, #tpu.memory_space<vmem>>, vector<1x16xf32>,
          %swap3A_681 = vector.shape_cast %swap3A_680 : vector<1x16xf32> to vector<16xf32>
          %swap3A_682 = vector.shape_cast %get3A_677 : vector<16xf32> to vector<1x16xf32>
          tpu.vector_store %arg7[%swap3A_678, %swap3A_679], %swap3A_682 {add = true, strides = array<i32>} : memref<16x1024xf32, #tpu.memory_space<vmem>>, vector<1x16xf32>,
          %get3A_683 = arith.index_cast %scan3A_302 : i32 to index
          %get3A_684 = arith.constant 592 : index
          %get3A_685 = tpu.vector_load %arg5[%get3A_683, %get3A_684] {strides = array<i32>} : memref<32x1024xf32, #tpu.memory_space<vmem>>, vector<1x16xf32>,
          %get3A_686 = vector.shape_cast %get3A_685 : vector<1x16xf32> to vector<16xf32>
          %swap3A_687 = arith.index_cast %add3A_350 : i32 to index
          %swap3A_688 = arith.constant 592 : index
          %swap3A_689 = tpu.vector_load %arg7[%swap3A_687, %swap3A_688] {strides = array<i32>} : memref<16x1024xf32, #tpu.memory_space<vmem>>, vector<1x16xf32>,
          %swap3A_690 = vector.shape_cast %swap3A_689 : vector<1x16xf32> to vector<16xf32>
          %swap3A_691 = vector.shape_cast %get3A_686 : vector<16xf32> to vector<1x16xf32>
          tpu.vector_store %arg7[%swap3A_687, %swap3A_688], %swap3A_691 {add = true, strides = array<i32>} : memref<16x1024xf32, #tpu.memory_space<vmem>>, vector<1x16xf32>,
          %get3A_692 = arith.index_cast %scan3A_302 : i32 to index
          %get3A_693 = arith.constant 608 : index
          %get3A_694 = tpu.vector_load %arg5[%get3A_692, %get3A_693] {strides = array<i32>} : memref<32x1024xf32, #tpu.memory_space<vmem>>, vector<1x16xf32>,
          %get3A_695 = vector.shape_cast %get3A_694 : vector<1x16xf32> to vector<16xf32>
          %swap3A_696 = arith.index_cast %add3A_350 : i32 to index
          %swap3A_697 = arith.constant 608 : index
          %swap3A_698 = tpu.vector_load %arg7[%swap3A_696, %swap3A_697] {strides = array<i32>} : memref<16x1024xf32, #tpu.memory_space<vmem>>, vector<1x16xf32>,
          %swap3A_699 = vector.shape_cast %swap3A_698 : vector<1x16xf32> to vector<16xf32>
          %swap3A_700 = vector.shape_cast %get3A_695 : vector<16xf32> to vector<1x16xf32>
          tpu.vector_store %arg7[%swap3A_696, %swap3A_697], %swap3A_700 {add = true, strides = array<i32>} : memref<16x1024xf32, #tpu.memory_space<vmem>>, vector<1x16xf32>,
          %get3A_701 = arith.index_cast %scan3A_302 : i32 to index
          %get3A_702 = arith.constant 624 : index
          %get3A_703 = tpu.vector_load %arg5[%get3A_701, %get3A_702] {strides = array<i32>} : memref<32x1024xf32, #tpu.memory_space<vmem>>, vector<1x16xf32>,
          %get3A_704 = vector.shape_cast %get3A_703 : vector<1x16xf32> to vector<16xf32>
          %swap3A_705 = arith.index_cast %add3A_350 : i32 to index
          %swap3A_706 = arith.constant 624 : index
          %swap3A_707 = tpu.vector_load %arg7[%swap3A_705, %swap3A_706] {strides = array<i32>} : memref<16x1024xf32, #tpu.memory_space<vmem>>, vector<1x16xf32>,
          %swap3A_708 = vector.shape_cast %swap3A_707 : vector<1x16xf32> to vector<16xf32>
          %swap3A_709 = vector.shape_cast %get3A_704 : vector<16xf32> to vector<1x16xf32>
          tpu.vector_store %arg7[%swap3A_705, %swap3A_706], %swap3A_709 {add = true, strides = array<i32>} : memref<16x1024xf32, #tpu.memory_space<vmem>>, vector<1x16xf32>,
          %get3A_710 = arith.index_cast %scan3A_302 : i32 to index
          %get3A_711 = arith.constant 640 : index
          %get3A_712 = tpu.vector_load %arg5[%get3A_710, %get3A_711] {strides = array<i32>} : memref<32x1024xf32, #tpu.memory_space<vmem>>, vector<1x16xf32>,
          %get3A_713 = vector.shape_cast %get3A_712 : vector<1x16xf32> to vector<16xf32>
          %swap3A_714 = arith.index_cast %add3A_350 : i32 to index
          %swap3A_715 = arith.constant 640 : index
          %swap3A_716 = tpu.vector_load %arg7[%swap3A_714, %swap3A_715] {strides = array<i32>} : memref<16x1024xf32, #tpu.memory_space<vmem>>, vector<1x16xf32>,
          %swap3A_717 = vector.shape_cast %swap3A_716 : vector<1x16xf32> to vector<16xf32>
          %swap3A_718 = vector.shape_cast %get3A_713 : vector<16xf32> to vector<1x16xf32>
          tpu.vector_store %arg7[%swap3A_714, %swap3A_715], %swap3A_718 {add = true, strides = array<i32>} : memref<16x1024xf32, #tpu.memory_space<vmem>>, vector<1x16xf32>,
          %get3A_719 = arith.index_cast %scan3A_302 : i32 to index
          %get3A_720 = arith.constant 656 : index
          %get3A_721 = tpu.vector_load %arg5[%get3A_719, %get3A_720] {strides = array<i32>} : memref<32x1024xf32, #tpu.memory_space<vmem>>, vector<1x16xf32>,
          %get3A_722 = vector.shape_cast %get3A_721 : vector<1x16xf32> to vector<16xf32>
          %swap3A_723 = arith.index_cast %add3A_350 : i32 to index
          %swap3A_724 = arith.constant 656 : index
          %swap3A_725 = tpu.vector_load %arg7[%swap3A_723, %swap3A_724] {strides = array<i32>} : memref<16x1024xf32, #tpu.memory_space<vmem>>, vector<1x16xf32>,
          %swap3A_726 = vector.shape_cast %swap3A_725 : vector<1x16xf32> to vector<16xf32>
          %swap3A_727 = vector.shape_cast %get3A_722 : vector<16xf32> to vector<1x16xf32>
          tpu.vector_store %arg7[%swap3A_723, %swap3A_724], %swap3A_727 {add = true, strides = array<i32>} : memref<16x1024xf32, #tpu.memory_space<vmem>>, vector<1x16xf32>,
          %get3A_728 = arith.index_cast %scan3A_302 : i32 to index
          %get3A_729 = arith.constant 672 : index
          %get3A_730 = tpu.vector_load %arg5[%get3A_728, %get3A_729] {strides = array<i32>} : memref<32x1024xf32, #tpu.memory_space<vmem>>, vector<1x16xf32>,
          %get3A_731 = vector.shape_cast %get3A_730 : vector<1x16xf32> to vector<16xf32>
          %swap3A_732 = arith.index_cast %add3A_350 : i32 to index
          %swap3A_733 = arith.constant 672 : index
          %swap3A_734 = tpu.vector_load %arg7[%swap3A_732, %swap3A_733] {strides = array<i32>} : memref<16x1024xf32, #tpu.memory_space<vmem>>, vector<1x16xf32>,
          %swap3A_735 = vector.shape_cast %swap3A_734 : vector<1x16xf32> to vector<16xf32>
          %swap3A_736 = vector.shape_cast %get3A_731 : vector<16xf32> to vector<1x16xf32>
          tpu.vector_store %arg7[%swap3A_732, %swap3A_733], %swap3A_736 {add = true, strides = array<i32>} : memref<16x1024xf32, #tpu.memory_space<vmem>>, vector<1x16xf32>,
          %get3A_737 = arith.index_cast %scan3A_302 : i32 to index
          %get3A_738 = arith.constant 688 : index
          %get3A_739 = tpu.vector_load %arg5[%get3A_737, %get3A_738] {strides = array<i32>} : memref<32x1024xf32, #tpu.memory_space<vmem>>, vector<1x16xf32>,
          %get3A_740 = vector.shape_cast %get3A_739 : vector<1x16xf32> to vector<16xf32>
          %swap3A_741 = arith.index_cast %add3A_350 : i32 to index
          %swap3A_742 = arith.constant 688 : index
          %swap3A_743 = tpu.vector_load %arg7[%swap3A_741, %swap3A_742] {strides = array<i32>} : memref<16x1024xf32, #tpu.memory_space<vmem>>, vector<1x16xf32>,
          %swap3A_744 = vector.shape_cast %swap3A_743 : vector<1x16xf32> to vector<16xf32>
          %swap3A_745 = vector.shape_cast %get3A_740 : vector<16xf32> to vector<1x16xf32>
          tpu.vector_store %arg7[%swap3A_741, %swap3A_742], %swap3A_745 {add = true, strides = array<i32>} : memref<16x1024xf32, #tpu.memory_space<vmem>>, vector<1x16xf32>,
          %get3A_746 = arith.index_cast %scan3A_302 : i32 to index
          %get3A_747 = arith.constant 704 : index
          %get3A_748 = tpu.vector_load %arg5[%get3A_746, %get3A_747] {strides = array<i32>} : memref<32x1024xf32, #tpu.memory_space<vmem>>, vector<1x16xf32>,
          %get3A_749 = vector.shape_cast %get3A_748 : vector<1x16xf32> to vector<16xf32>
          %swap3A_750 = arith.index_cast %add3A_350 : i32 to index
          %swap3A_751 = arith.constant 704 : index
          %swap3A_752 = tpu.vector_load %arg7[%swap3A_750, %swap3A_751] {strides = array<i32>} : memref<16x1024xf32, #tpu.memory_space<vmem>>, vector<1x16xf32>,
          %swap3A_753 = vector.shape_cast %swap3A_752 : vector<1x16xf32> to vector<16xf32>
          %swap3A_754 = vector.shape_cast %get3A_749 : vector<16xf32> to vector<1x16xf32>
          tpu.vector_store %arg7[%swap3A_750, %swap3A_751], %swap3A_754 {add = true, strides = array<i32>} : memref<16x1024xf32, #tpu.memory_space<vmem>>, vector<1x16xf32>,
          %get3A_755 = arith.index_cast %scan3A_302 : i32 to index
          %get3A_756 = arith.constant 720 : index
          %get3A_757 = tpu.vector_load %arg5[%get3A_755, %get3A_756] {strides = array<i32>} : memref<32x1024xf32, #tpu.memory_space<vmem>>, vector<1x16xf32>,
          %get3A_758 = vector.shape_cast %get3A_757 : vector<1x16xf32> to vector<16xf32>
          %swap3A_759 = arith.index_cast %add3A_350 : i32 to index
          %swap3A_760 = arith.constant 720 : index
          %swap3A_761 = tpu.vector_load %arg7[%swap3A_759, %swap3A_760] {strides = array<i32>} : memref<16x1024xf32, #tpu.memory_space<vmem>>, vector<1x16xf32>,
          %swap3A_762 = vector.shape_cast %swap3A_761 : vector<1x16xf32> to vector<16xf32>
          %swap3A_763 = vector.shape_cast %get3A_758 : vector<16xf32> to vector<1x16xf32>
          tpu.vector_store %arg7[%swap3A_759, %swap3A_760], %swap3A_763 {add = true, strides = array<i32>} : memref<16x1024xf32, #tpu.memory_space<vmem>>, vector<1x16xf32>,
          %get3A_764 = arith.index_cast %scan3A_302 : i32 to index
          %get3A_765 = arith.constant 736 : index
          %get3A_766 = tpu.vector_load %arg5[%get3A_764, %get3A_765] {strides = array<i32>} : memref<32x1024xf32, #tpu.memory_space<vmem>>, vector<1x16xf32>,
          %get3A_767 = vector.shape_cast %get3A_766 : vector<1x16xf32> to vector<16xf32>
          %swap3A_768 = arith.index_cast %add3A_350 : i32 to index
          %swap3A_769 = arith.constant 736 : index
          %swap3A_770 = tpu.vector_load %arg7[%swap3A_768, %swap3A_769] {strides = array<i32>} : memref<16x1024xf32, #tpu.memory_space<vmem>>, vector<1x16xf32>,
          %swap3A_771 = vector.shape_cast %swap3A_770 : vector<1x16xf32> to vector<16xf32>
          %swap3A_772 = vector.shape_cast %get3A_767 : vector<16xf32> to vector<1x16xf32>
          tpu.vector_store %arg7[%swap3A_768, %swap3A_769], %swap3A_772 {add = true, strides = array<i32>} : memref<16x1024xf32, #tpu.memory_space<vmem>>, vector<1x16xf32>,
          %get3A_773 = arith.index_cast %scan3A_302 : i32 to index
          %get3A_774 = arith.constant 752 : index
          %get3A_775 = tpu.vector_load %arg5[%get3A_773, %get3A_774] {strides = array<i32>} : memref<32x1024xf32, #tpu.memory_space<vmem>>, vector<1x16xf32>,
          %get3A_776 = vector.shape_cast %get3A_775 : vector<1x16xf32> to vector<16xf32>
          %swap3A_777 = arith.index_cast %add3A_350 : i32 to index
          %swap3A_778 = arith.constant 752 : index
          %swap3A_779 = tpu.vector_load %arg7[%swap3A_777, %swap3A_778] {strides = array<i32>} : memref<16x1024xf32, #tpu.memory_space<vmem>>, vector<1x16xf32>,
          %swap3A_780 = vector.shape_cast %swap3A_779 : vector<1x16xf32> to vector<16xf32>
          %swap3A_781 = vector.shape_cast %get3A_776 : vector<16xf32> to vector<1x16xf32>
          tpu.vector_store %arg7[%swap3A_777, %swap3A_778], %swap3A_781 {add = true, strides = array<i32>} : memref<16x1024xf32, #tpu.memory_space<vmem>>, vector<1x16xf32>,
          %get3A_782 = arith.index_cast %scan3A_302 : i32 to index
          %get3A_783 = arith.constant 768 : index
          %get3A_784 = tpu.vector_load %arg5[%get3A_782, %get3A_783] {strides = array<i32>} : memref<32x1024xf32, #tpu.memory_space<vmem>>, vector<1x16xf32>,
          %get3A_785 = vector.shape_cast %get3A_784 : vector<1x16xf32> to vector<16xf32>
          %swap3A_786 = arith.index_cast %add3A_350 : i32 to index
          %swap3A_787 = arith.constant 768 : index
          %swap3A_788 = tpu.vector_load %arg7[%swap3A_786, %swap3A_787] {strides = array<i32>} : memref<16x1024xf32, #tpu.memory_space<vmem>>, vector<1x16xf32>,
          %swap3A_789 = vector.shape_cast %swap3A_788 : vector<1x16xf32> to vector<16xf32>
          %swap3A_790 = vector.shape_cast %get3A_785 : vector<16xf32> to vector<1x16xf32>
          tpu.vector_store %arg7[%swap3A_786, %swap3A_787], %swap3A_790 {add = true, strides = array<i32>} : memref<16x1024xf32, #tpu.memory_space<vmem>>, vector<1x16xf32>,
          %get3A_791 = arith.index_cast %scan3A_302 : i32 to index
          %get3A_792 = arith.constant 784 : index
          %get3A_793 = tpu.vector_load %arg5[%get3A_791, %get3A_792] {strides = array<i32>} : memref<32x1024xf32, #tpu.memory_space<vmem>>, vector<1x16xf32>,
          %get3A_794 = vector.shape_cast %get3A_793 : vector<1x16xf32> to vector<16xf32>
          %swap3A_795 = arith.index_cast %add3A_350 : i32 to index
          %swap3A_796 = arith.constant 784 : index
          %swap3A_797 = tpu.vector_load %arg7[%swap3A_795, %swap3A_796] {strides = array<i32>} : memref<16x1024xf32, #tpu.memory_space<vmem>>, vector<1x16xf32>,
          %swap3A_798 = vector.shape_cast %swap3A_797 : vector<1x16xf32> to vector<16xf32>
          %swap3A_799 = vector.shape_cast %get3A_794 : vector<16xf32> to vector<1x16xf32>
          tpu.vector_store %arg7[%swap3A_795, %swap3A_796], %swap3A_799 {add = true, strides = array<i32>} : memref<16x1024xf32, #tpu.memory_space<vmem>>, vector<1x16xf32>,
          %get3A_800 = arith.index_cast %scan3A_302 : i32 to index
          %get3A_801 = arith.constant 800 : index
          %get3A_802 = tpu.vector_load %arg5[%get3A_800, %get3A_801] {strides = array<i32>} : memref<32x1024xf32, #tpu.memory_space<vmem>>, vector<1x16xf32>,
          %get3A_803 = vector.shape_cast %get3A_802 : vector<1x16xf32> to vector<16xf32>
          %swap3A_804 = arith.index_cast %add3A_350 : i32 to index
          %swap3A_805 = arith.constant 800 : index
          %swap3A_806 = tpu.vector_load %arg7[%swap3A_804, %swap3A_805] {strides = array<i32>} : memref<16x1024xf32, #tpu.memory_space<vmem>>, vector<1x16xf32>,
          %swap3A_807 = vector.shape_cast %swap3A_806 : vector<1x16xf32> to vector<16xf32>
          %swap3A_808 = vector.shape_cast %get3A_803 : vector<16xf32> to vector<1x16xf32>
          tpu.vector_store %arg7[%swap3A_804, %swap3A_805], %swap3A_808 {add = true, strides = array<i32>} : memref<16x1024xf32, #tpu.memory_space<vmem>>, vector<1x16xf32>,
          %get3A_809 = arith.index_cast %scan3A_302 : i32 to index
          %get3A_810 = arith.constant 816 : index
          %get3A_811 = tpu.vector_load %arg5[%get3A_809, %get3A_810] {strides = array<i32>} : memref<32x1024xf32, #tpu.memory_space<vmem>>, vector<1x16xf32>,
          %get3A_812 = vector.shape_cast %get3A_811 : vector<1x16xf32> to vector<16xf32>
          %swap3A_813 = arith.index_cast %add3A_350 : i32 to index
          %swap3A_814 = arith.constant 816 : index
          %swap3A_815 = tpu.vector_load %arg7[%swap3A_813, %swap3A_814] {strides = array<i32>} : memref<16x1024xf32, #tpu.memory_space<vmem>>, vector<1x16xf32>,
          %swap3A_816 = vector.shape_cast %swap3A_815 : vector<1x16xf32> to vector<16xf32>
          %swap3A_817 = vector.shape_cast %get3A_812 : vector<16xf32> to vector<1x16xf32>
          tpu.vector_store %arg7[%swap3A_813, %swap3A_814], %swap3A_817 {add = true, strides = array<i32>} : memref<16x1024xf32, #tpu.memory_space<vmem>>, vector<1x16xf32>,
          %get3A_818 = arith.index_cast %scan3A_302 : i32 to index
          %get3A_819 = arith.constant 832 : index
          %get3A_820 = tpu.vector_load %arg5[%get3A_818, %get3A_819] {strides = array<i32>} : memref<32x1024xf32, #tpu.memory_space<vmem>>, vector<1x16xf32>,
          %get3A_821 = vector.shape_cast %get3A_820 : vector<1x16xf32> to vector<16xf32>
          %swap3A_822 = arith.index_cast %add3A_350 : i32 to index
          %swap3A_823 = arith.constant 832 : index
          %swap3A_824 = tpu.vector_load %arg7[%swap3A_822, %swap3A_823] {strides = array<i32>} : memref<16x1024xf32, #tpu.memory_space<vmem>>, vector<1x16xf32>,
          %swap3A_825 = vector.shape_cast %swap3A_824 : vector<1x16xf32> to vector<16xf32>
          %swap3A_826 = vector.shape_cast %get3A_821 : vector<16xf32> to vector<1x16xf32>
          tpu.vector_store %arg7[%swap3A_822, %swap3A_823], %swap3A_826 {add = true, strides = array<i32>} : memref<16x1024xf32, #tpu.memory_space<vmem>>, vector<1x16xf32>,
          %get3A_827 = arith.index_cast %scan3A_302 : i32 to index
          %get3A_828 = arith.constant 848 : index
          %get3A_829 = tpu.vector_load %arg5[%get3A_827, %get3A_828] {strides = array<i32>} : memref<32x1024xf32, #tpu.memory_space<vmem>>, vector<1x16xf32>,
          %get3A_830 = vector.shape_cast %get3A_829 : vector<1x16xf32> to vector<16xf32>
          %swap3A_831 = arith.index_cast %add3A_350 : i32 to index
          %swap3A_832 = arith.constant 848 : index
          %swap3A_833 = tpu.vector_load %arg7[%swap3A_831, %swap3A_832] {strides = array<i32>} : memref<16x1024xf32, #tpu.memory_space<vmem>>, vector<1x16xf32>,
          %swap3A_834 = vector.shape_cast %swap3A_833 : vector<1x16xf32> to vector<16xf32>
          %swap3A_835 = vector.shape_cast %get3A_830 : vector<16xf32> to vector<1x16xf32>
          tpu.vector_store %arg7[%swap3A_831, %swap3A_832], %swap3A_835 {add = true, strides = array<i32>} : memref<16x1024xf32, #tpu.memory_space<vmem>>, vector<1x16xf32>,
          %get3A_836 = arith.index_cast %scan3A_302 : i32 to index
          %get3A_837 = arith.constant 864 : index
          %get3A_838 = tpu.vector_load %arg5[%get3A_836, %get3A_837] {strides = array<i32>} : memref<32x1024xf32, #tpu.memory_space<vmem>>, vector<1x16xf32>,
          %get3A_839 = vector.shape_cast %get3A_838 : vector<1x16xf32> to vector<16xf32>
          %swap3A_840 = arith.index_cast %add3A_350 : i32 to index
          %swap3A_841 = arith.constant 864 : index
          %swap3A_842 = tpu.vector_load %arg7[%swap3A_840, %swap3A_841] {strides = array<i32>} : memref<16x1024xf32, #tpu.memory_space<vmem>>, vector<1x16xf32>,
          %swap3A_843 = vector.shape_cast %swap3A_842 : vector<1x16xf32> to vector<16xf32>
          %swap3A_844 = vector.shape_cast %get3A_839 : vector<16xf32> to vector<1x16xf32>
          tpu.vector_store %arg7[%swap3A_840, %swap3A_841], %swap3A_844 {add = true, strides = array<i32>} : memref<16x1024xf32, #tpu.memory_space<vmem>>, vector<1x16xf32>,
          %get3A_845 = arith.index_cast %scan3A_302 : i32 to index
          %get3A_846 = arith.constant 880 : index
          %get3A_847 = tpu.vector_load %arg5[%get3A_845, %get3A_846] {strides = array<i32>} : memref<32x1024xf32, #tpu.memory_space<vmem>>, vector<1x16xf32>,
          %get3A_848 = vector.shape_cast %get3A_847 : vector<1x16xf32> to vector<16xf32>
          %swap3A_849 = arith.index_cast %add3A_350 : i32 to index
          %swap3A_850 = arith.constant 880 : index
          %swap3A_851 = tpu.vector_load %arg7[%swap3A_849, %swap3A_850] {strides = array<i32>} : memref<16x1024xf32, #tpu.memory_space<vmem>>, vector<1x16xf32>,
          %swap3A_852 = vector.shape_cast %swap3A_851 : vector<1x16xf32> to vector<16xf32>
          %swap3A_853 = vector.shape_cast %get3A_848 : vector<16xf32> to vector<1x16xf32>
          tpu.vector_store %arg7[%swap3A_849, %swap3A_850], %swap3A_853 {add = true, strides = array<i32>} : memref<16x1024xf32, #tpu.memory_space<vmem>>, vector<1x16xf32>,
          %get3A_854 = arith.index_cast %scan3A_302 : i32 to index
          %get3A_855 = arith.constant 896 : index
          %get3A_856 = tpu.vector_load %arg5[%get3A_854, %get3A_855] {strides = array<i32>} : memref<32x1024xf32, #tpu.memory_space<vmem>>, vector<1x16xf32>,
          %get3A_857 = vector.shape_cast %get3A_856 : vector<1x16xf32> to vector<16xf32>
          %swap3A_858 = arith.index_cast %add3A_350 : i32 to index
          %swap3A_859 = arith.constant 896 : index
          %swap3A_860 = tpu.vector_load %arg7[%swap3A_858, %swap3A_859] {strides = array<i32>} : memref<16x1024xf32, #tpu.memory_space<vmem>>, vector<1x16xf32>,
          %swap3A_861 = vector.shape_cast %swap3A_860 : vector<1x16xf32> to vector<16xf32>
          %swap3A_862 = vector.shape_cast %get3A_857 : vector<16xf32> to vector<1x16xf32>
          tpu.vector_store %arg7[%swap3A_858, %swap3A_859], %swap3A_862 {add = true, strides = array<i32>} : memref<16x1024xf32, #tpu.memory_space<vmem>>, vector<1x16xf32>,
          %get3A_863 = arith.index_cast %scan3A_302 : i32 to index
          %get3A_864 = arith.constant 912 : index
          %get3A_865 = tpu.vector_load %arg5[%get3A_863, %get3A_864] {strides = array<i32>} : memref<32x1024xf32, #tpu.memory_space<vmem>>, vector<1x16xf32>,
          %get3A_866 = vector.shape_cast %get3A_865 : vector<1x16xf32> to vector<16xf32>
          %swap3A_867 = arith.index_cast %add3A_350 : i32 to index
          %swap3A_868 = arith.constant 912 : index
          %swap3A_869 = tpu.vector_load %arg7[%swap3A_867, %swap3A_868] {strides = array<i32>} : memref<16x1024xf32, #tpu.memory_space<vmem>>, vector<1x16xf32>,
          %swap3A_870 = vector.shape_cast %swap3A_869 : vector<1x16xf32> to vector<16xf32>
          %swap3A_871 = vector.shape_cast %get3A_866 : vector<16xf32> to vector<1x16xf32>
          tpu.vector_store %arg7[%swap3A_867, %swap3A_868], %swap3A_871 {add = true, strides = array<i32>} : memref<16x1024xf32, #tpu.memory_space<vmem>>, vector<1x16xf32>,
          %get3A_872 = arith.index_cast %scan3A_302 : i32 to index
          %get3A_873 = arith.constant 928 : index
          %get3A_874 = tpu.vector_load %arg5[%get3A_872, %get3A_873] {strides = array<i32>} : memref<32x1024xf32, #tpu.memory_space<vmem>>, vector<1x16xf32>,
          %get3A_875 = vector.shape_cast %get3A_874 : vector<1x16xf32> to vector<16xf32>
          %swap3A_876 = arith.index_cast %add3A_350 : i32 to index
          %swap3A_877 = arith.constant 928 : index
          %swap3A_878 = tpu.vector_load %arg7[%swap3A_876, %swap3A_877] {strides = array<i32>} : memref<16x1024xf32, #tpu.memory_space<vmem>>, vector<1x16xf32>,
          %swap3A_879 = vector.shape_cast %swap3A_878 : vector<1x16xf32> to vector<16xf32>
          %swap3A_880 = vector.shape_cast %get3A_875 : vector<16xf32> to vector<1x16xf32>
          tpu.vector_store %arg7[%swap3A_876, %swap3A_877], %swap3A_880 {add = true, strides = array<i32>} : memref<16x1024xf32, #tpu.memory_space<vmem>>, vector<1x16xf32>,
          %get3A_881 = arith.index_cast %scan3A_302 : i32 to index
          %get3A_882 = arith.constant 944 : index
          %get3A_883 = tpu.vector_load %arg5[%get3A_881, %get3A_882] {strides = array<i32>} : memref<32x1024xf32, #tpu.memory_space<vmem>>, vector<1x16xf32>,
          %get3A_884 = vector.shape_cast %get3A_883 : vector<1x16xf32> to vector<16xf32>
          %swap3A_885 = arith.index_cast %add3A_350 : i32 to index
          %swap3A_886 = arith.constant 944 : index
          %swap3A_887 = tpu.vector_load %arg7[%swap3A_885, %swap3A_886] {strides = array<i32>} : memref<16x1024xf32, #tpu.memory_space<vmem>>, vector<1x16xf32>,
          %swap3A_888 = vector.shape_cast %swap3A_887 : vector<1x16xf32> to vector<16xf32>
          %swap3A_889 = vector.shape_cast %get3A_884 : vector<16xf32> to vector<1x16xf32>
          tpu.vector_store %arg7[%swap3A_885, %swap3A_886], %swap3A_889 {add = true, strides = array<i32>} : memref<16x1024xf32, #tpu.memory_space<vmem>>, vector<1x16xf32>,
          %get3A_890 = arith.index_cast %scan3A_302 : i32 to index
          %get3A_891 = arith.constant 960 : index
          %get3A_892 = tpu.vector_load %arg5[%get3A_890, %get3A_891] {strides = array<i32>} : memref<32x1024xf32, #tpu.memory_space<vmem>>, vector<1x16xf32>,
          %get3A_893 = vector.shape_cast %get3A_892 : vector<1x16xf32> to vector<16xf32>
          %swap3A_894 = arith.index_cast %add3A_350 : i32 to index
          %swap3A_895 = arith.constant 960 : index
          %swap3A_896 = tpu.vector_load %arg7[%swap3A_894, %swap3A_895] {strides = array<i32>} : memref<16x1024xf32, #tpu.memory_space<vmem>>, vector<1x16xf32>,
          %swap3A_897 = vector.shape_cast %swap3A_896 : vector<1x16xf32> to vector<16xf32>
          %swap3A_898 = vector.shape_cast %get3A_893 : vector<16xf32> to vector<1x16xf32>
          tpu.vector_store %arg7[%swap3A_894, %swap3A_895], %swap3A_898 {add = true, strides = array<i32>} : memref<16x1024xf32, #tpu.memory_space<vmem>>, vector<1x16xf32>,
          %get3A_899 = arith.index_cast %scan3A_302 : i32 to index
          %get3A_900 = arith.constant 976 : index
          %get3A_901 = tpu.vector_load %arg5[%get3A_899, %get3A_900] {strides = array<i32>} : memref<32x1024xf32, #tpu.memory_space<vmem>>, vector<1x16xf32>,
          %get3A_902 = vector.shape_cast %get3A_901 : vector<1x16xf32> to vector<16xf32>
          %swap3A_903 = arith.index_cast %add3A_350 : i32 to index
          %swap3A_904 = arith.constant 976 : index
          %swap3A_905 = tpu.vector_load %arg7[%swap3A_903, %swap3A_904] {strides = array<i32>} : memref<16x1024xf32, #tpu.memory_space<vmem>>, vector<1x16xf32>,
          %swap3A_906 = vector.shape_cast %swap3A_905 : vector<1x16xf32> to vector<16xf32>
          %swap3A_907 = vector.shape_cast %get3A_902 : vector<16xf32> to vector<1x16xf32>
          tpu.vector_store %arg7[%swap3A_903, %swap3A_904], %swap3A_907 {add = true, strides = array<i32>} : memref<16x1024xf32, #tpu.memory_space<vmem>>, vector<1x16xf32>,
          %get3A_908 = arith.index_cast %scan3A_302 : i32 to index
          %get3A_909 = arith.constant 992 : index
          %get3A_910 = tpu.vector_load %arg5[%get3A_908, %get3A_909] {strides = array<i32>} : memref<32x1024xf32, #tpu.memory_space<vmem>>, vector<1x16xf32>,
          %get3A_911 = vector.shape_cast %get3A_910 : vector<1x16xf32> to vector<16xf32>
          %swap3A_912 = arith.index_cast %add3A_350 : i32 to index
          %swap3A_913 = arith.constant 992 : index
          %swap3A_914 = tpu.vector_load %arg7[%swap3A_912, %swap3A_913] {strides = array<i32>} : memref<16x1024xf32, #tpu.memory_space<vmem>>, vector<1x16xf32>,
          %swap3A_915 = vector.shape_cast %swap3A_914 : vector<1x16xf32> to vector<16xf32>
          %swap3A_916 = vector.shape_cast %get3A_911 : vector<16xf32> to vector<1x16xf32>
          tpu.vector_store %arg7[%swap3A_912, %swap3A_913], %swap3A_916 {add = true, strides = array<i32>} : memref<16x1024xf32, #tpu.memory_space<vmem>>, vector<1x16xf32>,
          %get3A_917 = arith.index_cast %scan3A_302 : i32 to index
          %get3A_918 = arith.constant 1008 : index
          %get3A_919 = tpu.vector_load %arg5[%get3A_917, %get3A_918] {strides = array<i32>} : memref<32x1024xf32, #tpu.memory_space<vmem>>, vector<1x16xf32>,
          %get3A_920 = vector.shape_cast %get3A_919 : vector<1x16xf32> to vector<16xf32>
          %swap3A_921 = arith.index_cast %add3A_350 : i32 to index
          %swap3A_922 = arith.constant 1008 : index
          %swap3A_923 = tpu.vector_load %arg7[%swap3A_921, %swap3A_922] {strides = array<i32>} : memref<16x1024xf32, #tpu.memory_space<vmem>>, vector<1x16xf32>,
          %swap3A_924 = vector.shape_cast %swap3A_923 : vector<1x16xf32> to vector<16xf32>
          %swap3A_925 = vector.shape_cast %get3A_920 : vector<16xf32> to vector<1x16xf32>
          tpu.vector_store %arg7[%swap3A_921, %swap3A_922], %swap3A_925 {add = true, strides = array<i32>} : memref<16x1024xf32, #tpu.memory_space<vmem>>, vector<1x16xf32>,
          %scan3A_926 = arith.constant 0 : i32
          scf.yield %scan3A_926 : i32
        }
        %scan3A_300 = arith.constant 32 : i32
        %cond3A_301 = arith.constant 0 : i32
        scf.yield %cond3A_301 : i32
      }
      %dma_wait3A_172 = arith.constant 0 : i32
      %dma_wait3A_173 = tpu.memref_slice %arg2[%mul3A_2, %dma_wait3A_172] : memref<16384x1024xf32, #tpu.memory_space<hbm>> -> memref<32x1024xf32, #tpu.memory_space<hbm>>
      %dma_wait3A_174 = arith.constant 0 : i32
      %dma_wait3A_175 = tpu.memref_slice %arg2[%mul3A_2, %dma_wait3A_174] : memref<16384x1024xf32, #tpu.memory_space<hbm>> -> memref<32x1024xf32, #tpu.memory_space<hbm>>
      tpu.wait_dma2 semaphore(%arg10 : memref<!tpu.dma_semaphore, #tpu.memory_space<semaphore_mem>>) src(%dma_wait3A_175 : memref<32x1024xf32, #tpu.memory_space<hbm>>) dst(%arg6 : memref<32x1024xf32, #tpu.memory_space<vmem>>)
      %add3A_176 = arith.constant 2 : i32
      %add3A_177 = arith.addi %mul3A_58, %add3A_176 : i32
      %min3A = arith.constant 3 : i32
      %min3A_178 = arith.minsi %add3A_177, %min3A : i32
      %mul3A_179 = arith.constant 32 : i32
      %mul3A_180 = arith.muli %min3A_178, %mul3A_179 : i32
      %add3A_181 = arith.addi %mul3A_2, %mul3A_180 : i32
      %dma_start3A_182 = arith.constant 0 : i32
      %dma_start3A_183 = tpu.memref_slice %arg2[%add3A_181, %dma_start3A_182] : memref<16384x1024xf32, #tpu.memory_space<hbm>> -> memref<32x1024xf32, #tpu.memory_space<hbm>>
      %dma_start3A_184 = arith.constant 0 : i32
      %dma_start3A_185 = tpu.memref_slice %arg2[%add3A_181, %dma_start3A_184] : memref<16384x1024xf32, #tpu.memory_space<hbm>> -> memref<32x1024xf32, #tpu.memory_space<hbm>>
      tpu.enqueue_dma source(%dma_start3A_185 : memref<32x1024xf32, #tpu.memory_space<hbm>>) target(%arg5 : memref<32x1024xf32, #tpu.memory_space<vmem>>) target_semaphore(%arg9 : memref<!tpu.dma_semaphore, #tpu.memory_space<semaphore_mem>>)
      %add3A_186 = arith.constant 1 : i32
      %add3A_187 = arith.addi %mul3A_58, %add3A_186 : i32
      %mul3A_188 = arith.constant 32 : i32
      %mul3A_189 = arith.muli %add3A_187, %mul3A_188 : i32
      %add3A_190 = arith.addi %mul3A_2, %mul3A_189 : i32
      %ge3A_191 = arith.cmpi sge, %add3A_190, %squeeze3A : i32
      %convert_element_type3A_192 = arith.extui %ge3A_191 : i1 to i32
      %add3A_193 = arith.constant 0 : i32
      %add3A_194 = arith.addi %add3A_193, %convert_element_type3A_192 : i32
      %ge3A_195 = arith.cmpi sge, %add3A_190, %squeeze3A_6 : i32
      %convert_element_type3A_196 = arith.extui %ge3A_195 : i1 to i32
      %add3A_197 = arith.addi %add3A_194, %convert_element_type3A_196 : i32
      %ge3A_198 = arith.cmpi sge, %add3A_190, %squeeze3A_8 : i32
      %convert_element_type3A_199 = arith.extui %ge3A_198 : i1 to i32
      %add3A_200 = arith.addi %add3A_197, %convert_element_type3A_199 : i32
      %ge3A_201 = arith.cmpi sge, %add3A_190, %squeeze3A_10 : i32
      %convert_element_type3A_202 = arith.extui %ge3A_201 : i1 to i32
      %add3A_203 = arith.addi %add3A_200, %convert_element_type3A_202 : i32
      %ge3A_204 = arith.cmpi sge, %add3A_190, %squeeze3A_12 : i32
      %convert_element_type3A_205 = arith.extui %ge3A_204 : i1 to i32
      %add3A_206 = arith.addi %add3A_203, %convert_element_type3A_205 : i32
      %ge3A_207 = arith.cmpi sge, %add3A_190, %squeeze3A_14 : i32
      %convert_element_type3A_208 = arith.extui %ge3A_207 : i1 to i32
      %add3A_209 = arith.addi %add3A_206, %convert_element_type3A_208 : i32
      %ge3A_210 = arith.cmpi sge, %add3A_190, %squeeze3A_16 : i32
      %convert_element_type3A_211 = arith.extui %ge3A_210 : i1 to i32
      %add3A_212 = arith.addi %add3A_209, %convert_element_type3A_211 : i32
      %ge3A_213 = arith.cmpi sge, %add3A_190, %squeeze3A_18 : i32
      %convert_element_type3A_214 = arith.extui %ge3A_213 : i1 to i32
      %add3A_215 = arith.addi %add3A_212, %convert_element_type3A_214 : i32
      %ge3A_216 = arith.cmpi sge, %add3A_190, %squeeze3A_20 : i32
      %convert_element_type3A_217 = arith.extui %ge3A_216 : i1 to i32
      %add3A_218 = arith.addi %add3A_215, %convert_element_type3A_217 : i32
      %ge3A_219 = arith.cmpi sge, %add3A_190, %squeeze3A_22 : i32
      %convert_element_type3A_220 = arith.extui %ge3A_219 : i1 to i32
      %add3A_221 = arith.addi %add3A_218, %convert_element_type3A_220 : i32
      %ge3A_222 = arith.cmpi sge, %add3A_190, %squeeze3A_24 : i32
      %convert_element_type3A_223 = arith.extui %ge3A_222 : i1 to i32
      %add3A_224 = arith.addi %add3A_221, %convert_element_type3A_223 : i32
      %ge3A_225 = arith.cmpi sge, %add3A_190, %squeeze3A_26 : i32
      %convert_element_type3A_226 = arith.extui %ge3A_225 : i1 to i32
      %add3A_227 = arith.addi %add3A_224, %convert_element_type3A_226 : i32
      %ge3A_228 = arith.cmpi sge, %add3A_190, %squeeze3A_28 : i32
      %convert_element_type3A_229 = arith.extui %ge3A_228 : i1 to i32
      %add3A_230 = arith.addi %add3A_227, %convert_element_type3A_229 : i32
      %ge3A_231 = arith.cmpi sge, %add3A_190, %squeeze3A_30 : i32
      %convert_element_type3A_232 = arith.extui %ge3A_231 : i1 to i32
      %add3A_233 = arith.addi %add3A_230, %convert_element_type3A_232 : i32
      %ge3A_234 = arith.cmpi sge, %add3A_190, %squeeze3A_32 : i32
      %convert_element_type3A_235 = arith.extui %ge3A_234 : i1 to i32
      %add3A_236 = arith.addi %add3A_233, %convert_element_type3A_235 : i32
      %add3A_237 = arith.constant 32 : i32
      %add3A_238 = arith.addi %add3A_190, %add3A_237 : i32
      %sub3A_239 = arith.constant 1 : i32
      %sub3A_240 = arith.subi %add3A_238, %sub3A_239 : i32
      %ge3A_241 = arith.cmpi sge, %sub3A_240, %squeeze3A : i32
      %convert_element_type3A_242 = arith.extui %ge3A_241 : i1 to i32
      %add3A_243 = arith.constant 0 : i32
      %add3A_244 = arith.addi %add3A_243, %convert_element_type3A_242 : i32
      %ge3A_245 = arith.cmpi sge, %sub3A_240, %squeeze3A_6 : i32
      %convert_element_type3A_246 = arith.extui %ge3A_245 : i1 to i32
      %add3A_247 = arith.addi %add3A_244, %convert_element_type3A_246 : i32
      %ge3A_248 = arith.cmpi sge, %sub3A_240, %squeeze3A_8 : i32
      %convert_element_type3A_249 = arith.extui %ge3A_248 : i1 to i32
      %add3A_250 = arith.addi %add3A_247, %convert_element_type3A_249 : i32
      %ge3A_251 = arith.cmpi sge, %sub3A_240, %squeeze3A_10 : i32
      %convert_element_type3A_252 = arith.extui %ge3A_251 : i1 to i32
      %add3A_253 = arith.addi %add3A_250, %convert_element_type3A_252 : i32
      %ge3A_254 = arith.cmpi sge, %sub3A_240, %squeeze3A_12 : i32
      %convert_element_type3A_255 = arith.extui %ge3A_254 : i1 to i32
      %add3A_256 = arith.addi %add3A_253, %convert_element_type3A_255 : i32
      %ge3A_257 = arith.cmpi sge, %sub3A_240, %squeeze3A_14 : i32
      %convert_element_type3A_258 = arith.extui %ge3A_257 : i1 to i32
      %add3A_259 = arith.addi %add3A_256, %convert_element_type3A_258 : i32
      %ge3A_260 = arith.cmpi sge, %sub3A_240, %squeeze3A_16 : i32
      %convert_element_type3A_261 = arith.extui %ge3A_260 : i1 to i32
      %add3A_262 = arith.addi %add3A_259, %convert_element_type3A_261 : i32
      %ge3A_263 = arith.cmpi sge, %sub3A_240, %squeeze3A_18 : i32
      %convert_element_type3A_264 = arith.extui %ge3A_263 : i1 to i32
      %add3A_265 = arith.addi %add3A_262, %convert_element_type3A_264 : i32
      %ge3A_266 = arith.cmpi sge, %sub3A_240, %squeeze3A_20 : i32
      %convert_element_type3A_267 = arith.extui %ge3A_266 : i1 to i32
      %add3A_268 = arith.addi %add3A_265, %convert_element_type3A_267 : i32
      %ge3A_269 = arith.cmpi sge, %sub3A_240, %squeeze3A_22 : i32
      %convert_element_type3A_270 = arith.extui %ge3A_269 : i1 to i32
      %add3A_271 = arith.addi %add3A_268, %convert_element_type3A_270 : i32
      %ge3A_272 = arith.cmpi sge, %sub3A_240, %squeeze3A_24 : i32
      %convert_element_type3A_273 = arith.extui %ge3A_272 : i1 to i32
      %add3A_274 = arith.addi %add3A_271, %convert_element_type3A_273 : i32
      %ge3A_275 = arith.cmpi sge, %sub3A_240, %squeeze3A_26 : i32
      %convert_element_type3A_276 = arith.extui %ge3A_275 : i1 to i32
      %add3A_277 = arith.addi %add3A_274, %convert_element_type3A_276 : i32
      %ge3A_278 = arith.cmpi sge, %sub3A_240, %squeeze3A_28 : i32
      %convert_element_type3A_279 = arith.extui %ge3A_278 : i1 to i32
      %add3A_280 = arith.addi %add3A_277, %convert_element_type3A_279 : i32
      %ge3A_281 = arith.cmpi sge, %sub3A_240, %squeeze3A_30 : i32
      %convert_element_type3A_282 = arith.extui %ge3A_281 : i1 to i32
      %add3A_283 = arith.addi %add3A_280, %convert_element_type3A_282 : i32
      %ge3A_284 = arith.cmpi sge, %sub3A_240, %squeeze3A_32 : i32
      %convert_element_type3A_285 = arith.extui %ge3A_284 : i1 to i32
      %add3A_286 = arith.addi %add3A_283, %convert_element_type3A_285 : i32
      %eq3A_287 = arith.cmpi eq, %add3A_236, %add3A_286 : i32
      %convert_element_type3A_288 = arith.extui %eq3A_287 : i1 to i32
      %cond3A_289 = arith.constant 0 : i32
      %cond3A_290 = arith.constant 0 : i32
      %cond3A_291 = arith.cmpi ne, %convert_element_type3A_288, %cond3A_290 : i32
      %cond3A_292 = scf.if %cond3A_291 -> (i32) {
        %parallel_loop3A = arith.constant 0 : i32
        %parallel_loop3A_294 = arith.constant 64 : i32
        %parallel_loop3A_295 = arith.constant 1 : i32
        scf.for %parallel_loop3A_297 = %parallel_loop3A to %parallel_loop3A_294 step %parallel_loop3A_295  : i32 {
          %parallel_loop3A_298 = arith.constant 16 : i32
          %parallel_loop3A_299 = arith.muli %parallel_loop3A_297, %parallel_loop3A_298 : i32
          %parallel_loop3A_300 = arith.constant 0 : i32
          %parallel_loop3A_301 = arith.index_cast %parallel_loop3A_300 : i32 to index
          %parallel_loop3A_302 = arith.index_cast %parallel_loop3A_299 : i32 to index
          %parallel_loop3A_303 = tpu.vector_load %arg6[%parallel_loop3A_301, %parallel_loop3A_302] {strides = array<i32>} : memref<32x1024xf32, #tpu.memory_space<vmem>>, vector<1x16xf32>,
          %parallel_loop3A_304 = vector.shape_cast %parallel_loop3A_303 : vector<1x16xf32> to vector<16xf32>
          %parallel_loop3A_305 = arith.constant 1 : i32
          %parallel_loop3A_306 = arith.index_cast %parallel_loop3A_305 : i32 to index
          %parallel_loop3A_307 = arith.index_cast %parallel_loop3A_299 : i32 to index
          %parallel_loop3A_308 = tpu.vector_load %arg6[%parallel_loop3A_306, %parallel_loop3A_307] {strides = array<i32>} : memref<32x1024xf32, #tpu.memory_space<vmem>>, vector<1x16xf32>,
          %parallel_loop3A_309 = vector.shape_cast %parallel_loop3A_308 : vector<1x16xf32> to vector<16xf32>
          %parallel_loop3A_310 = arith.constant 2 : i32
          %parallel_loop3A_311 = arith.index_cast %parallel_loop3A_310 : i32 to index
          %parallel_loop3A_312 = arith.index_cast %parallel_loop3A_299 : i32 to index
          %parallel_loop3A_313 = tpu.vector_load %arg6[%parallel_loop3A_311, %parallel_loop3A_312] {strides = array<i32>} : memref<32x1024xf32, #tpu.memory_space<vmem>>, vector<1x16xf32>,
          %parallel_loop3A_314 = vector.shape_cast %parallel_loop3A_313 : vector<1x16xf32> to vector<16xf32>
          %parallel_loop3A_315 = arith.constant 3 : i32
          %parallel_loop3A_316 = arith.index_cast %parallel_loop3A_315 : i32 to index
          %parallel_loop3A_317 = arith.index_cast %parallel_loop3A_299 : i32 to index
          %parallel_loop3A_318 = tpu.vector_load %arg6[%parallel_loop3A_316, %parallel_loop3A_317] {strides = array<i32>} : memref<32x1024xf32, #tpu.memory_space<vmem>>, vector<1x16xf32>,
          %parallel_loop3A_319 = vector.shape_cast %parallel_loop3A_318 : vector<1x16xf32> to vector<16xf32>
          %parallel_loop3A_320 = arith.constant 4 : i32
          %parallel_loop3A_321 = arith.index_cast %parallel_loop3A_320 : i32 to index
          %parallel_loop3A_322 = arith.index_cast %parallel_loop3A_299 : i32 to index
          %parallel_loop3A_323 = tpu.vector_load %arg6[%parallel_loop3A_321, %parallel_loop3A_322] {strides = array<i32>} : memref<32x1024xf32, #tpu.memory_space<vmem>>, vector<1x16xf32>,
          %parallel_loop3A_324 = vector.shape_cast %parallel_loop3A_323 : vector<1x16xf32> to vector<16xf32>
          %parallel_loop3A_325 = arith.constant 5 : i32
          %parallel_loop3A_326 = arith.index_cast %parallel_loop3A_325 : i32 to index
          %parallel_loop3A_327 = arith.index_cast %parallel_loop3A_299 : i32 to index
          %parallel_loop3A_328 = tpu.vector_load %arg6[%parallel_loop3A_326, %parallel_loop3A_327] {strides = array<i32>} : memref<32x1024xf32, #tpu.memory_space<vmem>>, vector<1x16xf32>,
          %parallel_loop3A_329 = vector.shape_cast %parallel_loop3A_328 : vector<1x16xf32> to vector<16xf32>
          %parallel_loop3A_330 = arith.constant 6 : i32
          %parallel_loop3A_331 = arith.index_cast %parallel_loop3A_330 : i32 to index
          %parallel_loop3A_332 = arith.index_cast %parallel_loop3A_299 : i32 to index
          %parallel_loop3A_333 = tpu.vector_load %arg6[%parallel_loop3A_331, %parallel_loop3A_332] {strides = array<i32>} : memref<32x1024xf32, #tpu.memory_space<vmem>>, vector<1x16xf32>,
          %parallel_loop3A_334 = vector.shape_cast %parallel_loop3A_333 : vector<1x16xf32> to vector<16xf32>
          %parallel_loop3A_335 = arith.constant 7 : i32
          %parallel_loop3A_336 = arith.index_cast %parallel_loop3A_335 : i32 to index
          %parallel_loop3A_337 = arith.index_cast %parallel_loop3A_299 : i32 to index
          %parallel_loop3A_338 = tpu.vector_load %arg6[%parallel_loop3A_336, %parallel_loop3A_337] {strides = array<i32>} : memref<32x1024xf32, #tpu.memory_space<vmem>>, vector<1x16xf32>,
          %parallel_loop3A_339 = vector.shape_cast %parallel_loop3A_338 : vector<1x16xf32> to vector<16xf32>
          %parallel_loop3A_340 = arith.constant 8 : i32
          %parallel_loop3A_341 = arith.index_cast %parallel_loop3A_340 : i32 to index
          %parallel_loop3A_342 = arith.index_cast %parallel_loop3A_299 : i32 to index
          %parallel_loop3A_343 = tpu.vector_load %arg6[%parallel_loop3A_341, %parallel_loop3A_342] {strides = array<i32>} : memref<32x1024xf32, #tpu.memory_space<vmem>>, vector<1x16xf32>,
          %parallel_loop3A_344 = vector.shape_cast %parallel_loop3A_343 : vector<1x16xf32> to vector<16xf32>
          %parallel_loop3A_345 = arith.addf %parallel_loop3A_304, %parallel_loop3A_344 : vector<16xf32>
          %parallel_loop3A_346 = arith.constant 9 : i32
          %parallel_loop3A_347 = arith.index_cast %parallel_loop3A_346 : i32 to index
          %parallel_loop3A_348 = arith.index_cast %parallel_loop3A_299 : i32 to index
          %parallel_loop3A_349 = tpu.vector_load %arg6[%parallel_loop3A_347, %parallel_loop3A_348] {strides = array<i32>} : memref<32x1024xf32, #tpu.memory_space<vmem>>, vector<1x16xf32>,
          %parallel_loop3A_350 = vector.shape_cast %parallel_loop3A_349 : vector<1x16xf32> to vector<16xf32>
          %parallel_loop3A_351 = arith.addf %parallel_loop3A_309, %parallel_loop3A_350 : vector<16xf32>
          %parallel_loop3A_352 = arith.constant 10 : i32
          %parallel_loop3A_353 = arith.index_cast %parallel_loop3A_352 : i32 to index
          %parallel_loop3A_354 = arith.index_cast %parallel_loop3A_299 : i32 to index
          %parallel_loop3A_355 = tpu.vector_load %arg6[%parallel_loop3A_353, %parallel_loop3A_354] {strides = array<i32>} : memref<32x1024xf32, #tpu.memory_space<vmem>>, vector<1x16xf32>,
          %parallel_loop3A_356 = vector.shape_cast %parallel_loop3A_355 : vector<1x16xf32> to vector<16xf32>
          %parallel_loop3A_357 = arith.addf %parallel_loop3A_314, %parallel_loop3A_356 : vector<16xf32>
          %parallel_loop3A_358 = arith.constant 11 : i32
          %parallel_loop3A_359 = arith.index_cast %parallel_loop3A_358 : i32 to index
          %parallel_loop3A_360 = arith.index_cast %parallel_loop3A_299 : i32 to index
          %parallel_loop3A_361 = tpu.vector_load %arg6[%parallel_loop3A_359, %parallel_loop3A_360] {strides = array<i32>} : memref<32x1024xf32, #tpu.memory_space<vmem>>, vector<1x16xf32>,
          %parallel_loop3A_362 = vector.shape_cast %parallel_loop3A_361 : vector<1x16xf32> to vector<16xf32>
          %parallel_loop3A_363 = arith.addf %parallel_loop3A_319, %parallel_loop3A_362 : vector<16xf32>
          %parallel_loop3A_364 = arith.constant 12 : i32
          %parallel_loop3A_365 = arith.index_cast %parallel_loop3A_364 : i32 to index
          %parallel_loop3A_366 = arith.index_cast %parallel_loop3A_299 : i32 to index
          %parallel_loop3A_367 = tpu.vector_load %arg6[%parallel_loop3A_365, %parallel_loop3A_366] {strides = array<i32>} : memref<32x1024xf32, #tpu.memory_space<vmem>>, vector<1x16xf32>,
          %parallel_loop3A_368 = vector.shape_cast %parallel_loop3A_367 : vector<1x16xf32> to vector<16xf32>
          %parallel_loop3A_369 = arith.addf %parallel_loop3A_324, %parallel_loop3A_368 : vector<16xf32>
          %parallel_loop3A_370 = arith.constant 13 : i32
          %parallel_loop3A_371 = arith.index_cast %parallel_loop3A_370 : i32 to index
          %parallel_loop3A_372 = arith.index_cast %parallel_loop3A_299 : i32 to index
          %parallel_loop3A_373 = tpu.vector_load %arg6[%parallel_loop3A_371, %parallel_loop3A_372] {strides = array<i32>} : memref<32x1024xf32, #tpu.memory_space<vmem>>, vector<1x16xf32>,
          %parallel_loop3A_374 = vector.shape_cast %parallel_loop3A_373 : vector<1x16xf32> to vector<16xf32>
          %parallel_loop3A_375 = arith.addf %parallel_loop3A_329, %parallel_loop3A_374 : vector<16xf32>
          %parallel_loop3A_376 = arith.constant 14 : i32
          %parallel_loop3A_377 = arith.index_cast %parallel_loop3A_376 : i32 to index
          %parallel_loop3A_378 = arith.index_cast %parallel_loop3A_299 : i32 to index
          %parallel_loop3A_379 = tpu.vector_load %arg6[%parallel_loop3A_377, %parallel_loop3A_378] {strides = array<i32>} : memref<32x1024xf32, #tpu.memory_space<vmem>>, vector<1x16xf32>,
          %parallel_loop3A_380 = vector.shape_cast %parallel_loop3A_379 : vector<1x16xf32> to vector<16xf32>
          %parallel_loop3A_381 = arith.addf %parallel_loop3A_334, %parallel_loop3A_380 : vector<16xf32>
          %parallel_loop3A_382 = arith.constant 15 : i32
          %parallel_loop3A_383 = arith.index_cast %parallel_loop3A_382 : i32 to index
          %parallel_loop3A_384 = arith.index_cast %parallel_loop3A_299 : i32 to index
          %parallel_loop3A_385 = tpu.vector_load %arg6[%parallel_loop3A_383, %parallel_loop3A_384] {strides = array<i32>} : memref<32x1024xf32, #tpu.memory_space<vmem>>, vector<1x16xf32>,
          %parallel_loop3A_386 = vector.shape_cast %parallel_loop3A_385 : vector<1x16xf32> to vector<16xf32>
          %parallel_loop3A_387 = arith.addf %parallel_loop3A_339, %parallel_loop3A_386 : vector<16xf32>
          %parallel_loop3A_388 = arith.constant 16 : i32
          %parallel_loop3A_389 = arith.index_cast %parallel_loop3A_388 : i32 to index
          %parallel_loop3A_390 = arith.index_cast %parallel_loop3A_299 : i32 to index
          %parallel_loop3A_391 = tpu.vector_load %arg6[%parallel_loop3A_389, %parallel_loop3A_390] {strides = array<i32>} : memref<32x1024xf32, #tpu.memory_space<vmem>>, vector<1x16xf32>,
          %parallel_loop3A_392 = vector.shape_cast %parallel_loop3A_391 : vector<1x16xf32> to vector<16xf32>
          %parallel_loop3A_393 = arith.addf %parallel_loop3A_345, %parallel_loop3A_392 : vector<16xf32>
          %parallel_loop3A_394 = arith.constant 17 : i32
          %parallel_loop3A_395 = arith.index_cast %parallel_loop3A_394 : i32 to index
          %parallel_loop3A_396 = arith.index_cast %parallel_loop3A_299 : i32 to index
          %parallel_loop3A_397 = tpu.vector_load %arg6[%parallel_loop3A_395, %parallel_loop3A_396] {strides = array<i32>} : memref<32x1024xf32, #tpu.memory_space<vmem>>, vector<1x16xf32>,
          %parallel_loop3A_398 = vector.shape_cast %parallel_loop3A_397 : vector<1x16xf32> to vector<16xf32>
          %parallel_loop3A_399 = arith.addf %parallel_loop3A_351, %parallel_loop3A_398 : vector<16xf32>
          %parallel_loop3A_400 = arith.constant 18 : i32
          %parallel_loop3A_401 = arith.index_cast %parallel_loop3A_400 : i32 to index
          %parallel_loop3A_402 = arith.index_cast %parallel_loop3A_299 : i32 to index
          %parallel_loop3A_403 = tpu.vector_load %arg6[%parallel_loop3A_401, %parallel_loop3A_402] {strides = array<i32>} : memref<32x1024xf32, #tpu.memory_space<vmem>>, vector<1x16xf32>,
          %parallel_loop3A_404 = vector.shape_cast %parallel_loop3A_403 : vector<1x16xf32> to vector<16xf32>
          %parallel_loop3A_405 = arith.addf %parallel_loop3A_357, %parallel_loop3A_404 : vector<16xf32>
          %parallel_loop3A_406 = arith.constant 19 : i32
          %parallel_loop3A_407 = arith.index_cast %parallel_loop3A_406 : i32 to index
          %parallel_loop3A_408 = arith.index_cast %parallel_loop3A_299 : i32 to index
          %parallel_loop3A_409 = tpu.vector_load %arg6[%parallel_loop3A_407, %parallel_loop3A_408] {strides = array<i32>} : memref<32x1024xf32, #tpu.memory_space<vmem>>, vector<1x16xf32>,
          %parallel_loop3A_410 = vector.shape_cast %parallel_loop3A_409 : vector<1x16xf32> to vector<16xf32>
          %parallel_loop3A_411 = arith.addf %parallel_loop3A_363, %parallel_loop3A_410 : vector<16xf32>
          %parallel_loop3A_412 = arith.constant 20 : i32
          %parallel_loop3A_413 = arith.index_cast %parallel_loop3A_412 : i32 to index
          %parallel_loop3A_414 = arith.index_cast %parallel_loop3A_299 : i32 to index
          %parallel_loop3A_415 = tpu.vector_load %arg6[%parallel_loop3A_413, %parallel_loop3A_414] {strides = array<i32>} : memref<32x1024xf32, #tpu.memory_space<vmem>>, vector<1x16xf32>,
          %parallel_loop3A_416 = vector.shape_cast %parallel_loop3A_415 : vector<1x16xf32> to vector<16xf32>
          %parallel_loop3A_417 = arith.addf %parallel_loop3A_369, %parallel_loop3A_416 : vector<16xf32>
          %parallel_loop3A_418 = arith.constant 21 : i32
          %parallel_loop3A_419 = arith.index_cast %parallel_loop3A_418 : i32 to index
          %parallel_loop3A_420 = arith.index_cast %parallel_loop3A_299 : i32 to index
          %parallel_loop3A_421 = tpu.vector_load %arg6[%parallel_loop3A_419, %parallel_loop3A_420] {strides = array<i32>} : memref<32x1024xf32, #tpu.memory_space<vmem>>, vector<1x16xf32>,
          %parallel_loop3A_422 = vector.shape_cast %parallel_loop3A_421 : vector<1x16xf32> to vector<16xf32>
          %parallel_loop3A_423 = arith.addf %parallel_loop3A_375, %parallel_loop3A_422 : vector<16xf32>
          %parallel_loop3A_424 = arith.constant 22 : i32
          %parallel_loop3A_425 = arith.index_cast %parallel_loop3A_424 : i32 to index
          %parallel_loop3A_426 = arith.index_cast %parallel_loop3A_299 : i32 to index
          %parallel_loop3A_427 = tpu.vector_load %arg6[%parallel_loop3A_425, %parallel_loop3A_426] {strides = array<i32>} : memref<32x1024xf32, #tpu.memory_space<vmem>>, vector<1x16xf32>,
          %parallel_loop3A_428 = vector.shape_cast %parallel_loop3A_427 : vector<1x16xf32> to vector<16xf32>
          %parallel_loop3A_429 = arith.addf %parallel_loop3A_381, %parallel_loop3A_428 : vector<16xf32>
          %parallel_loop3A_430 = arith.constant 23 : i32
          %parallel_loop3A_431 = arith.index_cast %parallel_loop3A_430 : i32 to index
          %parallel_loop3A_432 = arith.index_cast %parallel_loop3A_299 : i32 to index
          %parallel_loop3A_433 = tpu.vector_load %arg6[%parallel_loop3A_431, %parallel_loop3A_432] {strides = array<i32>} : memref<32x1024xf32, #tpu.memory_space<vmem>>, vector<1x16xf32>,
          %parallel_loop3A_434 = vector.shape_cast %parallel_loop3A_433 : vector<1x16xf32> to vector<16xf32>
          %parallel_loop3A_435 = arith.addf %parallel_loop3A_387, %parallel_loop3A_434 : vector<16xf32>
          %parallel_loop3A_436 = arith.constant 24 : i32
          %parallel_loop3A_437 = arith.index_cast %parallel_loop3A_436 : i32 to index
          %parallel_loop3A_438 = arith.index_cast %parallel_loop3A_299 : i32 to index
          %parallel_loop3A_439 = tpu.vector_load %arg6[%parallel_loop3A_437, %parallel_loop3A_438] {strides = array<i32>} : memref<32x1024xf32, #tpu.memory_space<vmem>>, vector<1x16xf32>,
          %parallel_loop3A_440 = vector.shape_cast %parallel_loop3A_439 : vector<1x16xf32> to vector<16xf32>
          %parallel_loop3A_441 = arith.addf %parallel_loop3A_393, %parallel_loop3A_440 : vector<16xf32>
          %parallel_loop3A_442 = arith.constant 25 : i32
          %parallel_loop3A_443 = arith.index_cast %parallel_loop3A_442 : i32 to index
          %parallel_loop3A_444 = arith.index_cast %parallel_loop3A_299 : i32 to index
          %parallel_loop3A_445 = tpu.vector_load %arg6[%parallel_loop3A_443, %parallel_loop3A_444] {strides = array<i32>} : memref<32x1024xf32, #tpu.memory_space<vmem>>, vector<1x16xf32>,
          %parallel_loop3A_446 = vector.shape_cast %parallel_loop3A_445 : vector<1x16xf32> to vector<16xf32>
          %parallel_loop3A_447 = arith.addf %parallel_loop3A_399, %parallel_loop3A_446 : vector<16xf32>
          %parallel_loop3A_448 = arith.constant 26 : i32
          %parallel_loop3A_449 = arith.index_cast %parallel_loop3A_448 : i32 to index
          %parallel_loop3A_450 = arith.index_cast %parallel_loop3A_299 : i32 to index
          %parallel_loop3A_451 = tpu.vector_load %arg6[%parallel_loop3A_449, %parallel_loop3A_450] {strides = array<i32>} : memref<32x1024xf32, #tpu.memory_space<vmem>>, vector<1x16xf32>,
          %parallel_loop3A_452 = vector.shape_cast %parallel_loop3A_451 : vector<1x16xf32> to vector<16xf32>
          %parallel_loop3A_453 = arith.addf %parallel_loop3A_405, %parallel_loop3A_452 : vector<16xf32>
          %parallel_loop3A_454 = arith.constant 27 : i32
          %parallel_loop3A_455 = arith.index_cast %parallel_loop3A_454 : i32 to index
          %parallel_loop3A_456 = arith.index_cast %parallel_loop3A_299 : i32 to index
          %parallel_loop3A_457 = tpu.vector_load %arg6[%parallel_loop3A_455, %parallel_loop3A_456] {strides = array<i32>} : memref<32x1024xf32, #tpu.memory_space<vmem>>, vector<1x16xf32>,
          %parallel_loop3A_458 = vector.shape_cast %parallel_loop3A_457 : vector<1x16xf32> to vector<16xf32>
          %parallel_loop3A_459 = arith.addf %parallel_loop3A_411, %parallel_loop3A_458 : vector<16xf32>
          %parallel_loop3A_460 = arith.constant 28 : i32
          %parallel_loop3A_461 = arith.index_cast %parallel_loop3A_460 : i32 to index
          %parallel_loop3A_462 = arith.index_cast %parallel_loop3A_299 : i32 to index
          %parallel_loop3A_463 = tpu.vector_load %arg6[%parallel_loop3A_461, %parallel_loop3A_462] {strides = array<i32>} : memref<32x1024xf32, #tpu.memory_space<vmem>>, vector<1x16xf32>,
          %parallel_loop3A_464 = vector.shape_cast %parallel_loop3A_463 : vector<1x16xf32> to vector<16xf32>
          %parallel_loop3A_465 = arith.addf %parallel_loop3A_417, %parallel_loop3A_464 : vector<16xf32>
          %parallel_loop3A_466 = arith.constant 29 : i32
          %parallel_loop3A_467 = arith.index_cast %parallel_loop3A_466 : i32 to index
          %parallel_loop3A_468 = arith.index_cast %parallel_loop3A_299 : i32 to index
          %parallel_loop3A_469 = tpu.vector_load %arg6[%parallel_loop3A_467, %parallel_loop3A_468] {strides = array<i32>} : memref<32x1024xf32, #tpu.memory_space<vmem>>, vector<1x16xf32>,
          %parallel_loop3A_470 = vector.shape_cast %parallel_loop3A_469 : vector<1x16xf32> to vector<16xf32>
          %parallel_loop3A_471 = arith.addf %parallel_loop3A_423, %parallel_loop3A_470 : vector<16xf32>
          %parallel_loop3A_472 = arith.constant 30 : i32
          %parallel_loop3A_473 = arith.index_cast %parallel_loop3A_472 : i32 to index
          %parallel_loop3A_474 = arith.index_cast %parallel_loop3A_299 : i32 to index
          %parallel_loop3A_475 = tpu.vector_load %arg6[%parallel_loop3A_473, %parallel_loop3A_474] {strides = array<i32>} : memref<32x1024xf32, #tpu.memory_space<vmem>>, vector<1x16xf32>,
          %parallel_loop3A_476 = vector.shape_cast %parallel_loop3A_475 : vector<1x16xf32> to vector<16xf32>
          %parallel_loop3A_477 = arith.addf %parallel_loop3A_429, %parallel_loop3A_476 : vector<16xf32>
          %parallel_loop3A_478 = arith.constant 31 : i32
          %parallel_loop3A_479 = arith.index_cast %parallel_loop3A_478 : i32 to index
          %parallel_loop3A_480 = arith.index_cast %parallel_loop3A_299 : i32 to index
          %parallel_loop3A_481 = tpu.vector_load %arg6[%parallel_loop3A_479, %parallel_loop3A_480] {strides = array<i32>} : memref<32x1024xf32, #tpu.memory_space<vmem>>, vector<1x16xf32>,
          %parallel_loop3A_482 = vector.shape_cast %parallel_loop3A_481 : vector<1x16xf32> to vector<16xf32>
          %parallel_loop3A_483 = arith.addf %parallel_loop3A_435, %parallel_loop3A_482 : vector<16xf32>
          %parallel_loop3A_484 = arith.addf %parallel_loop3A_441, %parallel_loop3A_447 : vector<16xf32>
          %parallel_loop3A_485 = arith.addf %parallel_loop3A_453, %parallel_loop3A_459 : vector<16xf32>
          %parallel_loop3A_486 = arith.addf %parallel_loop3A_465, %parallel_loop3A_471 : vector<16xf32>
          %parallel_loop3A_487 = arith.addf %parallel_loop3A_477, %parallel_loop3A_483 : vector<16xf32>
          %parallel_loop3A_488 = arith.addf %parallel_loop3A_484, %parallel_loop3A_485 : vector<16xf32>
          %parallel_loop3A_489 = arith.addf %parallel_loop3A_486, %parallel_loop3A_487 : vector<16xf32>
          %parallel_loop3A_490 = arith.addf %parallel_loop3A_488, %parallel_loop3A_489 : vector<16xf32>
          %parallel_loop3A_491 = arith.index_cast %add3A_236 : i32 to index
          %parallel_loop3A_492 = arith.index_cast %parallel_loop3A_299 : i32 to index
          %parallel_loop3A_493 = tpu.vector_load %arg7[%parallel_loop3A_491, %parallel_loop3A_492] {strides = array<i32>} : memref<16x1024xf32, #tpu.memory_space<vmem>>, vector<1x16xf32>,
          %parallel_loop3A_494 = vector.shape_cast %parallel_loop3A_493 : vector<1x16xf32> to vector<16xf32>
          %parallel_loop3A_495 = vector.shape_cast %parallel_loop3A_490 : vector<16xf32> to vector<1x16xf32>
          tpu.vector_store %arg7[%parallel_loop3A_491, %parallel_loop3A_492], %parallel_loop3A_495 {add = true, strides = array<i32>} : memref<16x1024xf32, #tpu.memory_space<vmem>>, vector<1x16xf32>,
        } {sc.loop_unroll_factor = 2 : i64, sc.parallel_access}
        %cond3A_296 = arith.constant 0 : i32
        scf.yield %cond3A_296 : i32
      } else {
        %scan3A_294 = arith.constant 0 : i32
        %scan3A_295 = arith.constant 0 : i32
        %scan3A_296 = arith.constant 32 : i32
        %scan3A_297 = arith.addi %scan3A_295, %scan3A_296 : i32
        %scan3A_298 = arith.constant 1 : i32
        %scan3A_299 = scf.for %scan3A_302 = %scan3A_295 to %scan3A_297 step %scan3A_298 iter_args(%scan3A_303 = %scan3A_294) -> (i32)  : i32 {
          %add3A_304 = arith.addi %add3A_190, %scan3A_302 : i32
          %ge3A_305 = arith.cmpi sge, %add3A_304, %squeeze3A : i32
          %convert_element_type3A_306 = arith.extui %ge3A_305 : i1 to i32
          %add3A_307 = arith.constant 0 : i32
          %add3A_308 = arith.addi %add3A_307, %convert_element_type3A_306 : i32
          %ge3A_309 = arith.cmpi sge, %add3A_304, %squeeze3A_6 : i32
          %convert_element_type3A_310 = arith.extui %ge3A_309 : i1 to i32
          %add3A_311 = arith.addi %add3A_308, %convert_element_type3A_310 : i32
          %ge3A_312 = arith.cmpi sge, %add3A_304, %squeeze3A_8 : i32
          %convert_element_type3A_313 = arith.extui %ge3A_312 : i1 to i32
          %add3A_314 = arith.addi %add3A_311, %convert_element_type3A_313 : i32
          %ge3A_315 = arith.cmpi sge, %add3A_304, %squeeze3A_10 : i32
          %convert_element_type3A_316 = arith.extui %ge3A_315 : i1 to i32
          %add3A_317 = arith.addi %add3A_314, %convert_element_type3A_316 : i32
          %ge3A_318 = arith.cmpi sge, %add3A_304, %squeeze3A_12 : i32
          %convert_element_type3A_319 = arith.extui %ge3A_318 : i1 to i32
          %add3A_320 = arith.addi %add3A_317, %convert_element_type3A_319 : i32
          %ge3A_321 = arith.cmpi sge, %add3A_304, %squeeze3A_14 : i32
          %convert_element_type3A_322 = arith.extui %ge3A_321 : i1 to i32
          %add3A_323 = arith.addi %add3A_320, %convert_element_type3A_322 : i32
          %ge3A_324 = arith.cmpi sge, %add3A_304, %squeeze3A_16 : i32
          %convert_element_type3A_325 = arith.extui %ge3A_324 : i1 to i32
          %add3A_326 = arith.addi %add3A_323, %convert_element_type3A_325 : i32
          %ge3A_327 = arith.cmpi sge, %add3A_304, %squeeze3A_18 : i32
          %convert_element_type3A_328 = arith.extui %ge3A_327 : i1 to i32
          %add3A_329 = arith.addi %add3A_326, %convert_element_type3A_328 : i32
          %ge3A_330 = arith.cmpi sge, %add3A_304, %squeeze3A_20 : i32
          %convert_element_type3A_331 = arith.extui %ge3A_330 : i1 to i32
          %add3A_332 = arith.addi %add3A_329, %convert_element_type3A_331 : i32
          %ge3A_333 = arith.cmpi sge, %add3A_304, %squeeze3A_22 : i32
          %convert_element_type3A_334 = arith.extui %ge3A_333 : i1 to i32
          %add3A_335 = arith.addi %add3A_332, %convert_element_type3A_334 : i32
          %ge3A_336 = arith.cmpi sge, %add3A_304, %squeeze3A_24 : i32
          %convert_element_type3A_337 = arith.extui %ge3A_336 : i1 to i32
          %add3A_338 = arith.addi %add3A_335, %convert_element_type3A_337 : i32
          %ge3A_339 = arith.cmpi sge, %add3A_304, %squeeze3A_26 : i32
          %convert_element_type3A_340 = arith.extui %ge3A_339 : i1 to i32
          %add3A_341 = arith.addi %add3A_338, %convert_element_type3A_340 : i32
          %ge3A_342 = arith.cmpi sge, %add3A_304, %squeeze3A_28 : i32
          %convert_element_type3A_343 = arith.extui %ge3A_342 : i1 to i32
          %add3A_344 = arith.addi %add3A_341, %convert_element_type3A_343 : i32
          %ge3A_345 = arith.cmpi sge, %add3A_304, %squeeze3A_30 : i32
          %convert_element_type3A_346 = arith.extui %ge3A_345 : i1 to i32
          %add3A_347 = arith.addi %add3A_344, %convert_element_type3A_346 : i32
          %ge3A_348 = arith.cmpi sge, %add3A_304, %squeeze3A_32 : i32
          %convert_element_type3A_349 = arith.extui %ge3A_348 : i1 to i32
          %add3A_350 = arith.addi %add3A_347, %convert_element_type3A_349 : i32
          %get3A_351 = arith.index_cast %scan3A_302 : i32 to index
          %get3A_352 = arith.constant 0 : index
          %get3A_353 = tpu.vector_load %arg6[%get3A_351, %get3A_352] {strides = array<i32>} : memref<32x1024xf32, #tpu.memory_space<vmem>>, vector<1x16xf32>,
          %get3A_354 = vector.shape_cast %get3A_353 : vector<1x16xf32> to vector<16xf32>
          %swap3A = arith.index_cast %add3A_350 : i32 to index
          %swap3A_355 = arith.constant 0 : index
          %swap3A_356 = tpu.vector_load %arg7[%swap3A, %swap3A_355] {strides = array<i32>} : memref<16x1024xf32, #tpu.memory_space<vmem>>, vector<1x16xf32>,
          %swap3A_357 = vector.shape_cast %swap3A_356 : vector<1x16xf32> to vector<16xf32>
          %swap3A_358 = vector.shape_cast %get3A_354 : vector<16xf32> to vector<1x16xf32>
          tpu.vector_store %arg7[%swap3A, %swap3A_355], %swap3A_358 {add = true, strides = array<i32>} : memref<16x1024xf32, #tpu.memory_space<vmem>>, vector<1x16xf32>,
          %get3A_359 = arith.index_cast %scan3A_302 : i32 to index
          %get3A_360 = arith.constant 16 : index
          %get3A_361 = tpu.vector_load %arg6[%get3A_359, %get3A_360] {strides = array<i32>} : memref<32x1024xf32, #tpu.memory_space<vmem>>, vector<1x16xf32>,
          %get3A_362 = vector.shape_cast %get3A_361 : vector<1x16xf32> to vector<16xf32>
          %swap3A_363 = arith.index_cast %add3A_350 : i32 to index
          %swap3A_364 = arith.constant 16 : index
          %swap3A_365 = tpu.vector_load %arg7[%swap3A_363, %swap3A_364] {strides = array<i32>} : memref<16x1024xf32, #tpu.memory_space<vmem>>, vector<1x16xf32>,
          %swap3A_366 = vector.shape_cast %swap3A_365 : vector<1x16xf32> to vector<16xf32>
          %swap3A_367 = vector.shape_cast %get3A_362 : vector<16xf32> to vector<1x16xf32>
          tpu.vector_store %arg7[%swap3A_363, %swap3A_364], %swap3A_367 {add = true, strides = array<i32>} : memref<16x1024xf32, #tpu.memory_space<vmem>>, vector<1x16xf32>,
          %get3A_368 = arith.index_cast %scan3A_302 : i32 to index
          %get3A_369 = arith.constant 32 : index
          %get3A_370 = tpu.vector_load %arg6[%get3A_368, %get3A_369] {strides = array<i32>} : memref<32x1024xf32, #tpu.memory_space<vmem>>, vector<1x16xf32>,
          %get3A_371 = vector.shape_cast %get3A_370 : vector<1x16xf32> to vector<16xf32>
          %swap3A_372 = arith.index_cast %add3A_350 : i32 to index
          %swap3A_373 = arith.constant 32 : index
          %swap3A_374 = tpu.vector_load %arg7[%swap3A_372, %swap3A_373] {strides = array<i32>} : memref<16x1024xf32, #tpu.memory_space<vmem>>, vector<1x16xf32>,
          %swap3A_375 = vector.shape_cast %swap3A_374 : vector<1x16xf32> to vector<16xf32>
          %swap3A_376 = vector.shape_cast %get3A_371 : vector<16xf32> to vector<1x16xf32>
          tpu.vector_store %arg7[%swap3A_372, %swap3A_373], %swap3A_376 {add = true, strides = array<i32>} : memref<16x1024xf32, #tpu.memory_space<vmem>>, vector<1x16xf32>,
          %get3A_377 = arith.index_cast %scan3A_302 : i32 to index
          %get3A_378 = arith.constant 48 : index
          %get3A_379 = tpu.vector_load %arg6[%get3A_377, %get3A_378] {strides = array<i32>} : memref<32x1024xf32, #tpu.memory_space<vmem>>, vector<1x16xf32>,
          %get3A_380 = vector.shape_cast %get3A_379 : vector<1x16xf32> to vector<16xf32>
          %swap3A_381 = arith.index_cast %add3A_350 : i32 to index
          %swap3A_382 = arith.constant 48 : index
          %swap3A_383 = tpu.vector_load %arg7[%swap3A_381, %swap3A_382] {strides = array<i32>} : memref<16x1024xf32, #tpu.memory_space<vmem>>, vector<1x16xf32>,
          %swap3A_384 = vector.shape_cast %swap3A_383 : vector<1x16xf32> to vector<16xf32>
          %swap3A_385 = vector.shape_cast %get3A_380 : vector<16xf32> to vector<1x16xf32>
          tpu.vector_store %arg7[%swap3A_381, %swap3A_382], %swap3A_385 {add = true, strides = array<i32>} : memref<16x1024xf32, #tpu.memory_space<vmem>>, vector<1x16xf32>,
          %get3A_386 = arith.index_cast %scan3A_302 : i32 to index
          %get3A_387 = arith.constant 64 : index
          %get3A_388 = tpu.vector_load %arg6[%get3A_386, %get3A_387] {strides = array<i32>} : memref<32x1024xf32, #tpu.memory_space<vmem>>, vector<1x16xf32>,
          %get3A_389 = vector.shape_cast %get3A_388 : vector<1x16xf32> to vector<16xf32>
          %swap3A_390 = arith.index_cast %add3A_350 : i32 to index
          %swap3A_391 = arith.constant 64 : index
          %swap3A_392 = tpu.vector_load %arg7[%swap3A_390, %swap3A_391] {strides = array<i32>} : memref<16x1024xf32, #tpu.memory_space<vmem>>, vector<1x16xf32>,
          %swap3A_393 = vector.shape_cast %swap3A_392 : vector<1x16xf32> to vector<16xf32>
          %swap3A_394 = vector.shape_cast %get3A_389 : vector<16xf32> to vector<1x16xf32>
          tpu.vector_store %arg7[%swap3A_390, %swap3A_391], %swap3A_394 {add = true, strides = array<i32>} : memref<16x1024xf32, #tpu.memory_space<vmem>>, vector<1x16xf32>,
          %get3A_395 = arith.index_cast %scan3A_302 : i32 to index
          %get3A_396 = arith.constant 80 : index
          %get3A_397 = tpu.vector_load %arg6[%get3A_395, %get3A_396] {strides = array<i32>} : memref<32x1024xf32, #tpu.memory_space<vmem>>, vector<1x16xf32>,
          %get3A_398 = vector.shape_cast %get3A_397 : vector<1x16xf32> to vector<16xf32>
          %swap3A_399 = arith.index_cast %add3A_350 : i32 to index
          %swap3A_400 = arith.constant 80 : index
          %swap3A_401 = tpu.vector_load %arg7[%swap3A_399, %swap3A_400] {strides = array<i32>} : memref<16x1024xf32, #tpu.memory_space<vmem>>, vector<1x16xf32>,
          %swap3A_402 = vector.shape_cast %swap3A_401 : vector<1x16xf32> to vector<16xf32>
          %swap3A_403 = vector.shape_cast %get3A_398 : vector<16xf32> to vector<1x16xf32>
          tpu.vector_store %arg7[%swap3A_399, %swap3A_400], %swap3A_403 {add = true, strides = array<i32>} : memref<16x1024xf32, #tpu.memory_space<vmem>>, vector<1x16xf32>,
          %get3A_404 = arith.index_cast %scan3A_302 : i32 to index
          %get3A_405 = arith.constant 96 : index
          %get3A_406 = tpu.vector_load %arg6[%get3A_404, %get3A_405] {strides = array<i32>} : memref<32x1024xf32, #tpu.memory_space<vmem>>, vector<1x16xf32>,
          %get3A_407 = vector.shape_cast %get3A_406 : vector<1x16xf32> to vector<16xf32>
          %swap3A_408 = arith.index_cast %add3A_350 : i32 to index
          %swap3A_409 = arith.constant 96 : index
          %swap3A_410 = tpu.vector_load %arg7[%swap3A_408, %swap3A_409] {strides = array<i32>} : memref<16x1024xf32, #tpu.memory_space<vmem>>, vector<1x16xf32>,
          %swap3A_411 = vector.shape_cast %swap3A_410 : vector<1x16xf32> to vector<16xf32>
          %swap3A_412 = vector.shape_cast %get3A_407 : vector<16xf32> to vector<1x16xf32>
          tpu.vector_store %arg7[%swap3A_408, %swap3A_409], %swap3A_412 {add = true, strides = array<i32>} : memref<16x1024xf32, #tpu.memory_space<vmem>>, vector<1x16xf32>,
          %get3A_413 = arith.index_cast %scan3A_302 : i32 to index
          %get3A_414 = arith.constant 112 : index
          %get3A_415 = tpu.vector_load %arg6[%get3A_413, %get3A_414] {strides = array<i32>} : memref<32x1024xf32, #tpu.memory_space<vmem>>, vector<1x16xf32>,
          %get3A_416 = vector.shape_cast %get3A_415 : vector<1x16xf32> to vector<16xf32>
          %swap3A_417 = arith.index_cast %add3A_350 : i32 to index
          %swap3A_418 = arith.constant 112 : index
          %swap3A_419 = tpu.vector_load %arg7[%swap3A_417, %swap3A_418] {strides = array<i32>} : memref<16x1024xf32, #tpu.memory_space<vmem>>, vector<1x16xf32>,
          %swap3A_420 = vector.shape_cast %swap3A_419 : vector<1x16xf32> to vector<16xf32>
          %swap3A_421 = vector.shape_cast %get3A_416 : vector<16xf32> to vector<1x16xf32>
          tpu.vector_store %arg7[%swap3A_417, %swap3A_418], %swap3A_421 {add = true, strides = array<i32>} : memref<16x1024xf32, #tpu.memory_space<vmem>>, vector<1x16xf32>,
          %get3A_422 = arith.index_cast %scan3A_302 : i32 to index
          %get3A_423 = arith.constant 128 : index
          %get3A_424 = tpu.vector_load %arg6[%get3A_422, %get3A_423] {strides = array<i32>} : memref<32x1024xf32, #tpu.memory_space<vmem>>, vector<1x16xf32>,
          %get3A_425 = vector.shape_cast %get3A_424 : vector<1x16xf32> to vector<16xf32>
          %swap3A_426 = arith.index_cast %add3A_350 : i32 to index
          %swap3A_427 = arith.constant 128 : index
          %swap3A_428 = tpu.vector_load %arg7[%swap3A_426, %swap3A_427] {strides = array<i32>} : memref<16x1024xf32, #tpu.memory_space<vmem>>, vector<1x16xf32>,
          %swap3A_429 = vector.shape_cast %swap3A_428 : vector<1x16xf32> to vector<16xf32>
          %swap3A_430 = vector.shape_cast %get3A_425 : vector<16xf32> to vector<1x16xf32>
          tpu.vector_store %arg7[%swap3A_426, %swap3A_427], %swap3A_430 {add = true, strides = array<i32>} : memref<16x1024xf32, #tpu.memory_space<vmem>>, vector<1x16xf32>,
          %get3A_431 = arith.index_cast %scan3A_302 : i32 to index
          %get3A_432 = arith.constant 144 : index
          %get3A_433 = tpu.vector_load %arg6[%get3A_431, %get3A_432] {strides = array<i32>} : memref<32x1024xf32, #tpu.memory_space<vmem>>, vector<1x16xf32>,
          %get3A_434 = vector.shape_cast %get3A_433 : vector<1x16xf32> to vector<16xf32>
          %swap3A_435 = arith.index_cast %add3A_350 : i32 to index
          %swap3A_436 = arith.constant 144 : index
          %swap3A_437 = tpu.vector_load %arg7[%swap3A_435, %swap3A_436] {strides = array<i32>} : memref<16x1024xf32, #tpu.memory_space<vmem>>, vector<1x16xf32>,
          %swap3A_438 = vector.shape_cast %swap3A_437 : vector<1x16xf32> to vector<16xf32>
          %swap3A_439 = vector.shape_cast %get3A_434 : vector<16xf32> to vector<1x16xf32>
          tpu.vector_store %arg7[%swap3A_435, %swap3A_436], %swap3A_439 {add = true, strides = array<i32>} : memref<16x1024xf32, #tpu.memory_space<vmem>>, vector<1x16xf32>,
          %get3A_440 = arith.index_cast %scan3A_302 : i32 to index
          %get3A_441 = arith.constant 160 : index
          %get3A_442 = tpu.vector_load %arg6[%get3A_440, %get3A_441] {strides = array<i32>} : memref<32x1024xf32, #tpu.memory_space<vmem>>, vector<1x16xf32>,
          %get3A_443 = vector.shape_cast %get3A_442 : vector<1x16xf32> to vector<16xf32>
          %swap3A_444 = arith.index_cast %add3A_350 : i32 to index
          %swap3A_445 = arith.constant 160 : index
          %swap3A_446 = tpu.vector_load %arg7[%swap3A_444, %swap3A_445] {strides = array<i32>} : memref<16x1024xf32, #tpu.memory_space<vmem>>, vector<1x16xf32>,
          %swap3A_447 = vector.shape_cast %swap3A_446 : vector<1x16xf32> to vector<16xf32>
          %swap3A_448 = vector.shape_cast %get3A_443 : vector<16xf32> to vector<1x16xf32>
          tpu.vector_store %arg7[%swap3A_444, %swap3A_445], %swap3A_448 {add = true, strides = array<i32>} : memref<16x1024xf32, #tpu.memory_space<vmem>>, vector<1x16xf32>,
          %get3A_449 = arith.index_cast %scan3A_302 : i32 to index
          %get3A_450 = arith.constant 176 : index
          %get3A_451 = tpu.vector_load %arg6[%get3A_449, %get3A_450] {strides = array<i32>} : memref<32x1024xf32, #tpu.memory_space<vmem>>, vector<1x16xf32>,
          %get3A_452 = vector.shape_cast %get3A_451 : vector<1x16xf32> to vector<16xf32>
          %swap3A_453 = arith.index_cast %add3A_350 : i32 to index
          %swap3A_454 = arith.constant 176 : index
          %swap3A_455 = tpu.vector_load %arg7[%swap3A_453, %swap3A_454] {strides = array<i32>} : memref<16x1024xf32, #tpu.memory_space<vmem>>, vector<1x16xf32>,
          %swap3A_456 = vector.shape_cast %swap3A_455 : vector<1x16xf32> to vector<16xf32>
          %swap3A_457 = vector.shape_cast %get3A_452 : vector<16xf32> to vector<1x16xf32>
          tpu.vector_store %arg7[%swap3A_453, %swap3A_454], %swap3A_457 {add = true, strides = array<i32>} : memref<16x1024xf32, #tpu.memory_space<vmem>>, vector<1x16xf32>,
          %get3A_458 = arith.index_cast %scan3A_302 : i32 to index
          %get3A_459 = arith.constant 192 : index
          %get3A_460 = tpu.vector_load %arg6[%get3A_458, %get3A_459] {strides = array<i32>} : memref<32x1024xf32, #tpu.memory_space<vmem>>, vector<1x16xf32>,
          %get3A_461 = vector.shape_cast %get3A_460 : vector<1x16xf32> to vector<16xf32>
          %swap3A_462 = arith.index_cast %add3A_350 : i32 to index
          %swap3A_463 = arith.constant 192 : index
          %swap3A_464 = tpu.vector_load %arg7[%swap3A_462, %swap3A_463] {strides = array<i32>} : memref<16x1024xf32, #tpu.memory_space<vmem>>, vector<1x16xf32>,
          %swap3A_465 = vector.shape_cast %swap3A_464 : vector<1x16xf32> to vector<16xf32>
          %swap3A_466 = vector.shape_cast %get3A_461 : vector<16xf32> to vector<1x16xf32>
          tpu.vector_store %arg7[%swap3A_462, %swap3A_463], %swap3A_466 {add = true, strides = array<i32>} : memref<16x1024xf32, #tpu.memory_space<vmem>>, vector<1x16xf32>,
          %get3A_467 = arith.index_cast %scan3A_302 : i32 to index
          %get3A_468 = arith.constant 208 : index
          %get3A_469 = tpu.vector_load %arg6[%get3A_467, %get3A_468] {strides = array<i32>} : memref<32x1024xf32, #tpu.memory_space<vmem>>, vector<1x16xf32>,
          %get3A_470 = vector.shape_cast %get3A_469 : vector<1x16xf32> to vector<16xf32>
          %swap3A_471 = arith.index_cast %add3A_350 : i32 to index
          %swap3A_472 = arith.constant 208 : index
          %swap3A_473 = tpu.vector_load %arg7[%swap3A_471, %swap3A_472] {strides = array<i32>} : memref<16x1024xf32, #tpu.memory_space<vmem>>, vector<1x16xf32>,
          %swap3A_474 = vector.shape_cast %swap3A_473 : vector<1x16xf32> to vector<16xf32>
          %swap3A_475 = vector.shape_cast %get3A_470 : vector<16xf32> to vector<1x16xf32>
          tpu.vector_store %arg7[%swap3A_471, %swap3A_472], %swap3A_475 {add = true, strides = array<i32>} : memref<16x1024xf32, #tpu.memory_space<vmem>>, vector<1x16xf32>,
          %get3A_476 = arith.index_cast %scan3A_302 : i32 to index
          %get3A_477 = arith.constant 224 : index
          %get3A_478 = tpu.vector_load %arg6[%get3A_476, %get3A_477] {strides = array<i32>} : memref<32x1024xf32, #tpu.memory_space<vmem>>, vector<1x16xf32>,
          %get3A_479 = vector.shape_cast %get3A_478 : vector<1x16xf32> to vector<16xf32>
          %swap3A_480 = arith.index_cast %add3A_350 : i32 to index
          %swap3A_481 = arith.constant 224 : index
          %swap3A_482 = tpu.vector_load %arg7[%swap3A_480, %swap3A_481] {strides = array<i32>} : memref<16x1024xf32, #tpu.memory_space<vmem>>, vector<1x16xf32>,
          %swap3A_483 = vector.shape_cast %swap3A_482 : vector<1x16xf32> to vector<16xf32>
          %swap3A_484 = vector.shape_cast %get3A_479 : vector<16xf32> to vector<1x16xf32>
          tpu.vector_store %arg7[%swap3A_480, %swap3A_481], %swap3A_484 {add = true, strides = array<i32>} : memref<16x1024xf32, #tpu.memory_space<vmem>>, vector<1x16xf32>,
          %get3A_485 = arith.index_cast %scan3A_302 : i32 to index
          %get3A_486 = arith.constant 240 : index
          %get3A_487 = tpu.vector_load %arg6[%get3A_485, %get3A_486] {strides = array<i32>} : memref<32x1024xf32, #tpu.memory_space<vmem>>, vector<1x16xf32>,
          %get3A_488 = vector.shape_cast %get3A_487 : vector<1x16xf32> to vector<16xf32>
          %swap3A_489 = arith.index_cast %add3A_350 : i32 to index
          %swap3A_490 = arith.constant 240 : index
          %swap3A_491 = tpu.vector_load %arg7[%swap3A_489, %swap3A_490] {strides = array<i32>} : memref<16x1024xf32, #tpu.memory_space<vmem>>, vector<1x16xf32>,
          %swap3A_492 = vector.shape_cast %swap3A_491 : vector<1x16xf32> to vector<16xf32>
          %swap3A_493 = vector.shape_cast %get3A_488 : vector<16xf32> to vector<1x16xf32>
          tpu.vector_store %arg7[%swap3A_489, %swap3A_490], %swap3A_493 {add = true, strides = array<i32>} : memref<16x1024xf32, #tpu.memory_space<vmem>>, vector<1x16xf32>,
          %get3A_494 = arith.index_cast %scan3A_302 : i32 to index
          %get3A_495 = arith.constant 256 : index
          %get3A_496 = tpu.vector_load %arg6[%get3A_494, %get3A_495] {strides = array<i32>} : memref<32x1024xf32, #tpu.memory_space<vmem>>, vector<1x16xf32>,
          %get3A_497 = vector.shape_cast %get3A_496 : vector<1x16xf32> to vector<16xf32>
          %swap3A_498 = arith.index_cast %add3A_350 : i32 to index
          %swap3A_499 = arith.constant 256 : index
          %swap3A_500 = tpu.vector_load %arg7[%swap3A_498, %swap3A_499] {strides = array<i32>} : memref<16x1024xf32, #tpu.memory_space<vmem>>, vector<1x16xf32>,
          %swap3A_501 = vector.shape_cast %swap3A_500 : vector<1x16xf32> to vector<16xf32>
          %swap3A_502 = vector.shape_cast %get3A_497 : vector<16xf32> to vector<1x16xf32>
          tpu.vector_store %arg7[%swap3A_498, %swap3A_499], %swap3A_502 {add = true, strides = array<i32>} : memref<16x1024xf32, #tpu.memory_space<vmem>>, vector<1x16xf32>,
          %get3A_503 = arith.index_cast %scan3A_302 : i32 to index
          %get3A_504 = arith.constant 272 : index
          %get3A_505 = tpu.vector_load %arg6[%get3A_503, %get3A_504] {strides = array<i32>} : memref<32x1024xf32, #tpu.memory_space<vmem>>, vector<1x16xf32>,
          %get3A_506 = vector.shape_cast %get3A_505 : vector<1x16xf32> to vector<16xf32>
          %swap3A_507 = arith.index_cast %add3A_350 : i32 to index
          %swap3A_508 = arith.constant 272 : index
          %swap3A_509 = tpu.vector_load %arg7[%swap3A_507, %swap3A_508] {strides = array<i32>} : memref<16x1024xf32, #tpu.memory_space<vmem>>, vector<1x16xf32>,
          %swap3A_510 = vector.shape_cast %swap3A_509 : vector<1x16xf32> to vector<16xf32>
          %swap3A_511 = vector.shape_cast %get3A_506 : vector<16xf32> to vector<1x16xf32>
          tpu.vector_store %arg7[%swap3A_507, %swap3A_508], %swap3A_511 {add = true, strides = array<i32>} : memref<16x1024xf32, #tpu.memory_space<vmem>>, vector<1x16xf32>,
          %get3A_512 = arith.index_cast %scan3A_302 : i32 to index
          %get3A_513 = arith.constant 288 : index
          %get3A_514 = tpu.vector_load %arg6[%get3A_512, %get3A_513] {strides = array<i32>} : memref<32x1024xf32, #tpu.memory_space<vmem>>, vector<1x16xf32>,
          %get3A_515 = vector.shape_cast %get3A_514 : vector<1x16xf32> to vector<16xf32>
          %swap3A_516 = arith.index_cast %add3A_350 : i32 to index
          %swap3A_517 = arith.constant 288 : index
          %swap3A_518 = tpu.vector_load %arg7[%swap3A_516, %swap3A_517] {strides = array<i32>} : memref<16x1024xf32, #tpu.memory_space<vmem>>, vector<1x16xf32>,
          %swap3A_519 = vector.shape_cast %swap3A_518 : vector<1x16xf32> to vector<16xf32>
          %swap3A_520 = vector.shape_cast %get3A_515 : vector<16xf32> to vector<1x16xf32>
          tpu.vector_store %arg7[%swap3A_516, %swap3A_517], %swap3A_520 {add = true, strides = array<i32>} : memref<16x1024xf32, #tpu.memory_space<vmem>>, vector<1x16xf32>,
          %get3A_521 = arith.index_cast %scan3A_302 : i32 to index
          %get3A_522 = arith.constant 304 : index
          %get3A_523 = tpu.vector_load %arg6[%get3A_521, %get3A_522] {strides = array<i32>} : memref<32x1024xf32, #tpu.memory_space<vmem>>, vector<1x16xf32>,
          %get3A_524 = vector.shape_cast %get3A_523 : vector<1x16xf32> to vector<16xf32>
          %swap3A_525 = arith.index_cast %add3A_350 : i32 to index
          %swap3A_526 = arith.constant 304 : index
          %swap3A_527 = tpu.vector_load %arg7[%swap3A_525, %swap3A_526] {strides = array<i32>} : memref<16x1024xf32, #tpu.memory_space<vmem>>, vector<1x16xf32>,
          %swap3A_528 = vector.shape_cast %swap3A_527 : vector<1x16xf32> to vector<16xf32>
          %swap3A_529 = vector.shape_cast %get3A_524 : vector<16xf32> to vector<1x16xf32>
          tpu.vector_store %arg7[%swap3A_525, %swap3A_526], %swap3A_529 {add = true, strides = array<i32>} : memref<16x1024xf32, #tpu.memory_space<vmem>>, vector<1x16xf32>,
          %get3A_530 = arith.index_cast %scan3A_302 : i32 to index
          %get3A_531 = arith.constant 320 : index
          %get3A_532 = tpu.vector_load %arg6[%get3A_530, %get3A_531] {strides = array<i32>} : memref<32x1024xf32, #tpu.memory_space<vmem>>, vector<1x16xf32>,
          %get3A_533 = vector.shape_cast %get3A_532 : vector<1x16xf32> to vector<16xf32>
          %swap3A_534 = arith.index_cast %add3A_350 : i32 to index
          %swap3A_535 = arith.constant 320 : index
          %swap3A_536 = tpu.vector_load %arg7[%swap3A_534, %swap3A_535] {strides = array<i32>} : memref<16x1024xf32, #tpu.memory_space<vmem>>, vector<1x16xf32>,
          %swap3A_537 = vector.shape_cast %swap3A_536 : vector<1x16xf32> to vector<16xf32>
          %swap3A_538 = vector.shape_cast %get3A_533 : vector<16xf32> to vector<1x16xf32>
          tpu.vector_store %arg7[%swap3A_534, %swap3A_535], %swap3A_538 {add = true, strides = array<i32>} : memref<16x1024xf32, #tpu.memory_space<vmem>>, vector<1x16xf32>,
          %get3A_539 = arith.index_cast %scan3A_302 : i32 to index
          %get3A_540 = arith.constant 336 : index
          %get3A_541 = tpu.vector_load %arg6[%get3A_539, %get3A_540] {strides = array<i32>} : memref<32x1024xf32, #tpu.memory_space<vmem>>, vector<1x16xf32>,
          %get3A_542 = vector.shape_cast %get3A_541 : vector<1x16xf32> to vector<16xf32>
          %swap3A_543 = arith.index_cast %add3A_350 : i32 to index
          %swap3A_544 = arith.constant 336 : index
          %swap3A_545 = tpu.vector_load %arg7[%swap3A_543, %swap3A_544] {strides = array<i32>} : memref<16x1024xf32, #tpu.memory_space<vmem>>, vector<1x16xf32>,
          %swap3A_546 = vector.shape_cast %swap3A_545 : vector<1x16xf32> to vector<16xf32>
          %swap3A_547 = vector.shape_cast %get3A_542 : vector<16xf32> to vector<1x16xf32>
          tpu.vector_store %arg7[%swap3A_543, %swap3A_544], %swap3A_547 {add = true, strides = array<i32>} : memref<16x1024xf32, #tpu.memory_space<vmem>>, vector<1x16xf32>,
          %get3A_548 = arith.index_cast %scan3A_302 : i32 to index
          %get3A_549 = arith.constant 352 : index
          %get3A_550 = tpu.vector_load %arg6[%get3A_548, %get3A_549] {strides = array<i32>} : memref<32x1024xf32, #tpu.memory_space<vmem>>, vector<1x16xf32>,
          %get3A_551 = vector.shape_cast %get3A_550 : vector<1x16xf32> to vector<16xf32>
          %swap3A_552 = arith.index_cast %add3A_350 : i32 to index
          %swap3A_553 = arith.constant 352 : index
          %swap3A_554 = tpu.vector_load %arg7[%swap3A_552, %swap3A_553] {strides = array<i32>} : memref<16x1024xf32, #tpu.memory_space<vmem>>, vector<1x16xf32>,
          %swap3A_555 = vector.shape_cast %swap3A_554 : vector<1x16xf32> to vector<16xf32>
          %swap3A_556 = vector.shape_cast %get3A_551 : vector<16xf32> to vector<1x16xf32>
          tpu.vector_store %arg7[%swap3A_552, %swap3A_553], %swap3A_556 {add = true, strides = array<i32>} : memref<16x1024xf32, #tpu.memory_space<vmem>>, vector<1x16xf32>,
          %get3A_557 = arith.index_cast %scan3A_302 : i32 to index
          %get3A_558 = arith.constant 368 : index
          %get3A_559 = tpu.vector_load %arg6[%get3A_557, %get3A_558] {strides = array<i32>} : memref<32x1024xf32, #tpu.memory_space<vmem>>, vector<1x16xf32>,
          %get3A_560 = vector.shape_cast %get3A_559 : vector<1x16xf32> to vector<16xf32>
          %swap3A_561 = arith.index_cast %add3A_350 : i32 to index
          %swap3A_562 = arith.constant 368 : index
          %swap3A_563 = tpu.vector_load %arg7[%swap3A_561, %swap3A_562] {strides = array<i32>} : memref<16x1024xf32, #tpu.memory_space<vmem>>, vector<1x16xf32>,
          %swap3A_564 = vector.shape_cast %swap3A_563 : vector<1x16xf32> to vector<16xf32>
          %swap3A_565 = vector.shape_cast %get3A_560 : vector<16xf32> to vector<1x16xf32>
          tpu.vector_store %arg7[%swap3A_561, %swap3A_562], %swap3A_565 {add = true, strides = array<i32>} : memref<16x1024xf32, #tpu.memory_space<vmem>>, vector<1x16xf32>,
          %get3A_566 = arith.index_cast %scan3A_302 : i32 to index
          %get3A_567 = arith.constant 384 : index
          %get3A_568 = tpu.vector_load %arg6[%get3A_566, %get3A_567] {strides = array<i32>} : memref<32x1024xf32, #tpu.memory_space<vmem>>, vector<1x16xf32>,
          %get3A_569 = vector.shape_cast %get3A_568 : vector<1x16xf32> to vector<16xf32>
          %swap3A_570 = arith.index_cast %add3A_350 : i32 to index
          %swap3A_571 = arith.constant 384 : index
          %swap3A_572 = tpu.vector_load %arg7[%swap3A_570, %swap3A_571] {strides = array<i32>} : memref<16x1024xf32, #tpu.memory_space<vmem>>, vector<1x16xf32>,
          %swap3A_573 = vector.shape_cast %swap3A_572 : vector<1x16xf32> to vector<16xf32>
          %swap3A_574 = vector.shape_cast %get3A_569 : vector<16xf32> to vector<1x16xf32>
          tpu.vector_store %arg7[%swap3A_570, %swap3A_571], %swap3A_574 {add = true, strides = array<i32>} : memref<16x1024xf32, #tpu.memory_space<vmem>>, vector<1x16xf32>,
          %get3A_575 = arith.index_cast %scan3A_302 : i32 to index
          %get3A_576 = arith.constant 400 : index
          %get3A_577 = tpu.vector_load %arg6[%get3A_575, %get3A_576] {strides = array<i32>} : memref<32x1024xf32, #tpu.memory_space<vmem>>, vector<1x16xf32>,
          %get3A_578 = vector.shape_cast %get3A_577 : vector<1x16xf32> to vector<16xf32>
          %swap3A_579 = arith.index_cast %add3A_350 : i32 to index
          %swap3A_580 = arith.constant 400 : index
          %swap3A_581 = tpu.vector_load %arg7[%swap3A_579, %swap3A_580] {strides = array<i32>} : memref<16x1024xf32, #tpu.memory_space<vmem>>, vector<1x16xf32>,
          %swap3A_582 = vector.shape_cast %swap3A_581 : vector<1x16xf32> to vector<16xf32>
          %swap3A_583 = vector.shape_cast %get3A_578 : vector<16xf32> to vector<1x16xf32>
          tpu.vector_store %arg7[%swap3A_579, %swap3A_580], %swap3A_583 {add = true, strides = array<i32>} : memref<16x1024xf32, #tpu.memory_space<vmem>>, vector<1x16xf32>,
          %get3A_584 = arith.index_cast %scan3A_302 : i32 to index
          %get3A_585 = arith.constant 416 : index
          %get3A_586 = tpu.vector_load %arg6[%get3A_584, %get3A_585] {strides = array<i32>} : memref<32x1024xf32, #tpu.memory_space<vmem>>, vector<1x16xf32>,
          %get3A_587 = vector.shape_cast %get3A_586 : vector<1x16xf32> to vector<16xf32>
          %swap3A_588 = arith.index_cast %add3A_350 : i32 to index
          %swap3A_589 = arith.constant 416 : index
          %swap3A_590 = tpu.vector_load %arg7[%swap3A_588, %swap3A_589] {strides = array<i32>} : memref<16x1024xf32, #tpu.memory_space<vmem>>, vector<1x16xf32>,
          %swap3A_591 = vector.shape_cast %swap3A_590 : vector<1x16xf32> to vector<16xf32>
          %swap3A_592 = vector.shape_cast %get3A_587 : vector<16xf32> to vector<1x16xf32>
          tpu.vector_store %arg7[%swap3A_588, %swap3A_589], %swap3A_592 {add = true, strides = array<i32>} : memref<16x1024xf32, #tpu.memory_space<vmem>>, vector<1x16xf32>,
          %get3A_593 = arith.index_cast %scan3A_302 : i32 to index
          %get3A_594 = arith.constant 432 : index
          %get3A_595 = tpu.vector_load %arg6[%get3A_593, %get3A_594] {strides = array<i32>} : memref<32x1024xf32, #tpu.memory_space<vmem>>, vector<1x16xf32>,
          %get3A_596 = vector.shape_cast %get3A_595 : vector<1x16xf32> to vector<16xf32>
          %swap3A_597 = arith.index_cast %add3A_350 : i32 to index
          %swap3A_598 = arith.constant 432 : index
          %swap3A_599 = tpu.vector_load %arg7[%swap3A_597, %swap3A_598] {strides = array<i32>} : memref<16x1024xf32, #tpu.memory_space<vmem>>, vector<1x16xf32>,
          %swap3A_600 = vector.shape_cast %swap3A_599 : vector<1x16xf32> to vector<16xf32>
          %swap3A_601 = vector.shape_cast %get3A_596 : vector<16xf32> to vector<1x16xf32>
          tpu.vector_store %arg7[%swap3A_597, %swap3A_598], %swap3A_601 {add = true, strides = array<i32>} : memref<16x1024xf32, #tpu.memory_space<vmem>>, vector<1x16xf32>,
          %get3A_602 = arith.index_cast %scan3A_302 : i32 to index
          %get3A_603 = arith.constant 448 : index
          %get3A_604 = tpu.vector_load %arg6[%get3A_602, %get3A_603] {strides = array<i32>} : memref<32x1024xf32, #tpu.memory_space<vmem>>, vector<1x16xf32>,
          %get3A_605 = vector.shape_cast %get3A_604 : vector<1x16xf32> to vector<16xf32>
          %swap3A_606 = arith.index_cast %add3A_350 : i32 to index
          %swap3A_607 = arith.constant 448 : index
          %swap3A_608 = tpu.vector_load %arg7[%swap3A_606, %swap3A_607] {strides = array<i32>} : memref<16x1024xf32, #tpu.memory_space<vmem>>, vector<1x16xf32>,
          %swap3A_609 = vector.shape_cast %swap3A_608 : vector<1x16xf32> to vector<16xf32>
          %swap3A_610 = vector.shape_cast %get3A_605 : vector<16xf32> to vector<1x16xf32>
          tpu.vector_store %arg7[%swap3A_606, %swap3A_607], %swap3A_610 {add = true, strides = array<i32>} : memref<16x1024xf32, #tpu.memory_space<vmem>>, vector<1x16xf32>,
          %get3A_611 = arith.index_cast %scan3A_302 : i32 to index
          %get3A_612 = arith.constant 464 : index
          %get3A_613 = tpu.vector_load %arg6[%get3A_611, %get3A_612] {strides = array<i32>} : memref<32x1024xf32, #tpu.memory_space<vmem>>, vector<1x16xf32>,
          %get3A_614 = vector.shape_cast %get3A_613 : vector<1x16xf32> to vector<16xf32>
          %swap3A_615 = arith.index_cast %add3A_350 : i32 to index
          %swap3A_616 = arith.constant 464 : index
          %swap3A_617 = tpu.vector_load %arg7[%swap3A_615, %swap3A_616] {strides = array<i32>} : memref<16x1024xf32, #tpu.memory_space<vmem>>, vector<1x16xf32>,
          %swap3A_618 = vector.shape_cast %swap3A_617 : vector<1x16xf32> to vector<16xf32>
          %swap3A_619 = vector.shape_cast %get3A_614 : vector<16xf32> to vector<1x16xf32>
          tpu.vector_store %arg7[%swap3A_615, %swap3A_616], %swap3A_619 {add = true, strides = array<i32>} : memref<16x1024xf32, #tpu.memory_space<vmem>>, vector<1x16xf32>,
          %get3A_620 = arith.index_cast %scan3A_302 : i32 to index
          %get3A_621 = arith.constant 480 : index
          %get3A_622 = tpu.vector_load %arg6[%get3A_620, %get3A_621] {strides = array<i32>} : memref<32x1024xf32, #tpu.memory_space<vmem>>, vector<1x16xf32>,
          %get3A_623 = vector.shape_cast %get3A_622 : vector<1x16xf32> to vector<16xf32>
          %swap3A_624 = arith.index_cast %add3A_350 : i32 to index
          %swap3A_625 = arith.constant 480 : index
          %swap3A_626 = tpu.vector_load %arg7[%swap3A_624, %swap3A_625] {strides = array<i32>} : memref<16x1024xf32, #tpu.memory_space<vmem>>, vector<1x16xf32>,
          %swap3A_627 = vector.shape_cast %swap3A_626 : vector<1x16xf32> to vector<16xf32>
          %swap3A_628 = vector.shape_cast %get3A_623 : vector<16xf32> to vector<1x16xf32>
          tpu.vector_store %arg7[%swap3A_624, %swap3A_625], %swap3A_628 {add = true, strides = array<i32>} : memref<16x1024xf32, #tpu.memory_space<vmem>>, vector<1x16xf32>,
          %get3A_629 = arith.index_cast %scan3A_302 : i32 to index
          %get3A_630 = arith.constant 496 : index
          %get3A_631 = tpu.vector_load %arg6[%get3A_629, %get3A_630] {strides = array<i32>} : memref<32x1024xf32, #tpu.memory_space<vmem>>, vector<1x16xf32>,
          %get3A_632 = vector.shape_cast %get3A_631 : vector<1x16xf32> to vector<16xf32>
          %swap3A_633 = arith.index_cast %add3A_350 : i32 to index
          %swap3A_634 = arith.constant 496 : index
          %swap3A_635 = tpu.vector_load %arg7[%swap3A_633, %swap3A_634] {strides = array<i32>} : memref<16x1024xf32, #tpu.memory_space<vmem>>, vector<1x16xf32>,
          %swap3A_636 = vector.shape_cast %swap3A_635 : vector<1x16xf32> to vector<16xf32>
          %swap3A_637 = vector.shape_cast %get3A_632 : vector<16xf32> to vector<1x16xf32>
          tpu.vector_store %arg7[%swap3A_633, %swap3A_634], %swap3A_637 {add = true, strides = array<i32>} : memref<16x1024xf32, #tpu.memory_space<vmem>>, vector<1x16xf32>,
          %get3A_638 = arith.index_cast %scan3A_302 : i32 to index
          %get3A_639 = arith.constant 512 : index
          %get3A_640 = tpu.vector_load %arg6[%get3A_638, %get3A_639] {strides = array<i32>} : memref<32x1024xf32, #tpu.memory_space<vmem>>, vector<1x16xf32>,
          %get3A_641 = vector.shape_cast %get3A_640 : vector<1x16xf32> to vector<16xf32>
          %swap3A_642 = arith.index_cast %add3A_350 : i32 to index
          %swap3A_643 = arith.constant 512 : index
          %swap3A_644 = tpu.vector_load %arg7[%swap3A_642, %swap3A_643] {strides = array<i32>} : memref<16x1024xf32, #tpu.memory_space<vmem>>, vector<1x16xf32>,
          %swap3A_645 = vector.shape_cast %swap3A_644 : vector<1x16xf32> to vector<16xf32>
          %swap3A_646 = vector.shape_cast %get3A_641 : vector<16xf32> to vector<1x16xf32>
          tpu.vector_store %arg7[%swap3A_642, %swap3A_643], %swap3A_646 {add = true, strides = array<i32>} : memref<16x1024xf32, #tpu.memory_space<vmem>>, vector<1x16xf32>,
          %get3A_647 = arith.index_cast %scan3A_302 : i32 to index
          %get3A_648 = arith.constant 528 : index
          %get3A_649 = tpu.vector_load %arg6[%get3A_647, %get3A_648] {strides = array<i32>} : memref<32x1024xf32, #tpu.memory_space<vmem>>, vector<1x16xf32>,
          %get3A_650 = vector.shape_cast %get3A_649 : vector<1x16xf32> to vector<16xf32>
          %swap3A_651 = arith.index_cast %add3A_350 : i32 to index
          %swap3A_652 = arith.constant 528 : index
          %swap3A_653 = tpu.vector_load %arg7[%swap3A_651, %swap3A_652] {strides = array<i32>} : memref<16x1024xf32, #tpu.memory_space<vmem>>, vector<1x16xf32>,
          %swap3A_654 = vector.shape_cast %swap3A_653 : vector<1x16xf32> to vector<16xf32>
          %swap3A_655 = vector.shape_cast %get3A_650 : vector<16xf32> to vector<1x16xf32>
          tpu.vector_store %arg7[%swap3A_651, %swap3A_652], %swap3A_655 {add = true, strides = array<i32>} : memref<16x1024xf32, #tpu.memory_space<vmem>>, vector<1x16xf32>,
          %get3A_656 = arith.index_cast %scan3A_302 : i32 to index
          %get3A_657 = arith.constant 544 : index
          %get3A_658 = tpu.vector_load %arg6[%get3A_656, %get3A_657] {strides = array<i32>} : memref<32x1024xf32, #tpu.memory_space<vmem>>, vector<1x16xf32>,
          %get3A_659 = vector.shape_cast %get3A_658 : vector<1x16xf32> to vector<16xf32>
          %swap3A_660 = arith.index_cast %add3A_350 : i32 to index
          %swap3A_661 = arith.constant 544 : index
          %swap3A_662 = tpu.vector_load %arg7[%swap3A_660, %swap3A_661] {strides = array<i32>} : memref<16x1024xf32, #tpu.memory_space<vmem>>, vector<1x16xf32>,
          %swap3A_663 = vector.shape_cast %swap3A_662 : vector<1x16xf32> to vector<16xf32>
          %swap3A_664 = vector.shape_cast %get3A_659 : vector<16xf32> to vector<1x16xf32>
          tpu.vector_store %arg7[%swap3A_660, %swap3A_661], %swap3A_664 {add = true, strides = array<i32>} : memref<16x1024xf32, #tpu.memory_space<vmem>>, vector<1x16xf32>,
          %get3A_665 = arith.index_cast %scan3A_302 : i32 to index
          %get3A_666 = arith.constant 560 : index
          %get3A_667 = tpu.vector_load %arg6[%get3A_665, %get3A_666] {strides = array<i32>} : memref<32x1024xf32, #tpu.memory_space<vmem>>, vector<1x16xf32>,
          %get3A_668 = vector.shape_cast %get3A_667 : vector<1x16xf32> to vector<16xf32>
          %swap3A_669 = arith.index_cast %add3A_350 : i32 to index
          %swap3A_670 = arith.constant 560 : index
          %swap3A_671 = tpu.vector_load %arg7[%swap3A_669, %swap3A_670] {strides = array<i32>} : memref<16x1024xf32, #tpu.memory_space<vmem>>, vector<1x16xf32>,
          %swap3A_672 = vector.shape_cast %swap3A_671 : vector<1x16xf32> to vector<16xf32>
          %swap3A_673 = vector.shape_cast %get3A_668 : vector<16xf32> to vector<1x16xf32>
          tpu.vector_store %arg7[%swap3A_669, %swap3A_670], %swap3A_673 {add = true, strides = array<i32>} : memref<16x1024xf32, #tpu.memory_space<vmem>>, vector<1x16xf32>,
          %get3A_674 = arith.index_cast %scan3A_302 : i32 to index
          %get3A_675 = arith.constant 576 : index
          %get3A_676 = tpu.vector_load %arg6[%get3A_674, %get3A_675] {strides = array<i32>} : memref<32x1024xf32, #tpu.memory_space<vmem>>, vector<1x16xf32>,
          %get3A_677 = vector.shape_cast %get3A_676 : vector<1x16xf32> to vector<16xf32>
          %swap3A_678 = arith.index_cast %add3A_350 : i32 to index
          %swap3A_679 = arith.constant 576 : index
          %swap3A_680 = tpu.vector_load %arg7[%swap3A_678, %swap3A_679] {strides = array<i32>} : memref<16x1024xf32, #tpu.memory_space<vmem>>, vector<1x16xf32>,
          %swap3A_681 = vector.shape_cast %swap3A_680 : vector<1x16xf32> to vector<16xf32>
          %swap3A_682 = vector.shape_cast %get3A_677 : vector<16xf32> to vector<1x16xf32>
          tpu.vector_store %arg7[%swap3A_678, %swap3A_679], %swap3A_682 {add = true, strides = array<i32>} : memref<16x1024xf32, #tpu.memory_space<vmem>>, vector<1x16xf32>,
          %get3A_683 = arith.index_cast %scan3A_302 : i32 to index
          %get3A_684 = arith.constant 592 : index
          %get3A_685 = tpu.vector_load %arg6[%get3A_683, %get3A_684] {strides = array<i32>} : memref<32x1024xf32, #tpu.memory_space<vmem>>, vector<1x16xf32>,
          %get3A_686 = vector.shape_cast %get3A_685 : vector<1x16xf32> to vector<16xf32>
          %swap3A_687 = arith.index_cast %add3A_350 : i32 to index
          %swap3A_688 = arith.constant 592 : index
          %swap3A_689 = tpu.vector_load %arg7[%swap3A_687, %swap3A_688] {strides = array<i32>} : memref<16x1024xf32, #tpu.memory_space<vmem>>, vector<1x16xf32>,
          %swap3A_690 = vector.shape_cast %swap3A_689 : vector<1x16xf32> to vector<16xf32>
          %swap3A_691 = vector.shape_cast %get3A_686 : vector<16xf32> to vector<1x16xf32>
          tpu.vector_store %arg7[%swap3A_687, %swap3A_688], %swap3A_691 {add = true, strides = array<i32>} : memref<16x1024xf32, #tpu.memory_space<vmem>>, vector<1x16xf32>,
          %get3A_692 = arith.index_cast %scan3A_302 : i32 to index
          %get3A_693 = arith.constant 608 : index
          %get3A_694 = tpu.vector_load %arg6[%get3A_692, %get3A_693] {strides = array<i32>} : memref<32x1024xf32, #tpu.memory_space<vmem>>, vector<1x16xf32>,
          %get3A_695 = vector.shape_cast %get3A_694 : vector<1x16xf32> to vector<16xf32>
          %swap3A_696 = arith.index_cast %add3A_350 : i32 to index
          %swap3A_697 = arith.constant 608 : index
          %swap3A_698 = tpu.vector_load %arg7[%swap3A_696, %swap3A_697] {strides = array<i32>} : memref<16x1024xf32, #tpu.memory_space<vmem>>, vector<1x16xf32>,
          %swap3A_699 = vector.shape_cast %swap3A_698 : vector<1x16xf32> to vector<16xf32>
          %swap3A_700 = vector.shape_cast %get3A_695 : vector<16xf32> to vector<1x16xf32>
          tpu.vector_store %arg7[%swap3A_696, %swap3A_697], %swap3A_700 {add = true, strides = array<i32>} : memref<16x1024xf32, #tpu.memory_space<vmem>>, vector<1x16xf32>,
          %get3A_701 = arith.index_cast %scan3A_302 : i32 to index
          %get3A_702 = arith.constant 624 : index
          %get3A_703 = tpu.vector_load %arg6[%get3A_701, %get3A_702] {strides = array<i32>} : memref<32x1024xf32, #tpu.memory_space<vmem>>, vector<1x16xf32>,
          %get3A_704 = vector.shape_cast %get3A_703 : vector<1x16xf32> to vector<16xf32>
          %swap3A_705 = arith.index_cast %add3A_350 : i32 to index
          %swap3A_706 = arith.constant 624 : index
          %swap3A_707 = tpu.vector_load %arg7[%swap3A_705, %swap3A_706] {strides = array<i32>} : memref<16x1024xf32, #tpu.memory_space<vmem>>, vector<1x16xf32>,
          %swap3A_708 = vector.shape_cast %swap3A_707 : vector<1x16xf32> to vector<16xf32>
          %swap3A_709 = vector.shape_cast %get3A_704 : vector<16xf32> to vector<1x16xf32>
          tpu.vector_store %arg7[%swap3A_705, %swap3A_706], %swap3A_709 {add = true, strides = array<i32>} : memref<16x1024xf32, #tpu.memory_space<vmem>>, vector<1x16xf32>,
          %get3A_710 = arith.index_cast %scan3A_302 : i32 to index
          %get3A_711 = arith.constant 640 : index
          %get3A_712 = tpu.vector_load %arg6[%get3A_710, %get3A_711] {strides = array<i32>} : memref<32x1024xf32, #tpu.memory_space<vmem>>, vector<1x16xf32>,
          %get3A_713 = vector.shape_cast %get3A_712 : vector<1x16xf32> to vector<16xf32>
          %swap3A_714 = arith.index_cast %add3A_350 : i32 to index
          %swap3A_715 = arith.constant 640 : index
          %swap3A_716 = tpu.vector_load %arg7[%swap3A_714, %swap3A_715] {strides = array<i32>} : memref<16x1024xf32, #tpu.memory_space<vmem>>, vector<1x16xf32>,
          %swap3A_717 = vector.shape_cast %swap3A_716 : vector<1x16xf32> to vector<16xf32>
          %swap3A_718 = vector.shape_cast %get3A_713 : vector<16xf32> to vector<1x16xf32>
          tpu.vector_store %arg7[%swap3A_714, %swap3A_715], %swap3A_718 {add = true, strides = array<i32>} : memref<16x1024xf32, #tpu.memory_space<vmem>>, vector<1x16xf32>,
          %get3A_719 = arith.index_cast %scan3A_302 : i32 to index
          %get3A_720 = arith.constant 656 : index
          %get3A_721 = tpu.vector_load %arg6[%get3A_719, %get3A_720] {strides = array<i32>} : memref<32x1024xf32, #tpu.memory_space<vmem>>, vector<1x16xf32>,
          %get3A_722 = vector.shape_cast %get3A_721 : vector<1x16xf32> to vector<16xf32>
          %swap3A_723 = arith.index_cast %add3A_350 : i32 to index
          %swap3A_724 = arith.constant 656 : index
          %swap3A_725 = tpu.vector_load %arg7[%swap3A_723, %swap3A_724] {strides = array<i32>} : memref<16x1024xf32, #tpu.memory_space<vmem>>, vector<1x16xf32>,
          %swap3A_726 = vector.shape_cast %swap3A_725 : vector<1x16xf32> to vector<16xf32>
          %swap3A_727 = vector.shape_cast %get3A_722 : vector<16xf32> to vector<1x16xf32>
          tpu.vector_store %arg7[%swap3A_723, %swap3A_724], %swap3A_727 {add = true, strides = array<i32>} : memref<16x1024xf32, #tpu.memory_space<vmem>>, vector<1x16xf32>,
          %get3A_728 = arith.index_cast %scan3A_302 : i32 to index
          %get3A_729 = arith.constant 672 : index
          %get3A_730 = tpu.vector_load %arg6[%get3A_728, %get3A_729] {strides = array<i32>} : memref<32x1024xf32, #tpu.memory_space<vmem>>, vector<1x16xf32>,
          %get3A_731 = vector.shape_cast %get3A_730 : vector<1x16xf32> to vector<16xf32>
          %swap3A_732 = arith.index_cast %add3A_350 : i32 to index
          %swap3A_733 = arith.constant 672 : index
          %swap3A_734 = tpu.vector_load %arg7[%swap3A_732, %swap3A_733] {strides = array<i32>} : memref<16x1024xf32, #tpu.memory_space<vmem>>, vector<1x16xf32>,
          %swap3A_735 = vector.shape_cast %swap3A_734 : vector<1x16xf32> to vector<16xf32>
          %swap3A_736 = vector.shape_cast %get3A_731 : vector<16xf32> to vector<1x16xf32>
          tpu.vector_store %arg7[%swap3A_732, %swap3A_733], %swap3A_736 {add = true, strides = array<i32>} : memref<16x1024xf32, #tpu.memory_space<vmem>>, vector<1x16xf32>,
          %get3A_737 = arith.index_cast %scan3A_302 : i32 to index
          %get3A_738 = arith.constant 688 : index
          %get3A_739 = tpu.vector_load %arg6[%get3A_737, %get3A_738] {strides = array<i32>} : memref<32x1024xf32, #tpu.memory_space<vmem>>, vector<1x16xf32>,
          %get3A_740 = vector.shape_cast %get3A_739 : vector<1x16xf32> to vector<16xf32>
          %swap3A_741 = arith.index_cast %add3A_350 : i32 to index
          %swap3A_742 = arith.constant 688 : index
          %swap3A_743 = tpu.vector_load %arg7[%swap3A_741, %swap3A_742] {strides = array<i32>} : memref<16x1024xf32, #tpu.memory_space<vmem>>, vector<1x16xf32>,
          %swap3A_744 = vector.shape_cast %swap3A_743 : vector<1x16xf32> to vector<16xf32>
          %swap3A_745 = vector.shape_cast %get3A_740 : vector<16xf32> to vector<1x16xf32>
          tpu.vector_store %arg7[%swap3A_741, %swap3A_742], %swap3A_745 {add = true, strides = array<i32>} : memref<16x1024xf32, #tpu.memory_space<vmem>>, vector<1x16xf32>,
          %get3A_746 = arith.index_cast %scan3A_302 : i32 to index
          %get3A_747 = arith.constant 704 : index
          %get3A_748 = tpu.vector_load %arg6[%get3A_746, %get3A_747] {strides = array<i32>} : memref<32x1024xf32, #tpu.memory_space<vmem>>, vector<1x16xf32>,
          %get3A_749 = vector.shape_cast %get3A_748 : vector<1x16xf32> to vector<16xf32>
          %swap3A_750 = arith.index_cast %add3A_350 : i32 to index
          %swap3A_751 = arith.constant 704 : index
          %swap3A_752 = tpu.vector_load %arg7[%swap3A_750, %swap3A_751] {strides = array<i32>} : memref<16x1024xf32, #tpu.memory_space<vmem>>, vector<1x16xf32>,
          %swap3A_753 = vector.shape_cast %swap3A_752 : vector<1x16xf32> to vector<16xf32>
          %swap3A_754 = vector.shape_cast %get3A_749 : vector<16xf32> to vector<1x16xf32>
          tpu.vector_store %arg7[%swap3A_750, %swap3A_751], %swap3A_754 {add = true, strides = array<i32>} : memref<16x1024xf32, #tpu.memory_space<vmem>>, vector<1x16xf32>,
          %get3A_755 = arith.index_cast %scan3A_302 : i32 to index
          %get3A_756 = arith.constant 720 : index
          %get3A_757 = tpu.vector_load %arg6[%get3A_755, %get3A_756] {strides = array<i32>} : memref<32x1024xf32, #tpu.memory_space<vmem>>, vector<1x16xf32>,
          %get3A_758 = vector.shape_cast %get3A_757 : vector<1x16xf32> to vector<16xf32>
          %swap3A_759 = arith.index_cast %add3A_350 : i32 to index
          %swap3A_760 = arith.constant 720 : index
          %swap3A_761 = tpu.vector_load %arg7[%swap3A_759, %swap3A_760] {strides = array<i32>} : memref<16x1024xf32, #tpu.memory_space<vmem>>, vector<1x16xf32>,
          %swap3A_762 = vector.shape_cast %swap3A_761 : vector<1x16xf32> to vector<16xf32>
          %swap3A_763 = vector.shape_cast %get3A_758 : vector<16xf32> to vector<1x16xf32>
          tpu.vector_store %arg7[%swap3A_759, %swap3A_760], %swap3A_763 {add = true, strides = array<i32>} : memref<16x1024xf32, #tpu.memory_space<vmem>>, vector<1x16xf32>,
          %get3A_764 = arith.index_cast %scan3A_302 : i32 to index
          %get3A_765 = arith.constant 736 : index
          %get3A_766 = tpu.vector_load %arg6[%get3A_764, %get3A_765] {strides = array<i32>} : memref<32x1024xf32, #tpu.memory_space<vmem>>, vector<1x16xf32>,
          %get3A_767 = vector.shape_cast %get3A_766 : vector<1x16xf32> to vector<16xf32>
          %swap3A_768 = arith.index_cast %add3A_350 : i32 to index
          %swap3A_769 = arith.constant 736 : index
          %swap3A_770 = tpu.vector_load %arg7[%swap3A_768, %swap3A_769] {strides = array<i32>} : memref<16x1024xf32, #tpu.memory_space<vmem>>, vector<1x16xf32>,
          %swap3A_771 = vector.shape_cast %swap3A_770 : vector<1x16xf32> to vector<16xf32>
          %swap3A_772 = vector.shape_cast %get3A_767 : vector<16xf32> to vector<1x16xf32>
          tpu.vector_store %arg7[%swap3A_768, %swap3A_769], %swap3A_772 {add = true, strides = array<i32>} : memref<16x1024xf32, #tpu.memory_space<vmem>>, vector<1x16xf32>,
          %get3A_773 = arith.index_cast %scan3A_302 : i32 to index
          %get3A_774 = arith.constant 752 : index
          %get3A_775 = tpu.vector_load %arg6[%get3A_773, %get3A_774] {strides = array<i32>} : memref<32x1024xf32, #tpu.memory_space<vmem>>, vector<1x16xf32>,
          %get3A_776 = vector.shape_cast %get3A_775 : vector<1x16xf32> to vector<16xf32>
          %swap3A_777 = arith.index_cast %add3A_350 : i32 to index
          %swap3A_778 = arith.constant 752 : index
          %swap3A_779 = tpu.vector_load %arg7[%swap3A_777, %swap3A_778] {strides = array<i32>} : memref<16x1024xf32, #tpu.memory_space<vmem>>, vector<1x16xf32>,
          %swap3A_780 = vector.shape_cast %swap3A_779 : vector<1x16xf32> to vector<16xf32>
          %swap3A_781 = vector.shape_cast %get3A_776 : vector<16xf32> to vector<1x16xf32>
          tpu.vector_store %arg7[%swap3A_777, %swap3A_778], %swap3A_781 {add = true, strides = array<i32>} : memref<16x1024xf32, #tpu.memory_space<vmem>>, vector<1x16xf32>,
          %get3A_782 = arith.index_cast %scan3A_302 : i32 to index
          %get3A_783 = arith.constant 768 : index
          %get3A_784 = tpu.vector_load %arg6[%get3A_782, %get3A_783] {strides = array<i32>} : memref<32x1024xf32, #tpu.memory_space<vmem>>, vector<1x16xf32>,
          %get3A_785 = vector.shape_cast %get3A_784 : vector<1x16xf32> to vector<16xf32>
          %swap3A_786 = arith.index_cast %add3A_350 : i32 to index
          %swap3A_787 = arith.constant 768 : index
          %swap3A_788 = tpu.vector_load %arg7[%swap3A_786, %swap3A_787] {strides = array<i32>} : memref<16x1024xf32, #tpu.memory_space<vmem>>, vector<1x16xf32>,
          %swap3A_789 = vector.shape_cast %swap3A_788 : vector<1x16xf32> to vector<16xf32>
          %swap3A_790 = vector.shape_cast %get3A_785 : vector<16xf32> to vector<1x16xf32>
          tpu.vector_store %arg7[%swap3A_786, %swap3A_787], %swap3A_790 {add = true, strides = array<i32>} : memref<16x1024xf32, #tpu.memory_space<vmem>>, vector<1x16xf32>,
          %get3A_791 = arith.index_cast %scan3A_302 : i32 to index
          %get3A_792 = arith.constant 784 : index
          %get3A_793 = tpu.vector_load %arg6[%get3A_791, %get3A_792] {strides = array<i32>} : memref<32x1024xf32, #tpu.memory_space<vmem>>, vector<1x16xf32>,
          %get3A_794 = vector.shape_cast %get3A_793 : vector<1x16xf32> to vector<16xf32>
          %swap3A_795 = arith.index_cast %add3A_350 : i32 to index
          %swap3A_796 = arith.constant 784 : index
          %swap3A_797 = tpu.vector_load %arg7[%swap3A_795, %swap3A_796] {strides = array<i32>} : memref<16x1024xf32, #tpu.memory_space<vmem>>, vector<1x16xf32>,
          %swap3A_798 = vector.shape_cast %swap3A_797 : vector<1x16xf32> to vector<16xf32>
          %swap3A_799 = vector.shape_cast %get3A_794 : vector<16xf32> to vector<1x16xf32>
          tpu.vector_store %arg7[%swap3A_795, %swap3A_796], %swap3A_799 {add = true, strides = array<i32>} : memref<16x1024xf32, #tpu.memory_space<vmem>>, vector<1x16xf32>,
          %get3A_800 = arith.index_cast %scan3A_302 : i32 to index
          %get3A_801 = arith.constant 800 : index
          %get3A_802 = tpu.vector_load %arg6[%get3A_800, %get3A_801] {strides = array<i32>} : memref<32x1024xf32, #tpu.memory_space<vmem>>, vector<1x16xf32>,
          %get3A_803 = vector.shape_cast %get3A_802 : vector<1x16xf32> to vector<16xf32>
          %swap3A_804 = arith.index_cast %add3A_350 : i32 to index
          %swap3A_805 = arith.constant 800 : index
          %swap3A_806 = tpu.vector_load %arg7[%swap3A_804, %swap3A_805] {strides = array<i32>} : memref<16x1024xf32, #tpu.memory_space<vmem>>, vector<1x16xf32>,
          %swap3A_807 = vector.shape_cast %swap3A_806 : vector<1x16xf32> to vector<16xf32>
          %swap3A_808 = vector.shape_cast %get3A_803 : vector<16xf32> to vector<1x16xf32>
          tpu.vector_store %arg7[%swap3A_804, %swap3A_805], %swap3A_808 {add = true, strides = array<i32>} : memref<16x1024xf32, #tpu.memory_space<vmem>>, vector<1x16xf32>,
          %get3A_809 = arith.index_cast %scan3A_302 : i32 to index
          %get3A_810 = arith.constant 816 : index
          %get3A_811 = tpu.vector_load %arg6[%get3A_809, %get3A_810] {strides = array<i32>} : memref<32x1024xf32, #tpu.memory_space<vmem>>, vector<1x16xf32>,
          %get3A_812 = vector.shape_cast %get3A_811 : vector<1x16xf32> to vector<16xf32>
          %swap3A_813 = arith.index_cast %add3A_350 : i32 to index
          %swap3A_814 = arith.constant 816 : index
          %swap3A_815 = tpu.vector_load %arg7[%swap3A_813, %swap3A_814] {strides = array<i32>} : memref<16x1024xf32, #tpu.memory_space<vmem>>, vector<1x16xf32>,
          %swap3A_816 = vector.shape_cast %swap3A_815 : vector<1x16xf32> to vector<16xf32>
          %swap3A_817 = vector.shape_cast %get3A_812 : vector<16xf32> to vector<1x16xf32>
          tpu.vector_store %arg7[%swap3A_813, %swap3A_814], %swap3A_817 {add = true, strides = array<i32>} : memref<16x1024xf32, #tpu.memory_space<vmem>>, vector<1x16xf32>,
          %get3A_818 = arith.index_cast %scan3A_302 : i32 to index
          %get3A_819 = arith.constant 832 : index
          %get3A_820 = tpu.vector_load %arg6[%get3A_818, %get3A_819] {strides = array<i32>} : memref<32x1024xf32, #tpu.memory_space<vmem>>, vector<1x16xf32>,
          %get3A_821 = vector.shape_cast %get3A_820 : vector<1x16xf32> to vector<16xf32>
          %swap3A_822 = arith.index_cast %add3A_350 : i32 to index
          %swap3A_823 = arith.constant 832 : index
          %swap3A_824 = tpu.vector_load %arg7[%swap3A_822, %swap3A_823] {strides = array<i32>} : memref<16x1024xf32, #tpu.memory_space<vmem>>, vector<1x16xf32>,
          %swap3A_825 = vector.shape_cast %swap3A_824 : vector<1x16xf32> to vector<16xf32>
          %swap3A_826 = vector.shape_cast %get3A_821 : vector<16xf32> to vector<1x16xf32>
          tpu.vector_store %arg7[%swap3A_822, %swap3A_823], %swap3A_826 {add = true, strides = array<i32>} : memref<16x1024xf32, #tpu.memory_space<vmem>>, vector<1x16xf32>,
          %get3A_827 = arith.index_cast %scan3A_302 : i32 to index
          %get3A_828 = arith.constant 848 : index
          %get3A_829 = tpu.vector_load %arg6[%get3A_827, %get3A_828] {strides = array<i32>} : memref<32x1024xf32, #tpu.memory_space<vmem>>, vector<1x16xf32>,
          %get3A_830 = vector.shape_cast %get3A_829 : vector<1x16xf32> to vector<16xf32>
          %swap3A_831 = arith.index_cast %add3A_350 : i32 to index
          %swap3A_832 = arith.constant 848 : index
          %swap3A_833 = tpu.vector_load %arg7[%swap3A_831, %swap3A_832] {strides = array<i32>} : memref<16x1024xf32, #tpu.memory_space<vmem>>, vector<1x16xf32>,
          %swap3A_834 = vector.shape_cast %swap3A_833 : vector<1x16xf32> to vector<16xf32>
          %swap3A_835 = vector.shape_cast %get3A_830 : vector<16xf32> to vector<1x16xf32>
          tpu.vector_store %arg7[%swap3A_831, %swap3A_832], %swap3A_835 {add = true, strides = array<i32>} : memref<16x1024xf32, #tpu.memory_space<vmem>>, vector<1x16xf32>,
          %get3A_836 = arith.index_cast %scan3A_302 : i32 to index
          %get3A_837 = arith.constant 864 : index
          %get3A_838 = tpu.vector_load %arg6[%get3A_836, %get3A_837] {strides = array<i32>} : memref<32x1024xf32, #tpu.memory_space<vmem>>, vector<1x16xf32>,
          %get3A_839 = vector.shape_cast %get3A_838 : vector<1x16xf32> to vector<16xf32>
          %swap3A_840 = arith.index_cast %add3A_350 : i32 to index
          %swap3A_841 = arith.constant 864 : index
          %swap3A_842 = tpu.vector_load %arg7[%swap3A_840, %swap3A_841] {strides = array<i32>} : memref<16x1024xf32, #tpu.memory_space<vmem>>, vector<1x16xf32>,
          %swap3A_843 = vector.shape_cast %swap3A_842 : vector<1x16xf32> to vector<16xf32>
          %swap3A_844 = vector.shape_cast %get3A_839 : vector<16xf32> to vector<1x16xf32>
          tpu.vector_store %arg7[%swap3A_840, %swap3A_841], %swap3A_844 {add = true, strides = array<i32>} : memref<16x1024xf32, #tpu.memory_space<vmem>>, vector<1x16xf32>,
          %get3A_845 = arith.index_cast %scan3A_302 : i32 to index
          %get3A_846 = arith.constant 880 : index
          %get3A_847 = tpu.vector_load %arg6[%get3A_845, %get3A_846] {strides = array<i32>} : memref<32x1024xf32, #tpu.memory_space<vmem>>, vector<1x16xf32>,
          %get3A_848 = vector.shape_cast %get3A_847 : vector<1x16xf32> to vector<16xf32>
          %swap3A_849 = arith.index_cast %add3A_350 : i32 to index
          %swap3A_850 = arith.constant 880 : index
          %swap3A_851 = tpu.vector_load %arg7[%swap3A_849, %swap3A_850] {strides = array<i32>} : memref<16x1024xf32, #tpu.memory_space<vmem>>, vector<1x16xf32>,
          %swap3A_852 = vector.shape_cast %swap3A_851 : vector<1x16xf32> to vector<16xf32>
          %swap3A_853 = vector.shape_cast %get3A_848 : vector<16xf32> to vector<1x16xf32>
          tpu.vector_store %arg7[%swap3A_849, %swap3A_850], %swap3A_853 {add = true, strides = array<i32>} : memref<16x1024xf32, #tpu.memory_space<vmem>>, vector<1x16xf32>,
          %get3A_854 = arith.index_cast %scan3A_302 : i32 to index
          %get3A_855 = arith.constant 896 : index
          %get3A_856 = tpu.vector_load %arg6[%get3A_854, %get3A_855] {strides = array<i32>} : memref<32x1024xf32, #tpu.memory_space<vmem>>, vector<1x16xf32>,
          %get3A_857 = vector.shape_cast %get3A_856 : vector<1x16xf32> to vector<16xf32>
          %swap3A_858 = arith.index_cast %add3A_350 : i32 to index
          %swap3A_859 = arith.constant 896 : index
          %swap3A_860 = tpu.vector_load %arg7[%swap3A_858, %swap3A_859] {strides = array<i32>} : memref<16x1024xf32, #tpu.memory_space<vmem>>, vector<1x16xf32>,
          %swap3A_861 = vector.shape_cast %swap3A_860 : vector<1x16xf32> to vector<16xf32>
          %swap3A_862 = vector.shape_cast %get3A_857 : vector<16xf32> to vector<1x16xf32>
          tpu.vector_store %arg7[%swap3A_858, %swap3A_859], %swap3A_862 {add = true, strides = array<i32>} : memref<16x1024xf32, #tpu.memory_space<vmem>>, vector<1x16xf32>,
          %get3A_863 = arith.index_cast %scan3A_302 : i32 to index
          %get3A_864 = arith.constant 912 : index
          %get3A_865 = tpu.vector_load %arg6[%get3A_863, %get3A_864] {strides = array<i32>} : memref<32x1024xf32, #tpu.memory_space<vmem>>, vector<1x16xf32>,
          %get3A_866 = vector.shape_cast %get3A_865 : vector<1x16xf32> to vector<16xf32>
          %swap3A_867 = arith.index_cast %add3A_350 : i32 to index
          %swap3A_868 = arith.constant 912 : index
          %swap3A_869 = tpu.vector_load %arg7[%swap3A_867, %swap3A_868] {strides = array<i32>} : memref<16x1024xf32, #tpu.memory_space<vmem>>, vector<1x16xf32>,
          %swap3A_870 = vector.shape_cast %swap3A_869 : vector<1x16xf32> to vector<16xf32>
          %swap3A_871 = vector.shape_cast %get3A_866 : vector<16xf32> to vector<1x16xf32>
          tpu.vector_store %arg7[%swap3A_867, %swap3A_868], %swap3A_871 {add = true, strides = array<i32>} : memref<16x1024xf32, #tpu.memory_space<vmem>>, vector<1x16xf32>,
          %get3A_872 = arith.index_cast %scan3A_302 : i32 to index
          %get3A_873 = arith.constant 928 : index
          %get3A_874 = tpu.vector_load %arg6[%get3A_872, %get3A_873] {strides = array<i32>} : memref<32x1024xf32, #tpu.memory_space<vmem>>, vector<1x16xf32>,
          %get3A_875 = vector.shape_cast %get3A_874 : vector<1x16xf32> to vector<16xf32>
          %swap3A_876 = arith.index_cast %add3A_350 : i32 to index
          %swap3A_877 = arith.constant 928 : index
          %swap3A_878 = tpu.vector_load %arg7[%swap3A_876, %swap3A_877] {strides = array<i32>} : memref<16x1024xf32, #tpu.memory_space<vmem>>, vector<1x16xf32>,
          %swap3A_879 = vector.shape_cast %swap3A_878 : vector<1x16xf32> to vector<16xf32>
          %swap3A_880 = vector.shape_cast %get3A_875 : vector<16xf32> to vector<1x16xf32>
          tpu.vector_store %arg7[%swap3A_876, %swap3A_877], %swap3A_880 {add = true, strides = array<i32>} : memref<16x1024xf32, #tpu.memory_space<vmem>>, vector<1x16xf32>,
          %get3A_881 = arith.index_cast %scan3A_302 : i32 to index
          %get3A_882 = arith.constant 944 : index
          %get3A_883 = tpu.vector_load %arg6[%get3A_881, %get3A_882] {strides = array<i32>} : memref<32x1024xf32, #tpu.memory_space<vmem>>, vector<1x16xf32>,
          %get3A_884 = vector.shape_cast %get3A_883 : vector<1x16xf32> to vector<16xf32>
          %swap3A_885 = arith.index_cast %add3A_350 : i32 to index
          %swap3A_886 = arith.constant 944 : index
          %swap3A_887 = tpu.vector_load %arg7[%swap3A_885, %swap3A_886] {strides = array<i32>} : memref<16x1024xf32, #tpu.memory_space<vmem>>, vector<1x16xf32>,
          %swap3A_888 = vector.shape_cast %swap3A_887 : vector<1x16xf32> to vector<16xf32>
          %swap3A_889 = vector.shape_cast %get3A_884 : vector<16xf32> to vector<1x16xf32>
          tpu.vector_store %arg7[%swap3A_885, %swap3A_886], %swap3A_889 {add = true, strides = array<i32>} : memref<16x1024xf32, #tpu.memory_space<vmem>>, vector<1x16xf32>,
          %get3A_890 = arith.index_cast %scan3A_302 : i32 to index
          %get3A_891 = arith.constant 960 : index
          %get3A_892 = tpu.vector_load %arg6[%get3A_890, %get3A_891] {strides = array<i32>} : memref<32x1024xf32, #tpu.memory_space<vmem>>, vector<1x16xf32>,
          %get3A_893 = vector.shape_cast %get3A_892 : vector<1x16xf32> to vector<16xf32>
          %swap3A_894 = arith.index_cast %add3A_350 : i32 to index
          %swap3A_895 = arith.constant 960 : index
          %swap3A_896 = tpu.vector_load %arg7[%swap3A_894, %swap3A_895] {strides = array<i32>} : memref<16x1024xf32, #tpu.memory_space<vmem>>, vector<1x16xf32>,
          %swap3A_897 = vector.shape_cast %swap3A_896 : vector<1x16xf32> to vector<16xf32>
          %swap3A_898 = vector.shape_cast %get3A_893 : vector<16xf32> to vector<1x16xf32>
          tpu.vector_store %arg7[%swap3A_894, %swap3A_895], %swap3A_898 {add = true, strides = array<i32>} : memref<16x1024xf32, #tpu.memory_space<vmem>>, vector<1x16xf32>,
          %get3A_899 = arith.index_cast %scan3A_302 : i32 to index
          %get3A_900 = arith.constant 976 : index
          %get3A_901 = tpu.vector_load %arg6[%get3A_899, %get3A_900] {strides = array<i32>} : memref<32x1024xf32, #tpu.memory_space<vmem>>, vector<1x16xf32>,
          %get3A_902 = vector.shape_cast %get3A_901 : vector<1x16xf32> to vector<16xf32>
          %swap3A_903 = arith.index_cast %add3A_350 : i32 to index
          %swap3A_904 = arith.constant 976 : index
          %swap3A_905 = tpu.vector_load %arg7[%swap3A_903, %swap3A_904] {strides = array<i32>} : memref<16x1024xf32, #tpu.memory_space<vmem>>, vector<1x16xf32>,
          %swap3A_906 = vector.shape_cast %swap3A_905 : vector<1x16xf32> to vector<16xf32>
          %swap3A_907 = vector.shape_cast %get3A_902 : vector<16xf32> to vector<1x16xf32>
          tpu.vector_store %arg7[%swap3A_903, %swap3A_904], %swap3A_907 {add = true, strides = array<i32>} : memref<16x1024xf32, #tpu.memory_space<vmem>>, vector<1x16xf32>,
          %get3A_908 = arith.index_cast %scan3A_302 : i32 to index
          %get3A_909 = arith.constant 992 : index
          %get3A_910 = tpu.vector_load %arg6[%get3A_908, %get3A_909] {strides = array<i32>} : memref<32x1024xf32, #tpu.memory_space<vmem>>, vector<1x16xf32>,
          %get3A_911 = vector.shape_cast %get3A_910 : vector<1x16xf32> to vector<16xf32>
          %swap3A_912 = arith.index_cast %add3A_350 : i32 to index
          %swap3A_913 = arith.constant 992 : index
          %swap3A_914 = tpu.vector_load %arg7[%swap3A_912, %swap3A_913] {strides = array<i32>} : memref<16x1024xf32, #tpu.memory_space<vmem>>, vector<1x16xf32>,
          %swap3A_915 = vector.shape_cast %swap3A_914 : vector<1x16xf32> to vector<16xf32>
          %swap3A_916 = vector.shape_cast %get3A_911 : vector<16xf32> to vector<1x16xf32>
          tpu.vector_store %arg7[%swap3A_912, %swap3A_913], %swap3A_916 {add = true, strides = array<i32>} : memref<16x1024xf32, #tpu.memory_space<vmem>>, vector<1x16xf32>,
          %get3A_917 = arith.index_cast %scan3A_302 : i32 to index
          %get3A_918 = arith.constant 1008 : index
          %get3A_919 = tpu.vector_load %arg6[%get3A_917, %get3A_918] {strides = array<i32>} : memref<32x1024xf32, #tpu.memory_space<vmem>>, vector<1x16xf32>,
          %get3A_920 = vector.shape_cast %get3A_919 : vector<1x16xf32> to vector<16xf32>
          %swap3A_921 = arith.index_cast %add3A_350 : i32 to index
          %swap3A_922 = arith.constant 1008 : index
          %swap3A_923 = tpu.vector_load %arg7[%swap3A_921, %swap3A_922] {strides = array<i32>} : memref<16x1024xf32, #tpu.memory_space<vmem>>, vector<1x16xf32>,
          %swap3A_924 = vector.shape_cast %swap3A_923 : vector<1x16xf32> to vector<16xf32>
          %swap3A_925 = vector.shape_cast %get3A_920 : vector<16xf32> to vector<1x16xf32>
          tpu.vector_store %arg7[%swap3A_921, %swap3A_922], %swap3A_925 {add = true, strides = array<i32>} : memref<16x1024xf32, #tpu.memory_space<vmem>>, vector<1x16xf32>,
          %scan3A_926 = arith.constant 0 : i32
          scf.yield %scan3A_926 : i32
        }
        %scan3A_300 = arith.constant 32 : i32
        %cond3A_301 = arith.constant 0 : i32
        scf.yield %cond3A_301 : i32
      }
      %scan3A_293 = arith.constant 0 : i32
      scf.yield %scan3A_293 : i32
    }
    %scan3A_51 = arith.constant 2 : i32
    %dma_wait3A = arith.constant 0 : i32
    %dma_wait3A_52 = tpu.memref_slice %arg2[%mul3A_2, %dma_wait3A] : memref<16384x1024xf32, #tpu.memory_space<hbm>> -> memref<32x1024xf32, #tpu.memory_space<hbm>>
    %dma_wait3A_53 = arith.constant 0 : i32
    %dma_wait3A_54 = tpu.memref_slice %arg2[%mul3A_2, %dma_wait3A_53] : memref<16384x1024xf32, #tpu.memory_space<hbm>> -> memref<32x1024xf32, #tpu.memory_space<hbm>>
    tpu.wait_dma2 semaphore(%arg9 : memref<!tpu.dma_semaphore, #tpu.memory_space<semaphore_mem>>) src(%dma_wait3A_54 : memref<32x1024xf32, #tpu.memory_space<hbm>>) dst(%arg5 : memref<32x1024xf32, #tpu.memory_space<vmem>>)
    "tpu.region"() ({
      %run_scoped3A = tpu.sem_alloc : memref<!tpu.dma_semaphore, #tpu.memory_space<semaphore_mem>>
      %dma_start3A_55 = arith.constant 0 : i32
      %dma_start3A_56 = arith.constant 0 : i32
      %dma_start3A_57 = tpu.memref_slice %arg4[%add3A, %dma_start3A_55, %dma_start3A_56] : memref<32x16x1024xf32, #tpu.memory_space<hbm>> -> memref<1x16x1024xf32, #tpu.memory_space<hbm>>
      %dma_start3A_58 = tpu.memref_squeeze %dma_start3A_57 : memref<1x16x1024xf32, #tpu.memory_space<hbm>> -> memref<16x1024xf32, #tpu.memory_space<hbm>>
      %dma_start3A_59 = arith.constant 0 : i32
      %dma_start3A_60 = arith.constant 0 : i32
      %dma_start3A_61 = tpu.memref_slice %arg4[%add3A, %dma_start3A_59, %dma_start3A_60] : memref<32x16x1024xf32, #tpu.memory_space<hbm>> -> memref<1x16x1024xf32, #tpu.memory_space<hbm>>
      %dma_start3A_62 = tpu.memref_squeeze %dma_start3A_61 : memref<1x16x1024xf32, #tpu.memory_space<hbm>> -> memref<16x1024xf32, #tpu.memory_space<hbm>>
      tpu.enqueue_dma source(%arg7 : memref<16x1024xf32, #tpu.memory_space<vmem>>) target(%dma_start3A_62 : memref<16x1024xf32, #tpu.memory_space<hbm>>) target_semaphore(%run_scoped3A : memref<!tpu.dma_semaphore, #tpu.memory_space<semaphore_mem>>)
      %dma_wait3A_63 = arith.constant 0 : i32
      %dma_wait3A_64 = arith.constant 0 : i32
      %dma_wait3A_65 = tpu.memref_slice %arg4[%add3A, %dma_wait3A_63, %dma_wait3A_64] : memref<32x16x1024xf32, #tpu.memory_space<hbm>> -> memref<1x16x1024xf32, #tpu.memory_space<hbm>>
      %dma_wait3A_66 = tpu.memref_squeeze %dma_wait3A_65 : memref<1x16x1024xf32, #tpu.memory_space<hbm>> -> memref<16x1024xf32, #tpu.memory_space<hbm>>
      %dma_wait3A_67 = arith.constant 0 : i32
      %dma_wait3A_68 = arith.constant 0 : i32
      %dma_wait3A_69 = tpu.memref_slice %arg4[%add3A, %dma_wait3A_67, %dma_wait3A_68] : memref<32x16x1024xf32, #tpu.memory_space<hbm>> -> memref<1x16x1024xf32, #tpu.memory_space<hbm>>
      %dma_wait3A_70 = tpu.memref_squeeze %dma_wait3A_69 : memref<1x16x1024xf32, #tpu.memory_space<hbm>> -> memref<16x1024xf32, #tpu.memory_space<hbm>>
      tpu.wait_dma2 semaphore(%run_scoped3A : memref<!tpu.dma_semaphore, #tpu.memory_space<semaphore_mem>>) src(%arg7 : memref<16x1024xf32, #tpu.memory_space<vmem>>) dst(%dma_wait3A_70 : memref<16x1024xf32, #tpu.memory_space<hbm>>)
      tpu.yield
    }) : () -> ()
    return
  }
}

module attributes {stable_mosaic.version = 14 : i64} {
  func.func @tc_body(%arg0: i32, %arg1: memref<8x32xi32, #tpu.memory_space<smem>>, %arg2: memref<8x32xi32, #tpu.memory_space<vmem>>, %arg3: memref<1024x1024xf32, #tpu.memory_space<vmem>>, %arg4: memref<16x1024xf32, #tpu.memory_space<vmem>>) attributes {dimension_semantics = [#tpu.dimension_semantics<arbitrary>], iteration_bounds = array<i64: 12>, scalar_prefetch = 0 : i64, scratch_operands = 0 : i64, tpu.core_type = #tpu.core_type<tc>, window_params = [{transform_indices = @transform_0, window_bounds = array<i64: 8, 32>}, {pipeline_mode = #tpu.pipeline_mode<synchronous>, transform_indices = @transform_1, window_bounds = array<i64: 8, 32>}, {transform_indices = @transform_2, window_bounds = array<i64: 1024, 1024>}, {pipeline_mode = #tpu.pipeline_mode<synchronous>, transform_indices = @transform_3, window_bounds = array<i64: 16, 1024>}]} {
    %mul3A = arith.constant 1024 : i32
    %mul3A_0 = arith.muli %arg0, %mul3A : i32
    %add3A = arith.constant 4096 : i32
    %add3A_1 = arith.addi %add3A, %mul3A_0 : i32
    %get3A = arith.constant 0 : index
    %get3A_2 = arith.constant 1 : index
    %get3A_3 = memref.load %arg1[%get3A, %get3A_2] : memref<8x32xi32, #tpu.memory_space<smem>>
    %ge3A = arith.cmpi sge, %add3A_1, %get3A_3 : i32
    %convert_element_type3A = arith.extui %ge3A : i1 to i32
    %add3A_4 = arith.constant 0 : i32
    %add3A_5 = arith.addi %add3A_4, %convert_element_type3A : i32
    %get3A_6 = arith.constant 0 : index
    %get3A_7 = arith.constant 2 : index
    %get3A_8 = memref.load %arg1[%get3A_6, %get3A_7] : memref<8x32xi32, #tpu.memory_space<smem>>
    %ge3A_9 = arith.cmpi sge, %add3A_1, %get3A_8 : i32
    %convert_element_type3A_10 = arith.extui %ge3A_9 : i1 to i32
    %add3A_11 = arith.addi %add3A_5, %convert_element_type3A_10 : i32
    %get3A_12 = arith.constant 0 : index
    %get3A_13 = arith.constant 3 : index
    %get3A_14 = memref.load %arg1[%get3A_12, %get3A_13] : memref<8x32xi32, #tpu.memory_space<smem>>
    %ge3A_15 = arith.cmpi sge, %add3A_1, %get3A_14 : i32
    %convert_element_type3A_16 = arith.extui %ge3A_15 : i1 to i32
    %add3A_17 = arith.addi %add3A_11, %convert_element_type3A_16 : i32
    %get3A_18 = arith.constant 0 : index
    %get3A_19 = arith.constant 4 : index
    %get3A_20 = memref.load %arg1[%get3A_18, %get3A_19] : memref<8x32xi32, #tpu.memory_space<smem>>
    %ge3A_21 = arith.cmpi sge, %add3A_1, %get3A_20 : i32
    %convert_element_type3A_22 = arith.extui %ge3A_21 : i1 to i32
    %add3A_23 = arith.addi %add3A_17, %convert_element_type3A_22 : i32
    %get3A_24 = arith.constant 0 : index
    %get3A_25 = arith.constant 5 : index
    %get3A_26 = memref.load %arg1[%get3A_24, %get3A_25] : memref<8x32xi32, #tpu.memory_space<smem>>
    %ge3A_27 = arith.cmpi sge, %add3A_1, %get3A_26 : i32
    %convert_element_type3A_28 = arith.extui %ge3A_27 : i1 to i32
    %add3A_29 = arith.addi %add3A_23, %convert_element_type3A_28 : i32
    %get3A_30 = arith.constant 0 : index
    %get3A_31 = arith.constant 6 : index
    %get3A_32 = memref.load %arg1[%get3A_30, %get3A_31] : memref<8x32xi32, #tpu.memory_space<smem>>
    %ge3A_33 = arith.cmpi sge, %add3A_1, %get3A_32 : i32
    %convert_element_type3A_34 = arith.extui %ge3A_33 : i1 to i32
    %add3A_35 = arith.addi %add3A_29, %convert_element_type3A_34 : i32
    %get3A_36 = arith.constant 0 : index
    %get3A_37 = arith.constant 7 : index
    %get3A_38 = memref.load %arg1[%get3A_36, %get3A_37] : memref<8x32xi32, #tpu.memory_space<smem>>
    %ge3A_39 = arith.cmpi sge, %add3A_1, %get3A_38 : i32
    %convert_element_type3A_40 = arith.extui %ge3A_39 : i1 to i32
    %add3A_41 = arith.addi %add3A_35, %convert_element_type3A_40 : i32
    %get3A_42 = arith.constant 0 : index
    %get3A_43 = arith.constant 8 : index
    %get3A_44 = memref.load %arg1[%get3A_42, %get3A_43] : memref<8x32xi32, #tpu.memory_space<smem>>
    %ge3A_45 = arith.cmpi sge, %add3A_1, %get3A_44 : i32
    %convert_element_type3A_46 = arith.extui %ge3A_45 : i1 to i32
    %add3A_47 = arith.addi %add3A_41, %convert_element_type3A_46 : i32
    %get3A_48 = arith.constant 0 : index
    %get3A_49 = arith.constant 9 : index
    %get3A_50 = memref.load %arg1[%get3A_48, %get3A_49] : memref<8x32xi32, #tpu.memory_space<smem>>
    %ge3A_51 = arith.cmpi sge, %add3A_1, %get3A_50 : i32
    %convert_element_type3A_52 = arith.extui %ge3A_51 : i1 to i32
    %add3A_53 = arith.addi %add3A_47, %convert_element_type3A_52 : i32
    %get3A_54 = arith.constant 0 : index
    %get3A_55 = arith.constant 10 : index
    %get3A_56 = memref.load %arg1[%get3A_54, %get3A_55] : memref<8x32xi32, #tpu.memory_space<smem>>
    %ge3A_57 = arith.cmpi sge, %add3A_1, %get3A_56 : i32
    %convert_element_type3A_58 = arith.extui %ge3A_57 : i1 to i32
    %add3A_59 = arith.addi %add3A_53, %convert_element_type3A_58 : i32
    %get3A_60 = arith.constant 0 : index
    %get3A_61 = arith.constant 11 : index
    %get3A_62 = memref.load %arg1[%get3A_60, %get3A_61] : memref<8x32xi32, #tpu.memory_space<smem>>
    %ge3A_63 = arith.cmpi sge, %add3A_1, %get3A_62 : i32
    %convert_element_type3A_64 = arith.extui %ge3A_63 : i1 to i32
    %add3A_65 = arith.addi %add3A_59, %convert_element_type3A_64 : i32
    %get3A_66 = arith.constant 0 : index
    %get3A_67 = arith.constant 12 : index
    %get3A_68 = memref.load %arg1[%get3A_66, %get3A_67] : memref<8x32xi32, #tpu.memory_space<smem>>
    %ge3A_69 = arith.cmpi sge, %add3A_1, %get3A_68 : i32
    %convert_element_type3A_70 = arith.extui %ge3A_69 : i1 to i32
    %add3A_71 = arith.addi %add3A_65, %convert_element_type3A_70 : i32
    %get3A_72 = arith.constant 0 : index
    %get3A_73 = arith.constant 13 : index
    %get3A_74 = memref.load %arg1[%get3A_72, %get3A_73] : memref<8x32xi32, #tpu.memory_space<smem>>
    %ge3A_75 = arith.cmpi sge, %add3A_1, %get3A_74 : i32
    %convert_element_type3A_76 = arith.extui %ge3A_75 : i1 to i32
    %add3A_77 = arith.addi %add3A_71, %convert_element_type3A_76 : i32
    %get3A_78 = arith.constant 0 : index
    %get3A_79 = arith.constant 14 : index
    %get3A_80 = memref.load %arg1[%get3A_78, %get3A_79] : memref<8x32xi32, #tpu.memory_space<smem>>
    %ge3A_81 = arith.cmpi sge, %add3A_1, %get3A_80 : i32
    %convert_element_type3A_82 = arith.extui %ge3A_81 : i1 to i32
    %add3A_83 = arith.addi %add3A_77, %convert_element_type3A_82 : i32
    %get3A_84 = arith.constant 0 : index
    %get3A_85 = arith.constant 15 : index
    %get3A_86 = memref.load %arg1[%get3A_84, %get3A_85] : memref<8x32xi32, #tpu.memory_space<smem>>
    %ge3A_87 = arith.cmpi sge, %add3A_1, %get3A_86 : i32
    %convert_element_type3A_88 = arith.extui %ge3A_87 : i1 to i32
    %add3A_89 = arith.addi %add3A_83, %convert_element_type3A_88 : i32
    %add3A_90 = arith.constant 1024 : i32
    %add3A_91 = arith.addi %add3A_1, %add3A_90 : i32
    %sub3A = arith.constant 1 : i32
    %sub3A_92 = arith.subi %add3A_91, %sub3A : i32
    %get3A_93 = arith.constant 0 : index
    %get3A_94 = arith.constant 1 : index
    %get3A_95 = memref.load %arg1[%get3A_93, %get3A_94] : memref<8x32xi32, #tpu.memory_space<smem>>
    %ge3A_96 = arith.cmpi sge, %sub3A_92, %get3A_95 : i32
    %convert_element_type3A_97 = arith.extui %ge3A_96 : i1 to i32
    %add3A_98 = arith.constant 0 : i32
    %add3A_99 = arith.addi %add3A_98, %convert_element_type3A_97 : i32
    %get3A_100 = arith.constant 0 : index
    %get3A_101 = arith.constant 2 : index
    %get3A_102 = memref.load %arg1[%get3A_100, %get3A_101] : memref<8x32xi32, #tpu.memory_space<smem>>
    %ge3A_103 = arith.cmpi sge, %sub3A_92, %get3A_102 : i32
    %convert_element_type3A_104 = arith.extui %ge3A_103 : i1 to i32
    %add3A_105 = arith.addi %add3A_99, %convert_element_type3A_104 : i32
    %get3A_106 = arith.constant 0 : index
    %get3A_107 = arith.constant 3 : index
    %get3A_108 = memref.load %arg1[%get3A_106, %get3A_107] : memref<8x32xi32, #tpu.memory_space<smem>>
    %ge3A_109 = arith.cmpi sge, %sub3A_92, %get3A_108 : i32
    %convert_element_type3A_110 = arith.extui %ge3A_109 : i1 to i32
    %add3A_111 = arith.addi %add3A_105, %convert_element_type3A_110 : i32
    %get3A_112 = arith.constant 0 : index
    %get3A_113 = arith.constant 4 : index
    %get3A_114 = memref.load %arg1[%get3A_112, %get3A_113] : memref<8x32xi32, #tpu.memory_space<smem>>
    %ge3A_115 = arith.cmpi sge, %sub3A_92, %get3A_114 : i32
    %convert_element_type3A_116 = arith.extui %ge3A_115 : i1 to i32
    %add3A_117 = arith.addi %add3A_111, %convert_element_type3A_116 : i32
    %get3A_118 = arith.constant 0 : index
    %get3A_119 = arith.constant 5 : index
    %get3A_120 = memref.load %arg1[%get3A_118, %get3A_119] : memref<8x32xi32, #tpu.memory_space<smem>>
    %ge3A_121 = arith.cmpi sge, %sub3A_92, %get3A_120 : i32
    %convert_element_type3A_122 = arith.extui %ge3A_121 : i1 to i32
    %add3A_123 = arith.addi %add3A_117, %convert_element_type3A_122 : i32
    %get3A_124 = arith.constant 0 : index
    %get3A_125 = arith.constant 6 : index
    %get3A_126 = memref.load %arg1[%get3A_124, %get3A_125] : memref<8x32xi32, #tpu.memory_space<smem>>
    %ge3A_127 = arith.cmpi sge, %sub3A_92, %get3A_126 : i32
    %convert_element_type3A_128 = arith.extui %ge3A_127 : i1 to i32
    %add3A_129 = arith.addi %add3A_123, %convert_element_type3A_128 : i32
    %get3A_130 = arith.constant 0 : index
    %get3A_131 = arith.constant 7 : index
    %get3A_132 = memref.load %arg1[%get3A_130, %get3A_131] : memref<8x32xi32, #tpu.memory_space<smem>>
    %ge3A_133 = arith.cmpi sge, %sub3A_92, %get3A_132 : i32
    %convert_element_type3A_134 = arith.extui %ge3A_133 : i1 to i32
    %add3A_135 = arith.addi %add3A_129, %convert_element_type3A_134 : i32
    %get3A_136 = arith.constant 0 : index
    %get3A_137 = arith.constant 8 : index
    %get3A_138 = memref.load %arg1[%get3A_136, %get3A_137] : memref<8x32xi32, #tpu.memory_space<smem>>
    %ge3A_139 = arith.cmpi sge, %sub3A_92, %get3A_138 : i32
    %convert_element_type3A_140 = arith.extui %ge3A_139 : i1 to i32
    %add3A_141 = arith.addi %add3A_135, %convert_element_type3A_140 : i32
    %get3A_142 = arith.constant 0 : index
    %get3A_143 = arith.constant 9 : index
    %get3A_144 = memref.load %arg1[%get3A_142, %get3A_143] : memref<8x32xi32, #tpu.memory_space<smem>>
    %ge3A_145 = arith.cmpi sge, %sub3A_92, %get3A_144 : i32
    %convert_element_type3A_146 = arith.extui %ge3A_145 : i1 to i32
    %add3A_147 = arith.addi %add3A_141, %convert_element_type3A_146 : i32
    %get3A_148 = arith.constant 0 : index
    %get3A_149 = arith.constant 10 : index
    %get3A_150 = memref.load %arg1[%get3A_148, %get3A_149] : memref<8x32xi32, #tpu.memory_space<smem>>
    %ge3A_151 = arith.cmpi sge, %sub3A_92, %get3A_150 : i32
    %convert_element_type3A_152 = arith.extui %ge3A_151 : i1 to i32
    %add3A_153 = arith.addi %add3A_147, %convert_element_type3A_152 : i32
    %get3A_154 = arith.constant 0 : index
    %get3A_155 = arith.constant 11 : index
    %get3A_156 = memref.load %arg1[%get3A_154, %get3A_155] : memref<8x32xi32, #tpu.memory_space<smem>>
    %ge3A_157 = arith.cmpi sge, %sub3A_92, %get3A_156 : i32
    %convert_element_type3A_158 = arith.extui %ge3A_157 : i1 to i32
    %add3A_159 = arith.addi %add3A_153, %convert_element_type3A_158 : i32
    %get3A_160 = arith.constant 0 : index
    %get3A_161 = arith.constant 12 : index
    %get3A_162 = memref.load %arg1[%get3A_160, %get3A_161] : memref<8x32xi32, #tpu.memory_space<smem>>
    %ge3A_163 = arith.cmpi sge, %sub3A_92, %get3A_162 : i32
    %convert_element_type3A_164 = arith.extui %ge3A_163 : i1 to i32
    %add3A_165 = arith.addi %add3A_159, %convert_element_type3A_164 : i32
    %get3A_166 = arith.constant 0 : index
    %get3A_167 = arith.constant 13 : index
    %get3A_168 = memref.load %arg1[%get3A_166, %get3A_167] : memref<8x32xi32, #tpu.memory_space<smem>>
    %ge3A_169 = arith.cmpi sge, %sub3A_92, %get3A_168 : i32
    %convert_element_type3A_170 = arith.extui %ge3A_169 : i1 to i32
    %add3A_171 = arith.addi %add3A_165, %convert_element_type3A_170 : i32
    %get3A_172 = arith.constant 0 : index
    %get3A_173 = arith.constant 14 : index
    %get3A_174 = memref.load %arg1[%get3A_172, %get3A_173] : memref<8x32xi32, #tpu.memory_space<smem>>
    %ge3A_175 = arith.cmpi sge, %sub3A_92, %get3A_174 : i32
    %convert_element_type3A_176 = arith.extui %ge3A_175 : i1 to i32
    %add3A_177 = arith.addi %add3A_171, %convert_element_type3A_176 : i32
    %get3A_178 = arith.constant 0 : index
    %get3A_179 = arith.constant 15 : index
    %get3A_180 = memref.load %arg1[%get3A_178, %get3A_179] : memref<8x32xi32, #tpu.memory_space<smem>>
    %ge3A_181 = arith.cmpi sge, %sub3A_92, %get3A_180 : i32
    %convert_element_type3A_182 = arith.extui %ge3A_181 : i1 to i32
    %add3A_183 = arith.addi %add3A_177, %convert_element_type3A_182 : i32
    %eq3A = arith.constant 0 : i32
    %eq3A_184 = arith.cmpi eq, %arg0, %eq3A : i32
    %convert_element_type3A_185 = arith.extui %eq3A_184 : i1 to i32
    %cond3A = arith.constant 0 : i32
    %cond3A_186 = arith.cmpi ne, %convert_element_type3A_185, %cond3A : i32
    scf.if %cond3A_186 {
      %broadcast_in_dim3A = arith.constant 0.000000e+00 : f32
      %broadcast_in_dim3A_191 = vector.broadcast %broadcast_in_dim3A : f32 to vector<16x1024xf32>
      %swap3A = arith.constant 0 : index
      %swap3A_192 = arith.constant 0 : index
      %swap3A_193 = vector.load %arg4[%swap3A, %swap3A_192] : memref<16x1024xf32, #tpu.memory_space<vmem>>, vector<16x1024xf32>
      tpu.vector_store %arg4[%swap3A, %swap3A_192], %broadcast_in_dim3A_191 {strides = array<i32>} : memref<16x1024xf32, #tpu.memory_space<vmem>>, vector<16x1024xf32>,
    } else {
    }
    %eq3A_187 = arith.cmpi eq, %add3A_89, %add3A_183 : i32
    %convert_element_type3A_188 = arith.extui %eq3A_187 : i1 to i32
    %cond3A_189 = arith.constant 0 : i32
    %cond3A_190 = arith.cmpi ne, %convert_element_type3A_188, %cond3A_189 : i32
    scf.if %cond3A_190 {
      %get3A_191 = arith.constant 0 : index
      %get3A_192 = arith.constant 0 : index
      %get3A_193 = vector.load %arg3[%get3A_191, %get3A_192] : memref<1024x1024xf32, #tpu.memory_space<vmem>>, vector<1024x1024xf32>
      %reduce_sum3A = arith.constant dense<0.000000e+00> : vector<1024xf32>
      %reduce_sum3A_194 = vector.multi_reduction <add>, %get3A_193, %reduce_sum3A [0] : vector<1024x1024xf32> to vector<1024xf32>
      %broadcast_in_dim3A = vector.shape_cast %reduce_sum3A_194 : vector<1024xf32> to vector<1x1024xf32>
      %get3A_195 = arith.index_cast %add3A_89 : i32 to index
      %get3A_196 = arith.constant 0 : index
      %get3A_197 = vector.load %arg4[%get3A_195, %get3A_196] : memref<16x1024xf32, #tpu.memory_space<vmem>>, vector<1x1024xf32>
      %add3A_198 = arith.addf %get3A_197, %broadcast_in_dim3A : vector<1x1024xf32>
      %swap3A = arith.index_cast %add3A_89 : i32 to index
      %swap3A_199 = arith.constant 0 : index
      %swap3A_200 = vector.load %arg4[%swap3A, %swap3A_199] : memref<16x1024xf32, #tpu.memory_space<vmem>>, vector<1x1024xf32>
      tpu.vector_store %arg4[%swap3A, %swap3A_199], %add3A_198 {strides = array<i32>} : memref<16x1024xf32, #tpu.memory_space<vmem>>, vector<1x1024xf32>,
    } else {
      %iota3A = tpu.iota {dimensions = array<i32: 0>} : vector<1024x1xi32>
      %add3A_191 = vector.broadcast %add3A_1 : i32 to vector<1024x1xi32>
      %add3A_192 = arith.addi %add3A_191, %iota3A : vector<1024x1xi32>
      %get3A_193 = arith.constant 0 : index
      %get3A_194 = arith.constant 1 : index
      %get3A_195 = vector.load %arg2[%get3A_193, %get3A_194] : memref<8x32xi32, #tpu.memory_space<vmem>>, vector<1x15xi32>
      %ge3A_196 = vector.broadcast %add3A_192 : vector<1024x1xi32> to vector<1024x15xi32>
      %ge3A_197 = vector.broadcast %get3A_195 : vector<1x15xi32> to vector<1024x15xi32>
      %ge3A_198 = arith.cmpi sge, %ge3A_196, %ge3A_197 : vector<1024x15xi32>
      %convert_element_type3A_199 = arith.extui %ge3A_198 : vector<1024x15xi1> to vector<1024x15xi32>
      %reduce_sum3A = arith.constant dense<0> : vector<1024xi32>
      %reduce_sum3A_200 = vector.multi_reduction <add>, %convert_element_type3A_199, %reduce_sum3A [1] : vector<1024x15xi32> to vector<1024xi32>
      %broadcast_in_dim3A = vector.shape_cast %reduce_sum3A_200 : vector<1024xi32> to vector<1024x1xi32>
      %iota3A_201 = tpu.iota {dimensions = array<i32: 1>} : vector<1024x16xi32>
      %eq3A_202 = vector.broadcast %broadcast_in_dim3A : vector<1024x1xi32> to vector<1024x16xi32>
      %eq3A_203 = arith.cmpi eq, %eq3A_202, %iota3A_201 : vector<1024x16xi32>
      %convert_element_type3A_204 = arith.extui %eq3A_203 : vector<1024x16xi1> to vector<1024x16xi32>
      %convert_element_type3A_205 = arith.sitofp %convert_element_type3A_204 : vector<1024x16xi32> to vector<1024x16xf32>
      %get3A_206 = arith.constant 0 : index
      %get3A_207 = arith.constant 0 : index
      %get3A_208 = vector.load %arg4[%get3A_206, %get3A_207] : memref<16x1024xf32, #tpu.memory_space<vmem>>, vector<16x1024xf32>
      %get3A_209 = arith.constant 0 : index
      %get3A_210 = arith.constant 0 : index
      %get3A_211 = vector.load %arg3[%get3A_209, %get3A_210] : memref<1024x1024xf32, #tpu.memory_space<vmem>>, vector<1024x1024xf32>
      %dot_general3A = arith.constant dense<0.000000e+00> : vector<16x1024xf32>
      %dot_general3A_212 = tpu.matmul %convert_element_type3A_205, %get3A_211, %dot_general3A {dimension_numbers = #tpu.dot_dimension_numbers<[0], [0], [1], [1], [0, 1, 1, 1], [], []>, transpose_lhs_hint = false} : vector<1024x16xf32>, vector<1024x1024xf32>, vector<16x1024xf32> -> vector<16x1024xf32>
      %add3A_213 = arith.addf %get3A_208, %dot_general3A_212 : vector<16x1024xf32>
      %swap3A = arith.constant 0 : index
      %swap3A_214 = arith.constant 0 : index
      %swap3A_215 = vector.load %arg4[%swap3A, %swap3A_214] : memref<16x1024xf32, #tpu.memory_space<vmem>>, vector<16x1024xf32>
      tpu.vector_store %arg4[%swap3A, %swap3A_214], %add3A_213 {strides = array<i32>} : memref<16x1024xf32, #tpu.memory_space<vmem>>, vector<16x1024xf32>,
    }
    return
  }
  func.func @transform_0(%arg0: i32) -> (i32, i32) {
    %c0_i32 = arith.constant 0 : i32
    %c0_i32_0 = arith.constant 0 : i32
    %c0_i32_1 = arith.constant 0 : i32
    return %c0_i32, %c0_i32_0 : i32, i32
  }
  func.func @transform_1(%arg0: i32) -> (i32, i32) {
    %c0_i32 = arith.constant 0 : i32
    %c0_i32_0 = arith.constant 0 : i32
    %c0_i32_1 = arith.constant 0 : i32
    return %c0_i32, %c0_i32_0 : i32, i32
  }
  func.func @transform_2(%arg0: i32) -> (i32, i32) {
    %add3A = arith.constant 4 : i32
    %add3A_0 = arith.addi %add3A, %arg0 : i32
    %c0_i32 = arith.constant 0 : i32
    %c0_i32_1 = arith.constant 0 : i32
    return %add3A_0, %c0_i32 : i32, i32
  }
  func.func @transform_3(%arg0: i32) -> (i32, i32) {
    %c0_i32 = arith.constant 0 : i32
    %c0_i32_0 = arith.constant 0 : i32
    %c0_i32_1 = arith.constant 0 : i32
    return %c0_i32, %c0_i32_0 : i32, i32
  }
}

</mosaic_0001>

<sc_bundles>
// kernel: kernel.4.cloned.1.call-start
scs
__scs_entry_jumppad:
0x0: {  	(pc) =	sbr.rel $0x88, $3  }
0x1: {  	(tag) =	ssettag $0x0;
	lr =	simm.s32 $0x1  }
0x2: {  	[smem:$0x3F9F] =	sst lr;
	_ =	strace $0xD0000000  }
0x3: {  	_ = 	snop  }
0x4: {  	_ = 	snop  }
0x5: {  	_ = 	snop  }
0x6: {  	_ = 	snop  }
0x7: {  	_ = 	snop  }
__scs_overlays_trampoline_lowered:
0x8: {  	[smem:$0x3FAE] =	sst s0  }
0x9: {  	[smem:$0x3FAF] =	sst s1  }
0xa: {  	[smem:$0x3FB0] =	sst s2  }
0xb: {  	[smem:$0x3FB1] =	sst s3  }
0xc: {  	[smem:$0x3FB2] =	sst s4  }
0xd: {  	[smem:$0x3FB3] =	sst s5  }
0xe: {  	[smem:$0x3FB4] =	sst s6  }
0xf: {  	[smem:$0x3FB5] =	sst s7  }
0x10: {  	[smem:$0x3FB6] =	sst s8  }
0x11: {  	[smem:$0x3FB7] =	sst s9;
	s0 =	simm.s32 @!p0 $0x0  }
0x12: {  	s1 =	sld [smem:$0x3F9D];
	s0 =	simm.s32 @p0 $0x1  }
0x13: {  	[smem:$0x3FB8] =	sst s0;
	s0 =	simm.s32 @!p1 $0x0  }
0x14: {  	s2 =	sld [smem:$0x3F9C];
	s0 =	simm.s32 @p1 $0x1  }
0x15: {  	[smem:$0x3FB9] =	sst s0;
	s0 =	simm.s32 @!p2 $0x0  }
0x16: {  	s3 =	sld [smem:$0x3FDB];
	s0 =	simm.s32 @p2 $0x1  }
0x17: {  	s4 =	simm.s32 $0x1BF5;
	[smem:$0x3FBB] =	sst s0  }
0x18: {  	s0 =	sld [smem:$0x3F9E];
	_ =	swait.ge [sflag:s4], $0x0  }
0x19: {  	s7 =	sld [smem:$0x3F9F]  }
0x1a: {  	s8 =	sadd.s32 $0xFFFFE003, lr  }
0x1b: {  	s9 =	sadd.s32 $0xFFFFFEF7, lr;
	s5 =	simm.s32 $0xFFFFFFFF;
	p2 =	slt.u32 s8, $0xFFFFF086  }
0x1c: {  	p1 =	slt.u32 s9, $0xF7A;
	s5 =	simm.s32 @!p2 $0x0  }
0x1d: {  	s5 =	simm.s32 @p1 $0x1;
	p0 =	seq.s32 s7, s2  }
0x1e: {  	s7 =	smul.u32 @!p0 $0xF7A, s2;
	p2 =	seq.s32 @!p0 s5, $0x0  }
0x1f: {  	s9 =	smul.u32 $0xF7A, s1;
	s8 =	simm.s32 @!p0 $0x1BF5;
	p2 =	por !p2, p0  }
0x20: {  	[sflag:s8] =	ssyncset.s32 @!p0 $0xFFFFF086;
	s6 =	sadd.s32 @!p0 s3, s7;
	s7 =	simm.s32 @!p0 $0x108  }
0x21: {  	s3 =	sadd.s32 s3, s9;
	s6 =	sadd.s32 @!p0 $0x88, s6;
	s7 =	simm.s32 @p2 $0x1082  }
0x22: {  	[simem:s7], [sflag:s8] =	dma.local @!p0 [hbm:s6], $0xF7A  }
0x23: {  	s9 =	sor.u32 $0xD0000000, s2;
	s6 =	simm.s32 $0x108;
	_ =	swait.ge @!p0 [sflag:s8], $0x0  }
0x24: {  	s3 =	sadd.s32 $0x88, s3;
	s6 =	simm.s32 @!p1 $0x1082;
	[sflag:s4] =	ssyncset.s32 $0xFFFFF086  }
0x25: {  	[simem:s6], [sflag:s4] =	dma.local [hbm:s3], $0xF7A  }
0x26: {  	[smem:$0x3F9F] =	sst s1;
	(tag) =	ssettag s2;
	_ =	strace s9  }
0x27: {  	s1 =	sld [smem:$0x3FAF]  }
0x28: {  	s2 =	sld [smem:$0x3FB0]  }
0x29: {  	s4 =	sld [smem:$0x3FB2]  }
0x2a: {  	p0 =	seq.s32 s5, $0x0;
	s5 =	sld [smem:$0x3FB3]  }
0x2b: {  	s6 =	sld [smem:$0x3FB4]  }
0x2c: {  	s7 =	sld [smem:$0x3FB5]  }
0x2d: {  	s3 =	simm.s32 $0x108;
	s8 =	sld [smem:$0x3FB6]  }
0x2e: {  	s3 =	simm.s32 @!p0 $0x1082;
	s9 =	sld [smem:$0x3FB7]  }
0x2f: {  	lr =	sadd.s32 s0, s3;
	s0 =	sld [smem:$0x3FAE]  }
0x30: {  	s3 =	sld [smem:$0x3FB1]  }
0x31: {  	[smem:$0x3FBA] =	sst s10  }
0x32: {  	s10 =	sld [smem:$0x3FB8];
	_ =	sdelay $0x3  }
0x33: {  	p0 =	seq.s32 s10, $0x1;
	s10 =	sld [smem:$0x3FBA];
	_ =	sdelay $0x3  }
0x34: {  	[smem:$0x3FBA] =	sst s10  }
0x35: {  	s10 =	sld [smem:$0x3FB9];
	_ =	sdelay $0x3  }
0x36: {  	p1 =	seq.s32 s10, $0x1;
	s10 =	sld [smem:$0x3FBA];
	_ =	sdelay $0x3  }
0x37: {  	[smem:$0x3FBA] =	sst s10  }
0x38: {  	s10 =	sld [smem:$0x3FBB]  }
0x39: {  	_ = 	snop;
	(pc) =	sbr.ind lr, $3  }
0x3a: {  	_ = 	snop  }
0x3b: {  	_ = 	snop  }
0x3c: {  	p2 =	seq.s32 s10, $0x1;
	s10 =	sld [smem:$0x3FBA]  }
0x3d: {  	_ =	shalt  }
0x3e: {  	_ =	shalt  }
0x3f: {  	_ =	shalt  }
0x40: {  	_ =	shalt  }
0x41: {  	_ =	shalt  }
0x42: {  	_ =	shalt  }
0x43: {  	_ =	shalt  }
0x44: {  	_ =	shalt  }
0x45: {  	_ =	shalt  }
0x46: {  	_ =	shalt  }
0x47: {  	_ =	shalt  }
0x48: {  	_ =	shalt  }
0x49: {  	_ =	shalt  }
0x4a: {  	_ =	shalt  }
0x4b: {  	_ =	shalt  }
0x4c: {  	_ =	shalt  }
0x4d: {  	_ =	shalt  }
0x4e: {  	_ =	shalt  }
0x4f: {  	_ =	shalt  }
0x50: {  	_ =	shalt  }
0x51: {  	_ =	shalt  }
0x52: {  	_ =	shalt  }
0x53: {  	_ =	shalt  }
0x54: {  	_ =	shalt  }
0x55: {  	_ =	shalt  }
0x56: {  	_ =	shalt  }
0x57: {  	_ =	shalt  }
0x58: {  	_ =	shalt  }
0x59: {  	_ =	shalt  }
0x5a: {  	_ =	shalt  }
0x5b: {  	_ =	shalt  }
0x5c: {  	_ =	shalt  }
0x5d: {  	_ =	shalt  }
0x5e: {  	_ =	shalt  }
0x5f: {  	_ =	shalt  }
0x60: {  	_ =	shalt  }
0x61: {  	_ =	shalt  }
0x62: {  	_ =	shalt  }
0x63: {  	_ =	shalt  }
0x64: {  	_ =	shalt  }
0x65: {  	_ =	shalt  }
0x66: {  	_ =	shalt  }
0x67: {  	_ =	shalt  }
0x68: {  	_ =	shalt  }
0x69: {  	_ =	shalt  }
0x6a: {  	_ =	shalt  }
0x6b: {  	_ =	shalt  }
0x6c: {  	_ =	shalt  }
0x6d: {  	_ =	shalt  }
0x6e: {  	_ =	shalt  }
0x6f: {  	_ =	shalt  }
0x70: {  	_ =	shalt  }
0x71: {  	_ =	shalt  }
0x72: {  	_ =	shalt  }
0x73: {  	_ =	shalt  }
0x74: {  	_ =	shalt  }
0x75: {  	_ =	shalt  }
0x76: {  	_ =	shalt  }
0x77: {  	_ =	shalt  }
0x78: {  	_ =	shalt  }
0x79: {  	_ =	shalt  }
0x7a: {  	_ =	shalt  }
0x7b: {  	_ =	shalt  }
0x7c: {  	_ =	shalt  }
0x7d: {  	_ =	shalt  }
0x7e: {  	_ =	shalt  }
0x7f: {  	_ =	shalt  }
0x80: {  	_ =	shalt  }
0x81: {  	_ =	shalt  }
0x82: {  	_ =	shalt  }
0x83: {  	_ =	shalt  }
0x84: {  	_ =	shalt  }
0x85: {  	_ =	shalt  }
0x86: {  	_ =	shalt  }
0x87: {  	_ =	shalt  }
.Lfunc_end0:
.L_simem_size_0:
called_computation_lowered:
.L_overlay_start_0:
0x88: {  	s2 =	sld [smem:$0x3FD9]  }
0x89: {  	s3 =	sld [smem:$0x3FFE];
	_ =	sdelay $0x1  }
0x8a: {  	s1 =	srdreg.scid  }
0x8b: {  	s0 =	sand.u32 $0x1, s1  }
0x8c: {  	s17 =	sshll.u32 s0, $0xA;
	s2 =	sadd.s32 s3, s2  }
0x8d: {  	s2 =	sadd.s32 s2, s17  }
0x8e: {  	[smem:$0x3FC6] =	sst s2  }
0x8f: {  	_ = 	snop  }
0x90: {  	s2 =	sld [smem:$0x3FC9]  }
0x91: {  	s18 =	sld [smem:$0x3FD0];
	(tm) =	ssettm $0x1  }
0x92: {  	s4 =	sld [smem:$0x3FFB];
	_ =	sdelay $0x3  }
0x93: {  	_ =	strace s4  }
0x94: {  	s4 =	sld [smem:$0x3FFC];
	_ =	sdelay $0x3  }
0x95: {  	_ =	strace s4  }
0x96: {  	s4 =	sld [smem:$0x3FFD];
	_ =	sdelay $0x3  }
0x97: {  	_ =	strace s4  }
0x98: {  	_ =	strace $0x8FFFFFFF  }
0x99: {  	s19 =	sld [smem:$0x3FDB];
	_ =	sdelay $0x1  }
0x9a: {  	s5 =	simm.s32 $_scs_section_size  }
0x9b: {  	s6 =	simm.s32 $_size__tile_overlayer_lowered;
	s7 =	simm.s32 $_tile_overlayer_lowered  }
0x9c: {  	s22 =	simm.s32 $0x1BFF;
	s21 =	sshll.u32 s7, $0x1;
	s4 =	sadd.s32 s5, s19  }
0x9d: {  	s8 =	simm.s32 $0x0;
	s20 =	sshll.u32 s6, $0x1;
	s6 =	sadd.s32 s21, s4  }
0x9e: {  	[timem:s8], [sflag:s22] =	dma.local [hbm:s6], s20  }
0x9f: {  	_ =	swait.ge [sflag:s22], s20  }
0xa0: {  	s5 =	ssub.s32 $0x0, s20;
	[sflag:s22] =	ssyncset.done $0x0  }
0xa1: {  	[sflag:s22] =	ssyncadd.s32 s5;
	_ =	sdelay $0x1  }
0xa2: {  	s23 =	simm.s32 $0x1B8B  }
0xa3: {  	_ =	swait.ge [sflag:s23], $0x1  }
0xa4: {  	[sflag:s23] =	ssyncset.done $0x0  }
0xa5: {  	s25 =	simm.s32 $0x1B8E;
	s24 =	sld [smem:$0x3FFE];
	[sflag:s23] =	ssyncadd.s32 $0xFFFFFFFF  }
0xa6: {  	s26 =	simm.s32 $execute0_lowered;
	[smem:$0x3FD2] =	sst s25  }
0xa7: {  	s6 =	sshll.u32 s26, $0x1;
	_ =	strace $0x80000046;
	[dreg:$0x1] =	wrdreg $0xFFFFFFFF  }
0xa8: {  	s28 =	simm.s32 $_size_execute0_lowered;
	s4 =	sadd.s32 s4, s6;
	[dreg:$0x0] =	wrdreg $0x0  }
0xa9: {  	s6 =	sshll.u32 s28, $0x1;
	[dreg:$0x2] =	wrdreg s4  }
0xaa: {  	[dreg:$0x3] =	wrdreg s6  }
0xab: {  	[dreg:$0x4] =	wrdreg $0xC0  }
0xac: {  	_ =	task [dreg:s8], $0x5FFFF  }
0xad: {  	[dreg:$0x1] =	wrdreg $0xFFFFFFFF  }
0xae: {  	[dreg:$0x0] =	wrdreg $0x60  }
0xaf: {  	[dreg:$0x2] =	wrdreg s2  }
0xb0: {  	[dreg:$0x3] =	wrdreg s18  }
0xb1: {  	[dreg:$0x4] =	wrdreg s24  }
0xb2: {  	[dreg:$0x5] =	wrdreg $0x9  }
0xb3: {  	_ =	task.clear_ibuf [dreg:s8], $0x6FFFF;
	_ =	strace $0x90000046  }
0xb4: {  	s29 =	simm.s32 $0x9;
	_ =	strace $0x80000048  }
0xb5: {  	_ =	swait.ge [sflag:s29], $0x1  }
0xb6: {  	[sflag:s29] =	ssyncadd.s32 $0xFFFFFFFF  }
0xb7: {  	_ =	strace $0x90000048  }
0xb8: {  	_ =	sfence  }
0xb9: {  	s30 =	sld [smem:$0x0];
	_ =	sdelay $0x2  }
0xba: {  	s31 =	sshll.u32 s1, $0xD;
	s1 =	sshrl.u32 s1, $0x2  }
0xbb: {  	s3 =	sand.u32 $0x4000, s31;
	s1 =	sadd.s32 s1, s30  }
0xbc: {  	s0 =	sor.u32 s3, s0;
	s1 =	sshll.u32 s1, $0x11  }
0xbd: {  	s0 =	sor.u32 s1, s0  }
0xbe: {  	s0 =	sadd.s32 $0x8F2B, s0  }
0xbf: {  	[sflag:s0] =	ssyncadd.remote.s32 $0x1  }
0xc0: {  	_ =	sfence.sel $0xFFFF  }
0xc1: {  	[dreg:$0x0] =	wrdreg $0xFFFFFFFF;
	(pc) =	sbr.abs _section_cstart, $3  }
0xc2: {  	[dreg:$0x1] =	wrdreg $0xFFFFFFFF  }
0xc3: {  	_ =	task.clear_ibuf [dreg:s8], $0x2FFFF;
	_ =	strace $0x9FFFFFFF  }
0xc4: {  	(tm) =	ssettm $0x7FFFFFFF  }
0xc5: {  	_ =	shalt  }
tec
execute0_lowered:
.L_overlay_start_1:
0x0: {  	(tag) =	ssettag $0x1  }
0x1: {  	s6 =	rddreg [dreg:$0x0];
	s0 =	srdreg.scid  }
0x2: {  	s5 =	stileid.u32;
	s1 =	rddreg [dreg:$0x2]  }
0x3: {  	s14 =	simm.s32 $0x0;
	s0 =	sand.u32 $0x1, s0;
	s2 =	sshll.u32 s5, $0x1  }
0x4: {  	[smem:$0x7FF] =	sst s14;
	s30 =	sshll.u32 s5, $0x8;
	s2 =	sor.u32 s0, s2  }
0x5: {  	s4 =	ssub.s32 $0x2, s0;
	_ =	strace $0x80000047;
	s0 =	sshll.u32 s0, $0x7  }
0x6: {  	s3 =	sshll.u32 s2, $0xB;
	s26 =	sshrl.u32 s4, $0x1;
	s28 =	sshll.u32 s2, $0x7  }
0x7: {  	s2 =	sshll.u32 s2, $0xE;
	s0 =	sor.u32 s0, s30;
	[dreg:$0x14] =	wrdreg s28  }
0x8: {  	s1 =	sadd.s32 s3, s1;
	s29 =	sadd.s32 s6, s2;
	[dreg:$0x18] =	wrdreg s0  }
.Ltmp0:
0x9: {  	s0 =	sor.u32 $0x20, s0;
	[dreg:$0x15] =	wrdreg s29;
	(pc) =	sbr.rel .LBB2_1-.Ltmp0, $4  }
0xa: {  	s3 =	ssub.s32 s4, s26;
	s4 =	sadd.s32 $0x2000, s29;
	[dreg:$0x1a] =	wrdreg s0  }
0xb: {  	s1 =	sadd.s32 $0x200, s1;
	[dreg:$0x16] =	wrdreg s4  }
0xc: {  	s31 =	smax.u32 s3, $0x1;
	[dreg:$0x17] =	wrdreg s1  }
0xd: {  	v0 =	vimm.f32 $0.0e+00;
	s2 =	simm.s32 $0x3;
	[dreg:$0x19] =	wrdreg s31;
	s1 =	simm.s32 $0x0  }
.LBB2_19:
0xe: {  	s0 =	simm.s32 $0x1  }
0xf: {  	_ =	swait.ge [sflag:s0], $0x8000  }
0x10: {  	s1 =	simm.s32 $0x10000;
	[sflag:s0] =	ssyncset.done $0x0  }
0x11: {  	s2 =	simm.s32 $0x3;
	s29 =	rddreg [dreg:$0x17];
	[sflag:s0] =	ssyncadd.s32 $0xFFFF8000  }
0x12: {  	[hbm4b:s29+s14] =	stream.linear.scatter [tilespmem:s1], [sflag:$0x3], $0x4000, $0x38;
	[tilespmem:$0x14080] =	vst v63  }
0x13: {  	_ =	swait.ge [sflag:s2], $0x4000  }
0x14: {  	s30 =	rddreg [dreg:$0x1b]  }
0x15: {  	s31 =	rddreg [dreg:$0x19];
	s1 =	sadd.s32 $0x1, s30  }
0x16: {  	p0 =	sne.s32 s1, s31  }
.Ltmp1:
0x17: {  	_ = 	snop;
	(pc) =	sbr.rel @!p0 .LBB2_20-.Ltmp1, $3  }
0x18: {  	_ =	sdelay $0x1  }
0x19: {  	[sflag:s2] =	ssyncset.done $0x0  }
0x1a: {  	[sflag:s2] =	ssyncadd.s32 $0xFFFFC000  }
.LBB2_1:
0x1b: {  	[dreg:$0x1b] =	wrdreg s1  }
0x1c: {  	s0 =	rddreg [dreg:$0x1];
	s29 =	simm.s32 $0x14000  }
0x1d: {  	[tilespmem:s29], [sflag:$0x3] =	stream.linear.gather [hbm4b:s0+s14], $0x80, $0x38;
	[tilespmem:$0x14080] =	vst v63  }
0x1e: {  	_ =	swait.ge [sflag:s2], $0x80  }
0x1f: {  	s30 =	sand.u32 $0x70, s14;
	s31 =	sand.u32 $0x1C00, s14;
	[sflag:s2] =	ssyncset.done $0x0  }
0x20: {  	s0 =	sor.u32 s30, s31;
	[sflag:s2] =	ssyncadd.s32 $0xFFFFFF80  }
0x21: {  	v1 =	vld [tilespmem:$0x14000];
	[tilespmem:s0+$0x10080] =	vst v0  }
0x22: {  	[tilespmem:s0+$0x10100] =	vst v0  }
0x23: {  	[tilespmem:s0+$0x10180] =	vst v0  }
0x24: {  	[tilespmem:s0+$0x10200] =	vst v0  }
0x25: {  	[tilespmem:s0+$0x10280] =	vst v0  }
0x26: {  	s3 =	sor.u32 s14, s14;
	s1 =	simm.s32 $0x10;
	s2 =	simm.s32 $0x0;
	[tilespmem:s0+$0x10300] =	vst v0  }
.LBB2_2:
0x27: {  	p0 =	sne.s32 s1, $0x3F0;
	[tilespmem:s0+$0x10000] =	vst v0;
	s3 =	sor.u32 $0x380, s3  }
0x28: {  	[tilespmem:s3+$0x10000] =	vst v0  }
0x29: {  	[tilespmem:s0+$0x12000] =	vst v0  }
0x2a: {  	[tilespmem:s0+$0x12080] =	vst v0  }
0x2b: {  	[tilespmem:s0+$0x12100] =	vst v0  }
0x2c: {  	[tilespmem:s0+$0x12180] =	vst v0  }
0x2d: {  	[tilespmem:s0+$0x12200] =	vst v0  }
0x2e: {  	s2 =	sadd.s32 $0x80, s2;
	[tilespmem:s0+$0x12280] =	vst v0  }
0x2f: {  	s3 =	sand.u32 $0x70, s1;
	s4 =	sand.u32 $0x1C00, s2;
	[tilespmem:s0+$0x12300] =	vst v0  }
0x30: {  	[tilespmem:s0+$0x12380] =	vst v0;
	s0 =	sor.u32 s3, s4  }
0x31: {  	[tilespmem:s0+$0x10080] =	vst v0  }
.Ltmp2:
0x32: {  	[tilespmem:s0+$0x10100] =	vst v0;
	(pc) =	sbr.rel @p0 .LBB2_2-.Ltmp2, $4  }
0x33: {  	[tilespmem:s0+$0x10180] =	vst v0  }
0x34: {  	[tilespmem:s0+$0x10200] =	vst v0  }
0x35: {  	[tilespmem:s0+$0x10280] =	vst v0  }
0x36: {  	s3 =	sor.u32 s2, s1;
	s1 =	sadd.s32 $0x10, s1;
	[tilespmem:s0+$0x10300] =	vst v0  }
0x37: {  	(v2sf) =	vpush v1, $0x1  }
0x38: {  	(v2sf) =	vpush v1, $0x2  }
0x39: {  	(v2sf) =	vpush v1, $0x3  }
0x3a: {  	(v2sf) =	vpush v1, $0x4  }
0x3b: {  	[tilespmem:s0+$0x10000] =	vst v0;
	s1 =	sor.u32 $0x380, s3;
	(v2sf) =	vpush v1, $0x5  }
0x3c: {  	[tilespmem:s1+$0x10000] =	vst v0;
	(v2sf) =	vpush v1, $0x6  }
0x3d: {  	[tilespmem:s0+$0x12000] =	vst v0;
	(v2sf) =	vpush v1, $0x7  }
0x3e: {  	[tilespmem:s0+$0x12080] =	vst v0;
	(v2sf) =	vpush v1, $0x8  }
0x3f: {  	[tilespmem:s0+$0x12100] =	vst v0;
	(v2sf) =	vpush v1, $0x9  }
0x40: {  	[tilespmem:s0+$0x12180] =	vst v0;
	(v2sf) =	vpush v1, $0xA  }
0x41: {  	[tilespmem:s0+$0x12200] =	vst v0;
	(v2sf) =	vpush v1, $0xB  }
0x42: {  	[tilespmem:s0+$0x12280] =	vst v0;
	(v2sf) =	vpush v1, $0xC  }
0x43: {  	[tilespmem:s0+$0x12300] =	vst v0  }
0x44: {  	s18 =	rddreg [dreg:$0x15];
	s1 =	simm.s32 $0x0;
	[tilespmem:s0+$0x12380] =	vst v0;
	(v2sf) =	vpush v1, $0xD  }
0x45: {  	[tilespmem:s1], [sflag:$0x1] =	stream.linear.gather [hbm4b:s18+s1], $0x8000, $0x38;
	(v2sf) =	vpush v1, $0xE;
	[tilespmem:$0x14080] =	vst v63  }
0x46: {  	s16 =	spop (v2sf);
	(v2sf) =	vpush v1, $0xF  }
0x47: {  	s17 =	spop (v2sf)  }
0x48: {  	[dreg:$0x1c] =	wrdreg s16;
	s19 =	spop (v2sf)  }
0x49: {  	[dreg:$0x1d] =	wrdreg s17;
	s20 =	spop (v2sf)  }
0x4a: {  	[dreg:$0x1e] =	wrdreg s19;
	s21 =	spop (v2sf)  }
0x4b: {  	[dreg:$0x1f] =	wrdreg s20;
	s22 =	spop (v2sf)  }
0x4c: {  	[smem:$0x7F3] =	sst s21;
	s23 =	spop (v2sf)  }
0x4d: {  	[smem:$0x7F4] =	sst s22;
	s24 =	spop (v2sf)  }
0x4e: {  	[smem:$0x7F5] =	sst s23;
	s25 =	spop (v2sf)  }
0x4f: {  	[smem:$0x7F6] =	sst s24;
	s26 =	spop (v2sf)  }
0x50: {  	[smem:$0x7F7] =	sst s25;
	s28 =	spop (v2sf)  }
0x51: {  	[smem:$0x7F8] =	sst s26;
	s29 =	spop (v2sf)  }
.Ltmp3:
0x52: {  	[smem:$0x7F9] =	sst s28;
	(pc) =	sbr.rel .LBB2_4-.Ltmp3, $4  }
0x53: {  	s30 =	spop (v2sf);
	[smem:$0x7FA] =	sst s29  }
0x54: {  	s31 =	spop (v2sf);
	[smem:$0x7FB] =	sst s30  }
0x55: {  	[smem:$0x7FC] =	sst s31;
	s12 =	spop (v2sf)  }
0x56: {  	p1 =	por $0x1, $0x1;
	[smem:$0x7FD] =	sst s12  }
.LBB2_14:
0x57: {  	s1 =	simm.s32 $0x1;
	s3 =	simm.s32 $0x1;
	s13 =	sor.u32 $0x1C60, s5  }
0x58: {  	[tilespmem:s2+$0x10000] =	vst.add.f32.msk $0xffff, v1;
	s2 =	simm.s32 $0x1;
	s15 =	sor.u32 $0x1C60, s4;
	s1 =	simm.s32 @!p1 $0x0  }
0x59: {  	s18 =	sor.u32 $0x1C70, s5;
	s3 =	simm.s32 @!p0 $0x0;
	s0 =	sadd.s32 s1, s0  }
0x5a: {  	p0 =	sge.s32 s10, s20;
	s1 =	simm.s32 $0x1;
	s0 =	sadd.s32 s3, s0  }
0x5b: {  	s1 =	simm.s32 @!p0 $0x0;
	p0 =	sge.s32 s10, s21;
	s3 =	simm.s32 $0x1  }
0x5c: {  	s5 =	sand.u32 $0x6000, s9;
	s0 =	sadd.s32 s1, s0;
	s3 =	simm.s32 @!p0 $0x0  }
0x5d: {  	v1 =	vld [tilespmem:s13+$0x8000];
	p0 =	sge.s32 s10, s22;
	s1 =	simm.s32 $0x1;
	s0 =	sadd.s32 s3, s0  }
0x5e: {  	s2 =	simm.s32 @!p0 $0x0;
	p0 =	sge.s32 s10, s23;
	s3 =	simm.s32 $0x1  }
0x5f: {  	s0 =	sadd.s32 s2, s0;
	s1 =	simm.s32 @!p0 $0x0;
	s2 =	simm.s32 $0x1  }
0x60: {  	p0 =	sge.s32 s10, s26;
	s0 =	sadd.s32 s1, s0;
	s2 =	simm.s32 @!p6 $0x0  }
0x61: {  	s3 =	simm.s32 @!p0 $0x0;
	s0 =	sadd.s32 s2, s0;
	s2 =	simm.s32 $0x1  }
0x62: {  	[tilespmem:s15+$0x10000] =	vst.add.f32.msk $0xffff, v1;
	p0 =	sge.s32 s10, s28;
	s1 =	simm.s32 $0x1;
	s2 =	simm.s32 @!p5 $0x0  }
0x63: {  	v1 =	vld [tilespmem:s18+$0x8000];
	s1 =	simm.s32 @!p0 $0x0;
	p0 =	sge.s32 s10, s29;
	s0 =	sadd.s32 s2, s0  }
0x64: {  	s10 =	sld [smem:$0x7D4];
	s2 =	simm.s32 $0x1;
	s0 =	sadd.s32 s3, s0  }
0x65: {  	s2 =	simm.s32 @!p0 $0x0;
	s0 =	sadd.s32 s1, s0;
	s1 =	simm.s32 $0x1  }
0x66: {  	s9 =	sor.u32 $0x1C70, s4;
	s1 =	simm.s32 @!p4 $0x0;
	s0 =	sadd.s32 s2, s0  }
0x67: {  	s4 =	sor.u32 s7, s5;
	s0 =	sadd.s32 s1, s0;
	s1 =	simm.s32 $0x1  }
0x68: {  	p0 =	seq.s32 s10, $0x1;
	[tilespmem:s9+$0x10000] =	vst.add.f32.msk $0xffff, v1;
	s2 =	simm.s32 $0x1;
	s1 =	simm.s32 @!p3 $0x0  }
0x69: {  	v1 =	vld [tilespmem:s4+$0x8000];
	s2 =	simm.s32 @!p0 $0x0;
	s0 =	sadd.s32 s1, s0  }
0x6a: {  	s0 =	sadd.s32 s2, s0  }
0x6b: {  	s1 =	sshll.u32 s0, $0xA;
	s0 =	sshll.u32 s0, $0x7  }
0x6c: {  	s11 =	sand.u32 $0x7FFFE000, s1;
	s5 =	sand.u32 $0x380, s0  }
0x6d: {  	s0 =	sor.u32 s5, s11  }
0x6e: {  	[tilespmem:s0+$0x10000] =	vst.add.f32.msk $0xffff, v1  }
0x6f: {  	v1 =	vld [tilespmem:s4+$0x8010];
	_ =	sdelay $0x2  }
0x70: {  	s7 =	sadd.s32 $0x10000, s0  }
0x71: {  	s0 =	sor.u32 $0x10, s7  }
0x72: {  	[tilespmem:s0+$0x0] =	vst.add.f32.msk $0xffff, v1  }
0x73: {  	v1 =	vld [tilespmem:s4+$0x8020];
	_ =	sdelay $0x3  }
0x74: {  	s12 =	sor.u32 $0x20, s7  }
0x75: {  	[tilespmem:s12+$0x0] =	vst.add.f32.msk $0xffff, v1  }
0x76: {  	v1 =	vld [tilespmem:s4+$0x8030];
	_ =	sdelay $0x3  }
0x77: {  	s13 =	sor.u32 $0x30, s7  }
0x78: {  	[tilespmem:s13+$0x0] =	vst.add.f32.msk $0xffff, v1  }
0x79: {  	v1 =	vld [tilespmem:s4+$0x8040];
	_ =	sdelay $0x3  }
0x7a: {  	s15 =	sor.u32 $0x40, s7  }
0x7b: {  	[tilespmem:s15+$0x0] =	vst.add.f32.msk $0xffff, v1  }
0x7c: {  	v1 =	vld [tilespmem:s4+$0x8050];
	_ =	sdelay $0x3  }
0x7d: {  	s18 =	sor.u32 $0x50, s7  }
0x7e: {  	[tilespmem:s18+$0x0] =	vst.add.f32.msk $0xffff, v1  }
0x7f: {  	v1 =	vld [tilespmem:s4+$0x8060];
	_ =	sdelay $0x3  }
0x80: {  	s2 =	sor.u32 $0x60, s7  }
0x81: {  	[tilespmem:s2+$0x0] =	vst.add.f32.msk $0xffff, v1  }
0x82: {  	v1 =	vld [tilespmem:s4+$0x8070];
	_ =	sdelay $0x3  }
0x83: {  	s3 =	sor.u32 $0x70, s7  }
0x84: {  	[tilespmem:s3+$0x0] =	vst.add.f32.msk $0xffff, v1  }
0x85: {  	v1 =	vld [tilespmem:s4+$0x8400];
	_ =	sdelay $0x3  }
0x86: {  	s9 =	sor.u32 $0x400, s7  }
0x87: {  	[tilespmem:s9+$0x0] =	vst.add.f32.msk $0xffff, v1  }
0x88: {  	v1 =	vld [tilespmem:s4+$0x8410];
	_ =	sdelay $0x3  }
0x89: {  	s10 =	sor.u32 $0x410, s7  }
0x8a: {  	[tilespmem:s10+$0x0] =	vst.add.f32.msk $0xffff, v1  }
0x8b: {  	v1 =	vld [tilespmem:s4+$0x8420];
	_ =	sdelay $0x3  }
0x8c: {  	s11 =	sor.u32 $0x420, s7  }
0x8d: {  	[tilespmem:s11+$0x0] =	vst.add.f32.msk $0xffff, v1  }
0x8e: {  	v1 =	vld [tilespmem:s4+$0x8430];
	_ =	sdelay $0x3  }
0x8f: {  	s12 =	sor.u32 $0x430, s7  }
0x90: {  	[tilespmem:s12+$0x0] =	vst.add.f32.msk $0xffff, v1  }
0x91: {  	v1 =	vld [tilespmem:s4+$0x8440];
	_ =	sdelay $0x3  }
0x92: {  	s13 =	sor.u32 $0x440, s7  }
0x93: {  	[tilespmem:s13+$0x0] =	vst.add.f32.msk $0xffff, v1  }
0x94: {  	v1 =	vld [tilespmem:s4+$0x8450];
	_ =	sdelay $0x3  }
0x95: {  	s15 =	sor.u32 $0x450, s7  }
0x96: {  	[tilespmem:s15+$0x0] =	vst.add.f32.msk $0xffff, v1  }
0x97: {  	v1 =	vld [tilespmem:s4+$0x8460];
	_ =	sdelay $0x3  }
0x98: {  	s18 =	sor.u32 $0x460, s7  }
0x99: {  	[tilespmem:s18+$0x0] =	vst.add.f32.msk $0xffff, v1  }
0x9a: {  	v1 =	vld [tilespmem:s4+$0x8470];
	_ =	sdelay $0x3  }
0x9b: {  	s2 =	sor.u32 $0x470, s7  }
0x9c: {  	[tilespmem:s2+$0x0] =	vst.add.f32.msk $0xffff, v1  }
0x9d: {  	v1 =	vld [tilespmem:s4+$0x8800];
	_ =	sdelay $0x3  }
0x9e: {  	s3 =	sor.u32 $0x800, s7  }
0x9f: {  	[tilespmem:s3+$0x0] =	vst.add.f32.msk $0xffff, v1  }
0xa0: {  	v1 =	vld [tilespmem:s4+$0x8810];
	_ =	sdelay $0x3  }
0xa1: {  	s9 =	sor.u32 $0x810, s7  }
0xa2: {  	[tilespmem:s9+$0x0] =	vst.add.f32.msk $0xffff, v1  }
0xa3: {  	v1 =	vld [tilespmem:s4+$0x8820];
	_ =	sdelay $0x3  }
0xa4: {  	s10 =	sor.u32 $0x820, s7  }
0xa5: {  	[tilespmem:s10+$0x0] =	vst.add.f32.msk $0xffff, v1  }
0xa6: {  	v1 =	vld [tilespmem:s4+$0x8830];
	_ =	sdelay $0x3  }
0xa7: {  	s11 =	sor.u32 $0x830, s7  }
0xa8: {  	[tilespmem:s11+$0x0] =	vst.add.f32.msk $0xffff, v1  }
0xa9: {  	v1 =	vld [tilespmem:s4+$0x8840];
	_ =	sdelay $0x3  }
0xaa: {  	s12 =	sor.u32 $0x840, s7  }
0xab: {  	[tilespmem:s12+$0x0] =	vst.add.f32.msk $0xffff, v1  }
0xac: {  	v1 =	vld [tilespmem:s4+$0x8850];
	_ =	sdelay $0x3  }
0xad: {  	s13 =	sor.u32 $0x850, s7  }
0xae: {  	[tilespmem:s13+$0x0] =	vst.add.f32.msk $0xffff, v1  }
0xaf: {  	v1 =	vld [tilespmem:s4+$0x8860];
	_ =	sdelay $0x3  }
0xb0: {  	s15 =	sor.u32 $0x860, s7  }
0xb1: {  	[tilespmem:s15+$0x0] =	vst.add.f32.msk $0xffff, v1  }
0xb2: {  	v1 =	vld [tilespmem:s4+$0x8870];
	_ =	sdelay $0x3  }
0xb3: {  	s18 =	sor.u32 $0x870, s7  }
0xb4: {  	[tilespmem:s18+$0x0] =	vst.add.f32.msk $0xffff, v1  }
0xb5: {  	v1 =	vld [tilespmem:s4+$0x8C00];
	_ =	sdelay $0x3  }
0xb6: {  	s2 =	sor.u32 $0xC00, s7  }
0xb7: {  	[tilespmem:s2+$0x0] =	vst.add.f32.msk $0xffff, v1  }
0xb8: {  	v1 =	vld [tilespmem:s4+$0x8C10];
	_ =	sdelay $0x3  }
0xb9: {  	s3 =	sor.u32 $0xC10, s7  }
0xba: {  	[tilespmem:s3+$0x0] =	vst.add.f32.msk $0xffff, v1  }
0xbb: {  	v1 =	vld [tilespmem:s4+$0x8C20];
	_ =	sdelay $0x3  }
0xbc: {  	s9 =	sor.u32 $0xC20, s7  }
0xbd: {  	[tilespmem:s9+$0x0] =	vst.add.f32.msk $0xffff, v1  }
0xbe: {  	v1 =	vld [tilespmem:s4+$0x8C30];
	_ =	sdelay $0x3  }
0xbf: {  	s10 =	sor.u32 $0xC30, s7  }
0xc0: {  	[tilespmem:s10+$0x0] =	vst.add.f32.msk $0xffff, v1  }
0xc1: {  	v1 =	vld [tilespmem:s4+$0x8C40];
	_ =	sdelay $0x3  }
0xc2: {  	s11 =	sor.u32 $0xC40, s7  }
0xc3: {  	[tilespmem:s11+$0x0] =	vst.add.f32.msk $0xffff, v1  }
0xc4: {  	v1 =	vld [tilespmem:s4+$0x8C50];
	_ =	sdelay $0x3  }
0xc5: {  	s12 =	sor.u32 $0xC50, s7  }
0xc6: {  	[tilespmem:s12+$0x0] =	vst.add.f32.msk $0xffff, v1  }
0xc7: {  	v1 =	vld [tilespmem:s4+$0x8C60];
	_ =	sdelay $0x3  }
0xc8: {  	s13 =	sor.u32 $0xC60, s7  }
0xc9: {  	[tilespmem:s13+$0x0] =	vst.add.f32.msk $0xffff, v1  }
0xca: {  	v1 =	vld [tilespmem:s4+$0x8C70];
	_ =	sdelay $0x3  }
0xcb: {  	s15 =	sor.u32 $0xC70, s7  }
0xcc: {  	[tilespmem:s15+$0x0] =	vst.add.f32.msk $0xffff, v1  }
0xcd: {  	v1 =	vld [tilespmem:s4+$0x9000];
	_ =	sdelay $0x3  }
0xce: {  	s18 =	sor.u32 $0x1000, s7  }
0xcf: {  	[tilespmem:s18+$0x0] =	vst.add.f32.msk $0xffff, v1  }
0xd0: {  	v1 =	vld [tilespmem:s4+$0x9010];
	_ =	sdelay $0x3  }
0xd1: {  	s2 =	sor.u32 $0x1010, s7  }
0xd2: {  	[tilespmem:s2+$0x0] =	vst.add.f32.msk $0xffff, v1  }
0xd3: {  	v1 =	vld [tilespmem:s4+$0x9020];
	_ =	sdelay $0x3  }
0xd4: {  	s3 =	sor.u32 $0x1020, s7  }
0xd5: {  	[tilespmem:s3+$0x0] =	vst.add.f32.msk $0xffff, v1  }
0xd6: {  	v1 =	vld [tilespmem:s4+$0x9030];
	_ =	sdelay $0x3  }
0xd7: {  	s9 =	sor.u32 $0x1030, s7  }
0xd8: {  	[tilespmem:s9+$0x0] =	vst.add.f32.msk $0xffff, v1  }
0xd9: {  	v1 =	vld [tilespmem:s4+$0x9040];
	_ =	sdelay $0x3  }
0xda: {  	s10 =	sor.u32 $0x1040, s7  }
0xdb: {  	[tilespmem:s10+$0x0] =	vst.add.f32.msk $0xffff, v1  }
0xdc: {  	v1 =	vld [tilespmem:s4+$0x9050];
	_ =	sdelay $0x3  }
0xdd: {  	s11 =	sor.u32 $0x1050, s7  }
0xde: {  	[tilespmem:s11+$0x0] =	vst.add.f32.msk $0xffff, v1  }
0xdf: {  	v1 =	vld [tilespmem:s4+$0x9060];
	_ =	sdelay $0x3  }
0xe0: {  	s12 =	sor.u32 $0x1060, s7  }
0xe1: {  	[tilespmem:s12+$0x0] =	vst.add.f32.msk $0xffff, v1  }
0xe2: {  	v1 =	vld [tilespmem:s4+$0x9070];
	_ =	sdelay $0x3  }
0xe3: {  	s13 =	sor.u32 $0x1070, s7  }
0xe4: {  	[tilespmem:s13+$0x0] =	vst.add.f32.msk $0xffff, v1  }
0xe5: {  	v1 =	vld [tilespmem:s4+$0x9400];
	_ =	sdelay $0x3  }
0xe6: {  	s15 =	sor.u32 $0x1400, s7  }
0xe7: {  	[tilespmem:s15+$0x0] =	vst.add.f32.msk $0xffff, v1  }
0xe8: {  	v1 =	vld [tilespmem:s4+$0x9410];
	_ =	sdelay $0x3  }
0xe9: {  	s18 =	sor.u32 $0x1410, s7  }
0xea: {  	[tilespmem:s18+$0x0] =	vst.add.f32.msk $0xffff, v1  }
0xeb: {  	v1 =	vld [tilespmem:s4+$0x9420];
	_ =	sdelay $0x3  }
0xec: {  	s2 =	sor.u32 $0x1420, s7  }
0xed: {  	[tilespmem:s2+$0x0] =	vst.add.f32.msk $0xffff, v1  }
0xee: {  	v1 =	vld [tilespmem:s4+$0x9430];
	_ =	sdelay $0x3  }
0xef: {  	s3 =	sor.u32 $0x1430, s7  }
0xf0: {  	[tilespmem:s3+$0x0] =	vst.add.f32.msk $0xffff, v1  }
0xf1: {  	v1 =	vld [tilespmem:s4+$0x9440];
	_ =	sdelay $0x3  }
0xf2: {  	s9 =	sor.u32 $0x1440, s7  }
0xf3: {  	[tilespmem:s9+$0x0] =	vst.add.f32.msk $0xffff, v1  }
0xf4: {  	v1 =	vld [tilespmem:s4+$0x9450];
	_ =	sdelay $0x3  }
0xf5: {  	s10 =	sor.u32 $0x1450, s7  }
0xf6: {  	[tilespmem:s10+$0x0] =	vst.add.f32.msk $0xffff, v1  }
0xf7: {  	v1 =	vld [tilespmem:s4+$0x9460];
	_ =	sdelay $0x3  }
0xf8: {  	s11 =	sor.u32 $0x1460, s7  }
0xf9: {  	[tilespmem:s11+$0x0] =	vst.add.f32.msk $0xffff, v1  }
0xfa: {  	v1 =	vld [tilespmem:s4+$0x9470];
	_ =	sdelay $0x3  }
0xfb: {  	s12 =	sor.u32 $0x1470, s7  }
0xfc: {  	[tilespmem:s12+$0x0] =	vst.add.f32.msk $0xffff, v1  }
0xfd: {  	v1 =	vld [tilespmem:s4+$0x9800];
	_ =	sdelay $0x3  }
0xfe: {  	s13 =	sor.u32 $0x1800, s7  }
0xff: {  	[tilespmem:s13+$0x0] =	vst.add.f32.msk $0xffff, v1  }
0x100: {  	v1 =	vld [tilespmem:s4+$0x9810];
	_ =	sdelay $0x3  }
0x101: {  	s15 =	sor.u32 $0x1810, s7  }
0x102: {  	[tilespmem:s15+$0x0] =	vst.add.f32.msk $0xffff, v1  }
0x103: {  	v1 =	vld [tilespmem:s4+$0x9820];
	_ =	sdelay $0x3  }
0x104: {  	s18 =	sor.u32 $0x1820, s7  }
0x105: {  	[tilespmem:s18+$0x0] =	vst.add.f32.msk $0xffff, v1  }
0x106: {  	v1 =	vld [tilespmem:s4+$0x9830];
	_ =	sdelay $0x3  }
0x107: {  	s2 =	sor.u32 $0x1830, s7  }
0x108: {  	[tilespmem:s2+$0x0] =	vst.add.f32.msk $0xffff, v1  }
0x109: {  	v1 =	vld [tilespmem:s4+$0x9840];
	_ =	sdelay $0x3  }
0x10a: {  	s3 =	sor.u32 $0x1840, s7  }
0x10b: {  	[tilespmem:s3+$0x0] =	vst.add.f32.msk $0xffff, v1  }
0x10c: {  	v1 =	vld [tilespmem:s4+$0x9850];
	_ =	sdelay $0x3  }
0x10d: {  	s9 =	sor.u32 $0x1850, s7  }
0x10e: {  	[tilespmem:s9+$0x0] =	vst.add.f32.msk $0xffff, v1  }
0x10f: {  	v1 =	vld [tilespmem:s4+$0x9860];
	_ =	sdelay $0x3  }
0x110: {  	s10 =	sor.u32 $0x1860, s7  }
0x111: {  	[tilespmem:s10+$0x0] =	vst.add.f32.msk $0xffff, v1  }
0x112: {  	v1 =	vld [tilespmem:s4+$0x9870]  }
0x113: {  	s11 =	sadd.s32 $0x1, s6  }
0x114: {  	s0 =	sand.u32 $0x7, s11  }
0x115: {  	s0 =	sshll.u32 s0, $0x7;
	s12 =	sadd.s32 $0x400, s8  }
0x116: {  	s0 =	sadd.s32 s0, s12;
	s13 =	sor.u32 $0x1870, s7  }
0x117: {  	s15 =	sor.u32 $0x1C00, s0;
	[tilespmem:s13+$0x0] =	vst.add.f32.msk $0xffff, v1  }
0x118: {  	v1 =	vld [tilespmem:s15+$0x8000];
	_ =	sdelay $0x2  }
0x119: {  	s1 =	sor.u32 s1, s5  }
0x11a: {  	s18 =	sor.u32 $0x1C00, s1  }
0x11b: {  	s3 =	sor.u32 $0x1C10, s0;
	[tilespmem:s18+$0x10000] =	vst.add.f32.msk $0xffff, v1  }
0x11c: {  	v1 =	vld [tilespmem:s3+$0x8000];
	_ =	sdelay $0x3  }
0x11d: {  	s4 =	sor.u32 $0x1C10, s1  }
0x11e: {  	s5 =	sor.u32 $0x1C20, s0;
	[tilespmem:s4+$0x10000] =	vst.add.f32.msk $0xffff, v1  }
0x11f: {  	v1 =	vld [tilespmem:s5+$0x8000];
	_ =	sdelay $0x3  }
0x120: {  	s6 =	sor.u32 $0x1C20, s1  }
0x121: {  	s7 =	sor.u32 $0x1C30, s0;
	[tilespmem:s6+$0x10000] =	vst.add.f32.msk $0xffff, v1  }
0x122: {  	v1 =	vld [tilespmem:s7+$0x8000];
	_ =	sdelay $0x3  }
0x123: {  	s8 =	sor.u32 $0x1C30, s1  }
0x124: {  	s9 =	sor.u32 $0x1C40, s0;
	[tilespmem:s8+$0x10000] =	vst.add.f32.msk $0xffff, v1  }
0x125: {  	v1 =	vld [tilespmem:s9+$0x8000];
	_ =	sdelay $0x3  }
0x126: {  	s10 =	sor.u32 $0x1C40, s1  }
0x127: {  	s11 =	sor.u32 $0x1C50, s0;
	[tilespmem:s10+$0x10000] =	vst.add.f32.msk $0xffff, v1  }
0x128: {  	v1 =	vld [tilespmem:s11+$0x8000];
	_ =	sdelay $0x3  }
0x129: {  	s12 =	sor.u32 $0x1C50, s1  }
0x12a: {  	s13 =	sor.u32 $0x1C60, s0;
	[tilespmem:s12+$0x10000] =	vst.add.f32.msk $0xffff, v1  }
0x12b: {  	v1 =	vld [tilespmem:s13+$0x8000];
	_ =	sdelay $0x3  }
0x12c: {  	s15 =	sor.u32 $0x1C60, s1  }
0x12d: {  	s0 =	sor.u32 $0x1C70, s0;
	[tilespmem:s15+$0x10000] =	vst.add.f32.msk $0xffff, v1  }
0x12e: {  	v1 =	vld [tilespmem:s0+$0x8000];
	_ =	sdelay $0x3  }
0x12f: {  	s18 =	sor.u32 $0x1C70, s1  }
0x130: {  	[tilespmem:s18+$0x10000] =	vst.add.f32.msk $0xffff, v1  }
.LBB2_18:
0x131: {  	s0 =	sld [smem:$0x7F2];
	_ =	sdelay $0x2  }
0x132: {  	p0 =	seq.s32 s0, $0x1  }
.Ltmp4:
0x133: {  	_ = 	snop;
	(pc) =	sbr.rel @!p0 .LBB2_19-.Ltmp4, $2  }
0x134: {  	_ =	sdelay $0x2  }
0x135: {  	s1 =	simm.s32 $0x1;
	p1 =	por $0x0, $0x0;
	s12 =	sld [smem:$0x7FD]  }
.LBB2_4:
0x136: {  	[smem:$0x7EF] =	sst s1  }
0x137: {  	s10 =	sshll.u32 s1, $0x6;
	s0 =	rddreg [dreg:$0x14];
	s13 =	simm.s32 $0x1  }
0x138: {  	s6 =	sor.u32 s10, s0;
	_ =	swait.ge [sflag:s13], $0x8000  }
0x139: {  	s0 =	sor.u32 $0x20, s6;
	[sflag:s13] =	ssyncset.done $0x0  }
0x13a: {  	[smem:$0x7F0] =	sst s0;
	[sflag:s13] =	ssyncadd.s32 $0xFFFF8000  }
0x13b: {  	s0 =	sshll.u32 s0, $0x7;
	s1 =	rddreg [dreg:$0x0]  }
0x13c: {  	s15 =	simm.s32 $0x8000;
	s0 =	sadd.s32 s1, s0  }
0x13d: {  	[tilespmem:s15], [sflag:$0x2] =	stream.linear.gather [hbm4b:s0+s14], $0x8000, $0x38;
	[tilespmem:$0x14080] =	vst v63  }
0x13e: {  	p0 =	sge.s32 s6, s16;
	s0 =	simm.s32 $0x1  }
0x13f: {  	s1 =	simm.s32 $0x1;
	s0 =	simm.s32 @!p0 $0x0;
	p0 =	sge.s32 s6, s17  }
0x140: {  	s2 =	simm.s32 $0x1;
	s1 =	simm.s32 @!p0 $0x0;
	p0 =	sge.s32 s6, s19  }
0x141: {  	s0 =	sadd.s32 s1, s0;
	s2 =	simm.s32 @!p0 $0x0  }
0x142: {  	p0 =	sge.s32 s6, s20;
	s1 =	simm.s32 $0x1;
	s0 =	sadd.s32 s2, s0  }
0x143: {  	s1 =	simm.s32 @!p0 $0x0;
	p0 =	sge.s32 s6, s21;
	s2 =	simm.s32 $0x1  }
0x144: {  	s0 =	sadd.s32 s1, s0;
	s2 =	simm.s32 @!p0 $0x0  }
0x145: {  	p0 =	sge.s32 s6, s22;
	s1 =	simm.s32 $0x1;
	s0 =	sadd.s32 s2, s0  }
0x146: {  	s1 =	simm.s32 @!p0 $0x0;
	p0 =	sge.s32 s6, s23;
	s2 =	simm.s32 $0x1  }
0x147: {  	s3 =	simm.s32 $0x1;
	s0 =	sadd.s32 s1, s0;
	s2 =	simm.s32 @!p0 $0x0  }
0x148: {  	p0 =	sge.s32 s6, s24;
	s1 =	simm.s32 $0x1;
	s0 =	sadd.s32 s2, s0  }
0x149: {  	s1 =	simm.s32 @!p0 $0x0;
	p0 =	sge.s32 s6, s25;
	s2 =	simm.s32 $0x1  }
0x14a: {  	s4 =	simm.s32 $0x1;
	s0 =	sadd.s32 s1, s0;
	s2 =	simm.s32 @!p0 $0x0  }
0x14b: {  	p0 =	sge.s32 s6, s26;
	s1 =	simm.s32 $0x1;
	s0 =	sadd.s32 s2, s0  }
0x14c: {  	s1 =	simm.s32 @!p0 $0x0;
	p0 =	sge.s32 s6, s28;
	s2 =	simm.s32 $0x1  }
0x14d: {  	s5 =	simm.s32 $0x1;
	s0 =	sadd.s32 s1, s0;
	s2 =	simm.s32 @!p0 $0x0  }
0x14e: {  	p0 =	sge.s32 s6, s29;
	s1 =	simm.s32 $0x1;
	s0 =	sadd.s32 s2, s0  }
0x14f: {  	s1 =	simm.s32 @!p0 $0x0;
	p0 =	sge.s32 s6, s30;
	s2 =	simm.s32 $0x1  }
0x150: {  	s18 =	sor.u32 $0x1F, s6;
	s0 =	sadd.s32 s1, s0;
	s2 =	simm.s32 @!p0 $0x0  }
0x151: {  	p0 =	sge.s32 s18, s16;
	s0 =	sadd.s32 s2, s0;
	s2 =	simm.s32 $0x1  }
0x152: {  	p2 =	sge.s32 s18, s19;
	s2 =	simm.s32 @!p0 $0x0;
	p0 =	sge.s32 s18, s17  }
0x153: {  	s4 =	simm.s32 @!p2 $0x0;
	p2 =	sge.s32 s18, s20;
	s3 =	simm.s32 @!p0 $0x0  }
0x154: {  	s1 =	simm.s32 $0x1;
	p0 =	sge.s32 s6, s31;
	s2 =	sadd.s32 s3, s2  }
0x155: {  	s3 =	simm.s32 $0x1;
	s5 =	simm.s32 @!p0 $0x0;
	s2 =	sadd.s32 s4, s2  }
0x156: {  	s3 =	simm.s32 @!p2 $0x0;
	p2 =	sge.s32 s18, s21;
	s4 =	simm.s32 $0x1  }
0x157: {  	p0 =	sge.s32 s18, s24;
	s2 =	sadd.s32 s3, s2;
	s4 =	simm.s32 @!p2 $0x0  }
0x158: {  	p2 =	sge.s32 s18, s22;
	s3 =	simm.s32 $0x1;
	s2 =	sadd.s32 s4, s2  }
0x159: {  	s3 =	simm.s32 @!p2 $0x0;
	p2 =	sge.s32 s18, s23;
	s4 =	simm.s32 $0x1  }
0x15a: {  	s2 =	sadd.s32 s3, s2;
	s4 =	simm.s32 @!p2 $0x0;
	s3 =	simm.s32 $0x1  }
0x15b: {  	p2 =	sge.s32 s18, s28;
	s2 =	sadd.s32 s4, s2;
	s3 =	simm.s32 @!p0 $0x0  }
0x15c: {  	p0 =	sge.s32 s18, s25;
	s4 =	simm.s32 $0x1;
	s2 =	sadd.s32 s3, s2  }
0x15d: {  	s4 =	simm.s32 @!p0 $0x0;
	p0 =	sge.s32 s18, s26;
	s3 =	simm.s32 $0x1  }
0x15e: {  	s2 =	sadd.s32 s4, s2;
	s3 =	simm.s32 @!p0 $0x0;
	s4 =	simm.s32 $0x1  }
0x15f: {  	s0 =	sadd.s32 s5, s0;
	s2 =	sadd.s32 s3, s2;
	s4 =	simm.s32 @!p2 $0x0  }
0x160: {  	p2 =	sge.s32 s18, s29;
	s3 =	simm.s32 $0x1;
	s2 =	sadd.s32 s4, s2  }
0x161: {  	s3 =	simm.s32 @!p2 $0x0;
	p2 =	sge.s32 s18, s30;
	s4 =	simm.s32 $0x1  }
0x162: {  	p0 =	sge.s32 s6, s12;
	s2 =	sadd.s32 s3, s2;
	s4 =	simm.s32 @!p2 $0x0  }
0x163: {  	p2 =	sge.s32 s18, s31;
	s2 =	sadd.s32 s4, s2;
	s4 =	simm.s32 $0x1  }
0x164: {  	s3 =	simm.s32 $0x1;
	s4 =	simm.s32 @!p2 $0x0;
	p2 =	sge.s32 s18, s12  }
0x165: {  	s3 =	simm.s32 @!p0 $0x0;
	s2 =	sadd.s32 s4, s2;
	s1 =	simm.s32 @!p2 $0x0  }
0x166: {  	s0 =	sadd.s32 s3, s0;
	s1 =	sadd.s32 s1, s2  }
0x167: {  	p0 =	seq.s32 s0, s1  }
.Ltmp5:
0x168: {  	_ = 	snop;
	(pc) =	sbr.rel @!p0 .LBB2_5-.Ltmp5, $4  }
0x169: {  	_ = 	snop  }
0x16a: {  	s1 =	simm.s32 @!p1 $0x0  }
0x16b: {  	[smem:$0x7F1] =	sst s6;
	s1 =	simm.s32 @p1 $0x1  }
0x16c: {  	[smem:$0x7F2] =	sst s1  }
0x16d: {  	s1 =	sshll.u32 s0, $0xA  }
0x16e: {  	s21 =	sshll.u32 s0, $0x7;
	s2 =	sand.u32 $0x7FFFE000, s1;
	s1 =	simm.s32 $0x0  }
0x16f: {  	s0 =	sand.u32 $0x380, s21;
	s4 =	sand.u32 $0x1C00, s1  }
0x170: {  	[smem:$0x7E4] =	sst s10;
	s0 =	sor.u32 s0, s2;
	s3 =	sor.u32 $0x6000, s4  }
0x171: {  	s0 =	sadd.s32 $0x10000, s0;
	[smem:$0x7E5] =	sst s3  }
0x172: {  	s6 =	sand.u32 $0x60, s1;
	s22 =	sor.u32 $0x6080, s4;
	[dreg:$0x4] =	wrdreg s0  }
0x173: {  	s5 =	sor.u32 $0x10, s6;
	s24 =	sor.u32 $0x6100, s4;
	[smem:$0x7E6] =	sst s22  }
0x174: {  	s26 =	sor.u32 $0x6180, s4;
	s23 =	sor.u32 s5, s3;
	[smem:$0x7E7] =	sst s24  }
0x175: {  	s25 =	sor.u32 s5, s22;
	v3 =	vld [tilespmem:s23+$0x0];
	[smem:$0x7E8] =	sst s26  }
0x176: {  	s28 =	sor.u32 s5, s24;
	v4 =	vld [tilespmem:s25+$0x0]  }
0x177: {  	s17 =	sor.u32 $0x6200, s4;
	s29 =	sor.u32 s5, s26;
	v5 =	vld [tilespmem:s28+$0x0]  }
0x178: {  	s7 =	sor.u32 $0x4000, s4;
	s30 =	sor.u32 s5, s17;
	v6 =	vld [tilespmem:s29+$0x0]  }
0x179: {  	s8 =	sor.u32 $0x4080, s4;
	s31 =	sor.u32 s5, s7;
	v7 =	vld [tilespmem:s30+$0x0]  }
0x17a: {  	s9 =	sor.u32 $0x4100, s4;
	s2 =	sor.u32 s5, s8;
	v1 =	vld [tilespmem:s31+$0x0]  }
0x17b: {  	s12 =	sor.u32 $0x4180, s4;
	s3 =	sor.u32 s5, s9;
	v2 =	vld [tilespmem:s2+$0x0]  }
0x17c: {  	s14 =	sor.u32 $0x4200, s4;
	s10 =	sor.u32 s5, s12;
	v8 =	vld [tilespmem:s3+$0x0]  }
0x17d: {  	s15 =	sor.u32 $0x4280, s4;
	s11 =	sor.u32 s5, s14;
	v9 =	vld [tilespmem:s10+$0x0]  }
0x17e: {  	s13 =	sor.u32 s5, s15;
	v10 =	vld [tilespmem:s11+$0x0]  }
0x17f: {  	s16 =	sor.u32 s5, s4;
	v11 =	vld [tilespmem:s13+$0x0]  }
0x180: {  	v12 =	vld [tilespmem:s16+$0x0]  }
0x181: {  	v13 =	vld [tilespmem:s16+$0x80]  }
0x182: {  	v14 =	vld [tilespmem:s16+$0x100]  }
0x183: {  	v15 =	vld [tilespmem:s16+$0x180]  }
0x184: {  	s21 =	sor.u32 $0x2000, s4;
	v16 =	vld [tilespmem:s16+$0x200]  }
0x185: {  	s20 =	sor.u32 $0x2080, s4;
	s18 =	sor.u32 s5, s21;
	v17 =	vld [tilespmem:s16+$0x280]  }
0x186: {  	s19 =	sor.u32 $0x2100, s4;
	s22 =	sor.u32 s5, s20;
	v18 =	vld [tilespmem:s18+$0x0]  }
0x187: {  	s0 =	sor.u32 $0x2300, s4;
	s23 =	sor.u32 s5, s19;
	v19 =	vld [tilespmem:s22+$0x0]  }
0x188: {  	s3 =	sor.u32 $0x2180, s4;
	v20 =	vld [tilespmem:s23+$0x0];
	s29 =	sor.u32 s5, s0  }
0x189: {  	s16 =	sor.u32 $0x2200, s4;
	s25 =	sand.u32 $0x3, s1;
	s24 =	sor.u32 s5, s3;
	v24 =	vld [tilespmem:s29+$0x0]  }
0x18a: {  	s18 =	sor.u32 $0x2280, s4;
	s26 =	sor.u32 s5, s16;
	s11 =	sshll.u32 s25, $0x5;
	v21 =	vld [tilespmem:s24+$0x0]  }
0x18b: {  	s2 =	sor.u32 $0x2380, s4;
	s28 =	sor.u32 s5, s18;
	v22 =	vld [tilespmem:s26+$0x0];
	s22 =	sadd.s32 $0x0, s11  }
0x18c: {  	s30 =	sor.u32 s5, s2;
	v23 =	vld [tilespmem:s28+$0x0];
	s11 =	sadd.s32 $0x10, s22  }
0x18d: {  	s13 =	sor.u32 $0x6280, s4;
	v25 =	vld [tilespmem:s30+$0x0];
	s31 =	sor.u32 $0x300, s11  }
0x18e: {  	s11 =	sor.u32 $0x380, s11;
	v26 =	vld [tilespmem:s31+$0x0];
	[smem:$0x7E9] =	sst s13  }
0x18f: {  	s10 =	sor.u32 $0x4300, s4;
	s23 =	sor.u32 s5, s13;
	v54 =	vld [tilespmem:s11+$0x0]  }
0x190: {  	s24 =	sor.u32 s5, s10;
	s31 =	sor.u32 $0x6300, s4;
	v55 =	vld [tilespmem:s23+$0x0]  }
0x191: {  	s30 =	sor.u32 $0x6380, s4;
	v14 =	vadd.f32 v20, v14;
	v56 =	vld [tilespmem:s24+$0x0];
	s23 =	sor.u32 s5, s31  }
0x192: {  	s26 =	sor.u32 s5, s30;
	v12 =	vadd.f32 v18, v12;
	v58 =	vld [tilespmem:s23+$0x0]  }
0x193: {  	s22 =	sor.u32 $0x300, s22;
	v13 =	vadd.f32 v19, v13;
	v8 =	vadd.f32 v8, v14;
	v14 =	vld [tilespmem:s26+$0x0]  }
0x194: {  	s21 =	sor.u32 s6, s21;
	s11 =	sor.u32 $0x4380, s4;
	v12 =	vadd.f32 v1, v12;
	v1 =	vld [tilespmem:s22+$0x0]  }
0x195: {  	s25 =	sor.u32 s5, s11;
	v13 =	vadd.f32 v2, v13;
	v2 =	vld [tilespmem:s21+$0x0]  }
0x196: {  	s21 =	sor.u32 s6, s12;
	v57 =	vld [tilespmem:s25+$0x0]  }
0x197: {  	s22 =	sor.u32 s6, s14;
	v20 =	vld [tilespmem:s21+$0x0]  }
0x198: {  	v15 =	vadd.f32 v21, v15;
	s23 =	sor.u32 s6, s15;
	v21 =	vld [tilespmem:s22+$0x0]  }
0x199: {  	v16 =	vadd.f32 v22, v16;
	s26 =	sor.u32 s6, s10;
	v22 =	vld [tilespmem:s23+$0x0]  }
0x19a: {  	s20 =	sor.u32 s6, s20;
	v17 =	vadd.f32 v23, v17;
	v23 =	vld [tilespmem:s26+$0x0];
	v9 =	vadd.f32 v9, v15  }
0x19b: {  	s19 =	sor.u32 s6, s19;
	v10 =	vadd.f32 v10, v16;
	v12 =	vadd.f32 v3, v12;
	v3 =	vld [tilespmem:s20+$0x0]  }
0x19c: {  	s3 =	sor.u32 s6, s3;
	v11 =	vadd.f32 v11, v17;
	v13 =	vadd.f32 v4, v13;
	v4 =	vld [tilespmem:s19+$0x0]  }
0x19d: {  	v8 =	vadd.f32 v5, v8;
	v5 =	vld [tilespmem:s3+$0x0];
	s19 =	sor.u32 s6, s8;
	v15 =	vadd.f32 v24, v26  }
0x19e: {  	s20 =	sor.u32 s6, s9;
	v18 =	vld [tilespmem:s19+$0x0];
	v59 =	vadd.f32 v25, v54;
	v9 =	vadd.f32 v6, v9  }
0x19f: {  	s28 =	sor.u32 s6, s4;
	v19 =	vld [tilespmem:s20+$0x0];
	v10 =	vadd.f32 v7, v10;
	v11 =	vadd.f32 v55, v11  }
0x1a0: {  	s16 =	sor.u32 s6, s16;
	v6 =	vld [tilespmem:s28+$0x0];
	v15 =	vadd.f32 v56, v15;
	v16 =	vadd.f32 v57, v59  }
0x1a1: {  	s29 =	sor.u32 s6, s18;
	v7 =	vld [tilespmem:s16+$0x0];
	v12 =	vadd.f32 v13, v12;
	v13 =	vadd.f32 v9, v8  }
0x1a2: {  	s0 =	sor.u32 s6, s0;
	v8 =	vld [tilespmem:s29+$0x0];
	v15 =	vadd.f32 v58, v15;
	v14 =	vadd.f32 v14, v16  }
0x1a3: {  	s2 =	sor.u32 s6, s2;
	v11 =	vadd.f32 v11, v10;
	v10 =	vld [tilespmem:s0+$0x0]  }
0x1a4: {  	v9 =	vld [tilespmem:s2+$0x0];
	v14 =	vadd.f32 v14, v15  }
0x1a5: {  	v13 =	vadd.f32 v13, v12;
	v12 =	vld [tilespmem:s28+$0x100]  }
0x1a6: {  	s16 =	sor.u32 s6, s7;
	v16 =	vld [tilespmem:s28+$0x200];
	v14 =	vadd.f32 v14, v11  }
0x1a7: {  	s3 =	rddreg [dreg:$0x4];
	v15 =	vld [tilespmem:s16+$0x0]  }
0x1a8: {  	s18 =	sadd.s32 s4, s3;
	v11 =	vld [tilespmem:s28+$0x80];
	v14 =	vadd.f32 v14, v13  }
0x1a9: {  	s24 =	simm.s32 $0x100;
	s0 =	sadd.s32 s5, s18;
	v13 =	vld [tilespmem:s28+$0x180]  }
0x1aa: {  	s13 =	sor.u32 s1, s1;
	s25 =	simm.s32 $0x20;
	s5 =	sand.u32 $0x1C00, s24;
	[tilespmem:s0+$0x0] =	vst.add.f32.msk $0xffff, v14  }
0x1ab: {  	s29 =	sor.u32 $0x6000, s5;
	s2 =	sor.u32 $0x6080, s5;
	s0 =	sor.u32 $0x380, s13;
	v14 =	vld [tilespmem:s28+$0x280]  }
0x1ac: {  	s13 =	sand.u32 $0x60, s25;
	s28 =	sor.u32 s6, s11;
	v17 =	vld [tilespmem:s0+$0x0];
	[smem:$0x7EA] =	sst s29  }
0x1ad: {  	s7 =	sor.u32 $0x6100, s5;
	s4 =	sor.u32 $0x10, s13;
	v24 =	vld [tilespmem:s28+$0x0];
	[smem:$0x7EB] =	sst s2  }
0x1ae: {  	s9 =	sor.u32 $0x6180, s5;
	s3 =	sor.u32 s4, s29;
	[smem:$0x7EC] =	sst s7  }
0x1af: {  	s11 =	sor.u32 $0x6200, s5;
	s8 =	sor.u32 s4, s2;
	v60 =	vld [tilespmem:s3+$0x0];
	[smem:$0x7ED] =	sst s9  }
0x1b0: {  	s10 =	sor.u32 s4, s7;
	v61 =	vld [tilespmem:s8+$0x0];
	[smem:$0x7EE] =	sst s11  }
0x1b1: {  	s12 =	sor.u32 s4, s9;
	v27 =	vld [tilespmem:s10+$0x0]  }
0x1b2: {  	s23 =	sor.u32 $0x4000, s5;
	s14 =	sor.u32 s4, s11;
	v28 =	vld [tilespmem:s12+$0x0]  }
0x1b3: {  	s21 =	sor.u32 $0x4080, s5;
	s15 =	sor.u32 s4, s23;
	v29 =	vld [tilespmem:s14+$0x0]  }
0x1b4: {  	s22 =	sor.u32 $0x4180, s5;
	s16 =	sor.u32 s4, s21;
	v30 =	vld [tilespmem:s15+$0x0]  }
0x1b5: {  	s20 =	sor.u32 $0x4200, s5;
	s24 =	sor.u32 s4, s22;
	v31 =	vld [tilespmem:s16+$0x0]  }
0x1b6: {  	s25 =	sor.u32 s4, s20;
	v33 =	vld [tilespmem:s24+$0x0]  }
0x1b7: {  	s28 =	sor.u32 s4, s5;
	v34 =	vld [tilespmem:s25+$0x0]  }
0x1b8: {  	v36 =	vld [tilespmem:s28+$0x0]  }
0x1b9: {  	v37 =	vld [tilespmem:s28+$0x80]  }
0x1ba: {  	v38 =	vld [tilespmem:s28+$0x100]  }
0x1bb: {  	v39 =	vld [tilespmem:s28+$0x180]  }
0x1bc: {  	s7 =	sor.u32 $0x2000, s5;
	v40 =	vld [tilespmem:s28+$0x200]  }
0x1bd: {  	s29 =	sor.u32 s4, s7;
	s8 =	sor.u32 $0x4100, s5;
	v41 =	vld [tilespmem:s28+$0x280]  }
0x1be: {  	s19 =	sor.u32 s4, s8;
	s16 =	sor.u32 $0x4280, s5;
	v42 =	vld [tilespmem:s29+$0x0]  }
0x1bf: {  	s14 =	sor.u32 $0x2080, s5;
	v32 =	vld [tilespmem:s19+$0x0];
	s26 =	sor.u32 s4, s16  }
0x1c0: {  	s29 =	sor.u32 $0x2100, s5;
	s1 =	sor.u32 s4, s14;
	v35 =	vld [tilespmem:s26+$0x0]  }
0x1c1: {  	s25 =	sor.u32 $0x2180, s5;
	s2 =	sor.u32 s4, s29;
	v43 =	vld [tilespmem:s1+$0x0]  }
0x1c2: {  	s28 =	sor.u32 $0x2280, s5;
	s19 =	simm.s32 $0x1;
	s3 =	sor.u32 s4, s25;
	v44 =	vld [tilespmem:s2+$0x0]  }
0x1c3: {  	s11 =	sor.u32 s4, s28;
	s26 =	sor.u32 $0x2200, s5;
	v45 =	vld [tilespmem:s3+$0x0];
	s9 =	sand.u32 $0x3, s19  }
0x1c4: {  	v47 =	vld [tilespmem:s11+$0x0];
	s10 =	sor.u32 s4, s26;
	s0 =	sshll.u32 s9, $0x5;
	s9 =	sor.u32 $0x2300, s5  }
0x1c5: {  	v46 =	vld [tilespmem:s10+$0x0];
	s0 =	sadd.s32 $0x100, s0;
	s10 =	sor.u32 $0x2380, s5;
	s12 =	sor.u32 s4, s9  }
0x1c6: {  	v48 =	vld [tilespmem:s12+$0x0];
	s15 =	sadd.s32 $0x10, s0;
	s24 =	sor.u32 s4, s10  }
0x1c7: {  	v49 =	vld [tilespmem:s24+$0x0];
	s1 =	sor.u32 $0x300, s15  }
0x1c8: {  	s12 =	sor.u32 $0x4300, s5;
	s2 =	sor.u32 $0x380, s15;
	v50 =	vld [tilespmem:s1+$0x0]  }
0x1c9: {  	s24 =	sor.u32 $0x6280, s5;
	s11 =	sor.u32 s4, s12;
	v62 =	vld [tilespmem:s2+$0x0]  }
0x1ca: {  	s3 =	sor.u32 s4, s24;
	s1 =	sor.u32 $0x4380, s5;
	v51 =	vld [tilespmem:s11+$0x0]  }
0x1cb: {  	s11 =	sor.u32 $0x6300, s5;
	v63 =	vld [tilespmem:s3+$0x0];
	s15 =	sor.u32 s4, s1  }
0x1cc: {  	s3 =	sor.u32 s4, s11;
	v52 =	vld [tilespmem:s15+$0x0];
	s15 =	sor.u32 $0x6380, s5  }
0x1cd: {  	v40 =	vadd.f32 v46, v40;
	v53 =	vld [tilespmem:s3+$0x0];
	s3 =	sor.u32 s4, s15  }
0x1ce: {  	s17 =	sor.u32 s6, s17;
	v54 =	vld [tilespmem:s3+$0x0]  }
0x1cf: {  	v2 =	vadd.f32 v2, v6;
	v34 =	vadd.f32 v34, v40;
	v40 =	vld [tilespmem:s17+$0x0];
	s17 =	sor.u32 s6, s31  }
0x1d0: {  	v1 =	vadd.f32 v10, v1;
	v38 =	vadd.f32 v44, v38;
	s31 =	sor.u32 s6, s30;
	v44 =	vld [tilespmem:s17+$0x0]  }
0x1d1: {  	v4 =	vadd.f32 v4, v12;
	s0 =	sor.u32 $0x300, s0;
	v41 =	vadd.f32 v47, v41;
	v47 =	vld [tilespmem:s31+$0x0]  }
0x1d2: {  	v7 =	vadd.f32 v7, v16;
	s30 =	sor.u32 s13, s14;
	s14 =	sor.u32 s13, s25;
	s25 =	sor.u32 s13, s28;
	v55 =	vadd.f32 v48, v50;
	v48 =	vld [tilespmem:s0+$0x0]  }
0x1d3: {  	v1 =	vadd.f32 v23, v1;
	v2 =	vadd.f32 v15, v2;
	s28 =	sor.u32 s13, s10;
	v10 =	vld [tilespmem:s25+$0x0]  }
0x1d4: {  	v4 =	vadd.f32 v19, v4;
	v7 =	vadd.f32 v21, v7;
	s17 =	sor.u32 s13, s7;
	v12 =	vld [tilespmem:s28+$0x0]  }
0x1d5: {  	v5 =	vadd.f32 v5, v13;
	v36 =	vadd.f32 v42, v36;
	s3 =	sld [smem:$0x7E5];
	s31 =	sor.u32 s13, s29;
	s29 =	sor.u32 s13, s5;
	v50 =	vld [tilespmem:s17+$0x0]  }
0x1d6: {  	v8 =	vadd.f32 v8, v14;
	v37 =	vadd.f32 v43, v37;
	v13 =	vld [tilespmem:s29+$0x0]  }
0x1d7: {  	v39 =	vadd.f32 v45, v39;
	v30 =	vadd.f32 v30, v36;
	v14 =	vld [tilespmem:s29+$0x80]  }
0x1d8: {  	v31 =	vadd.f32 v31, v37;
	v56 =	vadd.f32 v49, v62;
	v15 =	vld [tilespmem:s29+$0x100];
	s2 =	sor.u32 s6, s3;
	s3 =	sld [smem:$0x7E6]  }
0x1d9: {  	v25 =	vadd.f32 v60, v30;
	v60 =	vadd.f32 v51, v55;
	v51 =	vld [tilespmem:s30+$0x0]  }
0x1da: {  	v26 =	vadd.f32 v61, v31;
	v61 =	vadd.f32 v52, v56;
	v52 =	vld [tilespmem:s31+$0x0]  }
0x1db: {  	v32 =	vadd.f32 v32, v38;
	v33 =	vadd.f32 v33, v39;
	s17 =	sor.u32 s13, s26;
	v57 =	vld [tilespmem:s2+$0x0];
	s2 =	sor.u32 s6, s3;
	s3 =	sld [smem:$0x7E7]  }
0x1dc: {  	v3 =	vadd.f32 v3, v11;
	v35 =	vadd.f32 v35, v41;
	s26 =	sor.u32 s13, s9;
	v6 =	vld [tilespmem:s17+$0x0]  }
0x1dd: {  	v27 =	vadd.f32 v27, v32;
	v28 =	vadd.f32 v28, v33;
	v11 =	vld [tilespmem:s26+$0x0]  }
0x1de: {  	v29 =	vadd.f32 v29, v34;
	v63 =	vadd.f32 v63, v35;
	v58 =	vld [tilespmem:s2+$0x0];
	s2 =	sor.u32 s6, s3;
	s3 =	sld [smem:$0x7E8]  }
0x1df: {  	v55 =	vld [tilespmem:s29+$0x200];
	v32 =	vadd.f32 v53, v60;
	v33 =	vadd.f32 v54, v61  }
0x1e0: {  	v25 =	vadd.f32 v26, v25;
	v43 =	vadd.f32 v28, v27;
	v56 =	vld [tilespmem:s29+$0x280]  }
0x1e1: {  	v45 =	vadd.f32 v63, v29;
	v46 =	vadd.f32 v33, v32;
	v59 =	vld [tilespmem:s2+$0x0];
	s2 =	sor.u32 s6, s3;
	s3 =	sld [smem:$0x7E9]  }
0x1e2: {  	v3 =	vadd.f32 v18, v3;
	v9 =	vadd.f32 v9, v17;
	v62 =	vld [tilespmem:s2+$0x0]  }
0x1e3: {  	s30 =	simm.s32 $0x20;
	v25 =	vadd.f32 v43, v25;
	v53 =	vld [tilespmem:s14+$0x0];
	v49 =	vadd.f32 v46, v45  }
0x1e4: {  	v5 =	vadd.f32 v20, v5;
	v8 =	vadd.f32 v22, v8;
	s31 =	simm.s32 $0x100;
	v54 =	vld [tilespmem:s29+$0x180];
	s2 =	sor.u32 s6, s3;
	s3 =	rddreg [dreg:$0x4]  }
0x1e5: {  	v9 =	vadd.f32 v24, v9;
	s14 =	sor.u32 s13, s22;
	s22 =	sor.u32 s13, s1;
	v25 =	vadd.f32 v49, v25;
	v42 =	vld [tilespmem:s2+$0x0];
	s3 =	sadd.s32 s5, s3  }
0x1e6: {  	v60 =	vld [tilespmem:s22+$0x0];
	v2 =	vadd.f32 v57, v2;
	v3 =	vadd.f32 v58, v3;
	s2 =	sor.u32 s31, s30;
	s7 =	sadd.s32 s4, s3  }
0x1e7: {  	v4 =	vadd.f32 v59, v4;
	s5 =	sor.u32 $0x380, s2;
	[tilespmem:s7+$0x0] =	vst.add.f32.msk $0xffff, v25;
	v5 =	vadd.f32 v62, v5  }
0x1e8: {  	v7 =	vadd.f32 v40, v7;
	v1 =	vadd.f32 v44, v1;
	v57 =	vld [tilespmem:s5+$0x0];
	s7 =	sor.u32 s13, s23  }
0x1e9: {  	s9 =	sor.u32 s13, s21;
	v2 =	vadd.f32 v3, v2;
	v58 =	vld [tilespmem:s7+$0x0];
	v3 =	vadd.f32 v5, v4  }
0x1ea: {  	s17 =	sor.u32 s13, s20;
	v9 =	vadd.f32 v47, v9;
	s23 =	sld [smem:$0x7EA];
	v4 =	vld [tilespmem:s9+$0x0];
	v8 =	vadd.f32 v42, v8  }
0x1eb: {  	s10 =	sor.u32 s13, s8;
	s25 =	sld [smem:$0x7EB];
	v2 =	vadd.f32 v3, v2;
	v3 =	vld [tilespmem:s17+$0x0]  }
0x1ec: {  	v1 =	vadd.f32 v9, v1;
	v5 =	vadd.f32 v8, v7;
	v7 =	vld [tilespmem:s10+$0x0]  }
0x1ed: {  	v9 =	vadd.f32 v51, v14;
	v14 =	vadd.f32 v52, v15;
	s0 =	sor.u32 s13, s23;
	v8 =	vld [tilespmem:s14+$0x0]  }
0x1ee: {  	v6 =	vadd.f32 v6, v55;
	v18 =	vadd.f32 v10, v56;
	s26 =	sld [smem:$0x7EC];
	v15 =	vld [tilespmem:s0+$0x0];
	s0 =	sor.u32 s13, s25  }
0x1ef: {  	s20 =	sor.u32 s13, s16;
	v16 =	vadd.f32 v53, v54;
	v61 =	vld [tilespmem:s0+$0x0];
	v1 =	vadd.f32 v1, v5  }
0x1f0: {  	s21 =	sor.u32 s13, s12;
	s28 =	sld [smem:$0x7ED];
	v12 =	vadd.f32 v12, v57;
	v5 =	vld [tilespmem:s20+$0x0];
	v63 =	vadd.f32 v4, v9  }
0x1f1: {  	v59 =	vld [tilespmem:s21+$0x0];
	s0 =	sor.u32 s13, s26;
	v1 =	vadd.f32 v1, v2;
	v2 =	vadd.f32 v50, v13  }
0x1f2: {  	s30 =	sor.u32 s13, s24;
	s29 =	sld [smem:$0x7EE];
	v10 =	vld [tilespmem:s0+$0x0];
	v13 =	vadd.f32 v11, v48;
	v3 =	vadd.f32 v3, v6  }
0x1f3: {  	s0 =	sor.u32 s13, s28;
	v9 =	vld [tilespmem:s30+$0x0];
	v6 =	vadd.f32 v60, v12;
	v7 =	vadd.f32 v7, v14  }
0x1f4: {  	s31 =	sor.u32 s13, s11;
	s24 =	sadd.s32 s13, s3;
	v11 =	vld [tilespmem:s0+$0x0];
	v62 =	vadd.f32 v58, v2;
	v2 =	vadd.f32 v8, v16  }
0x1f5: {  	s5 =	simm.s32 $0x2;
	s7 =	simm.s32 $0x40;
	s0 =	sor.u32 s13, s29;
	v12 =	vld [tilespmem:s31+$0x0];
	v14 =	vadd.f32 v61, v63;
	v4 =	vadd.f32 v5, v18  }
0x1f6: {  	s9 =	sadd.s32 s6, s18;
	s6 =	simm.s32 $0x200;
	s25 =	sor.u32 s13, s15;
	v8 =	vld [tilespmem:s0+$0x0];
	v5 =	vadd.f32 v59, v13;
	v13 =	vadd.f32 v15, v62  }
.LBB2_9:
0x1f7: {  	s16 =	sand.u32 $0x60, s7;
	s12 =	sand.u32 $0x1C00, s6;
	s0 =	sor.u32 s6, s7  }
0x1f8: {  	s19 =	sadd.s32 $0x1, s19;
	s4 =	sor.u32 s16, s12;
	s2 =	sor.u32 $0x6000, s12  }
0x1f9: {  	s10 =	sor.u32 $0x10, s16;
	s0 =	sor.u32 $0x380, s0;
	s18 =	sor.u32 $0x6080, s12  }
0x1fa: {  	s20 =	sor.u32 $0x6100, s12;
	s22 =	sor.u32 $0x6180, s12;
	s26 =	sor.u32 $0x6200, s12  }
0x1fb: {  	s11 =	sor.u32 $0x4100, s12;
	s13 =	sor.u32 $0x4180, s12;
	s17 =	sor.u32 $0x4280, s12;
	v7 =	vadd.f32 v10, v7;
	v10 =	vld [tilespmem:s25+$0x0]  }
0x1fc: {  	[dreg:$0xf] =	wrdreg s0;
	s3 =	sor.u32 s10, s2;
	s1 =	sor.u32 s16, s2;
	[tilespmem:s9+$0x0] =	vst.add.f32.msk $0xffff, v1  }
0x1fd: {  	s21 =	sor.u32 s10, s18;
	s0 =	sor.u32 s16, s18;
	s23 =	sor.u32 s10, s20;
	v1 =	vadd.f32 v8, v3;
	v3 =	vld [tilespmem:s3+$0x0]  }
0x1fe: {  	s30 =	sor.u32 s10, s26;
	s15 =	sor.u32 s10, s13;
	[dreg:$0x8] =	wrdreg s1;
	v8 =	vadd.f32 v9, v4;
	v4 =	vld [tilespmem:s21+$0x0]  }
0x1ff: {  	s2 =	sor.u32 $0x2100, s12;
	[dreg:$0xb] =	wrdreg s0;
	s0 =	sor.u32 s16, s22;
	v9 =	vadd.f32 v12, v5;
	v5 =	vld [tilespmem:s23+$0x0]  }
0x200: {  	s1 =	sor.u32 $0x4080, s12;
	v11 =	vadd.f32 v11, v2;
	s25 =	sor.u32 s16, s20;
	[dreg:$0xe] =	wrdreg s0;
	v12 =	vld [tilespmem:s15+$0x0]  }
0x201: {  	s8 =	sor.u32 s16, s1;
	s3 =	sor.u32 s10, s1;
	s20 =	sor.u32 s16, s11;
	v2 =	vld [tilespmem:s4+$0x0]  }
0x202: {  	s1 =	sor.u32 $0x2180, s12;
	[dreg:$0x13] =	wrdreg s8;
	s8 =	sor.u32 s10, s2;
	v7 =	vadd.f32 v11, v7;
	v11 =	vld [tilespmem:s3+$0x0]  }
0x203: {  	v13 =	vadd.f32 v14, v13;
	s0 =	sor.u32 s10, s11;
	s21 =	sor.u32 s16, s13;
	s13 =	sor.u32 s10, s1;
	v22 =	vld [tilespmem:s8+$0x0]  }
0x204: {  	s11 =	sand.u32 $0x3, s19;
	[dreg:$0xc] =	wrdreg s25;
	s25 =	sor.u32 s16, s26;
	v23 =	vld [tilespmem:s13+$0x0]  }
0x205: {  	s26 =	sor.u32 s10, s17;
	v1 =	vadd.f32 v8, v1;
	[dreg:$0x10] =	wrdreg s25;
	s25 =	sshll.u32 s11, $0x5;
	v8 =	vadd.f32 v7, v13;
	v7 =	vld [tilespmem:s30+$0x0]  }
0x206: {  	s28 =	sor.u32 s10, s22;
	s25 =	sadd.s32 s25, s6;
	v13 =	vld [tilespmem:s26+$0x0]  }
0x207: {  	s13 =	sor.u32 $0x300, s25;
	v10 =	vadd.f32 v10, v6;
	v6 =	vld [tilespmem:s28+$0x0]  }
0x208: {  	s28 =	sor.u32 s10, s12;
	v61 =	vld [tilespmem:s13+$0x0]  }
0x209: {  	v14 =	vld [tilespmem:s28+$0x0]  }
0x20a: {  	v15 =	vld [tilespmem:s28+$0x80]  }
0x20b: {  	v16 =	vld [tilespmem:s28+$0x100]  }
0x20c: {  	s29 =	sor.u32 $0x4000, s12;
	v17 =	vld [tilespmem:s28+$0x180]  }
0x20d: {  	s14 =	sor.u32 $0x4200, s12;
	s31 =	sor.u32 s16, s29;
	s30 =	sor.u32 $0x2080, s12;
	v18 =	vld [tilespmem:s28+$0x200]  }
0x20e: {  	[dreg:$0x12] =	wrdreg s31;
	s26 =	sor.u32 $0x2200, s12;
	s31 =	sor.u32 s10, s30;
	v19 =	vld [tilespmem:s28+$0x280]  }
0x20f: {  	s18 =	sor.u32 s10, s14;
	s22 =	sor.u32 s16, s14;
	s14 =	sor.u32 s10, s26;
	v21 =	vld [tilespmem:s31+$0x0]  }
0x210: {  	s9 =	sor.u32 s10, s29;
	s3 =	sor.u32 $0x6280, s12;
	v24 =	vld [tilespmem:s14+$0x0]  }
0x211: {  	s28 =	sor.u32 $0x2280, s12;
	s14 =	sor.u32 s10, s3;
	v9 =	vadd.f32 v10, v9;
	v10 =	vld [tilespmem:s9+$0x0]  }
0x212: {  	s31 =	sor.u32 $0x2380, s12;
	s15 =	sor.u32 s10, s28;
	v56 =	vld [tilespmem:s14+$0x0]  }
0x213: {  	s11 =	sor.u32 s10, s31;
	v25 =	vld [tilespmem:s15+$0x0]  }
0x214: {  	s29 =	sor.u32 $0x2000, s12;
	v27 =	vld [tilespmem:s11+$0x0]  }
0x215: {  	s9 =	smov.u32 s24;
	v1 =	vadd.f32 v9, v1;
	v9 =	vld [tilespmem:s0+$0x0];
	s0 =	sor.u32 s10, s29  }
0x216: {  	s24 =	sor.u32 s16, s29;
	s29 =	sor.u32 s16, s30;
	s30 =	sor.u32 $0x2300, s12;
	v20 =	vld [tilespmem:s0+$0x0]  }
0x217: {  	s23 =	sor.u32 s16, s17;
	s17 =	sor.u32 s10, s30;
	v1 =	vadd.f32 v1, v8;
	v8 =	vld [tilespmem:s18+$0x0];
	s18 =	sadd.s32 $0x10, s25;
	v15 =	vadd.f32 v21, v15  }
0x218: {  	s11 =	sor.u32 s16, s26;
	s26 =	sor.u32 $0x4380, s12;
	v26 =	vld [tilespmem:s17+$0x0];
	v16 =	vadd.f32 v22, v16;
	v17 =	vadd.f32 v23, v17;
	s8 =	sor.u32 $0x300, s18  }
0x219: {  	s0 =	sor.u32 s16, s2;
	s2 =	sor.u32 s16, s1;
	v18 =	vadd.f32 v24, v18;
	s1 =	sor.u32 $0x380, s18;
	v28 =	vld [tilespmem:s8+$0x0];
	v19 =	vadd.f32 v25, v19  }
0x21a: {  	s18 =	sor.u32 $0x6300, s12;
	v55 =	vld [tilespmem:s1+$0x0];
	s1 =	sor.u32 s16, s30;
	v11 =	vadd.f32 v11, v15;
	s30 =	sor.u32 s10, s26;
	v12 =	vadd.f32 v12, v17  }
0x21b: {  	s25 =	sor.u32 $0x4300, s12;
	s8 =	sor.u32 s10, s18;
	v9 =	vadd.f32 v9, v16;
	v15 =	vld [tilespmem:s30+$0x0];
	v14 =	vadd.f32 v20, v14  }
0x21c: {  	s17 =	sor.u32 s10, s25;
	v57 =	vld [tilespmem:s8+$0x0];
	v13 =	vadd.f32 v13, v19;
	v4 =	vadd.f32 v4, v11  }
0x21d: {  	v8 =	vadd.f32 v8, v18;
	v10 =	vadd.f32 v10, v14;
	v14 =	vld [tilespmem:s17+$0x0];
	s17 =	sor.u32 $0x6380, s12  }
0x21e: {  	v5 =	vadd.f32 v5, v9;
	v9 =	vld [tilespmem:s29+$0x0];
	s8 =	sor.u32 s10, s17;
	v58 =	vadd.f32 v26, v28  }
0x21f: {  	v59 =	vadd.f32 v27, v55;
	v7 =	vadd.f32 v7, v8;
	v60 =	vld [tilespmem:s8+$0x0]  }
0x220: {  	v8 =	vadd.f32 v56, v13;
	v13 =	vld [tilespmem:s2+$0x0];
	v3 =	vadd.f32 v3, v10  }
0x221: {  	v6 =	vadd.f32 v6, v12;
	v10 =	vld [tilespmem:s24+$0x0];
	v12 =	vadd.f32 v15, v59  }
0x222: {  	s15 =	sor.u32 s16, s28;
	v15 =	vld [tilespmem:s11+$0x0];
	v3 =	vadd.f32 v4, v3;
	v11 =	vadd.f32 v14, v58  }
0x223: {  	v4 =	vadd.f32 v6, v5;
	v5 =	vld [tilespmem:s15+$0x0];
	v6 =	vadd.f32 v8, v7  }
0x224: {  	v8 =	vld [tilespmem:s1+$0x0];
	v11 =	vadd.f32 v57, v11;
	v12 =	vadd.f32 v60, v12  }
0x225: {  	s14 =	sor.u32 s16, s31;
	v14 =	vld [tilespmem:s0+$0x0]  }
0x226: {  	v2 =	vadd.f32 v10, v2;
	v10 =	vld [tilespmem:s14+$0x0];
	v7 =	vadd.f32 v12, v11  }
0x227: {  	s31 =	sor.u32 s16, s25;
	s25 =	sor.u32 s16, s17;
	s17 =	rddreg [dreg:$0x12];
	v11 =	vld [tilespmem:s4+$0x280]  }
0x228: {  	v3 =	vadd.f32 v4, v3;
	v12 =	vld [tilespmem:s17+$0x0];
	v4 =	vadd.f32 v7, v6  }
0x229: {  	s15 =	rddreg [dreg:$0x4];
	v6 =	vld [tilespmem:s4+$0x80]  }
0x22a: {  	s0 =	sadd.s32 s12, s15;
	v7 =	vld [tilespmem:s4+$0x100];
	v3 =	vadd.f32 v4, v3  }
0x22b: {  	s24 =	sadd.s32 s16, s0;
	s0 =	sadd.s32 s10, s0;
	v4 =	vld [tilespmem:s4+$0x180]  }
0x22c: {  	s30 =	sor.u32 s16, s26;
	[tilespmem:s0+$0x0] =	vst.add.f32.msk $0xffff, v3  }
0x22d: {  	s26 =	sor.u32 s16, s3;
	s3 =	sor.u32 s16, s18;
	s16 =	rddreg [dreg:$0xf];
	v3 =	vld [tilespmem:s4+$0x200]  }
0x22e: {  	v6 =	vadd.f32 v9, v6;
	v9 =	vld [tilespmem:s16+$0x0]  }
0x22f: {  	s18 =	rddreg [dreg:$0x13];
	v5 =	vadd.f32 v5, v11;
	v11 =	vld [tilespmem:s21+$0x0]  }
0x230: {  	v4 =	vadd.f32 v13, v4;
	v13 =	vld [tilespmem:s18+$0x0]  }
0x231: {  	v7 =	vadd.f32 v14, v7;
	v14 =	vld [tilespmem:s20+$0x0]  }
0x232: {  	v3 =	vadd.f32 v15, v3;
	v15 =	vld [tilespmem:s23+$0x0]  }
0x233: {  	s23 =	rddreg [dreg:$0xb];
	v9 =	vadd.f32 v10, v9;
	v10 =	vld [tilespmem:s22+$0x0]  }
0x234: {  	v63 =	vld [tilespmem:s23+$0x0]  }
0x235: {  	v62 =	vadd.f32 v13, v6;
	v6 =	vld [tilespmem:s31+$0x0]  }
0x236: {  	s5 =	sadd.s32 $0x2, s5;
	s22 =	rddreg [dreg:$0x8];
	v13 =	vld [tilespmem:s30+$0x0]  }
0x237: {  	p1 =	slt.u32 s5, $0x3E;
	v8 =	vadd.f32 v8, v61;
	v7 =	vadd.f32 v14, v7;
	v14 =	vld [tilespmem:s22+$0x0];
	s30 =	rddreg [dreg:$0xe]  }
.Ltmp6:
0x238: {  	s29 =	rddreg [dreg:$0xc];
	v12 =	vadd.f32 v12, v2;
	v2 =	vadd.f32 v11, v4;
	v11 =	vld [tilespmem:s30+$0x0];
	(pc) =	sbr.rel @p1 .LBB2_9-.Ltmp6, $4  }
0x239: {  	s31 =	rddreg [dreg:$0x10];
	v3 =	vadd.f32 v10, v3;
	v10 =	vld [tilespmem:s29+$0x0]  }
0x23a: {  	v4 =	vadd.f32 v15, v5;
	v5 =	vadd.f32 v6, v8;
	v8 =	vld [tilespmem:s31+$0x0]  }
0x23b: {  	v6 =	vadd.f32 v13, v9;
	v9 =	vld [tilespmem:s26+$0x0]  }
0x23c: {  	s7 =	sadd.s32 $0x20, s7;
	s6 =	sadd.s32 $0x100, s6;
	v13 =	vadd.f32 v14, v12;
	v14 =	vadd.f32 v63, v62;
	v12 =	vld [tilespmem:s3+$0x0]  }
0x23d: {  	v15 =	vld [tilespmem:s25+$0x0];
	_ =	sdelay $0x2  }
0x23e: {  	v2 =	vadd.f32 v11, v2;
	v7 =	vadd.f32 v10, v7  }
0x23f: {  	v3 =	vadd.f32 v8, v3;
	v4 =	vadd.f32 v9, v4  }
0x240: {  	v5 =	vadd.f32 v12, v5;
	v6 =	vadd.f32 v15, v6  }
0x241: {  	v62 =	vadd.f32 v14, v13;
	v2 =	vadd.f32 v2, v7  }
0x242: {  	v3 =	vadd.f32 v4, v3;
	v63 =	vadd.f32 v6, v5;
	_ =	sdelay $0x1  }
0x243: {  	v2 =	vadd.f32 v2, v62;
	v3 =	vadd.f32 v63, v3;
	_ =	sdelay $0x1  }
0x244: {  	v2 =	vadd.f32 v3, v2  }
0x245: {  	[tilespmem:s9+$0x0] =	vst.add.f32.msk $0xffff, v1  }
0x246: {  	[tilespmem:s24+$0x0] =	vst.add.f32.msk $0xffff, v2  }
0x247: {  	s16 =	rddreg [dreg:$0x1c]  }
0x248: {  	s17 =	rddreg [dreg:$0x1d]  }
0x249: {  	s19 =	rddreg [dreg:$0x1e]  }
0x24a: {  	s20 =	rddreg [dreg:$0x1f]  }
0x24b: {  	s21 =	sld [smem:$0x7F3]  }
0x24c: {  	s22 =	sld [smem:$0x7F4]  }
0x24d: {  	s23 =	sld [smem:$0x7F5]  }
0x24e: {  	s24 =	sld [smem:$0x7F6]  }
0x24f: {  	s25 =	sld [smem:$0x7F7]  }
0x250: {  	s26 =	sld [smem:$0x7F8]  }
0x251: {  	s28 =	sld [smem:$0x7F9]  }
.Ltmp7:
0x252: {  	s29 =	sld [smem:$0x7FA];
	(pc) =	sbr.rel .LBB2_11-.Ltmp7, $4  }
0x253: {  	s30 =	sld [smem:$0x7FB]  }
0x254: {  	s31 =	sld [smem:$0x7FC]  }
0x255: {  	s12 =	sld [smem:$0x7FD]  }
0x256: {  	s14 =	simm.s32 $0x0;
	s10 =	sld [smem:$0x7E4]  }
.LBB2_5:
0x257: {  	s0 =	rddreg [dreg:$0x18];
	s6 =	simm.s32 $0x0;
	s2 =	simm.s32 $0x1  }
0x258: {  	s3 =	simm.s32 $0x1;
	s5 =	simm.s32 $0x0;
	s1 =	sadd.s32 s10, s0  }
0x259: {  	s0 =	simm.s32 $0x1;
	p0 =	sge.s32 s1, s16;
	p2 =	sge.s32 s1, s17  }
0x25a: {  	p3 =	sge.s32 s1, s19;
	s0 =	simm.s32 @!p0 $0x0;
	s2 =	simm.s32 @!p2 $0x0  }
0x25b: {  	s4 =	sand.u32 $0x380, s6;
	s3 =	simm.s32 @!p3 $0x0;
	s0 =	sadd.s32 s2, s0  }
0x25c: {  	p0 =	sge.s32 s1, s20;
	s2 =	simm.s32 $0x1;
	s0 =	sadd.s32 s3, s0  }
0x25d: {  	s2 =	simm.s32 @!p0 $0x0;
	p0 =	sge.s32 s1, s21;
	s3 =	simm.s32 $0x1  }
0x25e: {  	p3 =	sge.s32 s1, s24;
	s0 =	sadd.s32 s2, s0;
	s3 =	simm.s32 @!p0 $0x0  }
0x25f: {  	p0 =	sge.s32 s1, s22;
	s2 =	simm.s32 $0x1;
	s0 =	sadd.s32 s3, s0  }
0x260: {  	s2 =	simm.s32 @!p0 $0x0;
	p0 =	sge.s32 s1, s23;
	s3 =	simm.s32 $0x1  }
0x261: {  	s0 =	sadd.s32 s2, s0;
	s3 =	simm.s32 @!p0 $0x0;
	s2 =	simm.s32 $0x1  }
0x262: {  	s11 =	sand.u32 $0x6000, s5;
	s0 =	sadd.s32 s3, s0;
	s2 =	simm.s32 @!p3 $0x0  }
0x263: {  	p3 =	sge.s32 s1, s25;
	s0 =	sadd.s32 s2, s0;
	s2 =	simm.s32 $0x1  }
0x264: {  	s3 =	simm.s32 $0x1;
	s2 =	simm.s32 @!p3 $0x0;
	p3 =	sge.s32 s1, s26  }
0x265: {  	p2 =	sge.s32 s1, s30;
	s0 =	sadd.s32 s2, s0;
	s3 =	simm.s32 @!p3 $0x0  }
0x266: {  	p3 =	sge.s32 s1, s28;
	s2 =	simm.s32 $0x1;
	s0 =	sadd.s32 s3, s0  }
0x267: {  	s2 =	simm.s32 @!p3 $0x0;
	p3 =	sge.s32 s1, s29;
	s3 =	simm.s32 $0x1  }
0x268: {  	s0 =	sadd.s32 s2, s0;
	s3 =	simm.s32 @!p3 $0x0;
	s2 =	simm.s32 $0x1  }
0x269: {  	p1 =	sge.s32 s1, s12;
	s2 =	simm.s32 @!p2 $0x0;
	s0 =	sadd.s32 s3, s0  }
0x26a: {  	p0 =	sge.s32 s1, s31;
	s0 =	sadd.s32 s2, s0;
	s2 =	simm.s32 $0x1  }
0x26b: {  	s5 =	sor.u32 s4, s11;
	s3 =	simm.s32 $0x1;
	s2 =	simm.s32 @!p0 $0x0  }
0x26c: {  	v1 =	vld [tilespmem:s5+$0x0];
	s3 =	simm.s32 @!p1 $0x0;
	s0 =	sadd.s32 s2, s0  }
0x26d: {  	s0 =	sadd.s32 s3, s0  }
0x26e: {  	s4 =	sshll.u32 s0, $0xA;
	s0 =	sshll.u32 s0, $0x7  }
0x26f: {  	s13 =	sand.u32 $0x7FFFE000, s4;
	s7 =	sand.u32 $0x380, s0  }
0x270: {  	s0 =	sor.u32 s7, s13  }
0x271: {  	[tilespmem:s0+$0x10000] =	vst.add.f32.msk $0xffff, v1  }
0x272: {  	v1 =	vld [tilespmem:s5+$0x10];
	_ =	sdelay $0x2  }
0x273: {  	s8 =	sadd.s32 $0x10000, s0  }
0x274: {  	s0 =	sor.u32 $0x10, s8  }
0x275: {  	[tilespmem:s0+$0x0] =	vst.add.f32.msk $0xffff, v1  }
0x276: {  	v1 =	vld [tilespmem:s5+$0x20];
	_ =	sdelay $0x3  }
0x277: {  	s15 =	sor.u32 $0x20, s8  }
0x278: {  	[tilespmem:s15+$0x0] =	vst.add.f32.msk $0xffff, v1  }
0x279: {  	v1 =	vld [tilespmem:s5+$0x30];
	_ =	sdelay $0x3  }
0x27a: {  	s18 =	sor.u32 $0x30, s8  }
0x27b: {  	[tilespmem:s18+$0x0] =	vst.add.f32.msk $0xffff, v1  }
0x27c: {  	v1 =	vld [tilespmem:s5+$0x40];
	_ =	sdelay $0x3  }
0x27d: {  	s2 =	sor.u32 $0x40, s8  }
0x27e: {  	[tilespmem:s2+$0x0] =	vst.add.f32.msk $0xffff, v1  }
0x27f: {  	v1 =	vld [tilespmem:s5+$0x50];
	_ =	sdelay $0x3  }
0x280: {  	s3 =	sor.u32 $0x50, s8  }
0x281: {  	[tilespmem:s3+$0x0] =	vst.add.f32.msk $0xffff, v1  }
0x282: {  	v1 =	vld [tilespmem:s5+$0x60];
	_ =	sdelay $0x3  }
0x283: {  	s9 =	sor.u32 $0x60, s8  }
0x284: {  	[tilespmem:s9+$0x0] =	vst.add.f32.msk $0xffff, v1  }
0x285: {  	v1 =	vld [tilespmem:s5+$0x70];
	_ =	sdelay $0x3  }
0x286: {  	s11 =	sor.u32 $0x70, s8  }
0x287: {  	[tilespmem:s11+$0x0] =	vst.add.f32.msk $0xffff, v1  }
0x288: {  	v1 =	vld [tilespmem:s5+$0x400];
	_ =	sdelay $0x3  }
0x289: {  	s13 =	sor.u32 $0x400, s8  }
0x28a: {  	[tilespmem:s13+$0x0] =	vst.add.f32.msk $0xffff, v1  }
0x28b: {  	v1 =	vld [tilespmem:s5+$0x410];
	_ =	sdelay $0x3  }
0x28c: {  	s15 =	sor.u32 $0x410, s8  }
0x28d: {  	[tilespmem:s15+$0x0] =	vst.add.f32.msk $0xffff, v1  }
0x28e: {  	v1 =	vld [tilespmem:s5+$0x420];
	_ =	sdelay $0x3  }
0x28f: {  	s18 =	sor.u32 $0x420, s8  }
0x290: {  	[tilespmem:s18+$0x0] =	vst.add.f32.msk $0xffff, v1  }
0x291: {  	v1 =	vld [tilespmem:s5+$0x430];
	_ =	sdelay $0x3  }
0x292: {  	s2 =	sor.u32 $0x430, s8  }
0x293: {  	[tilespmem:s2+$0x0] =	vst.add.f32.msk $0xffff, v1  }
0x294: {  	v1 =	vld [tilespmem:s5+$0x440];
	_ =	sdelay $0x3  }
0x295: {  	s3 =	sor.u32 $0x440, s8  }
0x296: {  	[tilespmem:s3+$0x0] =	vst.add.f32.msk $0xffff, v1  }
0x297: {  	v1 =	vld [tilespmem:s5+$0x450];
	_ =	sdelay $0x3  }
0x298: {  	s9 =	sor.u32 $0x450, s8  }
0x299: {  	[tilespmem:s9+$0x0] =	vst.add.f32.msk $0xffff, v1  }
0x29a: {  	v1 =	vld [tilespmem:s5+$0x460];
	_ =	sdelay $0x3  }
0x29b: {  	s11 =	sor.u32 $0x460, s8  }
0x29c: {  	[tilespmem:s11+$0x0] =	vst.add.f32.msk $0xffff, v1  }
0x29d: {  	v1 =	vld [tilespmem:s5+$0x470];
	_ =	sdelay $0x3  }
0x29e: {  	s13 =	sor.u32 $0x470, s8  }
0x29f: {  	[tilespmem:s13+$0x0] =	vst.add.f32.msk $0xffff, v1  }
0x2a0: {  	v1 =	vld [tilespmem:s5+$0x800];
	_ =	sdelay $0x3  }
0x2a1: {  	s15 =	sor.u32 $0x800, s8  }
0x2a2: {  	[tilespmem:s15+$0x0] =	vst.add.f32.msk $0xffff, v1  }
0x2a3: {  	v1 =	vld [tilespmem:s5+$0x810];
	_ =	sdelay $0x3  }
0x2a4: {  	s18 =	sor.u32 $0x810, s8  }
0x2a5: {  	[tilespmem:s18+$0x0] =	vst.add.f32.msk $0xffff, v1  }
0x2a6: {  	v1 =	vld [tilespmem:s5+$0x820];
	_ =	sdelay $0x3  }
0x2a7: {  	s2 =	sor.u32 $0x820, s8  }
0x2a8: {  	[tilespmem:s2+$0x0] =	vst.add.f32.msk $0xffff, v1  }
0x2a9: {  	v1 =	vld [tilespmem:s5+$0x830];
	_ =	sdelay $0x3  }
0x2aa: {  	s3 =	sor.u32 $0x830, s8  }
0x2ab: {  	[tilespmem:s3+$0x0] =	vst.add.f32.msk $0xffff, v1  }
0x2ac: {  	v1 =	vld [tilespmem:s5+$0x840];
	_ =	sdelay $0x3  }
0x2ad: {  	s9 =	sor.u32 $0x840, s8  }
0x2ae: {  	[tilespmem:s9+$0x0] =	vst.add.f32.msk $0xffff, v1  }
0x2af: {  	v1 =	vld [tilespmem:s5+$0x850];
	_ =	sdelay $0x3  }
0x2b0: {  	s11 =	sor.u32 $0x850, s8  }
0x2b1: {  	[tilespmem:s11+$0x0] =	vst.add.f32.msk $0xffff, v1  }
0x2b2: {  	v1 =	vld [tilespmem:s5+$0x860];
	_ =	sdelay $0x3  }
0x2b3: {  	s13 =	sor.u32 $0x860, s8  }
0x2b4: {  	[tilespmem:s13+$0x0] =	vst.add.f32.msk $0xffff, v1  }
0x2b5: {  	v1 =	vld [tilespmem:s5+$0x870];
	_ =	sdelay $0x3  }
0x2b6: {  	s15 =	sor.u32 $0x870, s8  }
0x2b7: {  	[tilespmem:s15+$0x0] =	vst.add.f32.msk $0xffff, v1  }
0x2b8: {  	v1 =	vld [tilespmem:s5+$0xC00];
	_ =	sdelay $0x3  }
0x2b9: {  	s18 =	sor.u32 $0xC00, s8  }
0x2ba: {  	[tilespmem:s18+$0x0] =	vst.add.f32.msk $0xffff, v1  }
0x2bb: {  	v1 =	vld [tilespmem:s5+$0xC10];
	_ =	sdelay $0x3  }
0x2bc: {  	s2 =	sor.u32 $0xC10, s8  }
0x2bd: {  	[tilespmem:s2+$0x0] =	vst.add.f32.msk $0xffff, v1  }
0x2be: {  	v1 =	vld [tilespmem:s5+$0xC20];
	_ =	sdelay $0x3  }
0x2bf: {  	s3 =	sor.u32 $0xC20, s8  }
0x2c0: {  	[tilespmem:s3+$0x0] =	vst.add.f32.msk $0xffff, v1  }
0x2c1: {  	v1 =	vld [tilespmem:s5+$0xC30];
	_ =	sdelay $0x3  }
0x2c2: {  	s9 =	sor.u32 $0xC30, s8  }
0x2c3: {  	[tilespmem:s9+$0x0] =	vst.add.f32.msk $0xffff, v1  }
0x2c4: {  	v1 =	vld [tilespmem:s5+$0xC40];
	_ =	sdelay $0x3  }
0x2c5: {  	s11 =	sor.u32 $0xC40, s8  }
0x2c6: {  	[tilespmem:s11+$0x0] =	vst.add.f32.msk $0xffff, v1  }
0x2c7: {  	v1 =	vld [tilespmem:s5+$0xC50];
	_ =	sdelay $0x3  }
0x2c8: {  	s13 =	sor.u32 $0xC50, s8  }
0x2c9: {  	[tilespmem:s13+$0x0] =	vst.add.f32.msk $0xffff, v1  }
0x2ca: {  	v1 =	vld [tilespmem:s5+$0xC60];
	_ =	sdelay $0x3  }
0x2cb: {  	s15 =	sor.u32 $0xC60, s8  }
0x2cc: {  	[tilespmem:s15+$0x0] =	vst.add.f32.msk $0xffff, v1  }
0x2cd: {  	v1 =	vld [tilespmem:s5+$0xC70];
	_ =	sdelay $0x3  }
0x2ce: {  	s18 =	sor.u32 $0xC70, s8  }
0x2cf: {  	[tilespmem:s18+$0x0] =	vst.add.f32.msk $0xffff, v1  }
0x2d0: {  	v1 =	vld [tilespmem:s5+$0x1000];
	_ =	sdelay $0x3  }
0x2d1: {  	s2 =	sor.u32 $0x1000, s8  }
0x2d2: {  	[tilespmem:s2+$0x0] =	vst.add.f32.msk $0xffff, v1  }
0x2d3: {  	v1 =	vld [tilespmem:s5+$0x1010];
	_ =	sdelay $0x3  }
0x2d4: {  	s3 =	sor.u32 $0x1010, s8  }
0x2d5: {  	[tilespmem:s3+$0x0] =	vst.add.f32.msk $0xffff, v1  }
0x2d6: {  	v1 =	vld [tilespmem:s5+$0x1020];
	_ =	sdelay $0x3  }
0x2d7: {  	s9 =	sor.u32 $0x1020, s8  }
0x2d8: {  	[tilespmem:s9+$0x0] =	vst.add.f32.msk $0xffff, v1  }
0x2d9: {  	v1 =	vld [tilespmem:s5+$0x1030];
	_ =	sdelay $0x3  }
0x2da: {  	s11 =	sor.u32 $0x1030, s8  }
0x2db: {  	[tilespmem:s11+$0x0] =	vst.add.f32.msk $0xffff, v1  }
0x2dc: {  	v1 =	vld [tilespmem:s5+$0x1040];
	_ =	sdelay $0x3  }
0x2dd: {  	s13 =	sor.u32 $0x1040, s8  }
0x2de: {  	[tilespmem:s13+$0x0] =	vst.add.f32.msk $0xffff, v1  }
0x2df: {  	v1 =	vld [tilespmem:s5+$0x1050];
	_ =	sdelay $0x3  }
0x2e0: {  	s15 =	sor.u32 $0x1050, s8  }
0x2e1: {  	[tilespmem:s15+$0x0] =	vst.add.f32.msk $0xffff, v1  }
0x2e2: {  	v1 =	vld [tilespmem:s5+$0x1060];
	_ =	sdelay $0x3  }
0x2e3: {  	s18 =	sor.u32 $0x1060, s8  }
0x2e4: {  	[tilespmem:s18+$0x0] =	vst.add.f32.msk $0xffff, v1  }
0x2e5: {  	v1 =	vld [tilespmem:s5+$0x1070];
	_ =	sdelay $0x3  }
0x2e6: {  	s2 =	sor.u32 $0x1070, s8  }
0x2e7: {  	[tilespmem:s2+$0x0] =	vst.add.f32.msk $0xffff, v1  }
0x2e8: {  	v1 =	vld [tilespmem:s5+$0x1400];
	_ =	sdelay $0x3  }
0x2e9: {  	s3 =	sor.u32 $0x1400, s8  }
0x2ea: {  	[tilespmem:s3+$0x0] =	vst.add.f32.msk $0xffff, v1  }
0x2eb: {  	v1 =	vld [tilespmem:s5+$0x1410];
	_ =	sdelay $0x3  }
0x2ec: {  	s9 =	sor.u32 $0x1410, s8  }
0x2ed: {  	[tilespmem:s9+$0x0] =	vst.add.f32.msk $0xffff, v1  }
0x2ee: {  	v1 =	vld [tilespmem:s5+$0x1420];
	_ =	sdelay $0x3  }
0x2ef: {  	s11 =	sor.u32 $0x1420, s8  }
0x2f0: {  	[tilespmem:s11+$0x0] =	vst.add.f32.msk $0xffff, v1  }
0x2f1: {  	v1 =	vld [tilespmem:s5+$0x1430];
	_ =	sdelay $0x3  }
0x2f2: {  	s13 =	sor.u32 $0x1430, s8  }
0x2f3: {  	[tilespmem:s13+$0x0] =	vst.add.f32.msk $0xffff, v1  }
0x2f4: {  	v1 =	vld [tilespmem:s5+$0x1440];
	_ =	sdelay $0x3  }
0x2f5: {  	s15 =	sor.u32 $0x1440, s8  }
0x2f6: {  	[tilespmem:s15+$0x0] =	vst.add.f32.msk $0xffff, v1  }
0x2f7: {  	v1 =	vld [tilespmem:s5+$0x1450];
	_ =	sdelay $0x3  }
0x2f8: {  	s18 =	sor.u32 $0x1450, s8  }
0x2f9: {  	[tilespmem:s18+$0x0] =	vst.add.f32.msk $0xffff, v1  }
0x2fa: {  	v1 =	vld [tilespmem:s5+$0x1460];
	_ =	sdelay $0x3  }
0x2fb: {  	s2 =	sor.u32 $0x1460, s8  }
0x2fc: {  	[tilespmem:s2+$0x0] =	vst.add.f32.msk $0xffff, v1  }
0x2fd: {  	v1 =	vld [tilespmem:s5+$0x1470];
	_ =	sdelay $0x3  }
0x2fe: {  	s3 =	sor.u32 $0x1470, s8  }
0x2ff: {  	[tilespmem:s3+$0x0] =	vst.add.f32.msk $0xffff, v1  }
0x300: {  	v1 =	vld [tilespmem:s5+$0x1800];
	_ =	sdelay $0x3  }
0x301: {  	s9 =	sor.u32 $0x1800, s8  }
0x302: {  	[tilespmem:s9+$0x0] =	vst.add.f32.msk $0xffff, v1  }
0x303: {  	v1 =	vld [tilespmem:s5+$0x1810];
	_ =	sdelay $0x3  }
0x304: {  	s11 =	sor.u32 $0x1810, s8  }
0x305: {  	[tilespmem:s11+$0x0] =	vst.add.f32.msk $0xffff, v1  }
0x306: {  	v1 =	vld [tilespmem:s5+$0x1820];
	_ =	sdelay $0x3  }
0x307: {  	s13 =	sor.u32 $0x1820, s8  }
0x308: {  	[tilespmem:s13+$0x0] =	vst.add.f32.msk $0xffff, v1  }
0x309: {  	v1 =	vld [tilespmem:s5+$0x1830];
	_ =	sdelay $0x3  }
0x30a: {  	s15 =	sor.u32 $0x1830, s8  }
0x30b: {  	[tilespmem:s15+$0x0] =	vst.add.f32.msk $0xffff, v1  }
0x30c: {  	v1 =	vld [tilespmem:s5+$0x1840];
	_ =	sdelay $0x3  }
0x30d: {  	s18 =	sor.u32 $0x1840, s8  }
0x30e: {  	[tilespmem:s18+$0x0] =	vst.add.f32.msk $0xffff, v1  }
0x30f: {  	v1 =	vld [tilespmem:s5+$0x1850];
	_ =	sdelay $0x3  }
0x310: {  	s2 =	sor.u32 $0x1850, s8  }
0x311: {  	[tilespmem:s2+$0x0] =	vst.add.f32.msk $0xffff, v1  }
0x312: {  	v1 =	vld [tilespmem:s5+$0x1860];
	_ =	sdelay $0x3  }
0x313: {  	s3 =	sor.u32 $0x1860, s8  }
0x314: {  	[tilespmem:s3+$0x0] =	vst.add.f32.msk $0xffff, v1  }
0x315: {  	v1 =	vld [tilespmem:s5+$0x1870];
	_ =	sdelay $0x1  }
0x316: {  	s9 =	sand.u32 $0x7, s6  }
0x317: {  	s0 =	sshll.u32 s9, $0x7  }
0x318: {  	s11 =	sor.u32 $0x1870, s8;
	s5 =	sadd.s32 $0x0, s0  }
0x319: {  	s13 =	sor.u32 $0x1C00, s5;
	[tilespmem:s11+$0x0] =	vst.add.f32.msk $0xffff, v1  }
0x31a: {  	v1 =	vld [tilespmem:s13+$0x0];
	_ =	sdelay $0x2  }
0x31b: {  	s4 =	sor.u32 s4, s7  }
0x31c: {  	s15 =	sor.u32 $0x1C00, s4  }
0x31d: {  	s18 =	sor.u32 $0x1C10, s5;
	[tilespmem:s15+$0x10000] =	vst.add.f32.msk $0xffff, v1  }
0x31e: {  	v1 =	vld [tilespmem:s18+$0x0];
	_ =	sdelay $0x3  }
0x31f: {  	s2 =	sor.u32 $0x1C10, s4  }
0x320: {  	s3 =	sor.u32 $0x1C20, s5;
	[tilespmem:s2+$0x10000] =	vst.add.f32.msk $0xffff, v1  }
0x321: {  	v1 =	vld [tilespmem:s3+$0x0];
	_ =	sdelay $0x3  }
0x322: {  	s7 =	sor.u32 $0x1C20, s4  }
0x323: {  	s8 =	sor.u32 $0x1C30, s5;
	[tilespmem:s7+$0x10000] =	vst.add.f32.msk $0xffff, v1  }
0x324: {  	v1 =	vld [tilespmem:s8+$0x0];
	_ =	sdelay $0x3  }
0x325: {  	s9 =	sor.u32 $0x1C30, s4  }
0x326: {  	s11 =	sor.u32 $0x1C40, s5;
	s13 =	simm.s32 $0x80;
	s18 =	sadd.s32 $0x1, s1;
	[tilespmem:s9+$0x10000] =	vst.add.f32.msk $0xffff, v1  }
0x327: {  	s15 =	sor.u32 $0x1C40, s4;
	s1 =	simm.s32 $0xFFFF8400;
	p0 =	sge.s32 s18, s12;
	v1 =	vld [tilespmem:s11+$0x0]  }
0x328: {  	p4 =	sge.s32 s18, s30;
	p3 =	sge.s32 s18, s31;
	s0 =	simm.s32 @!p0 $0x0  }
0x329: {  	p6 =	sge.s32 s18, s24;
	p5 =	sge.s32 s18, s25;
	s0 =	simm.s32 @p0 $0x1  }
0x32a: {  	p0 =	sge.s32 s18, s16;
	[smem:$0x7E3] =	sst s0;
	s0 =	simm.s32 $0x1  }
0x32b: {  	p1 =	sge.s32 s18, s17;
	s0 =	simm.s32 @!p0 $0x0;
	p0 =	sge.s32 s18, s19  }
0x32c: {  	s2 =	sor.u32 $0x1C50, s4;
	s7 =	sand.u32 $0x380, s13;
	s9 =	sor.u32 $0x1C50, s5;
	[tilespmem:s15+$0x10000] =	vst.add.f32.msk $0xffff, v1  }
0x32d: {  	s13 =	simm.s32 $0x0;
	s8 =	simm.s32 $0x400;
	s15 =	simm.s32 $0x100;
	v1 =	vld [tilespmem:s9+$0x0]  }
.LBB2_6:
0x32e: {  	p2 =	sne.s32 s15, $0xF80  }
0x32f: {  	s3 =	simm.s32 @!p2 $0x0  }
0x330: {  	s3 =	simm.s32 @p2 $0x1  }
0x331: {  	[smem:$0x7E2] =	sst s3;
	s3 =	simm.s32 $0x1  }
0x332: {  	s3 =	simm.s32 @!p1 $0x0  }
0x333: {  	s0 =	sadd.s32 s3, s0;
	s3 =	simm.s32 $0x1  }
0x334: {  	[tilespmem:s2+$0x10000] =	vst.add.f32.msk $0xffff, v1;
	s2 =	simm.s32 $0x1;
	s3 =	simm.s32 @!p0 $0x0;
	p0 =	sge.s32 s18, s20  }
0x335: {  	s0 =	sadd.s32 s3, s0;
	s2 =	simm.s32 @!p0 $0x0  }
0x336: {  	p0 =	sge.s32 s18, s21;
	s0 =	sadd.s32 s2, s0;
	s2 =	simm.s32 $0x1  }
0x337: {  	s2 =	simm.s32 @!p0 $0x0  }
0x338: {  	p0 =	sge.s32 s18, s22;
	s0 =	sadd.s32 s2, s0;
	s2 =	simm.s32 $0x1  }
0x339: {  	s2 =	simm.s32 @!p0 $0x0  }
0x33a: {  	p0 =	sge.s32 s18, s23;
	s0 =	sadd.s32 s2, s0;
	s2 =	simm.s32 $0x1  }
0x33b: {  	s2 =	simm.s32 @!p0 $0x0  }
0x33c: {  	s9 =	sor.u32 $0x1C60, s5;
	s0 =	sadd.s32 s2, s0;
	s2 =	simm.s32 $0x1  }
0x33d: {  	v1 =	vld [tilespmem:s9+$0x0];
	s2 =	simm.s32 @!p6 $0x0  }
0x33e: {  	s0 =	sadd.s32 s2, s0;
	s2 =	simm.s32 $0x1  }
0x33f: {  	s2 =	simm.s32 @!p5 $0x0  }
0x340: {  	p0 =	sge.s32 s18, s26;
	s0 =	sadd.s32 s2, s0;
	s2 =	simm.s32 $0x1  }
0x341: {  	s11 =	sor.u32 $0x1C60, s4;
	s5 =	sor.u32 $0x1C70, s5;
	s2 =	simm.s32 @!p0 $0x0  }
0x342: {  	[tilespmem:s11+$0x10000] =	vst.add.f32.msk $0xffff, v1;
	p0 =	sge.s32 s18, s28;
	s0 =	sadd.s32 s2, s0;
	s2 =	simm.s32 $0x1  }
0x343: {  	s8 =	sand.u32 $0x6000, s8;
	v1 =	vld [tilespmem:s5+$0x0];
	s2 =	simm.s32 @!p0 $0x0  }
0x344: {  	p0 =	sge.s32 s18, s29;
	s0 =	sadd.s32 s2, s0;
	s2 =	simm.s32 $0x1  }
0x345: {  	s3 =	simm.s32 $0x1;
	s11 =	sld [smem:$0x7E3];
	s2 =	simm.s32 @!p0 $0x0  }
0x346: {  	s9 =	sor.u32 $0x1C70, s4;
	s3 =	simm.s32 @!p4 $0x0;
	s0 =	sadd.s32 s2, s0  }
0x347: {  	s5 =	sor.u32 s7, s8;
	s0 =	sadd.s32 s3, s0;
	s3 =	simm.s32 $0x1  }
0x348: {  	[tilespmem:s9+$0x10000] =	vst.add.f32.msk $0xffff, v1;
	p0 =	seq.s32 s11, $0x1;
	s2 =	simm.s32 $0x1;
	s3 =	simm.s32 @!p3 $0x0  }
0x349: {  	v1 =	vld [tilespmem:s5+$0x0];
	s2 =	simm.s32 @!p0 $0x0;
	s0 =	sadd.s32 s3, s0  }
0x34a: {  	s0 =	sadd.s32 s2, s0  }
0x34b: {  	s11 =	sshll.u32 s0, $0xA;
	s0 =	sshll.u32 s0, $0x7  }
0x34c: {  	s3 =	sand.u32 $0x7FFFE000, s11;
	s9 =	sand.u32 $0x380, s0  }
0x34d: {  	s0 =	sor.u32 s9, s3  }
0x34e: {  	[tilespmem:s0+$0x10000] =	vst.add.f32.msk $0xffff, v1  }
0x34f: {  	v1 =	vld [tilespmem:s5+$0x10];
	_ =	sdelay $0x2  }
0x350: {  	s7 =	sadd.s32 $0x10000, s0  }
0x351: {  	s0 =	sor.u32 $0x10, s7  }
0x352: {  	[tilespmem:s0+$0x0] =	vst.add.f32.msk $0xffff, v1  }
0x353: {  	v1 =	vld [tilespmem:s5+$0x20];
	_ =	sdelay $0x3  }
0x354: {  	s4 =	sor.u32 $0x20, s7  }
0x355: {  	[tilespmem:s4+$0x0] =	vst.add.f32.msk $0xffff, v1  }
0x356: {  	v1 =	vld [tilespmem:s5+$0x30];
	_ =	sdelay $0x3  }
0x357: {  	s8 =	sor.u32 $0x30, s7  }
0x358: {  	[tilespmem:s8+$0x0] =	vst.add.f32.msk $0xffff, v1  }
0x359: {  	v1 =	vld [tilespmem:s5+$0x40];
	_ =	sdelay $0x3  }
0x35a: {  	s2 =	sor.u32 $0x40, s7  }
0x35b: {  	[tilespmem:s2+$0x0] =	vst.add.f32.msk $0xffff, v1  }
0x35c: {  	v1 =	vld [tilespmem:s5+$0x50];
	_ =	sdelay $0x3  }
0x35d: {  	s3 =	sor.u32 $0x50, s7  }
0x35e: {  	[tilespmem:s3+$0x0] =	vst.add.f32.msk $0xffff, v1  }
0x35f: {  	v1 =	vld [tilespmem:s5+$0x60];
	_ =	sdelay $0x3  }
0x360: {  	s4 =	sor.u32 $0x60, s7  }
0x361: {  	[tilespmem:s4+$0x0] =	vst.add.f32.msk $0xffff, v1  }
0x362: {  	v1 =	vld [tilespmem:s5+$0x70];
	_ =	sdelay $0x3  }
0x363: {  	s8 =	sor.u32 $0x70, s7  }
0x364: {  	[tilespmem:s8+$0x0] =	vst.add.f32.msk $0xffff, v1  }
0x365: {  	v1 =	vld [tilespmem:s5+$0x400];
	_ =	sdelay $0x3  }
0x366: {  	s2 =	sor.u32 $0x400, s7  }
0x367: {  	[tilespmem:s2+$0x0] =	vst.add.f32.msk $0xffff, v1  }
0x368: {  	v1 =	vld [tilespmem:s5+$0x410];
	_ =	sdelay $0x3  }
0x369: {  	s3 =	sor.u32 $0x410, s7  }
0x36a: {  	[tilespmem:s3+$0x0] =	vst.add.f32.msk $0xffff, v1  }
0x36b: {  	v1 =	vld [tilespmem:s5+$0x420];
	_ =	sdelay $0x3  }
0x36c: {  	s4 =	sor.u32 $0x420, s7  }
0x36d: {  	[tilespmem:s4+$0x0] =	vst.add.f32.msk $0xffff, v1  }
0x36e: {  	v1 =	vld [tilespmem:s5+$0x430];
	_ =	sdelay $0x3  }
0x36f: {  	s8 =	sor.u32 $0x430, s7  }
0x370: {  	[tilespmem:s8+$0x0] =	vst.add.f32.msk $0xffff, v1  }
0x371: {  	v1 =	vld [tilespmem:s5+$0x440];
	_ =	sdelay $0x3  }
0x372: {  	s2 =	sor.u32 $0x440, s7  }
0x373: {  	[tilespmem:s2+$0x0] =	vst.add.f32.msk $0xffff, v1  }
0x374: {  	v1 =	vld [tilespmem:s5+$0x450];
	_ =	sdelay $0x3  }
0x375: {  	s3 =	sor.u32 $0x450, s7  }
0x376: {  	[tilespmem:s3+$0x0] =	vst.add.f32.msk $0xffff, v1  }
0x377: {  	v1 =	vld [tilespmem:s5+$0x460];
	_ =	sdelay $0x3  }
0x378: {  	s4 =	sor.u32 $0x460, s7  }
0x379: {  	[tilespmem:s4+$0x0] =	vst.add.f32.msk $0xffff, v1  }
0x37a: {  	v1 =	vld [tilespmem:s5+$0x470];
	_ =	sdelay $0x3  }
0x37b: {  	s8 =	sor.u32 $0x470, s7  }
0x37c: {  	[tilespmem:s8+$0x0] =	vst.add.f32.msk $0xffff, v1  }
0x37d: {  	v1 =	vld [tilespmem:s5+$0x800];
	_ =	sdelay $0x3  }
0x37e: {  	s2 =	sor.u32 $0x800, s7  }
0x37f: {  	[tilespmem:s2+$0x0] =	vst.add.f32.msk $0xffff, v1  }
0x380: {  	v1 =	vld [tilespmem:s5+$0x810];
	_ =	sdelay $0x3  }
0x381: {  	s3 =	sor.u32 $0x810, s7  }
0x382: {  	[tilespmem:s3+$0x0] =	vst.add.f32.msk $0xffff, v1  }
0x383: {  	v1 =	vld [tilespmem:s5+$0x820];
	_ =	sdelay $0x3  }
0x384: {  	s4 =	sor.u32 $0x820, s7  }
0x385: {  	[tilespmem:s4+$0x0] =	vst.add.f32.msk $0xffff, v1  }
0x386: {  	v1 =	vld [tilespmem:s5+$0x830];
	_ =	sdelay $0x3  }
0x387: {  	s8 =	sor.u32 $0x830, s7  }
0x388: {  	[tilespmem:s8+$0x0] =	vst.add.f32.msk $0xffff, v1  }
0x389: {  	v1 =	vld [tilespmem:s5+$0x840];
	_ =	sdelay $0x3  }
0x38a: {  	s2 =	sor.u32 $0x840, s7  }
0x38b: {  	[tilespmem:s2+$0x0] =	vst.add.f32.msk $0xffff, v1  }
0x38c: {  	v1 =	vld [tilespmem:s5+$0x850];
	_ =	sdelay $0x3  }
0x38d: {  	s3 =	sor.u32 $0x850, s7  }
0x38e: {  	[tilespmem:s3+$0x0] =	vst.add.f32.msk $0xffff, v1  }
0x38f: {  	v1 =	vld [tilespmem:s5+$0x860];
	_ =	sdelay $0x3  }
0x390: {  	s4 =	sor.u32 $0x860, s7  }
0x391: {  	[tilespmem:s4+$0x0] =	vst.add.f32.msk $0xffff, v1  }
0x392: {  	v1 =	vld [tilespmem:s5+$0x870];
	_ =	sdelay $0x3  }
0x393: {  	s8 =	sor.u32 $0x870, s7  }
0x394: {  	[tilespmem:s8+$0x0] =	vst.add.f32.msk $0xffff, v1  }
0x395: {  	v1 =	vld [tilespmem:s5+$0xC00];
	_ =	sdelay $0x3  }
0x396: {  	s2 =	sor.u32 $0xC00, s7  }
0x397: {  	[tilespmem:s2+$0x0] =	vst.add.f32.msk $0xffff, v1  }
0x398: {  	v1 =	vld [tilespmem:s5+$0xC10];
	_ =	sdelay $0x3  }
0x399: {  	s3 =	sor.u32 $0xC10, s7  }
0x39a: {  	[tilespmem:s3+$0x0] =	vst.add.f32.msk $0xffff, v1  }
0x39b: {  	v1 =	vld [tilespmem:s5+$0xC20];
	_ =	sdelay $0x3  }
0x39c: {  	s4 =	sor.u32 $0xC20, s7  }
0x39d: {  	[tilespmem:s4+$0x0] =	vst.add.f32.msk $0xffff, v1  }
0x39e: {  	v1 =	vld [tilespmem:s5+$0xC30];
	_ =	sdelay $0x3  }
0x39f: {  	s8 =	sor.u32 $0xC30, s7  }
0x3a0: {  	[tilespmem:s8+$0x0] =	vst.add.f32.msk $0xffff, v1  }
0x3a1: {  	v1 =	vld [tilespmem:s5+$0xC40];
	_ =	sdelay $0x3  }
0x3a2: {  	s2 =	sor.u32 $0xC40, s7  }
0x3a3: {  	[tilespmem:s2+$0x0] =	vst.add.f32.msk $0xffff, v1  }
0x3a4: {  	v1 =	vld [tilespmem:s5+$0xC50];
	_ =	sdelay $0x3  }
0x3a5: {  	s3 =	sor.u32 $0xC50, s7  }
0x3a6: {  	[tilespmem:s3+$0x0] =	vst.add.f32.msk $0xffff, v1  }
0x3a7: {  	v1 =	vld [tilespmem:s5+$0xC60];
	_ =	sdelay $0x3  }
0x3a8: {  	s4 =	sor.u32 $0xC60, s7  }
0x3a9: {  	[tilespmem:s4+$0x0] =	vst.add.f32.msk $0xffff, v1  }
0x3aa: {  	v1 =	vld [tilespmem:s5+$0xC70];
	_ =	sdelay $0x3  }
0x3ab: {  	s8 =	sor.u32 $0xC70, s7  }
0x3ac: {  	[tilespmem:s8+$0x0] =	vst.add.f32.msk $0xffff, v1  }
0x3ad: {  	v1 =	vld [tilespmem:s5+$0x1000];
	_ =	sdelay $0x3  }
0x3ae: {  	s2 =	sor.u32 $0x1000, s7  }
0x3af: {  	[tilespmem:s2+$0x0] =	vst.add.f32.msk $0xffff, v1  }
0x3b0: {  	v1 =	vld [tilespmem:s5+$0x1010];
	_ =	sdelay $0x3  }
0x3b1: {  	s3 =	sor.u32 $0x1010, s7  }
0x3b2: {  	[tilespmem:s3+$0x0] =	vst.add.f32.msk $0xffff, v1  }
0x3b3: {  	v1 =	vld [tilespmem:s5+$0x1020];
	_ =	sdelay $0x3  }
0x3b4: {  	s4 =	sor.u32 $0x1020, s7  }
0x3b5: {  	[tilespmem:s4+$0x0] =	vst.add.f32.msk $0xffff, v1  }
0x3b6: {  	v1 =	vld [tilespmem:s5+$0x1030];
	_ =	sdelay $0x3  }
0x3b7: {  	s8 =	sor.u32 $0x1030, s7  }
0x3b8: {  	[tilespmem:s8+$0x0] =	vst.add.f32.msk $0xffff, v1  }
0x3b9: {  	v1 =	vld [tilespmem:s5+$0x1040];
	_ =	sdelay $0x3  }
0x3ba: {  	s2 =	sor.u32 $0x1040, s7  }
0x3bb: {  	[tilespmem:s2+$0x0] =	vst.add.f32.msk $0xffff, v1  }
0x3bc: {  	v1 =	vld [tilespmem:s5+$0x1050];
	_ =	sdelay $0x3  }
0x3bd: {  	s3 =	sor.u32 $0x1050, s7  }
0x3be: {  	[tilespmem:s3+$0x0] =	vst.add.f32.msk $0xffff, v1  }
0x3bf: {  	v1 =	vld [tilespmem:s5+$0x1060];
	_ =	sdelay $0x3  }
0x3c0: {  	s4 =	sor.u32 $0x1060, s7  }
0x3c1: {  	[tilespmem:s4+$0x0] =	vst.add.f32.msk $0xffff, v1  }
0x3c2: {  	v1 =	vld [tilespmem:s5+$0x1070];
	_ =	sdelay $0x3  }
0x3c3: {  	s8 =	sor.u32 $0x1070, s7  }
0x3c4: {  	[tilespmem:s8+$0x0] =	vst.add.f32.msk $0xffff, v1  }
0x3c5: {  	v1 =	vld [tilespmem:s5+$0x1400];
	_ =	sdelay $0x3  }
0x3c6: {  	s2 =	sor.u32 $0x1400, s7  }
0x3c7: {  	[tilespmem:s2+$0x0] =	vst.add.f32.msk $0xffff, v1  }
0x3c8: {  	v1 =	vld [tilespmem:s5+$0x1410];
	_ =	sdelay $0x3  }
0x3c9: {  	s3 =	sor.u32 $0x1410, s7  }
0x3ca: {  	[tilespmem:s3+$0x0] =	vst.add.f32.msk $0xffff, v1  }
0x3cb: {  	v1 =	vld [tilespmem:s5+$0x1420];
	_ =	sdelay $0x3  }
0x3cc: {  	s4 =	sor.u32 $0x1420, s7  }
0x3cd: {  	[tilespmem:s4+$0x0] =	vst.add.f32.msk $0xffff, v1  }
0x3ce: {  	v1 =	vld [tilespmem:s5+$0x1430];
	_ =	sdelay $0x3  }
0x3cf: {  	s8 =	sor.u32 $0x1430, s7  }
0x3d0: {  	[tilespmem:s8+$0x0] =	vst.add.f32.msk $0xffff, v1  }
0x3d1: {  	v1 =	vld [tilespmem:s5+$0x1440];
	_ =	sdelay $0x3  }
0x3d2: {  	s2 =	sor.u32 $0x1440, s7  }
0x3d3: {  	[tilespmem:s2+$0x0] =	vst.add.f32.msk $0xffff, v1  }
0x3d4: {  	v1 =	vld [tilespmem:s5+$0x1450];
	_ =	sdelay $0x3  }
0x3d5: {  	s3 =	sor.u32 $0x1450, s7  }
0x3d6: {  	[tilespmem:s3+$0x0] =	vst.add.f32.msk $0xffff, v1  }
0x3d7: {  	v1 =	vld [tilespmem:s5+$0x1460];
	_ =	sdelay $0x3  }
0x3d8: {  	s4 =	sor.u32 $0x1460, s7  }
0x3d9: {  	[tilespmem:s4+$0x0] =	vst.add.f32.msk $0xffff, v1  }
0x3da: {  	v1 =	vld [tilespmem:s5+$0x1470];
	_ =	sdelay $0x3  }
0x3db: {  	s8 =	sor.u32 $0x1470, s7  }
0x3dc: {  	[tilespmem:s8+$0x0] =	vst.add.f32.msk $0xffff, v1  }
0x3dd: {  	v1 =	vld [tilespmem:s5+$0x1800];
	_ =	sdelay $0x3  }
0x3de: {  	s2 =	sor.u32 $0x1800, s7  }
0x3df: {  	[tilespmem:s2+$0x0] =	vst.add.f32.msk $0xffff, v1  }
0x3e0: {  	v1 =	vld [tilespmem:s5+$0x1810];
	_ =	sdelay $0x3  }
0x3e1: {  	s3 =	sor.u32 $0x1810, s7  }
0x3e2: {  	[tilespmem:s3+$0x0] =	vst.add.f32.msk $0xffff, v1  }
0x3e3: {  	v1 =	vld [tilespmem:s5+$0x1820];
	_ =	sdelay $0x3  }
0x3e4: {  	s4 =	sor.u32 $0x1820, s7  }
0x3e5: {  	[tilespmem:s4+$0x0] =	vst.add.f32.msk $0xffff, v1  }
0x3e6: {  	v1 =	vld [tilespmem:s5+$0x1830];
	_ =	sdelay $0x3  }
0x3e7: {  	s8 =	sor.u32 $0x1830, s7  }
0x3e8: {  	[tilespmem:s8+$0x0] =	vst.add.f32.msk $0xffff, v1  }
0x3e9: {  	v1 =	vld [tilespmem:s5+$0x1840];
	_ =	sdelay $0x3  }
0x3ea: {  	s2 =	sor.u32 $0x1840, s7  }
0x3eb: {  	[tilespmem:s2+$0x0] =	vst.add.f32.msk $0xffff, v1  }
0x3ec: {  	v1 =	vld [tilespmem:s5+$0x1850];
	_ =	sdelay $0x3  }
0x3ed: {  	s3 =	sor.u32 $0x1850, s7  }
0x3ee: {  	[tilespmem:s3+$0x0] =	vst.add.f32.msk $0xffff, v1  }
0x3ef: {  	v1 =	vld [tilespmem:s5+$0x1860];
	_ =	sdelay $0x3  }
0x3f0: {  	s4 =	sor.u32 $0x1860, s7  }
0x3f1: {  	[tilespmem:s4+$0x0] =	vst.add.f32.msk $0xffff, v1  }
0x3f2: {  	v1 =	vld [tilespmem:s5+$0x1870]  }
0x3f3: {  	s6 =	sadd.s32 $0x1, s6  }
0x3f4: {  	s5 =	sand.u32 $0x7, s6  }
0x3f5: {  	s13 =	sadd.s32 $0x400, s13;
	s0 =	sshll.u32 s5, $0x7  }
0x3f6: {  	s8 =	sor.u32 $0x1870, s7;
	s5 =	sadd.s32 s0, s13  }
0x3f7: {  	s2 =	sor.u32 $0x1C00, s5;
	[tilespmem:s8+$0x0] =	vst.add.f32.msk $0xffff, v1  }
0x3f8: {  	v1 =	vld [tilespmem:s2+$0x0];
	_ =	sdelay $0x2  }
0x3f9: {  	s4 =	sor.u32 s11, s9  }
0x3fa: {  	s3 =	sor.u32 $0x1C00, s4  }
0x3fb: {  	s7 =	sor.u32 $0x1C10, s5;
	[tilespmem:s3+$0x10000] =	vst.add.f32.msk $0xffff, v1  }
0x3fc: {  	v1 =	vld [tilespmem:s7+$0x0];
	_ =	sdelay $0x3  }
0x3fd: {  	s8 =	sor.u32 $0x1C10, s4  }
0x3fe: {  	s9 =	sor.u32 $0x1C20, s5;
	[tilespmem:s8+$0x10000] =	vst.add.f32.msk $0xffff, v1  }
0x3ff: {  	v1 =	vld [tilespmem:s9+$0x0];
	_ =	sdelay $0x3  }
0x400: {  	s11 =	sor.u32 $0x1C20, s4  }
0x401: {  	s2 =	sor.u32 $0x1C30, s5;
	[tilespmem:s11+$0x10000] =	vst.add.f32.msk $0xffff, v1  }
0x402: {  	v1 =	vld [tilespmem:s2+$0x0];
	_ =	sdelay $0x3  }
0x403: {  	s3 =	sor.u32 $0x1C30, s4;
	s11 =	sld [smem:$0x7E2]  }
0x404: {  	s1 =	sadd.s32 $0x400, s1;
	s18 =	sadd.s32 $0x1, s18;
	s7 =	sor.u32 $0x1C40, s5;
	[tilespmem:s3+$0x10000] =	vst.add.f32.msk $0xffff, v1  }
0x405: {  	p4 =	sge.s32 s18, s30;
	p2 =	sge.s32 s18, s16;
	s0 =	simm.s32 $0x1;
	v1 =	vld [tilespmem:s7+$0x0]  }
0x406: {  	p6 =	sge.s32 s18, s24;
	s0 =	simm.s32 @!p2 $0x0;
	p2 =	seq.s32 s11, $0x1  }
.Ltmp8:
0x407: {  	p5 =	sge.s32 s18, s25;
	p0 =	sge.s32 s18, s12;
	(pc) =	sbr.rel @p2 .LBB2_6-.Ltmp8, $4  }
0x408: {  	p1 =	sge.s32 s18, s17;
	p3 =	sge.s32 s18, s31;
	s2 =	simm.s32 @!p0 $0x0  }
0x409: {  	s8 =	sor.u32 $0x1C40, s4;
	s9 =	sor.u32 $0x1C50, s5;
	s2 =	simm.s32 @p0 $0x1  }
0x40a: {  	p0 =	sge.s32 s18, s19;
	[smem:$0x7E3] =	sst s2;
	s2 =	sor.u32 $0x1C50, s4;
	[tilespmem:s8+$0x10000] =	vst.add.f32.msk $0xffff, v1  }
0x40b: {  	s7 =	sand.u32 $0x380, s15;
	s15 =	sadd.s32 $0x80, s15;
	s8 =	sadd.s32 $0x8000, s1;
	v1 =	vld [tilespmem:s9+$0x0]  }
0x40c: {  	s1 =	simm.s32 $0x1;
	s3 =	simm.s32 $0x1;
	s9 =	sor.u32 $0x1C60, s5  }
0x40d: {  	s11 =	sor.u32 $0x1C60, s4;
	s15 =	sor.u32 $0x1C70, s5;
	s1 =	simm.s32 @!p1 $0x0  }
0x40e: {  	s5 =	sand.u32 $0x6000, s8;
	s3 =	simm.s32 @!p0 $0x0;
	s0 =	sadd.s32 s1, s0  }
0x40f: {  	p0 =	sge.s32 s18, s20;
	s1 =	simm.s32 $0x1;
	s0 =	sadd.s32 s3, s0  }
0x410: {  	s1 =	simm.s32 @!p0 $0x0;
	p0 =	sge.s32 s18, s21;
	s3 =	simm.s32 $0x1  }
0x411: {  	s0 =	sadd.s32 s1, s0;
	s3 =	simm.s32 @!p0 $0x0;
	[tilespmem:s2+$0x10000] =	vst.add.f32.msk $0xffff, v1;
	p0 =	sge.s32 s18, s22  }
0x412: {  	s2 =	simm.s32 $0x1;
	s1 =	simm.s32 $0x1;
	s0 =	sadd.s32 s3, s0;
	v1 =	vld [tilespmem:s9+$0x0]  }
0x413: {  	s2 =	simm.s32 @!p0 $0x0;
	p0 =	sge.s32 s18, s23;
	s3 =	simm.s32 $0x1  }
0x414: {  	s0 =	sadd.s32 s2, s0;
	s1 =	simm.s32 @!p0 $0x0;
	s2 =	simm.s32 $0x1  }
0x415: {  	p0 =	sge.s32 s18, s26;
	s0 =	sadd.s32 s1, s0;
	s2 =	simm.s32 @!p6 $0x0  }
0x416: {  	s3 =	simm.s32 @!p0 $0x0;
	s0 =	sadd.s32 s2, s0;
	s2 =	simm.s32 $0x1  }
0x417: {  	p0 =	sge.s32 s18, s28;
	s1 =	simm.s32 $0x1;
	s2 =	simm.s32 @!p5 $0x0;
	[tilespmem:s11+$0x10000] =	vst.add.f32.msk $0xffff, v1  }
0x418: {  	s9 =	sld [smem:$0x7E3];
	s1 =	simm.s32 @!p0 $0x0;
	s0 =	sadd.s32 s2, s0;
	v1 =	vld [tilespmem:s15+$0x0]  }
0x419: {  	p0 =	sge.s32 s18, s29;
	s2 =	simm.s32 $0x1;
	s0 =	sadd.s32 s3, s0  }
0x41a: {  	s2 =	simm.s32 @!p0 $0x0;
	s0 =	sadd.s32 s1, s0;
	s1 =	simm.s32 $0x1  }
0x41b: {  	s8 =	sor.u32 $0x1C70, s4;
	s1 =	simm.s32 @!p4 $0x0;
	s0 =	sadd.s32 s2, s0  }
0x41c: {  	s4 =	sor.u32 s7, s5;
	s0 =	sadd.s32 s1, s0;
	s1 =	simm.s32 $0x1  }
0x41d: {  	p0 =	seq.s32 s9, $0x1;
	s2 =	simm.s32 $0x1;
	s1 =	simm.s32 @!p3 $0x0;
	[tilespmem:s8+$0x10000] =	vst.add.f32.msk $0xffff, v1  }
0x41e: {  	s2 =	simm.s32 @!p0 $0x0;
	s0 =	sadd.s32 s1, s0;
	v1 =	vld [tilespmem:s4+$0x0]  }
0x41f: {  	s0 =	sadd.s32 s2, s0  }
0x420: {  	s1 =	sshll.u32 s0, $0xA;
	s0 =	sshll.u32 s0, $0x7  }
0x421: {  	s11 =	sand.u32 $0x7FFFE000, s1;
	s5 =	sand.u32 $0x380, s0  }
0x422: {  	s0 =	sor.u32 s5, s11  }
0x423: {  	[tilespmem:s0+$0x10000] =	vst.add.f32.msk $0xffff, v1  }
0x424: {  	v1 =	vld [tilespmem:s4+$0x10];
	_ =	sdelay $0x2  }
0x425: {  	s7 =	sadd.s32 $0x10000, s0  }
0x426: {  	s0 =	sor.u32 $0x10, s7  }
0x427: {  	[tilespmem:s0+$0x0] =	vst.add.f32.msk $0xffff, v1  }
0x428: {  	v1 =	vld [tilespmem:s4+$0x20];
	_ =	sdelay $0x3  }
0x429: {  	s15 =	sor.u32 $0x20, s7  }
0x42a: {  	[tilespmem:s15+$0x0] =	vst.add.f32.msk $0xffff, v1  }
0x42b: {  	v1 =	vld [tilespmem:s4+$0x30];
	_ =	sdelay $0x3  }
0x42c: {  	s18 =	sor.u32 $0x30, s7  }
0x42d: {  	[tilespmem:s18+$0x0] =	vst.add.f32.msk $0xffff, v1  }
0x42e: {  	v1 =	vld [tilespmem:s4+$0x40];
	_ =	sdelay $0x3  }
0x42f: {  	s2 =	sor.u32 $0x40, s7  }
0x430: {  	[tilespmem:s2+$0x0] =	vst.add.f32.msk $0xffff, v1  }
0x431: {  	v1 =	vld [tilespmem:s4+$0x50];
	_ =	sdelay $0x3  }
0x432: {  	s3 =	sor.u32 $0x50, s7  }
0x433: {  	[tilespmem:s3+$0x0] =	vst.add.f32.msk $0xffff, v1  }
0x434: {  	v1 =	vld [tilespmem:s4+$0x60];
	_ =	sdelay $0x3  }
0x435: {  	s8 =	sor.u32 $0x60, s7  }
0x436: {  	[tilespmem:s8+$0x0] =	vst.add.f32.msk $0xffff, v1  }
0x437: {  	v1 =	vld [tilespmem:s4+$0x70];
	_ =	sdelay $0x3  }
0x438: {  	s9 =	sor.u32 $0x70, s7  }
0x439: {  	[tilespmem:s9+$0x0] =	vst.add.f32.msk $0xffff, v1  }
0x43a: {  	v1 =	vld [tilespmem:s4+$0x400];
	_ =	sdelay $0x3  }
0x43b: {  	s11 =	sor.u32 $0x400, s7  }
0x43c: {  	[tilespmem:s11+$0x0] =	vst.add.f32.msk $0xffff, v1  }
0x43d: {  	v1 =	vld [tilespmem:s4+$0x410];
	_ =	sdelay $0x3  }
0x43e: {  	s15 =	sor.u32 $0x410, s7  }
0x43f: {  	[tilespmem:s15+$0x0] =	vst.add.f32.msk $0xffff, v1  }
0x440: {  	v1 =	vld [tilespmem:s4+$0x420];
	_ =	sdelay $0x3  }
0x441: {  	s18 =	sor.u32 $0x420, s7  }
0x442: {  	[tilespmem:s18+$0x0] =	vst.add.f32.msk $0xffff, v1  }
0x443: {  	v1 =	vld [tilespmem:s4+$0x430];
	_ =	sdelay $0x3  }
0x444: {  	s2 =	sor.u32 $0x430, s7  }
0x445: {  	[tilespmem:s2+$0x0] =	vst.add.f32.msk $0xffff, v1  }
0x446: {  	v1 =	vld [tilespmem:s4+$0x440];
	_ =	sdelay $0x3  }
0x447: {  	s3 =	sor.u32 $0x440, s7  }
0x448: {  	[tilespmem:s3+$0x0] =	vst.add.f32.msk $0xffff, v1  }
0x449: {  	v1 =	vld [tilespmem:s4+$0x450];
	_ =	sdelay $0x3  }
0x44a: {  	s8 =	sor.u32 $0x450, s7  }
0x44b: {  	[tilespmem:s8+$0x0] =	vst.add.f32.msk $0xffff, v1  }
0x44c: {  	v1 =	vld [tilespmem:s4+$0x460];
	_ =	sdelay $0x3  }
0x44d: {  	s9 =	sor.u32 $0x460, s7  }
0x44e: {  	[tilespmem:s9+$0x0] =	vst.add.f32.msk $0xffff, v1  }
0x44f: {  	v1 =	vld [tilespmem:s4+$0x470];
	_ =	sdelay $0x3  }
0x450: {  	s11 =	sor.u32 $0x470, s7  }
0x451: {  	[tilespmem:s11+$0x0] =	vst.add.f32.msk $0xffff, v1  }
0x452: {  	v1 =	vld [tilespmem:s4+$0x800];
	_ =	sdelay $0x3  }
0x453: {  	s15 =	sor.u32 $0x800, s7  }
0x454: {  	[tilespmem:s15+$0x0] =	vst.add.f32.msk $0xffff, v1  }
0x455: {  	v1 =	vld [tilespmem:s4+$0x810];
	_ =	sdelay $0x3  }
0x456: {  	s18 =	sor.u32 $0x810, s7  }
0x457: {  	[tilespmem:s18+$0x0] =	vst.add.f32.msk $0xffff, v1  }
0x458: {  	v1 =	vld [tilespmem:s4+$0x820];
	_ =	sdelay $0x3  }
0x459: {  	s2 =	sor.u32 $0x820, s7  }
0x45a: {  	[tilespmem:s2+$0x0] =	vst.add.f32.msk $0xffff, v1  }
0x45b: {  	v1 =	vld [tilespmem:s4+$0x830];
	_ =	sdelay $0x3  }
0x45c: {  	s3 =	sor.u32 $0x830, s7  }
0x45d: {  	[tilespmem:s3+$0x0] =	vst.add.f32.msk $0xffff, v1  }
0x45e: {  	v1 =	vld [tilespmem:s4+$0x840];
	_ =	sdelay $0x3  }
0x45f: {  	s8 =	sor.u32 $0x840, s7  }
0x460: {  	[tilespmem:s8+$0x0] =	vst.add.f32.msk $0xffff, v1  }
0x461: {  	v1 =	vld [tilespmem:s4+$0x850];
	_ =	sdelay $0x3  }
0x462: {  	s9 =	sor.u32 $0x850, s7  }
0x463: {  	[tilespmem:s9+$0x0] =	vst.add.f32.msk $0xffff, v1  }
0x464: {  	v1 =	vld [tilespmem:s4+$0x860];
	_ =	sdelay $0x3  }
0x465: {  	s11 =	sor.u32 $0x860, s7  }
0x466: {  	[tilespmem:s11+$0x0] =	vst.add.f32.msk $0xffff, v1  }
0x467: {  	v1 =	vld [tilespmem:s4+$0x870];
	_ =	sdelay $0x3  }
0x468: {  	s15 =	sor.u32 $0x870, s7  }
0x469: {  	[tilespmem:s15+$0x0] =	vst.add.f32.msk $0xffff, v1  }
0x46a: {  	v1 =	vld [tilespmem:s4+$0xC00];
	_ =	sdelay $0x3  }
0x46b: {  	s18 =	sor.u32 $0xC00, s7  }
0x46c: {  	[tilespmem:s18+$0x0] =	vst.add.f32.msk $0xffff, v1  }
0x46d: {  	v1 =	vld [tilespmem:s4+$0xC10];
	_ =	sdelay $0x3  }
0x46e: {  	s2 =	sor.u32 $0xC10, s7  }
0x46f: {  	[tilespmem:s2+$0x0] =	vst.add.f32.msk $0xffff, v1  }
0x470: {  	v1 =	vld [tilespmem:s4+$0xC20];
	_ =	sdelay $0x3  }
0x471: {  	s3 =	sor.u32 $0xC20, s7  }
0x472: {  	[tilespmem:s3+$0x0] =	vst.add.f32.msk $0xffff, v1  }
0x473: {  	v1 =	vld [tilespmem:s4+$0xC30];
	_ =	sdelay $0x3  }
0x474: {  	s8 =	sor.u32 $0xC30, s7  }
0x475: {  	[tilespmem:s8+$0x0] =	vst.add.f32.msk $0xffff, v1  }
0x476: {  	v1 =	vld [tilespmem:s4+$0xC40];
	_ =	sdelay $0x3  }
0x477: {  	s9 =	sor.u32 $0xC40, s7  }
0x478: {  	[tilespmem:s9+$0x0] =	vst.add.f32.msk $0xffff, v1  }
0x479: {  	v1 =	vld [tilespmem:s4+$0xC50];
	_ =	sdelay $0x3  }
0x47a: {  	s11 =	sor.u32 $0xC50, s7  }
0x47b: {  	[tilespmem:s11+$0x0] =	vst.add.f32.msk $0xffff, v1  }
0x47c: {  	v1 =	vld [tilespmem:s4+$0xC60];
	_ =	sdelay $0x3  }
0x47d: {  	s15 =	sor.u32 $0xC60, s7  }
0x47e: {  	[tilespmem:s15+$0x0] =	vst.add.f32.msk $0xffff, v1  }
0x47f: {  	v1 =	vld [tilespmem:s4+$0xC70];
	_ =	sdelay $0x3  }
0x480: {  	s18 =	sor.u32 $0xC70, s7  }
0x481: {  	[tilespmem:s18+$0x0] =	vst.add.f32.msk $0xffff, v1  }
0x482: {  	v1 =	vld [tilespmem:s4+$0x1000];
	_ =	sdelay $0x3  }
0x483: {  	s2 =	sor.u32 $0x1000, s7  }
0x484: {  	[tilespmem:s2+$0x0] =	vst.add.f32.msk $0xffff, v1  }
0x485: {  	v1 =	vld [tilespmem:s4+$0x1010];
	_ =	sdelay $0x3  }
0x486: {  	s3 =	sor.u32 $0x1010, s7  }
0x487: {  	[tilespmem:s3+$0x0] =	vst.add.f32.msk $0xffff, v1  }
0x488: {  	v1 =	vld [tilespmem:s4+$0x1020];
	_ =	sdelay $0x3  }
0x489: {  	s8 =	sor.u32 $0x1020, s7  }
0x48a: {  	[tilespmem:s8+$0x0] =	vst.add.f32.msk $0xffff, v1  }
0x48b: {  	v1 =	vld [tilespmem:s4+$0x1030];
	_ =	sdelay $0x3  }
0x48c: {  	s9 =	sor.u32 $0x1030, s7  }
0x48d: {  	[tilespmem:s9+$0x0] =	vst.add.f32.msk $0xffff, v1  }
0x48e: {  	v1 =	vld [tilespmem:s4+$0x1040];
	_ =	sdelay $0x3  }
0x48f: {  	s11 =	sor.u32 $0x1040, s7  }
0x490: {  	[tilespmem:s11+$0x0] =	vst.add.f32.msk $0xffff, v1  }
0x491: {  	v1 =	vld [tilespmem:s4+$0x1050];
	_ =	sdelay $0x3  }
0x492: {  	s15 =	sor.u32 $0x1050, s7  }
0x493: {  	[tilespmem:s15+$0x0] =	vst.add.f32.msk $0xffff, v1  }
0x494: {  	v1 =	vld [tilespmem:s4+$0x1060];
	_ =	sdelay $0x3  }
0x495: {  	s18 =	sor.u32 $0x1060, s7  }
0x496: {  	[tilespmem:s18+$0x0] =	vst.add.f32.msk $0xffff, v1  }
0x497: {  	v1 =	vld [tilespmem:s4+$0x1070];
	_ =	sdelay $0x3  }
0x498: {  	s2 =	sor.u32 $0x1070, s7  }
0x499: {  	[tilespmem:s2+$0x0] =	vst.add.f32.msk $0xffff, v1  }
0x49a: {  	v1 =	vld [tilespmem:s4+$0x1400];
	_ =	sdelay $0x3  }
0x49b: {  	s3 =	sor.u32 $0x1400, s7  }
0x49c: {  	[tilespmem:s3+$0x0] =	vst.add.f32.msk $0xffff, v1  }
0x49d: {  	v1 =	vld [tilespmem:s4+$0x1410];
	_ =	sdelay $0x3  }
0x49e: {  	s8 =	sor.u32 $0x1410, s7  }
0x49f: {  	[tilespmem:s8+$0x0] =	vst.add.f32.msk $0xffff, v1  }
0x4a0: {  	v1 =	vld [tilespmem:s4+$0x1420];
	_ =	sdelay $0x3  }
0x4a1: {  	s9 =	sor.u32 $0x1420, s7  }
0x4a2: {  	[tilespmem:s9+$0x0] =	vst.add.f32.msk $0xffff, v1  }
0x4a3: {  	v1 =	vld [tilespmem:s4+$0x1430];
	_ =	sdelay $0x3  }
0x4a4: {  	s11 =	sor.u32 $0x1430, s7  }
0x4a5: {  	[tilespmem:s11+$0x0] =	vst.add.f32.msk $0xffff, v1  }
0x4a6: {  	v1 =	vld [tilespmem:s4+$0x1440];
	_ =	sdelay $0x3  }
0x4a7: {  	s15 =	sor.u32 $0x1440, s7  }
0x4a8: {  	[tilespmem:s15+$0x0] =	vst.add.f32.msk $0xffff, v1  }
0x4a9: {  	v1 =	vld [tilespmem:s4+$0x1450];
	_ =	sdelay $0x3  }
0x4aa: {  	s18 =	sor.u32 $0x1450, s7  }
0x4ab: {  	[tilespmem:s18+$0x0] =	vst.add.f32.msk $0xffff, v1  }
0x4ac: {  	v1 =	vld [tilespmem:s4+$0x1460];
	_ =	sdelay $0x3  }
0x4ad: {  	s2 =	sor.u32 $0x1460, s7  }
0x4ae: {  	[tilespmem:s2+$0x0] =	vst.add.f32.msk $0xffff, v1  }
0x4af: {  	v1 =	vld [tilespmem:s4+$0x1470];
	_ =	sdelay $0x3  }
0x4b0: {  	s3 =	sor.u32 $0x1470, s7  }
0x4b1: {  	[tilespmem:s3+$0x0] =	vst.add.f32.msk $0xffff, v1  }
0x4b2: {  	v1 =	vld [tilespmem:s4+$0x1800];
	_ =	sdelay $0x3  }
0x4b3: {  	s8 =	sor.u32 $0x1800, s7  }
0x4b4: {  	[tilespmem:s8+$0x0] =	vst.add.f32.msk $0xffff, v1  }
0x4b5: {  	v1 =	vld [tilespmem:s4+$0x1810];
	_ =	sdelay $0x3  }
0x4b6: {  	s9 =	sor.u32 $0x1810, s7  }
0x4b7: {  	[tilespmem:s9+$0x0] =	vst.add.f32.msk $0xffff, v1  }
0x4b8: {  	v1 =	vld [tilespmem:s4+$0x1820];
	_ =	sdelay $0x3  }
0x4b9: {  	s11 =	sor.u32 $0x1820, s7  }
0x4ba: {  	[tilespmem:s11+$0x0] =	vst.add.f32.msk $0xffff, v1  }
0x4bb: {  	v1 =	vld [tilespmem:s4+$0x1830];
	_ =	sdelay $0x3  }
0x4bc: {  	s15 =	sor.u32 $0x1830, s7  }
0x4bd: {  	[tilespmem:s15+$0x0] =	vst.add.f32.msk $0xffff, v1  }
0x4be: {  	v1 =	vld [tilespmem:s4+$0x1840];
	_ =	sdelay $0x3  }
0x4bf: {  	s18 =	sor.u32 $0x1840, s7  }
0x4c0: {  	[tilespmem:s18+$0x0] =	vst.add.f32.msk $0xffff, v1  }
0x4c1: {  	v1 =	vld [tilespmem:s4+$0x1850];
	_ =	sdelay $0x3  }
0x4c2: {  	s2 =	sor.u32 $0x1850, s7  }
0x4c3: {  	[tilespmem:s2+$0x0] =	vst.add.f32.msk $0xffff, v1  }
0x4c4: {  	v1 =	vld [tilespmem:s4+$0x1860];
	_ =	sdelay $0x3  }
0x4c5: {  	s3 =	sor.u32 $0x1860, s7  }
0x4c6: {  	[tilespmem:s3+$0x0] =	vst.add.f32.msk $0xffff, v1  }
0x4c7: {  	v1 =	vld [tilespmem:s4+$0x1870]  }
0x4c8: {  	s6 =	sadd.s32 $0x1, s6  }
0x4c9: {  	s0 =	sand.u32 $0x7, s6  }
0x4ca: {  	s0 =	sshll.u32 s0, $0x7;
	s8 =	sadd.s32 $0x400, s13  }
0x4cb: {  	s0 =	sadd.s32 s0, s8;
	s9 =	sor.u32 $0x1870, s7  }
0x4cc: {  	s11 =	sor.u32 $0x1C00, s0;
	[tilespmem:s9+$0x0] =	vst.add.f32.msk $0xffff, v1  }
0x4cd: {  	v1 =	vld [tilespmem:s11+$0x0];
	_ =	sdelay $0x2  }
0x4ce: {  	s1 =	sor.u32 s1, s5  }
0x4cf: {  	s13 =	sor.u32 $0x1C00, s1  }
0x4d0: {  	s15 =	sor.u32 $0x1C10, s0;
	[tilespmem:s13+$0x10000] =	vst.add.f32.msk $0xffff, v1  }
0x4d1: {  	v1 =	vld [tilespmem:s15+$0x0];
	_ =	sdelay $0x3  }
0x4d2: {  	s18 =	sor.u32 $0x1C10, s1  }
0x4d3: {  	s3 =	sor.u32 $0x1C20, s0;
	[tilespmem:s18+$0x10000] =	vst.add.f32.msk $0xffff, v1  }
0x4d4: {  	v1 =	vld [tilespmem:s3+$0x0];
	_ =	sdelay $0x3  }
0x4d5: {  	s4 =	sor.u32 $0x1C20, s1  }
0x4d6: {  	s5 =	sor.u32 $0x1C30, s0;
	[tilespmem:s4+$0x10000] =	vst.add.f32.msk $0xffff, v1  }
0x4d7: {  	v1 =	vld [tilespmem:s5+$0x0];
	_ =	sdelay $0x3  }
0x4d8: {  	s6 =	sor.u32 $0x1C30, s1  }
0x4d9: {  	s7 =	sor.u32 $0x1C40, s0;
	[tilespmem:s6+$0x10000] =	vst.add.f32.msk $0xffff, v1  }
0x4da: {  	v1 =	vld [tilespmem:s7+$0x0];
	_ =	sdelay $0x3  }
0x4db: {  	s8 =	sor.u32 $0x1C40, s1  }
0x4dc: {  	s9 =	sor.u32 $0x1C50, s0;
	[tilespmem:s8+$0x10000] =	vst.add.f32.msk $0xffff, v1  }
0x4dd: {  	v1 =	vld [tilespmem:s9+$0x0];
	_ =	sdelay $0x3  }
0x4de: {  	s11 =	sor.u32 $0x1C50, s1  }
0x4df: {  	s13 =	sor.u32 $0x1C60, s0;
	[tilespmem:s11+$0x10000] =	vst.add.f32.msk $0xffff, v1  }
0x4e0: {  	v1 =	vld [tilespmem:s13+$0x0];
	_ =	sdelay $0x3  }
0x4e1: {  	s15 =	sor.u32 $0x1C60, s1  }
0x4e2: {  	s0 =	sor.u32 $0x1C70, s0;
	[tilespmem:s15+$0x10000] =	vst.add.f32.msk $0xffff, v1  }
0x4e3: {  	v1 =	vld [tilespmem:s0+$0x0];
	_ =	sdelay $0x3  }
0x4e4: {  	s18 =	sor.u32 $0x1C70, s1  }
0x4e5: {  	[tilespmem:s18+$0x10000] =	vst.add.f32.msk $0xffff, v1  }
.LBB2_11:
0x4e6: {  	s1 =	simm.s32 $0x2  }
0x4e7: {  	_ =	swait.ge [sflag:s1], $0x8000  }
0x4e8: {  	s0 =	sld [smem:$0x7EF];
	_ =	sdelay $0x1  }
0x4e9: {  	s15 =	rddreg [dreg:$0x16]  }
0x4ea: {  	[sflag:s1] =	ssyncset.done $0x0;
	s6 =	sld [smem:$0x7F0];
	s0 =	sshll.u32 s0, $0xC  }
0x4eb: {  	[sflag:s1] =	ssyncadd.s32 $0xFFFF8000;
	s0 =	sadd.s32 s0, s15  }
0x4ec: {  	[tilespmem:s14], [sflag:$0x1] =	stream.linear.gather [hbm4b:s0+s14], $0x8000, $0x38;
	[tilespmem:$0x14080] =	vst v63  }
0x4ed: {  	p0 =	sge.s32 s6, s16;
	s0 =	simm.s32 $0x1  }
0x4ee: {  	s1 =	simm.s32 $0x1;
	s0 =	simm.s32 @!p0 $0x0;
	p0 =	sge.s32 s6, s17  }
0x4ef: {  	s2 =	simm.s32 $0x1;
	s1 =	simm.s32 @!p0 $0x0;
	p0 =	sge.s32 s6, s19  }
0x4f0: {  	s0 =	sadd.s32 s1, s0;
	s2 =	simm.s32 @!p0 $0x0  }
0x4f1: {  	p0 =	sge.s32 s6, s20;
	s1 =	simm.s32 $0x1;
	s0 =	sadd.s32 s2, s0  }
0x4f2: {  	s1 =	simm.s32 @!p0 $0x0;
	p0 =	sge.s32 s6, s21;
	s2 =	simm.s32 $0x1  }
0x4f3: {  	s3 =	simm.s32 $0x1;
	s0 =	sadd.s32 s1, s0;
	s2 =	simm.s32 @!p0 $0x0  }
0x4f4: {  	p0 =	sge.s32 s6, s22;
	s1 =	simm.s32 $0x1;
	s0 =	sadd.s32 s2, s0  }
0x4f5: {  	s1 =	simm.s32 @!p0 $0x0;
	p0 =	sge.s32 s6, s23;
	s2 =	simm.s32 $0x1  }
0x4f6: {  	s4 =	simm.s32 $0x1;
	s0 =	sadd.s32 s1, s0;
	s2 =	simm.s32 @!p0 $0x0  }
0x4f7: {  	p0 =	sge.s32 s6, s24;
	s1 =	simm.s32 $0x1;
	s0 =	sadd.s32 s2, s0  }
0x4f8: {  	s1 =	simm.s32 @!p0 $0x0;
	p0 =	sge.s32 s6, s25;
	s2 =	simm.s32 $0x1  }
0x4f9: {  	s5 =	simm.s32 $0x1;
	s0 =	sadd.s32 s1, s0;
	s2 =	simm.s32 @!p0 $0x0  }
0x4fa: {  	p0 =	sge.s32 s6, s26;
	s1 =	simm.s32 $0x1;
	s0 =	sadd.s32 s2, s0  }
0x4fb: {  	s1 =	simm.s32 @!p0 $0x0;
	p0 =	sge.s32 s6, s28;
	s2 =	simm.s32 $0x1  }
0x4fc: {  	s18 =	sld [smem:$0x7F1];
	s0 =	sadd.s32 s1, s0;
	s2 =	simm.s32 @!p0 $0x0  }
0x4fd: {  	p0 =	sge.s32 s6, s29;
	s1 =	simm.s32 $0x1;
	s0 =	sadd.s32 s2, s0  }
0x4fe: {  	s1 =	simm.s32 @!p0 $0x0;
	p0 =	sge.s32 s6, s30;
	s2 =	simm.s32 $0x1  }
0x4ff: {  	s0 =	sadd.s32 s1, s0;
	s2 =	simm.s32 @!p0 $0x0;
	s1 =	sor.u32 $0x3F, s18  }
0x500: {  	s0 =	sadd.s32 s2, s0;
	p0 =	sge.s32 s1, s16;
	s2 =	simm.s32 $0x1  }
0x501: {  	p1 =	sge.s32 s1, s19;
	s2 =	simm.s32 @!p0 $0x0;
	p0 =	sge.s32 s1, s17  }
0x502: {  	s4 =	simm.s32 @!p1 $0x0;
	p1 =	sge.s32 s1, s20;
	s3 =	simm.s32 @!p0 $0x0  }
0x503: {  	p0 =	sge.s32 s6, s31;
	s2 =	sadd.s32 s3, s2;
	s3 =	simm.s32 $0x1  }
0x504: {  	s5 =	simm.s32 @!p0 $0x0;
	p0 =	sge.s32 s1, s24;
	s2 =	sadd.s32 s4, s2  }
0x505: {  	s3 =	simm.s32 @!p1 $0x0;
	p1 =	sge.s32 s1, s21;
	s4 =	simm.s32 $0x1  }
0x506: {  	s0 =	sadd.s32 s5, s0;
	s2 =	sadd.s32 s3, s2;
	s4 =	simm.s32 @!p1 $0x0  }
0x507: {  	p1 =	sge.s32 s1, s22;
	s3 =	simm.s32 $0x1;
	s2 =	sadd.s32 s4, s2  }
0x508: {  	s3 =	simm.s32 @!p1 $0x0;
	p1 =	sge.s32 s1, s23;
	s4 =	simm.s32 $0x1  }
0x509: {  	s2 =	sadd.s32 s3, s2;
	s4 =	simm.s32 @!p1 $0x0;
	s3 =	simm.s32 $0x1  }
0x50a: {  	p1 =	sge.s32 s1, s28;
	s2 =	sadd.s32 s4, s2;
	s3 =	simm.s32 @!p0 $0x0  }
0x50b: {  	p0 =	sge.s32 s1, s25;
	s4 =	simm.s32 $0x1;
	s2 =	sadd.s32 s3, s2  }
0x50c: {  	s4 =	simm.s32 @!p0 $0x0;
	p0 =	sge.s32 s1, s26;
	s3 =	simm.s32 $0x1  }
0x50d: {  	s2 =	sadd.s32 s4, s2;
	s3 =	simm.s32 @!p0 $0x0;
	s4 =	simm.s32 $0x1  }
0x50e: {  	p0 =	sge.s32 s6, s12;
	s2 =	sadd.s32 s3, s2;
	s4 =	simm.s32 @!p1 $0x0  }
0x50f: {  	p1 =	sge.s32 s1, s29;
	s3 =	simm.s32 $0x1;
	s2 =	sadd.s32 s4, s2  }
0x510: {  	s3 =	simm.s32 @!p1 $0x0;
	p1 =	sge.s32 s1, s30;
	s4 =	simm.s32 $0x1  }
0x511: {  	s2 =	sadd.s32 s3, s2;
	s3 =	simm.s32 $0x1;
	s4 =	simm.s32 @!p1 $0x0  }
0x512: {  	p1 =	sge.s32 s1, s31;
	s2 =	sadd.s32 s4, s2;
	s4 =	simm.s32 $0x1  }
0x513: {  	s4 =	simm.s32 @!p1 $0x0;
	p1 =	sge.s32 s1, s12;
	s1 =	simm.s32 $0x1  }
0x514: {  	s3 =	simm.s32 @!p0 $0x0;
	s2 =	sadd.s32 s4, s2;
	s1 =	simm.s32 @!p1 $0x0  }
0x515: {  	s0 =	sadd.s32 s3, s0;
	s1 =	sadd.s32 s1, s2  }
0x516: {  	p0 =	seq.s32 s0, s1  }
.Ltmp9:
0x517: {  	_ = 	snop;
	(pc) =	sbr.rel @!p0 .LBB2_12-.Ltmp9, $1  }
0x518: {  	_ =	sdelay $0x3  }
0x519: {  	s1 =	sshll.u32 s0, $0xA;
	s4 =	sshll.u32 s0, $0x7;
	s12 =	simm.s32 $0x0  }
0x51a: {  	s1 =	sand.u32 $0x7FFFE000, s1;
	s0 =	sand.u32 $0x380, s4;
	s6 =	sand.u32 $0x60, s12  }
0x51b: {  	s5 =	sor.u32 s12, s12;
	s0 =	sor.u32 s0, s1;
	s1 =	sand.u32 $0x1C00, s12  }
0x51c: {  	s4 =	sor.u32 $0x10, s6;
	s0 =	sadd.s32 $0x10000, s0;
	s31 =	sor.u32 $0xE000, s1  }
0x51d: {  	s2 =	sor.u32 $0xE100, s1;
	[dreg:$0x5] =	wrdreg s0;
	s0 =	sor.u32 $0x380, s5  }
0x51e: {  	s30 =	sor.u32 $0xE080, s1;
	s7 =	sor.u32 s4, s31;
	v1 =	vld [tilespmem:s0+$0x8000];
	[smem:$0x7D7] =	sst s2  }
0x51f: {  	s10 =	sor.u32 $0xE200, s1;
	s8 =	sor.u32 s4, s30;
	v3 =	vld [tilespmem:s7+$0x0]  }
0x520: {  	s26 =	sor.u32 $0xE180, s1;
	s9 =	sor.u32 s4, s2;
	v4 =	vld [tilespmem:s8+$0x0];
	[smem:$0x7D8] =	sst s10  }
0x521: {  	s11 =	sor.u32 s4, s26;
	v5 =	vld [tilespmem:s9+$0x0]  }
0x522: {  	s5 =	sor.u32 $0xC000, s1;
	s13 =	sor.u32 s4, s10;
	v6 =	vld [tilespmem:s11+$0x0]  }
0x523: {  	s14 =	sor.u32 s4, s5;
	s7 =	sor.u32 $0xC080, s1;
	v7 =	vld [tilespmem:s13+$0x0]  }
0x524: {  	s10 =	sor.u32 $0xC200, s1;
	v2 =	vld [tilespmem:s14+$0x0];
	s15 =	sor.u32 s4, s7  }
0x525: {  	s8 =	sor.u32 $0xC280, s1;
	s18 =	sor.u32 s4, s10;
	v8 =	vld [tilespmem:s15+$0x0]  }
0x526: {  	s3 =	sor.u32 $0x8000, s1;
	s19 =	sor.u32 s4, s8;
	v11 =	vld [tilespmem:s18+$0x0]  }
0x527: {  	s13 =	sor.u32 s4, s3;
	v12 =	vld [tilespmem:s19+$0x0]  }
0x528: {  	v13 =	vld [tilespmem:s13+$0x0]  }
0x529: {  	v14 =	vld [tilespmem:s13+$0x80]  }
0x52a: {  	v15 =	vld [tilespmem:s13+$0x100]  }
0x52b: {  	v16 =	vld [tilespmem:s13+$0x180]  }
0x52c: {  	s0 =	sor.u32 $0xA000, s1;
	v17 =	vld [tilespmem:s13+$0x200]  }
0x52d: {  	s9 =	sor.u32 $0xC100, s1;
	s14 =	sor.u32 s4, s0;
	v18 =	vld [tilespmem:s13+$0x280]  }
0x52e: {  	s11 =	sor.u32 $0xC180, s1;
	s16 =	sor.u32 s4, s9;
	v19 =	vld [tilespmem:s14+$0x0]  }
0x52f: {  	s2 =	sor.u32 $0xA080, s1;
	s17 =	sor.u32 s4, s11;
	v9 =	vld [tilespmem:s16+$0x0]  }
0x530: {  	s13 =	sor.u32 $0xA100, s1;
	s15 =	sor.u32 s4, s2;
	v10 =	vld [tilespmem:s17+$0x0]  }
0x531: {  	s14 =	sor.u32 $0xA180, s1;
	v20 =	vld [tilespmem:s15+$0x0];
	s20 =	sor.u32 s4, s13  }
0x532: {  	s16 =	sor.u32 $0xA200, s1;
	s21 =	sor.u32 s4, s14;
	v21 =	vld [tilespmem:s20+$0x0]  }
0x533: {  	s17 =	sand.u32 $0x3, s12;
	s12 =	sor.u32 $0xA280, s1;
	v22 =	vld [tilespmem:s21+$0x0];
	s18 =	sor.u32 s4, s16  }
0x534: {  	s15 =	sor.u32 $0xA300, s1;
	s19 =	sshll.u32 s17, $0x5;
	s22 =	sor.u32 s4, s12;
	v23 =	vld [tilespmem:s18+$0x0]  }
0x535: {  	s17 =	sor.u32 $0xA380, s1;
	s23 =	sor.u32 s4, s15;
	s19 =	sadd.s32 $0x0, s19;
	v24 =	vld [tilespmem:s22+$0x0]  }
0x536: {  	v25 =	vld [tilespmem:s23+$0x0];
	s24 =	sor.u32 s4, s17;
	s20 =	sadd.s32 $0x10, s19  }
0x537: {  	s21 =	sor.u32 $0xE280, s1;
	v26 =	vld [tilespmem:s24+$0x0];
	s25 =	sor.u32 $0x300, s20  }
0x538: {  	s29 =	sor.u32 $0xC300, s1;
	s28 =	sor.u32 $0x380, s20;
	v27 =	vld [tilespmem:s25+$0x8000];
	[smem:$0x7D9] =	sst s21  }
0x539: {  	s22 =	sor.u32 s4, s21;
	s23 =	sor.u32 $0xC380, s1;
	v13 =	vadd.f32 v19, v13;
	v14 =	vadd.f32 v20, v14;
	v51 =	vld [tilespmem:s28+$0x8000];
	[smem:$0x7D5] =	sst s29  }
0x53a: {  	s24 =	sor.u32 s4, s29;
	s25 =	sor.u32 $0xE300, s1;
	v15 =	vadd.f32 v21, v15;
	v16 =	vadd.f32 v22, v16;
	v52 =	vld [tilespmem:s22+$0x0];
	[smem:$0x7D6] =	sst s23  }
0x53b: {  	v13 =	vadd.f32 v2, v13;
	s28 =	sor.u32 s4, s23;
	s29 =	sor.u32 $0xE380, s1;
	v17 =	vadd.f32 v23, v17;
	v53 =	vld [tilespmem:s24+$0x0];
	[smem:$0x7DA] =	sst s25  }
0x53c: {  	s20 =	sor.u32 s4, s25;
	v18 =	vadd.f32 v24, v18;
	v8 =	vadd.f32 v8, v14;
	v14 =	vld [tilespmem:s28+$0x0];
	[smem:$0x7DB] =	sst s29  }
0x53d: {  	s21 =	sor.u32 s4, s29;
	v9 =	vadd.f32 v9, v15;
	v10 =	vadd.f32 v10, v16;
	v15 =	vld [tilespmem:s20+$0x0]  }
0x53e: {  	s22 =	sor.u32 $0x300, s19;
	v13 =	vadd.f32 v3, v13;
	v11 =	vadd.f32 v11, v17;
	v54 =	vld [tilespmem:s21+$0x0]  }
0x53f: {  	s3 =	sor.u32 s6, s3;
	v12 =	vadd.f32 v12, v18;
	v8 =	vadd.f32 v4, v8;
	v2 =	vld [tilespmem:s22+$0x8000]  }
0x540: {  	v55 =	vadd.f32 v25, v27;
	v3 =	vld [tilespmem:s3+$0x0];
	v56 =	vadd.f32 v26, v51  }
0x541: {  	v9 =	vadd.f32 v5, v9;
	v10 =	vadd.f32 v6, v10;
	v4 =	vld [tilespmem:s3+$0x80]  }
0x542: {  	v5 =	vld [tilespmem:s3+$0x100];
	v17 =	vadd.f32 v53, v55;
	v14 =	vadd.f32 v14, v56  }
0x543: {  	v6 =	vld [tilespmem:s3+$0x180];
	v11 =	vadd.f32 v7, v11;
	v12 =	vadd.f32 v52, v12  }
0x544: {  	v7 =	vld [tilespmem:s3+$0x200];
	v15 =	vadd.f32 v15, v17;
	v14 =	vadd.f32 v54, v14  }
0x545: {  	s0 =	sor.u32 s6, s0;
	v13 =	vadd.f32 v8, v13;
	v8 =	vld [tilespmem:s3+$0x280];
	v57 =	vadd.f32 v10, v9  }
0x546: {  	s23 =	sor.u32 s6, s2;
	v9 =	vld [tilespmem:s0+$0x0];
	v11 =	vadd.f32 v12, v11;
	v12 =	vadd.f32 v14, v15  }
0x547: {  	s24 =	rddreg [dreg:$0x5];
	s25 =	sor.u32 s6, s13;
	v10 =	vld [tilespmem:s23+$0x0]  }
0x548: {  	s28 =	sor.u32 s6, s14;
	s1 =	sadd.s32 s1, s24;
	v14 =	vadd.f32 v12, v11;
	v11 =	vld [tilespmem:s25+$0x0]  }
0x549: {  	s13 =	sor.u32 s6, s12;
	v12 =	vld [tilespmem:s28+$0x0];
	[smem:$0x7E1] =	sst s1  }
0x54a: {  	s14 =	sor.u32 s6, s15;
	s15 =	sor.u32 s6, s17;
	v17 =	vld [tilespmem:s13+$0x0]  }
0x54b: {  	s29 =	sor.u32 s6, s16;
	s16 =	sor.u32 s6, s5;
	v18 =	vld [tilespmem:s15+$0x0]  }
0x54c: {  	s17 =	sor.u32 s6, s7;
	v15 =	vld [tilespmem:s16+$0x0]  }
0x54d: {  	s18 =	sor.u32 s6, s9;
	v13 =	vadd.f32 v57, v13;
	v19 =	vld [tilespmem:s17+$0x0]  }
0x54e: {  	s19 =	sor.u32 s6, s11;
	v16 =	vld [tilespmem:s18+$0x0]  }
0x54f: {  	s22 =	sor.u32 s6, s10;
	v20 =	vld [tilespmem:s19+$0x0];
	v14 =	vadd.f32 v14, v13  }
0x550: {  	s4 =	sadd.s32 s4, s1;
	s20 =	simm.s32 $0x100;
	v21 =	vld [tilespmem:s22+$0x0]  }
0x551: {  	s21 =	simm.s32 $0x20;
	[tilespmem:s4+$0x0] =	vst.add.f32.msk $0xffff, v14;
	s4 =	sand.u32 $0x1C00, s20  }
0x552: {  	s11 =	sand.u32 $0x60, s21;
	v13 =	vld [tilespmem:s29+$0x0];
	s24 =	sor.u32 $0xE000, s4  }
0x553: {  	s23 =	sor.u32 s6, s8;
	v14 =	vld [tilespmem:s14+$0x0];
	s2 =	sor.u32 $0xE080, s4;
	[smem:$0x7DC] =	sst s24  }
0x554: {  	s5 =	sor.u32 $0x10, s11;
	s25 =	sor.u32 $0xE100, s4;
	v22 =	vld [tilespmem:s23+$0x0];
	[smem:$0x7DD] =	sst s2  }
0x555: {  	s29 =	sor.u32 $0xE180, s4;
	s0 =	sor.u32 s5, s24;
	[smem:$0x7DE] =	sst s25  }
0x556: {  	s7 =	sor.u32 $0xE200, s4;
	s28 =	sor.u32 s5, s2;
	v58 =	vld [tilespmem:s0+$0x0];
	[smem:$0x7DF] =	sst s29  }
0x557: {  	s3 =	sor.u32 s5, s25;
	v59 =	vld [tilespmem:s28+$0x0];
	[smem:$0x7E0] =	sst s7  }
0x558: {  	s8 =	sor.u32 s5, s29;
	v60 =	vld [tilespmem:s3+$0x0]  }
0x559: {  	s20 =	sor.u32 $0xC000, s4;
	s9 =	sor.u32 s5, s7;
	v61 =	vld [tilespmem:s8+$0x0]  }
0x55a: {  	s10 =	sor.u32 s5, s20;
	s29 =	sor.u32 $0xC080, s4;
	v62 =	vld [tilespmem:s9+$0x0]  }
0x55b: {  	s21 =	sor.u32 $0xC180, s4;
	s12 =	sor.u32 s5, s29;
	v28 =	vld [tilespmem:s10+$0x0]  }
0x55c: {  	s14 =	sor.u32 s5, s21;
	s23 =	sor.u32 $0xC200, s4;
	v29 =	vld [tilespmem:s12+$0x0]  }
0x55d: {  	s22 =	sor.u32 $0xC280, s4;
	s15 =	sor.u32 s5, s23;
	v31 =	vld [tilespmem:s14+$0x0]  }
0x55e: {  	s16 =	sor.u32 s5, s22;
	s25 =	sor.u32 $0xA000, s4;
	v32 =	vld [tilespmem:s15+$0x0]  }
0x55f: {  	s1 =	sor.u32 $0xA100, s4;
	s18 =	sor.u32 s5, s25;
	v33 =	vld [tilespmem:s16+$0x0]  }
0x560: {  	s24 =	sor.u32 s5, s1;
	s28 =	sor.u32 $0xC100, s4;
	v40 =	vld [tilespmem:s18+$0x0]  }
0x561: {  	s7 =	sor.u32 $0x8000, s4;
	s13 =	sor.u32 s5, s28;
	v42 =	vld [tilespmem:s24+$0x0]  }
0x562: {  	s17 =	sor.u32 s5, s7;
	v30 =	vld [tilespmem:s13+$0x0]  }
0x563: {  	v34 =	vld [tilespmem:s17+$0x0]  }
0x564: {  	v35 =	vld [tilespmem:s17+$0x80]  }
0x565: {  	v36 =	vld [tilespmem:s17+$0x100]  }
0x566: {  	v37 =	vld [tilespmem:s17+$0x180]  }
0x567: {  	s8 =	sor.u32 $0xA080, s4;
	v38 =	vld [tilespmem:s17+$0x200]  }
0x568: {  	s12 =	sor.u32 $0xA180, s4;
	v39 =	vld [tilespmem:s17+$0x280];
	s19 =	sor.u32 s5, s8  }
0x569: {  	s16 =	simm.s32 $0x1;
	s14 =	sor.u32 $0xA200, s4;
	s2 =	sor.u32 s5, s12;
	v41 =	vld [tilespmem:s19+$0x0]  }
0x56a: {  	s15 =	sor.u32 $0xA280, s4;
	s3 =	sand.u32 $0x3, s16;
	s9 =	sor.u32 s5, s14;
	v43 =	vld [tilespmem:s2+$0x0]  }
0x56b: {  	s10 =	sor.u32 s5, s15;
	v44 =	vld [tilespmem:s9+$0x0];
	s0 =	sshll.u32 s3, $0x5;
	s2 =	sor.u32 $0xA300, s4  }
0x56c: {  	v45 =	vld [tilespmem:s10+$0x0];
	s10 =	sor.u32 $0xA380, s4;
	s0 =	sadd.s32 $0x100, s0;
	s13 =	sor.u32 s5, s2  }
0x56d: {  	s18 =	sor.u32 s5, s10;
	v46 =	vld [tilespmem:s13+$0x0];
	s17 =	sadd.s32 $0x10, s0  }
0x56e: {  	v47 =	vld [tilespmem:s18+$0x0];
	s13 =	sor.u32 $0xC380, s4;
	s19 =	sor.u32 $0x300, s17  }
0x56f: {  	s18 =	sor.u32 s5, s13;
	v48 =	vld [tilespmem:s19+$0x8000];
	s19 =	sor.u32 $0xE280, s4  }
0x570: {  	s3 =	sor.u32 $0x380, s17;
	s17 =	sor.u32 $0xC300, s4;
	v51 =	vld [tilespmem:s18+$0x0];
	s24 =	sor.u32 s5, s19  }
0x571: {  	s9 =	sor.u32 s5, s17;
	v49 =	vld [tilespmem:s24+$0x0];
	s24 =	sor.u32 $0xE300, s4  }
0x572: {  	s18 =	sor.u32 $0xE380, s4;
	v50 =	vld [tilespmem:s9+$0x0];
	s9 =	sor.u32 s5, s24  }
0x573: {  	v52 =	vld [tilespmem:s9+$0x0];
	s9 =	sor.u32 s5, s18  }
0x574: {  	v53 =	vld [tilespmem:s9+$0x0];
	s9 =	sld [smem:$0x7D5];
	_ =	sdelay $0x2  }
0x575: {  	s25 =	sor.u32 s11, s25;
	v34 =	vadd.f32 v40, v34;
	v63 =	vld [tilespmem:s3+$0x8000];
	v37 =	vadd.f32 v43, v37;
	s3 =	sor.u32 s6, s9;
	s9 =	sld [smem:$0x7D6]  }
0x576: {  	s26 =	sor.u32 s6, s26;
	v7 =	vadd.f32 v13, v7;
	v13 =	vld [tilespmem:s25+$0x0]  }
0x577: {  	v28 =	vadd.f32 v28, v34;
	v31 =	vadd.f32 v31, v37;
	v37 =	vld [tilespmem:s26+$0x0]  }
0x578: {  	v56 =	vld [tilespmem:s3+$0x0];
	s3 =	sor.u32 s6, s9;
	s9 =	sor.u32 s6, s31  }
0x579: {  	v3 =	vadd.f32 v9, v3;
	s0 =	sor.u32 $0x300, s0;
	v23 =	vadd.f32 v58, v28;
	v58 =	vld [tilespmem:s9+$0x0];
	s9 =	sld [smem:$0x7D7]  }
0x57a: {  	v4 =	vadd.f32 v10, v4;
	v54 =	vadd.f32 v46, v48;
	v48 =	vld [tilespmem:s0+$0x8000];
	s31 =	sor.u32 s6, s30;
	s30 =	sld [smem:$0x7D8]  }
0x57b: {  	v36 =	vadd.f32 v42, v36;
	v26 =	vadd.f32 v61, v31;
	v61 =	vld [tilespmem:s31+$0x0];
	s31 =	sld [smem:$0x7D9]  }
0x57c: {  	v35 =	vadd.f32 v41, v35;
	v38 =	vadd.f32 v44, v38;
	v57 =	vld [tilespmem:s3+$0x0];
	s3 =	sor.u32 s6, s9;
	s9 =	sld [smem:$0x7DA]  }
0x57d: {  	v39 =	vadd.f32 v45, v39;
	v55 =	vadd.f32 v47, v63;
	v63 =	vld [tilespmem:s3+$0x0];
	s3 =	sor.u32 s6, s30  }
0x57e: {  	v30 =	vadd.f32 v30, v36;
	v29 =	vadd.f32 v29, v35;
	v40 =	vld [tilespmem:s3+$0x0];
	s3 =	sor.u32 s6, s31  }
0x57f: {  	v32 =	vadd.f32 v32, v38;
	v33 =	vadd.f32 v33, v39;
	v43 =	vld [tilespmem:s3+$0x0];
	s3 =	sor.u32 s6, s9;
	s9 =	rddreg [dreg:$0x5]  }
0x580: {  	v25 =	vadd.f32 v60, v30;
	v24 =	vadd.f32 v59, v29;
	v44 =	vld [tilespmem:s3+$0x0];
	s4 =	sadd.s32 s4, s9;
	s9 =	sor.u32 s11, s7  }
0x581: {  	v27 =	vadd.f32 v62, v32;
	v62 =	vadd.f32 v49, v33;
	v49 =	vld [tilespmem:s9+$0x0]  }
0x582: {  	v59 =	vadd.f32 v50, v54;
	v60 =	vadd.f32 v51, v55;
	v50 =	vld [tilespmem:s9+$0x80]  }
0x583: {  	v5 =	vadd.f32 v11, v5;
	v6 =	vadd.f32 v12, v6;
	v9 =	vld [tilespmem:s9+$0x100]  }
0x584: {  	v30 =	vadd.f32 v52, v59;
	v31 =	vadd.f32 v53, v60;
	v10 =	vld [tilespmem:s9+$0x180]  }
0x585: {  	s26 =	simm.s32 $0x20;
	v23 =	vadd.f32 v24, v23;
	v38 =	vadd.f32 v26, v25;
	s30 =	simm.s32 $0x100;
	v11 =	vld [tilespmem:s9+$0x200]  }
0x586: {  	v41 =	vadd.f32 v62, v27;
	v42 =	vadd.f32 v31, v30;
	s31 =	sld [smem:$0x7DB];
	s3 =	sor.u32 s30, s26;
	s30 =	sor.u32 s11, s1;
	v12 =	vld [tilespmem:s9+$0x280]  }
0x587: {  	v3 =	vadd.f32 v15, v3;
	s1 =	sor.u32 s11, s14;
	v15 =	vld [tilespmem:s30+$0x0]  }
0x588: {  	v23 =	vadd.f32 v38, v23;
	v45 =	vadd.f32 v42, v41;
	s7 =	sor.u32 s11, s10;
	v52 =	vld [tilespmem:s1+$0x0]  }
0x589: {  	s26 =	sor.u32 s6, s31;
	v55 =	vld [tilespmem:s7+$0x0]  }
0x58a: {  	v8 =	vadd.f32 v17, v8;
	v23 =	vadd.f32 v45, v23;
	s3 =	sor.u32 $0x380, s3;
	v46 =	vld [tilespmem:s26+$0x0]  }
0x58b: {  	v1 =	vadd.f32 v18, v1;
	v4 =	vadd.f32 v19, v4;
	s5 =	sadd.s32 s5, s4;
	v47 =	vld [tilespmem:s3+$0x8000]  }
0x58c: {  	v5 =	vadd.f32 v16, v5;
	v6 =	vadd.f32 v20, v6;
	s31 =	sor.u32 s11, s12;
	[tilespmem:s5+$0x0] =	vst.add.f32.msk $0xffff, v23  }
0x58d: {  	v2 =	vadd.f32 v14, v2;
	v7 =	vadd.f32 v21, v7;
	s26 =	sor.u32 s11, s8;
	v51 =	vld [tilespmem:s31+$0x0]  }
0x58e: {  	v8 =	vadd.f32 v22, v8;
	v6 =	vadd.f32 v37, v6;
	s3 =	sor.u32 s11, s15;
	v14 =	vld [tilespmem:s26+$0x0]  }
0x58f: {  	v3 =	vadd.f32 v58, v3;
	v4 =	vadd.f32 v61, v4;
	s5 =	sor.u32 s11, s2;
	v53 =	vld [tilespmem:s3+$0x0]  }
0x590: {  	v2 =	vadd.f32 v56, v2;
	v1 =	vadd.f32 v57, v1;
	s8 =	sor.u32 s11, s20;
	v54 =	vld [tilespmem:s5+$0x0]  }
0x591: {  	v3 =	vadd.f32 v4, v3;
	v5 =	vadd.f32 v63, v5;
	s20 =	sor.u32 s11, s17;
	v56 =	vld [tilespmem:s8+$0x0]  }
0x592: {  	s9 =	sor.u32 s11, s29;
	s15 =	sor.u32 s11, s22;
	v7 =	vadd.f32 v40, v7;
	v57 =	vld [tilespmem:s20+$0x0];
	s22 =	sld [smem:$0x7DC];
	v8 =	vadd.f32 v43, v8  }
0x593: {  	s12 =	sor.u32 s11, s21;
	v4 =	vadd.f32 v6, v5;
	v5 =	vld [tilespmem:s9+$0x0];
	v2 =	vadd.f32 v44, v2  }
0x594: {  	s14 =	sor.u32 s11, s23;
	s23 =	sld [smem:$0x7DD];
	v6 =	vadd.f32 v8, v7;
	v8 =	vld [tilespmem:s12+$0x0];
	v1 =	vadd.f32 v46, v1  }
0x595: {  	v3 =	vadd.f32 v4, v3;
	v4 =	vld [tilespmem:s14+$0x0];
	s0 =	sor.u32 s11, s22;
	v9 =	vadd.f32 v15, v9  }
0x596: {  	s10 =	sor.u32 s11, s28;
	v58 =	vadd.f32 v52, v11;
	v15 =	vld [tilespmem:s0+$0x0];
	v1 =	vadd.f32 v1, v2  }
0x597: {  	s25 =	sld [smem:$0x7DE];
	s0 =	sor.u32 s11, s23;
	v61 =	vadd.f32 v55, v47;
	v7 =	vadd.f32 v14, v50;
	v2 =	vld [tilespmem:s10+$0x0]  }
0x598: {  	s26 =	sld [smem:$0x7DF];
	v14 =	vadd.f32 v51, v10;
	v59 =	vld [tilespmem:s0+$0x0];
	v1 =	vadd.f32 v1, v6  }
0x599: {  	s21 =	sor.u32 s11, s13;
	s28 =	sld [smem:$0x7E0];
	v12 =	vadd.f32 v53, v12;
	v60 =	vadd.f32 v54, v48;
	v6 =	vld [tilespmem:s15+$0x0]  }
0x59a: {  	s0 =	sor.u32 s11, s25;
	v1 =	vadd.f32 v1, v3;
	v3 =	vadd.f32 v13, v49;
	v13 =	vld [tilespmem:s21+$0x0]  }
0x59b: {  	v10 =	vld [tilespmem:s0+$0x0];
	s0 =	sor.u32 s11, s26;
	v63 =	vadd.f32 v5, v7;
	v5 =	vadd.f32 v57, v60  }
0x59c: {  	s29 =	sld [smem:$0x7E1];
	v11 =	vld [tilespmem:s0+$0x0];
	s0 =	sor.u32 s11, s28;
	v7 =	vadd.f32 v2, v9;
	v2 =	vadd.f32 v8, v14  }
0x59d: {  	s30 =	sor.u32 s11, s19;
	s7 =	simm.s32 $0x40;
	v8 =	vld [tilespmem:s0+$0x0];
	v14 =	vadd.f32 v59, v63;
	v62 =	vadd.f32 v56, v3  }
0x59e: {  	s31 =	sor.u32 s11, s24;
	s24 =	sor.u32 s11, s18;
	s5 =	simm.s32 $0x2;
	v9 =	vld [tilespmem:s30+$0x0];
	v3 =	vadd.f32 v4, v58;
	v4 =	vadd.f32 v6, v12  }
0x59f: {  	s8 =	sadd.s32 s6, s29;
	s22 =	sadd.s32 s11, s4;
	s6 =	simm.s32 $0x200;
	v12 =	vld [tilespmem:s31+$0x0];
	v6 =	vadd.f32 v13, v61;
	v13 =	vadd.f32 v15, v62  }
.LBB2_16:
0x5a0: {  	s0 =	sor.u32 s6, s7  }
0x5a1: {  	s4 =	sand.u32 $0x60, s7;
	s14 =	sand.u32 $0x1C00, s6;
	s0 =	sor.u32 $0x380, s0  }
0x5a2: {  	s1 =	sor.u32 $0xE000, s14;
	s15 =	sor.u32 $0x10, s4;
	s17 =	sor.u32 $0xE080, s14  }
0x5a3: {  	s18 =	sor.u32 $0xE100, s14;
	s20 =	sor.u32 $0xE180, s14;
	s30 =	sor.u32 $0xC080, s14  }
0x5a4: {  	s31 =	sor.u32 $0xC100, s14;
	s9 =	sor.u32 $0xC200, s14;
	s13 =	sor.u32 s4, s1;
	v7 =	vadd.f32 v10, v7;
	v10 =	vld [tilespmem:s24+$0x0]  }
0x5a5: {  	s1 =	sor.u32 s15, s1;
	s2 =	sor.u32 s4, s17;
	s19 =	sor.u32 s4, s18;
	[tilespmem:s8+$0x0] =	vst.add.f32.msk $0xffff, v1  }
0x5a6: {  	s21 =	sor.u32 s15, s18;
	s23 =	sor.u32 s4, s20;
	s25 =	sor.u32 s15, s20;
	v1 =	vadd.f32 v8, v3;
	v3 =	vld [tilespmem:s1+$0x0]  }
0x5a7: {  	s18 =	sor.u32 s4, s31;
	s20 =	sor.u32 s4, s9;
	s12 =	sor.u32 s15, s9;
	v8 =	vadd.f32 v9, v4;
	v9 =	vadd.f32 v12, v5;
	v5 =	vld [tilespmem:s21+$0x0]  }
0x5a8: {  	v11 =	vadd.f32 v11, v2;
	s24 =	sor.u32 $0xE200, s14;
	s8 =	sor.u32 $0xC180, s14;
	v2 =	vld [tilespmem:s0+$0x8000];
	s0 =	sor.u32 s15, s17  }
0x5a9: {  	[dreg:$0x7] =	wrdreg s2;
	s3 =	sor.u32 s4, s24;
	s10 =	sor.u32 s15, s8;
	v4 =	vld [tilespmem:s0+$0x0]  }
0x5aa: {  	s2 =	sor.u32 $0xA180, s14;
	[dreg:$0xd] =	wrdreg s3;
	s3 =	sor.u32 s15, s30;
	v12 =	vld [tilespmem:s10+$0x0]  }
0x5ab: {  	s9 =	sor.u32 $0xA200, s14;
	v7 =	vadd.f32 v11, v7;
	s0 =	sor.u32 s15, s31;
	s31 =	sor.u32 s15, s2;
	v11 =	vld [tilespmem:s3+$0x0]  }
0x5ac: {  	v13 =	vadd.f32 v14, v13;
	s10 =	sor.u32 s15, s9;
	v23 =	vld [tilespmem:s31+$0x0]  }
0x5ad: {  	s11 =	sor.u32 $0xC280, s14;
	s28 =	sor.u32 s15, s24;
	v24 =	vld [tilespmem:s10+$0x0]  }
0x5ae: {  	s26 =	sor.u32 $0xC000, s14;
	s24 =	sor.u32 s15, s11;
	v1 =	vadd.f32 v8, v1;
	v8 =	vadd.f32 v7, v13;
	v7 =	vld [tilespmem:s28+$0x0]  }
0x5af: {  	s29 =	sor.u32 s4, s26;
	s1 =	sor.u32 s15, s26;
	s26 =	sor.u32 $0xA080, s14;
	v13 =	vld [tilespmem:s24+$0x0]  }
0x5b0: {  	s28 =	sor.u32 s15, s26;
	s24 =	sor.u32 $0xA280, s14;
	v10 =	vadd.f32 v10, v6;
	v6 =	vld [tilespmem:s25+$0x0]  }
0x5b1: {  	s21 =	sor.u32 s4, s11;
	v21 =	vld [tilespmem:s28+$0x0];
	s11 =	sor.u32 s15, s24  }
0x5b2: {  	[dreg:$0x6] =	wrdreg s13;
	s13 =	sor.u32 $0x8000, s14;
	v25 =	vld [tilespmem:s11+$0x0]  }
0x5b3: {  	v9 =	vadd.f32 v10, v9;
	v10 =	vld [tilespmem:s1+$0x0];
	s1 =	sor.u32 s15, s13  }
0x5b4: {  	v14 =	vld [tilespmem:s1+$0x0]  }
0x5b5: {  	v15 =	vld [tilespmem:s1+$0x80]  }
0x5b6: {  	[dreg:$0x9] =	wrdreg s19;
	v16 =	vld [tilespmem:s1+$0x100]  }
0x5b7: {  	[dreg:$0xa] =	wrdreg s23;
	v17 =	vld [tilespmem:s1+$0x180]  }
0x5b8: {  	s16 =	sadd.s32 $0x1, s16;
	[dreg:$0x11] =	wrdreg s29;
	s28 =	sor.u32 $0xA380, s14;
	v18 =	vld [tilespmem:s1+$0x200]  }
0x5b9: {  	s23 =	sor.u32 s4, s13;
	s17 =	sor.u32 s4, s30;
	s13 =	sor.u32 s15, s28;
	v19 =	vld [tilespmem:s1+$0x280]  }
0x5ba: {  	s19 =	sor.u32 s4, s8;
	s30 =	sand.u32 $0x3, s16;
	s25 =	sor.u32 $0xA000, s14;
	v27 =	vld [tilespmem:s13+$0x0]  }
0x5bb: {  	s3 =	sshll.u32 s30, $0x5;
	s1 =	sor.u32 $0xA100, s14;
	v1 =	vadd.f32 v9, v1;
	v9 =	vld [tilespmem:s0+$0x0];
	s0 =	sor.u32 s15, s25  }
0x5bc: {  	s8 =	smov.u32 s22;
	s3 =	sadd.s32 s3, s6;
	s29 =	sor.u32 s15, s1;
	v20 =	vld [tilespmem:s0+$0x0]  }
0x5bd: {  	s22 =	sor.u32 s4, s25;
	s25 =	sor.u32 s4, s26;
	s26 =	sor.u32 $0xA300, s14;
	v22 =	vld [tilespmem:s29+$0x0]  }
0x5be: {  	s29 =	sadd.s32 $0x10, s3;
	v1 =	vadd.f32 v1, v8;
	v8 =	vld [tilespmem:s12+$0x0];
	s12 =	sor.u32 s15, s26  }
0x5bf: {  	s30 =	sor.u32 $0x300, s29;
	v26 =	vld [tilespmem:s12+$0x0];
	v15 =	vadd.f32 v21, v15  }
0x5c0: {  	s31 =	sor.u32 s4, s1;
	s1 =	sor.u32 $0x380, s29;
	v28 =	vld [tilespmem:s30+$0x8000];
	v17 =	vadd.f32 v23, v17;
	v18 =	vadd.f32 v24, v18  }
0x5c1: {  	s10 =	sor.u32 $0x300, s3;
	s11 =	sor.u32 $0xE280, s14;
	s3 =	sor.u32 s4, s9;
	v54 =	vld [tilespmem:s1+$0x8000];
	v19 =	vadd.f32 v25, v19;
	v14 =	vadd.f32 v20, v14  }
0x5c2: {  	v61 =	vld [tilespmem:s20+$0x0];
	s9 =	sor.u32 s15, s11;
	s0 =	sor.u32 s4, s24;
	s24 =	sor.u32 $0xC380, s14;
	v16 =	vadd.f32 v22, v16;
	v11 =	vadd.f32 v11, v15  }
0x5c3: {  	s29 =	sor.u32 $0xC300, s14;
	v55 =	vld [tilespmem:s9+$0x0];
	s30 =	sor.u32 s15, s24;
	v12 =	vadd.f32 v12, v17;
	v13 =	vadd.f32 v13, v19  }
0x5c4: {  	s12 =	sor.u32 s15, s29;
	s1 =	sor.u32 s4, s26;
	s26 =	sor.u32 $0xE300, s14;
	v15 =	vld [tilespmem:s30+$0x0];
	v8 =	vadd.f32 v8, v18;
	v10 =	vadd.f32 v10, v14  }
0x5c5: {  	s13 =	sor.u32 s15, s26;
	v14 =	vld [tilespmem:s12+$0x0];
	s12 =	sor.u32 $0xE380, s14;
	v9 =	vadd.f32 v9, v16;
	v57 =	vadd.f32 v26, v28  }
0x5c6: {  	v56 =	vld [tilespmem:s13+$0x0];
	v58 =	vadd.f32 v27, v54;
	v4 =	vadd.f32 v4, v11;
	s13 =	sor.u32 s15, s12  }
0x5c7: {  	v6 =	vadd.f32 v6, v12;
	v7 =	vadd.f32 v7, v8;
	v59 =	vld [tilespmem:s13+$0x0]  }
0x5c8: {  	v60 =	vld [tilespmem:s10+$0x8000];
	v8 =	vadd.f32 v55, v13;
	v3 =	vadd.f32 v3, v10  }
0x5c9: {  	v13 =	vld [tilespmem:s23+$0x180];
	v5 =	vadd.f32 v5, v9;
	v12 =	vadd.f32 v15, v58  }
0x5ca: {  	v10 =	vld [tilespmem:s23+$0x0];
	v3 =	vadd.f32 v4, v3;
	v11 =	vadd.f32 v14, v57  }
0x5cb: {  	v9 =	vld [tilespmem:s23+$0x80];
	v4 =	vadd.f32 v6, v5;
	v6 =	vadd.f32 v8, v7  }
0x5cc: {  	v8 =	vld [tilespmem:s22+$0x0];
	v11 =	vadd.f32 v56, v11;
	v12 =	vadd.f32 v59, v12  }
0x5cd: {  	v15 =	vld [tilespmem:s23+$0x200]  }
0x5ce: {  	v5 =	vld [tilespmem:s23+$0x280];
	v7 =	vadd.f32 v12, v11  }
0x5cf: {  	v14 =	vld [tilespmem:s23+$0x100]  }
0x5d0: {  	v3 =	vadd.f32 v4, v3;
	v11 =	vld [tilespmem:s25+$0x0];
	v4 =	vadd.f32 v7, v6  }
0x5d1: {  	s13 =	rddreg [dreg:$0x5];
	v8 =	vadd.f32 v8, v10;
	v10 =	vld [tilespmem:s1+$0x0]  }
0x5d2: {  	s2 =	sor.u32 s4, s2;
	s14 =	sadd.s32 s14, s13;
	v6 =	vld [tilespmem:s31+$0x0];
	v3 =	vadd.f32 v4, v3  }
0x5d3: {  	v7 =	vld [tilespmem:s2+$0x0];
	s2 =	sadd.s32 s15, s14  }
0x5d4: {  	[tilespmem:s2+$0x0] =	vst.add.f32.msk $0xffff, v3  }
0x5d5: {  	s15 =	rddreg [dreg:$0x11];
	v3 =	vadd.f32 v11, v9;
	v9 =	vld [tilespmem:s0+$0x0]  }
0x5d6: {  	v12 =	vld [tilespmem:s15+$0x0]  }
0x5d7: {  	s9 =	sor.u32 s4, s28;
	v4 =	vld [tilespmem:s3+$0x0]  }
0x5d8: {  	v11 =	vadd.f32 v7, v13;
	v7 =	vld [tilespmem:s9+$0x0]  }
0x5d9: {  	v13 =	vld [tilespmem:s17+$0x0]  }
0x5da: {  	s25 =	rddreg [dreg:$0x7];
	v5 =	vadd.f32 v9, v5;
	v9 =	vld [tilespmem:s18+$0x0]  }
0x5db: {  	v63 =	vld [tilespmem:s25+$0x0]  }
0x5dc: {  	v6 =	vadd.f32 v6, v14;
	v14 =	vadd.f32 v10, v60;
	v10 =	vld [tilespmem:s19+$0x0]  }
0x5dd: {  	s30 =	sor.u32 s4, s29;
	v12 =	vadd.f32 v12, v8;
	v8 =	vld [tilespmem:s21+$0x0]  }
0x5de: {  	s23 =	rddreg [dreg:$0x6];
	v4 =	vadd.f32 v4, v15;
	v62 =	vadd.f32 v13, v3;
	v13 =	vld [tilespmem:s30+$0x0]  }
0x5df: {  	s5 =	sadd.s32 $0x2, s5;
	s29 =	sor.u32 s4, s24;
	v15 =	vadd.f32 v7, v2;
	v7 =	vadd.f32 v9, v6;
	v9 =	vld [tilespmem:s23+$0x0]  }
0x5e0: {  	p1 =	slt.u32 s5, $0x3E;
	s30 =	rddreg [dreg:$0xa];
	v6 =	vld [tilespmem:s29+$0x0]  }
.Ltmp10:
0x5e1: {  	s31 =	rddreg [dreg:$0xd];
	v2 =	vadd.f32 v10, v11;
	v11 =	vld [tilespmem:s30+$0x0];
	(pc) =	sbr.rel @p1 .LBB2_16-.Ltmp10, $4  }
0x5e2: {  	v3 =	vadd.f32 v61, v4;
	v4 =	vadd.f32 v8, v5;
	v8 =	vld [tilespmem:s31+$0x0];
	s29 =	rddreg [dreg:$0x9]  }
0x5e3: {  	s11 =	sor.u32 s4, s11;
	v10 =	vld [tilespmem:s29+$0x0]  }
0x5e4: {  	s7 =	sadd.s32 $0x20, s7;
	s26 =	sor.u32 s4, s26;
	v5 =	vadd.f32 v13, v14;
	v13 =	vadd.f32 v9, v12;
	v9 =	vld [tilespmem:s11+$0x0]  }
0x5e5: {  	s6 =	sadd.s32 $0x100, s6;
	s24 =	sor.u32 s4, s12;
	s22 =	sadd.s32 s4, s14;
	v14 =	vadd.f32 v63, v62;
	v6 =	vadd.f32 v6, v15;
	v12 =	vld [tilespmem:s26+$0x0]  }
0x5e6: {  	v15 =	vld [tilespmem:s24+$0x0];
	_ =	sdelay $0x2  }
0x5e7: {  	v2 =	vadd.f32 v11, v2;
	v3 =	vadd.f32 v8, v3  }
0x5e8: {  	v7 =	vadd.f32 v10, v7;
	v4 =	vadd.f32 v9, v4  }
0x5e9: {  	v5 =	vadd.f32 v12, v5;
	v6 =	vadd.f32 v15, v6  }
0x5ea: {  	v62 =	vadd.f32 v14, v13;
	v2 =	vadd.f32 v2, v7  }
0x5eb: {  	v3 =	vadd.f32 v4, v3;
	v63 =	vadd.f32 v6, v5;
	_ =	sdelay $0x1  }
0x5ec: {  	v2 =	vadd.f32 v2, v62;
	v3 =	vadd.f32 v63, v3;
	_ =	sdelay $0x1  }
0x5ed: {  	v2 =	vadd.f32 v3, v2  }
0x5ee: {  	[tilespmem:s8+$0x0] =	vst.add.f32.msk $0xffff, v1  }
0x5ef: {  	[tilespmem:s22+$0x0] =	vst.add.f32.msk $0xffff, v2  }
0x5f0: {  	s16 =	rddreg [dreg:$0x1c]  }
0x5f1: {  	s17 =	rddreg [dreg:$0x1d]  }
0x5f2: {  	s19 =	rddreg [dreg:$0x1e]  }
0x5f3: {  	s20 =	rddreg [dreg:$0x1f]  }
0x5f4: {  	s21 =	sld [smem:$0x7F3]  }
0x5f5: {  	s22 =	sld [smem:$0x7F4]  }
0x5f6: {  	s23 =	sld [smem:$0x7F5]  }
0x5f7: {  	s24 =	sld [smem:$0x7F6]  }
0x5f8: {  	s25 =	sld [smem:$0x7F7]  }
.Ltmp11:
0x5f9: {  	s26 =	sld [smem:$0x7F8];
	(pc) =	sbr.rel .LBB2_18-.Ltmp11, $4  }
0x5fa: {  	s28 =	sld [smem:$0x7F9]  }
0x5fb: {  	s29 =	sld [smem:$0x7FA]  }
0x5fc: {  	s30 =	sld [smem:$0x7FB]  }
0x5fd: {  	s14 =	simm.s32 $0x0;
	s31 =	sld [smem:$0x7FC]  }
.LBB2_12:
0x5fe: {  	s0 =	rddreg [dreg:$0x1a];
	s6 =	simm.s32 $0x0;
	s2 =	simm.s32 $0x1  }
0x5ff: {  	s3 =	simm.s32 $0x1;
	s5 =	simm.s32 $0x0;
	s1 =	sadd.s32 s10, s0  }
0x600: {  	s0 =	simm.s32 $0x1;
	p0 =	sge.s32 s1, s16;
	p2 =	sge.s32 s1, s17  }
0x601: {  	p3 =	sge.s32 s1, s19;
	s0 =	simm.s32 @!p0 $0x0;
	s2 =	simm.s32 @!p2 $0x0  }
0x602: {  	s4 =	sand.u32 $0x380, s6;
	s3 =	simm.s32 @!p3 $0x0;
	s0 =	sadd.s32 s2, s0  }
0x603: {  	p0 =	sge.s32 s1, s20;
	s2 =	simm.s32 $0x1;
	s0 =	sadd.s32 s3, s0  }
0x604: {  	s2 =	simm.s32 @!p0 $0x0;
	p0 =	sge.s32 s1, s21;
	s3 =	simm.s32 $0x1  }
0x605: {  	p3 =	sge.s32 s1, s24;
	s0 =	sadd.s32 s2, s0;
	s3 =	simm.s32 @!p0 $0x0  }
0x606: {  	p0 =	sge.s32 s1, s22;
	s2 =	simm.s32 $0x1;
	s0 =	sadd.s32 s3, s0  }
0x607: {  	s2 =	simm.s32 @!p0 $0x0;
	p0 =	sge.s32 s1, s23;
	s3 =	simm.s32 $0x1  }
0x608: {  	s0 =	sadd.s32 s2, s0;
	s3 =	simm.s32 @!p0 $0x0;
	s2 =	simm.s32 $0x1  }
0x609: {  	s13 =	sand.u32 $0x6000, s5;
	s0 =	sadd.s32 s3, s0;
	s2 =	simm.s32 @!p3 $0x0  }
0x60a: {  	p3 =	sge.s32 s1, s25;
	s0 =	sadd.s32 s2, s0;
	s2 =	simm.s32 $0x1  }
0x60b: {  	s3 =	simm.s32 $0x1;
	s2 =	simm.s32 @!p3 $0x0;
	p3 =	sge.s32 s1, s26  }
0x60c: {  	p2 =	sge.s32 s1, s30;
	s0 =	sadd.s32 s2, s0;
	s3 =	simm.s32 @!p3 $0x0  }
0x60d: {  	p3 =	sge.s32 s1, s28;
	s2 =	simm.s32 $0x1;
	s0 =	sadd.s32 s3, s0  }
0x60e: {  	s2 =	simm.s32 @!p3 $0x0;
	p3 =	sge.s32 s1, s29;
	s3 =	simm.s32 $0x1  }
0x60f: {  	s0 =	sadd.s32 s2, s0;
	s3 =	simm.s32 @!p3 $0x0;
	s2 =	simm.s32 $0x1  }
0x610: {  	p1 =	sge.s32 s1, s12;
	s2 =	simm.s32 @!p2 $0x0;
	s0 =	sadd.s32 s3, s0  }
0x611: {  	p0 =	sge.s32 s1, s31;
	s0 =	sadd.s32 s2, s0;
	s2 =	simm.s32 $0x1  }
0x612: {  	s5 =	sor.u32 s4, s13;
	s3 =	simm.s32 $0x1;
	s2 =	simm.s32 @!p0 $0x0  }
0x613: {  	v1 =	vld [tilespmem:s5+$0x8000];
	s3 =	simm.s32 @!p1 $0x0;
	s0 =	sadd.s32 s2, s0  }
0x614: {  	s0 =	sadd.s32 s3, s0  }
0x615: {  	s4 =	sshll.u32 s0, $0xA;
	s0 =	sshll.u32 s0, $0x7  }
0x616: {  	s15 =	sand.u32 $0x7FFFE000, s4;
	s7 =	sand.u32 $0x380, s0  }
0x617: {  	s0 =	sor.u32 s7, s15  }
0x618: {  	[tilespmem:s0+$0x10000] =	vst.add.f32.msk $0xffff, v1  }
0x619: {  	v1 =	vld [tilespmem:s5+$0x8010];
	_ =	sdelay $0x2  }
0x61a: {  	s8 =	sadd.s32 $0x10000, s0  }
0x61b: {  	s0 =	sor.u32 $0x10, s8  }
0x61c: {  	[tilespmem:s0+$0x0] =	vst.add.f32.msk $0xffff, v1  }
0x61d: {  	v1 =	vld [tilespmem:s5+$0x8020];
	_ =	sdelay $0x3  }
0x61e: {  	s18 =	sor.u32 $0x20, s8  }
0x61f: {  	[tilespmem:s18+$0x0] =	vst.add.f32.msk $0xffff, v1  }
0x620: {  	v1 =	vld [tilespmem:s5+$0x8030];
	_ =	sdelay $0x3  }
0x621: {  	s2 =	sor.u32 $0x30, s8  }
0x622: {  	[tilespmem:s2+$0x0] =	vst.add.f32.msk $0xffff, v1  }
0x623: {  	v1 =	vld [tilespmem:s5+$0x8040];
	_ =	sdelay $0x3  }
0x624: {  	s3 =	sor.u32 $0x40, s8  }
0x625: {  	[tilespmem:s3+$0x0] =	vst.add.f32.msk $0xffff, v1  }
0x626: {  	v1 =	vld [tilespmem:s5+$0x8050];
	_ =	sdelay $0x3  }
0x627: {  	s9 =	sor.u32 $0x50, s8  }
0x628: {  	[tilespmem:s9+$0x0] =	vst.add.f32.msk $0xffff, v1  }
0x629: {  	v1 =	vld [tilespmem:s5+$0x8060];
	_ =	sdelay $0x3  }
0x62a: {  	s10 =	sor.u32 $0x60, s8  }
0x62b: {  	[tilespmem:s10+$0x0] =	vst.add.f32.msk $0xffff, v1  }
0x62c: {  	v1 =	vld [tilespmem:s5+$0x8070];
	_ =	sdelay $0x3  }
0x62d: {  	s11 =	sor.u32 $0x70, s8  }
0x62e: {  	[tilespmem:s11+$0x0] =	vst.add.f32.msk $0xffff, v1  }
0x62f: {  	v1 =	vld [tilespmem:s5+$0x8400];
	_ =	sdelay $0x3  }
0x630: {  	s13 =	sor.u32 $0x400, s8  }
0x631: {  	[tilespmem:s13+$0x0] =	vst.add.f32.msk $0xffff, v1  }
0x632: {  	v1 =	vld [tilespmem:s5+$0x8410];
	_ =	sdelay $0x3  }
0x633: {  	s15 =	sor.u32 $0x410, s8  }
0x634: {  	[tilespmem:s15+$0x0] =	vst.add.f32.msk $0xffff, v1  }
0x635: {  	v1 =	vld [tilespmem:s5+$0x8420];
	_ =	sdelay $0x3  }
0x636: {  	s18 =	sor.u32 $0x420, s8  }
0x637: {  	[tilespmem:s18+$0x0] =	vst.add.f32.msk $0xffff, v1  }
0x638: {  	v1 =	vld [tilespmem:s5+$0x8430];
	_ =	sdelay $0x3  }
0x639: {  	s2 =	sor.u32 $0x430, s8  }
0x63a: {  	[tilespmem:s2+$0x0] =	vst.add.f32.msk $0xffff, v1  }
0x63b: {  	v1 =	vld [tilespmem:s5+$0x8440];
	_ =	sdelay $0x3  }
0x63c: {  	s3 =	sor.u32 $0x440, s8  }
0x63d: {  	[tilespmem:s3+$0x0] =	vst.add.f32.msk $0xffff, v1  }
0x63e: {  	v1 =	vld [tilespmem:s5+$0x8450];
	_ =	sdelay $0x3  }
0x63f: {  	s9 =	sor.u32 $0x450, s8  }
0x640: {  	[tilespmem:s9+$0x0] =	vst.add.f32.msk $0xffff, v1  }
0x641: {  	v1 =	vld [tilespmem:s5+$0x8460];
	_ =	sdelay $0x3  }
0x642: {  	s10 =	sor.u32 $0x460, s8  }
0x643: {  	[tilespmem:s10+$0x0] =	vst.add.f32.msk $0xffff, v1  }
0x644: {  	v1 =	vld [tilespmem:s5+$0x8470];
	_ =	sdelay $0x3  }
0x645: {  	s11 =	sor.u32 $0x470, s8  }
0x646: {  	[tilespmem:s11+$0x0] =	vst.add.f32.msk $0xffff, v1  }
0x647: {  	v1 =	vld [tilespmem:s5+$0x8800];
	_ =	sdelay $0x3  }
0x648: {  	s13 =	sor.u32 $0x800, s8  }
0x649: {  	[tilespmem:s13+$0x0] =	vst.add.f32.msk $0xffff, v1  }
0x64a: {  	v1 =	vld [tilespmem:s5+$0x8810];
	_ =	sdelay $0x3  }
0x64b: {  	s15 =	sor.u32 $0x810, s8  }
0x64c: {  	[tilespmem:s15+$0x0] =	vst.add.f32.msk $0xffff, v1  }
0x64d: {  	v1 =	vld [tilespmem:s5+$0x8820];
	_ =	sdelay $0x3  }
0x64e: {  	s18 =	sor.u32 $0x820, s8  }
0x64f: {  	[tilespmem:s18+$0x0] =	vst.add.f32.msk $0xffff, v1  }
0x650: {  	v1 =	vld [tilespmem:s5+$0x8830];
	_ =	sdelay $0x3  }
0x651: {  	s2 =	sor.u32 $0x830, s8  }
0x652: {  	[tilespmem:s2+$0x0] =	vst.add.f32.msk $0xffff, v1  }
0x653: {  	v1 =	vld [tilespmem:s5+$0x8840];
	_ =	sdelay $0x3  }
0x654: {  	s3 =	sor.u32 $0x840, s8  }
0x655: {  	[tilespmem:s3+$0x0] =	vst.add.f32.msk $0xffff, v1  }
0x656: {  	v1 =	vld [tilespmem:s5+$0x8850];
	_ =	sdelay $0x3  }
0x657: {  	s9 =	sor.u32 $0x850, s8  }
0x658: {  	[tilespmem:s9+$0x0] =	vst.add.f32.msk $0xffff, v1  }
0x659: {  	v1 =	vld [tilespmem:s5+$0x8860];
	_ =	sdelay $0x3  }
0x65a: {  	s10 =	sor.u32 $0x860, s8  }
0x65b: {  	[tilespmem:s10+$0x0] =	vst.add.f32.msk $0xffff, v1  }
0x65c: {  	v1 =	vld [tilespmem:s5+$0x8870];
	_ =	sdelay $0x3  }
0x65d: {  	s11 =	sor.u32 $0x870, s8  }
0x65e: {  	[tilespmem:s11+$0x0] =	vst.add.f32.msk $0xffff, v1  }
0x65f: {  	v1 =	vld [tilespmem:s5+$0x8C00];
	_ =	sdelay $0x3  }
0x660: {  	s13 =	sor.u32 $0xC00, s8  }
0x661: {  	[tilespmem:s13+$0x0] =	vst.add.f32.msk $0xffff, v1  }
0x662: {  	v1 =	vld [tilespmem:s5+$0x8C10];
	_ =	sdelay $0x3  }
0x663: {  	s15 =	sor.u32 $0xC10, s8  }
0x664: {  	[tilespmem:s15+$0x0] =	vst.add.f32.msk $0xffff, v1  }
0x665: {  	v1 =	vld [tilespmem:s5+$0x8C20];
	_ =	sdelay $0x3  }
0x666: {  	s18 =	sor.u32 $0xC20, s8  }
0x667: {  	[tilespmem:s18+$0x0] =	vst.add.f32.msk $0xffff, v1  }
0x668: {  	v1 =	vld [tilespmem:s5+$0x8C30];
	_ =	sdelay $0x3  }
0x669: {  	s2 =	sor.u32 $0xC30, s8  }
0x66a: {  	[tilespmem:s2+$0x0] =	vst.add.f32.msk $0xffff, v1  }
0x66b: {  	v1 =	vld [tilespmem:s5+$0x8C40];
	_ =	sdelay $0x3  }
0x66c: {  	s3 =	sor.u32 $0xC40, s8  }
0x66d: {  	[tilespmem:s3+$0x0] =	vst.add.f32.msk $0xffff, v1  }
0x66e: {  	v1 =	vld [tilespmem:s5+$0x8C50];
	_ =	sdelay $0x3  }
0x66f: {  	s9 =	sor.u32 $0xC50, s8  }
0x670: {  	[tilespmem:s9+$0x0] =	vst.add.f32.msk $0xffff, v1  }
0x671: {  	v1 =	vld [tilespmem:s5+$0x8C60];
	_ =	sdelay $0x3  }
0x672: {  	s10 =	sor.u32 $0xC60, s8  }
0x673: {  	[tilespmem:s10+$0x0] =	vst.add.f32.msk $0xffff, v1  }
0x674: {  	v1 =	vld [tilespmem:s5+$0x8C70];
	_ =	sdelay $0x3  }
0x675: {  	s11 =	sor.u32 $0xC70, s8  }
0x676: {  	[tilespmem:s11+$0x0] =	vst.add.f32.msk $0xffff, v1  }
0x677: {  	v1 =	vld [tilespmem:s5+$0x9000];
	_ =	sdelay $0x3  }
0x678: {  	s13 =	sor.u32 $0x1000, s8  }
0x679: {  	[tilespmem:s13+$0x0] =	vst.add.f32.msk $0xffff, v1  }
0x67a: {  	v1 =	vld [tilespmem:s5+$0x9010];
	_ =	sdelay $0x3  }
0x67b: {  	s15 =	sor.u32 $0x1010, s8  }
0x67c: {  	[tilespmem:s15+$0x0] =	vst.add.f32.msk $0xffff, v1  }
0x67d: {  	v1 =	vld [tilespmem:s5+$0x9020];
	_ =	sdelay $0x3  }
0x67e: {  	s18 =	sor.u32 $0x1020, s8  }
0x67f: {  	[tilespmem:s18+$0x0] =	vst.add.f32.msk $0xffff, v1  }
0x680: {  	v1 =	vld [tilespmem:s5+$0x9030];
	_ =	sdelay $0x3  }
0x681: {  	s2 =	sor.u32 $0x1030, s8  }
0x682: {  	[tilespmem:s2+$0x0] =	vst.add.f32.msk $0xffff, v1  }
0x683: {  	v1 =	vld [tilespmem:s5+$0x9040];
	_ =	sdelay $0x3  }
0x684: {  	s3 =	sor.u32 $0x1040, s8  }
0x685: {  	[tilespmem:s3+$0x0] =	vst.add.f32.msk $0xffff, v1  }
0x686: {  	v1 =	vld [tilespmem:s5+$0x9050];
	_ =	sdelay $0x3  }
0x687: {  	s9 =	sor.u32 $0x1050, s8  }
0x688: {  	[tilespmem:s9+$0x0] =	vst.add.f32.msk $0xffff, v1  }
0x689: {  	v1 =	vld [tilespmem:s5+$0x9060];
	_ =	sdelay $0x3  }
0x68a: {  	s10 =	sor.u32 $0x1060, s8  }
0x68b: {  	[tilespmem:s10+$0x0] =	vst.add.f32.msk $0xffff, v1  }
0x68c: {  	v1 =	vld [tilespmem:s5+$0x9070];
	_ =	sdelay $0x3  }
0x68d: {  	s11 =	sor.u32 $0x1070, s8  }
0x68e: {  	[tilespmem:s11+$0x0] =	vst.add.f32.msk $0xffff, v1  }
0x68f: {  	v1 =	vld [tilespmem:s5+$0x9400];
	_ =	sdelay $0x3  }
0x690: {  	s13 =	sor.u32 $0x1400, s8  }
0x691: {  	[tilespmem:s13+$0x0] =	vst.add.f32.msk $0xffff, v1  }
0x692: {  	v1 =	vld [tilespmem:s5+$0x9410];
	_ =	sdelay $0x3  }
0x693: {  	s15 =	sor.u32 $0x1410, s8  }
0x694: {  	[tilespmem:s15+$0x0] =	vst.add.f32.msk $0xffff, v1  }
0x695: {  	v1 =	vld [tilespmem:s5+$0x9420];
	_ =	sdelay $0x3  }
0x696: {  	s18 =	sor.u32 $0x1420, s8  }
0x697: {  	[tilespmem:s18+$0x0] =	vst.add.f32.msk $0xffff, v1  }
0x698: {  	v1 =	vld [tilespmem:s5+$0x9430];
	_ =	sdelay $0x3  }
0x699: {  	s2 =	sor.u32 $0x1430, s8  }
0x69a: {  	[tilespmem:s2+$0x0] =	vst.add.f32.msk $0xffff, v1  }
0x69b: {  	v1 =	vld [tilespmem:s5+$0x9440];
	_ =	sdelay $0x3  }
0x69c: {  	s3 =	sor.u32 $0x1440, s8  }
0x69d: {  	[tilespmem:s3+$0x0] =	vst.add.f32.msk $0xffff, v1  }
0x69e: {  	v1 =	vld [tilespmem:s5+$0x9450];
	_ =	sdelay $0x3  }
0x69f: {  	s9 =	sor.u32 $0x1450, s8  }
0x6a0: {  	[tilespmem:s9+$0x0] =	vst.add.f32.msk $0xffff, v1  }
0x6a1: {  	v1 =	vld [tilespmem:s5+$0x9460];
	_ =	sdelay $0x3  }
0x6a2: {  	s10 =	sor.u32 $0x1460, s8  }
0x6a3: {  	[tilespmem:s10+$0x0] =	vst.add.f32.msk $0xffff, v1  }
0x6a4: {  	v1 =	vld [tilespmem:s5+$0x9470];
	_ =	sdelay $0x3  }
0x6a5: {  	s11 =	sor.u32 $0x1470, s8  }
0x6a6: {  	[tilespmem:s11+$0x0] =	vst.add.f32.msk $0xffff, v1  }
0x6a7: {  	v1 =	vld [tilespmem:s5+$0x9800];
	_ =	sdelay $0x3  }
0x6a8: {  	s13 =	sor.u32 $0x1800, s8  }
0x6a9: {  	[tilespmem:s13+$0x0] =	vst.add.f32.msk $0xffff, v1  }
0x6aa: {  	v1 =	vld [tilespmem:s5+$0x9810];
	_ =	sdelay $0x3  }
0x6ab: {  	s15 =	sor.u32 $0x1810, s8  }
0x6ac: {  	[tilespmem:s15+$0x0] =	vst.add.f32.msk $0xffff, v1  }
0x6ad: {  	v1 =	vld [tilespmem:s5+$0x9820];
	_ =	sdelay $0x3  }
0x6ae: {  	s18 =	sor.u32 $0x1820, s8  }
0x6af: {  	[tilespmem:s18+$0x0] =	vst.add.f32.msk $0xffff, v1  }
0x6b0: {  	v1 =	vld [tilespmem:s5+$0x9830];
	_ =	sdelay $0x3  }
0x6b1: {  	s2 =	sor.u32 $0x1830, s8  }
0x6b2: {  	[tilespmem:s2+$0x0] =	vst.add.f32.msk $0xffff, v1  }
0x6b3: {  	v1 =	vld [tilespmem:s5+$0x9840];
	_ =	sdelay $0x3  }
0x6b4: {  	s3 =	sor.u32 $0x1840, s8  }
0x6b5: {  	[tilespmem:s3+$0x0] =	vst.add.f32.msk $0xffff, v1  }
0x6b6: {  	v1 =	vld [tilespmem:s5+$0x9850];
	_ =	sdelay $0x3  }
0x6b7: {  	s9 =	sor.u32 $0x1850, s8  }
0x6b8: {  	[tilespmem:s9+$0x0] =	vst.add.f32.msk $0xffff, v1  }
0x6b9: {  	v1 =	vld [tilespmem:s5+$0x9860];
	_ =	sdelay $0x3  }
0x6ba: {  	s10 =	sor.u32 $0x1860, s8  }
0x6bb: {  	[tilespmem:s10+$0x0] =	vst.add.f32.msk $0xffff, v1  }
0x6bc: {  	v1 =	vld [tilespmem:s5+$0x9870];
	_ =	sdelay $0x1  }
0x6bd: {  	s11 =	sand.u32 $0x7, s6  }
0x6be: {  	s0 =	sshll.u32 s11, $0x7  }
0x6bf: {  	s13 =	sor.u32 $0x1870, s8;
	s5 =	sadd.s32 $0x0, s0  }
0x6c0: {  	s15 =	sor.u32 $0x1C00, s5;
	[tilespmem:s13+$0x0] =	vst.add.f32.msk $0xffff, v1  }
0x6c1: {  	v1 =	vld [tilespmem:s15+$0x8000];
	_ =	sdelay $0x2  }
0x6c2: {  	s4 =	sor.u32 s4, s7  }
0x6c3: {  	s18 =	sor.u32 $0x1C00, s4  }
0x6c4: {  	s2 =	sor.u32 $0x1C10, s5;
	[tilespmem:s18+$0x10000] =	vst.add.f32.msk $0xffff, v1  }
0x6c5: {  	v1 =	vld [tilespmem:s2+$0x8000];
	_ =	sdelay $0x3  }
0x6c6: {  	s3 =	sor.u32 $0x1C10, s4  }
0x6c7: {  	s7 =	sor.u32 $0x1C20, s5;
	[tilespmem:s3+$0x10000] =	vst.add.f32.msk $0xffff, v1  }
0x6c8: {  	v1 =	vld [tilespmem:s7+$0x8000];
	_ =	sdelay $0x3  }
0x6c9: {  	s8 =	sor.u32 $0x1C20, s4  }
0x6ca: {  	s9 =	sor.u32 $0x1C30, s5;
	[tilespmem:s8+$0x10000] =	vst.add.f32.msk $0xffff, v1  }
0x6cb: {  	v1 =	vld [tilespmem:s9+$0x8000];
	_ =	sdelay $0x3  }
0x6cc: {  	s10 =	sor.u32 $0x1C30, s4;
	s11 =	sor.u32 $0x1C40, s5  }
0x6cd: {  	s13 =	simm.s32 $0x80;
	s15 =	sor.u32 $0x1C40, s4;
	s18 =	sor.u32 $0x1C50, s5;
	[tilespmem:s10+$0x10000] =	vst.add.f32.msk $0xffff, v1  }
0x6ce: {  	s2 =	sor.u32 $0x1C50, s4;
	s7 =	sand.u32 $0x380, s13;
	s13 =	smov.u32 s12;
	v1 =	vld [tilespmem:s11+$0x8000]  }
0x6cf: {  	s8 =	simm.s32 $0x0;
	s9 =	simm.s32 $0x400;
	s10 =	sadd.s32 $0x1, s1  }
0x6d0: {  	s1 =	simm.s32 $0xFFFF8400;
	p0 =	sge.s32 s10, s12;
	p4 =	sge.s32 s10, s30  }
0x6d1: {  	p3 =	sge.s32 s10, s31;
	p6 =	sge.s32 s10, s24;
	s0 =	simm.s32 @!p0 $0x0  }
0x6d2: {  	p5 =	sge.s32 s10, s25;
	p1 =	sge.s32 s10, s17;
	s0 =	simm.s32 @p0 $0x1  }
0x6d3: {  	p0 =	sge.s32 s10, s16;
	[smem:$0x7D4] =	sst s0;
	s0 =	simm.s32 $0x1;
	[tilespmem:s15+$0x10000] =	vst.add.f32.msk $0xffff, v1  }
0x6d4: {  	s12 =	simm.s32 $0x100;
	s0 =	simm.s32 @!p0 $0x0;
	p0 =	sge.s32 s10, s19;
	v1 =	vld [tilespmem:s18+$0x8000]  }
.LBB2_13:
0x6d5: {  	p2 =	sne.s32 s12, $0xF80  }
0x6d6: {  	s3 =	simm.s32 @!p2 $0x0  }
0x6d7: {  	s3 =	simm.s32 @p2 $0x1  }
0x6d8: {  	[smem:$0x7D3] =	sst s3;
	s3 =	simm.s32 $0x1  }
0x6d9: {  	s3 =	simm.s32 @!p1 $0x0  }
0x6da: {  	s0 =	sadd.s32 s3, s0;
	s3 =	simm.s32 $0x1  }
0x6db: {  	[tilespmem:s2+$0x10000] =	vst.add.f32.msk $0xffff, v1;
	s2 =	simm.s32 $0x1;
	s3 =	simm.s32 @!p0 $0x0;
	p0 =	sge.s32 s10, s20  }
0x6dc: {  	s0 =	sadd.s32 s3, s0;
	s2 =	simm.s32 @!p0 $0x0  }
0x6dd: {  	p0 =	sge.s32 s10, s21;
	s0 =	sadd.s32 s2, s0;
	s2 =	simm.s32 $0x1  }
0x6de: {  	s2 =	simm.s32 @!p0 $0x0  }
0x6df: {  	p0 =	sge.s32 s10, s22;
	s0 =	sadd.s32 s2, s0;
	s2 =	simm.s32 $0x1  }
0x6e0: {  	s2 =	simm.s32 @!p0 $0x0  }
0x6e1: {  	p0 =	sge.s32 s10, s23;
	s0 =	sadd.s32 s2, s0;
	s2 =	simm.s32 $0x1  }
0x6e2: {  	s2 =	simm.s32 @!p0 $0x0  }
0x6e3: {  	s15 =	sor.u32 $0x1C60, s5;
	s0 =	sadd.s32 s2, s0;
	s2 =	simm.s32 $0x1  }
0x6e4: {  	v1 =	vld [tilespmem:s15+$0x8000];
	s2 =	simm.s32 @!p6 $0x0  }
0x6e5: {  	s0 =	sadd.s32 s2, s0;
	s2 =	simm.s32 $0x1  }
0x6e6: {  	s2 =	simm.s32 @!p5 $0x0  }
0x6e7: {  	p0 =	sge.s32 s10, s26;
	s0 =	sadd.s32 s2, s0;
	s2 =	simm.s32 $0x1  }
0x6e8: {  	s18 =	sor.u32 $0x1C60, s4;
	s11 =	sor.u32 $0x1C70, s5;
	s2 =	simm.s32 @!p0 $0x0  }
0x6e9: {  	[tilespmem:s18+$0x10000] =	vst.add.f32.msk $0xffff, v1;
	p0 =	sge.s32 s10, s28;
	s0 =	sadd.s32 s2, s0;
	s2 =	simm.s32 $0x1  }
0x6ea: {  	s18 =	sor.u32 $0x1C70, s4;
	v1 =	vld [tilespmem:s11+$0x8000];
	s2 =	simm.s32 @!p0 $0x0  }
0x6eb: {  	p0 =	sge.s32 s10, s29;
	s0 =	sadd.s32 s2, s0;
	s2 =	simm.s32 $0x1  }
0x6ec: {  	s4 =	sld [smem:$0x7D4];
	s3 =	simm.s32 $0x1;
	s2 =	simm.s32 @!p0 $0x0  }
0x6ed: {  	s15 =	sand.u32 $0x6000, s9;
	s3 =	simm.s32 @!p4 $0x0;
	s0 =	sadd.s32 s2, s0  }
0x6ee: {  	s5 =	sor.u32 s7, s15;
	s0 =	sadd.s32 s3, s0;
	s3 =	simm.s32 $0x1  }
0x6ef: {  	[tilespmem:s18+$0x10000] =	vst.add.f32.msk $0xffff, v1;
	p0 =	seq.s32 s4, $0x1;
	s2 =	simm.s32 $0x1;
	s3 =	simm.s32 @!p3 $0x0  }
0x6f0: {  	v1 =	vld [tilespmem:s5+$0x8000];
	s2 =	simm.s32 @!p0 $0x0;
	s0 =	sadd.s32 s3, s0  }
0x6f1: {  	s0 =	sadd.s32 s2, s0  }
0x6f2: {  	s11 =	sshll.u32 s0, $0xA;
	s0 =	sshll.u32 s0, $0x7  }
0x6f3: {  	s7 =	sand.u32 $0x7FFFE000, s11;
	s9 =	sand.u32 $0x380, s0  }
0x6f4: {  	s0 =	sor.u32 s9, s7  }
0x6f5: {  	[tilespmem:s0+$0x10000] =	vst.add.f32.msk $0xffff, v1  }
0x6f6: {  	v1 =	vld [tilespmem:s5+$0x8010];
	_ =	sdelay $0x2  }
0x6f7: {  	s7 =	sadd.s32 $0x10000, s0  }
0x6f8: {  	s0 =	sor.u32 $0x10, s7  }
0x6f9: {  	[tilespmem:s0+$0x0] =	vst.add.f32.msk $0xffff, v1  }
0x6fa: {  	v1 =	vld [tilespmem:s5+$0x8020];
	_ =	sdelay $0x3  }
0x6fb: {  	s15 =	sor.u32 $0x20, s7  }
0x6fc: {  	[tilespmem:s15+$0x0] =	vst.add.f32.msk $0xffff, v1  }
0x6fd: {  	v1 =	vld [tilespmem:s5+$0x8030];
	_ =	sdelay $0x3  }
0x6fe: {  	s18 =	sor.u32 $0x30, s7  }
0x6ff: {  	[tilespmem:s18+$0x0] =	vst.add.f32.msk $0xffff, v1  }
0x700: {  	v1 =	vld [tilespmem:s5+$0x8040];
	_ =	sdelay $0x3  }
0x701: {  	s2 =	sor.u32 $0x40, s7  }
0x702: {  	[tilespmem:s2+$0x0] =	vst.add.f32.msk $0xffff, v1  }
0x703: {  	v1 =	vld [tilespmem:s5+$0x8050];
	_ =	sdelay $0x3  }
0x704: {  	s3 =	sor.u32 $0x50, s7  }
0x705: {  	[tilespmem:s3+$0x0] =	vst.add.f32.msk $0xffff, v1  }
0x706: {  	v1 =	vld [tilespmem:s5+$0x8060];
	_ =	sdelay $0x3  }
0x707: {  	s4 =	sor.u32 $0x60, s7  }
0x708: {  	[tilespmem:s4+$0x0] =	vst.add.f32.msk $0xffff, v1  }
0x709: {  	v1 =	vld [tilespmem:s5+$0x8070];
	_ =	sdelay $0x3  }
0x70a: {  	s15 =	sor.u32 $0x70, s7  }
0x70b: {  	[tilespmem:s15+$0x0] =	vst.add.f32.msk $0xffff, v1  }
0x70c: {  	v1 =	vld [tilespmem:s5+$0x8400];
	_ =	sdelay $0x3  }
0x70d: {  	s18 =	sor.u32 $0x400, s7  }
0x70e: {  	[tilespmem:s18+$0x0] =	vst.add.f32.msk $0xffff, v1  }
0x70f: {  	v1 =	vld [tilespmem:s5+$0x8410];
	_ =	sdelay $0x3  }
0x710: {  	s2 =	sor.u32 $0x410, s7  }
0x711: {  	[tilespmem:s2+$0x0] =	vst.add.f32.msk $0xffff, v1  }
0x712: {  	v1 =	vld [tilespmem:s5+$0x8420];
	_ =	sdelay $0x3  }
0x713: {  	s3 =	sor.u32 $0x420, s7  }
0x714: {  	[tilespmem:s3+$0x0] =	vst.add.f32.msk $0xffff, v1  }
0x715: {  	v1 =	vld [tilespmem:s5+$0x8430];
	_ =	sdelay $0x3  }
0x716: {  	s4 =	sor.u32 $0x430, s7  }
0x717: {  	[tilespmem:s4+$0x0] =	vst.add.f32.msk $0xffff, v1  }
0x718: {  	v1 =	vld [tilespmem:s5+$0x8440];
	_ =	sdelay $0x3  }
0x719: {  	s15 =	sor.u32 $0x440, s7  }
0x71a: {  	[tilespmem:s15+$0x0] =	vst.add.f32.msk $0xffff, v1  }
0x71b: {  	v1 =	vld [tilespmem:s5+$0x8450];
	_ =	sdelay $0x3  }
0x71c: {  	s18 =	sor.u32 $0x450, s7  }
0x71d: {  	[tilespmem:s18+$0x0] =	vst.add.f32.msk $0xffff, v1  }
0x71e: {  	v1 =	vld [tilespmem:s5+$0x8460];
	_ =	sdelay $0x3  }
0x71f: {  	s2 =	sor.u32 $0x460, s7  }
0x720: {  	[tilespmem:s2+$0x0] =	vst.add.f32.msk $0xffff, v1  }
0x721: {  	v1 =	vld [tilespmem:s5+$0x8470];
	_ =	sdelay $0x3  }
0x722: {  	s3 =	sor.u32 $0x470, s7  }
0x723: {  	[tilespmem:s3+$0x0] =	vst.add.f32.msk $0xffff, v1  }
0x724: {  	v1 =	vld [tilespmem:s5+$0x8800];
	_ =	sdelay $0x3  }
0x725: {  	s4 =	sor.u32 $0x800, s7  }
0x726: {  	[tilespmem:s4+$0x0] =	vst.add.f32.msk $0xffff, v1  }
0x727: {  	v1 =	vld [tilespmem:s5+$0x8810];
	_ =	sdelay $0x3  }
0x728: {  	s15 =	sor.u32 $0x810, s7  }
0x729: {  	[tilespmem:s15+$0x0] =	vst.add.f32.msk $0xffff, v1  }
0x72a: {  	v1 =	vld [tilespmem:s5+$0x8820];
	_ =	sdelay $0x3  }
0x72b: {  	s18 =	sor.u32 $0x820, s7  }
0x72c: {  	[tilespmem:s18+$0x0] =	vst.add.f32.msk $0xffff, v1  }
0x72d: {  	v1 =	vld [tilespmem:s5+$0x8830];
	_ =	sdelay $0x3  }
0x72e: {  	s2 =	sor.u32 $0x830, s7  }
0x72f: {  	[tilespmem:s2+$0x0] =	vst.add.f32.msk $0xffff, v1  }
0x730: {  	v1 =	vld [tilespmem:s5+$0x8840];
	_ =	sdelay $0x3  }
0x731: {  	s3 =	sor.u32 $0x840, s7  }
0x732: {  	[tilespmem:s3+$0x0] =	vst.add.f32.msk $0xffff, v1  }
0x733: {  	v1 =	vld [tilespmem:s5+$0x8850];
	_ =	sdelay $0x3  }
0x734: {  	s4 =	sor.u32 $0x850, s7  }
0x735: {  	[tilespmem:s4+$0x0] =	vst.add.f32.msk $0xffff, v1  }
0x736: {  	v1 =	vld [tilespmem:s5+$0x8860];
	_ =	sdelay $0x3  }
0x737: {  	s15 =	sor.u32 $0x860, s7  }
0x738: {  	[tilespmem:s15+$0x0] =	vst.add.f32.msk $0xffff, v1  }
0x739: {  	v1 =	vld [tilespmem:s5+$0x8870];
	_ =	sdelay $0x3  }
0x73a: {  	s18 =	sor.u32 $0x870, s7  }
0x73b: {  	[tilespmem:s18+$0x0] =	vst.add.f32.msk $0xffff, v1  }
0x73c: {  	v1 =	vld [tilespmem:s5+$0x8C00];
	_ =	sdelay $0x3  }
0x73d: {  	s2 =	sor.u32 $0xC00, s7  }
0x73e: {  	[tilespmem:s2+$0x0] =	vst.add.f32.msk $0xffff, v1  }
0x73f: {  	v1 =	vld [tilespmem:s5+$0x8C10];
	_ =	sdelay $0x3  }
0x740: {  	s3 =	sor.u32 $0xC10, s7  }
0x741: {  	[tilespmem:s3+$0x0] =	vst.add.f32.msk $0xffff, v1  }
0x742: {  	v1 =	vld [tilespmem:s5+$0x8C20];
	_ =	sdelay $0x3  }
0x743: {  	s4 =	sor.u32 $0xC20, s7  }
0x744: {  	[tilespmem:s4+$0x0] =	vst.add.f32.msk $0xffff, v1  }
0x745: {  	v1 =	vld [tilespmem:s5+$0x8C30];
	_ =	sdelay $0x3  }
0x746: {  	s15 =	sor.u32 $0xC30, s7  }
0x747: {  	[tilespmem:s15+$0x0] =	vst.add.f32.msk $0xffff, v1  }
0x748: {  	v1 =	vld [tilespmem:s5+$0x8C40];
	_ =	sdelay $0x3  }
0x749: {  	s18 =	sor.u32 $0xC40, s7  }
0x74a: {  	[tilespmem:s18+$0x0] =	vst.add.f32.msk $0xffff, v1  }
0x74b: {  	v1 =	vld [tilespmem:s5+$0x8C50];
	_ =	sdelay $0x3  }
0x74c: {  	s2 =	sor.u32 $0xC50, s7  }
0x74d: {  	[tilespmem:s2+$0x0] =	vst.add.f32.msk $0xffff, v1  }
0x74e: {  	v1 =	vld [tilespmem:s5+$0x8C60];
	_ =	sdelay $0x3  }
0x74f: {  	s3 =	sor.u32 $0xC60, s7  }
0x750: {  	[tilespmem:s3+$0x0] =	vst.add.f32.msk $0xffff, v1  }
0x751: {  	v1 =	vld [tilespmem:s5+$0x8C70];
	_ =	sdelay $0x3  }
0x752: {  	s4 =	sor.u32 $0xC70, s7  }
0x753: {  	[tilespmem:s4+$0x0] =	vst.add.f32.msk $0xffff, v1  }
0x754: {  	v1 =	vld [tilespmem:s5+$0x9000];
	_ =	sdelay $0x3  }
0x755: {  	s15 =	sor.u32 $0x1000, s7  }
0x756: {  	[tilespmem:s15+$0x0] =	vst.add.f32.msk $0xffff, v1  }
0x757: {  	v1 =	vld [tilespmem:s5+$0x9010];
	_ =	sdelay $0x3  }
0x758: {  	s18 =	sor.u32 $0x1010, s7  }
0x759: {  	[tilespmem:s18+$0x0] =	vst.add.f32.msk $0xffff, v1  }
0x75a: {  	v1 =	vld [tilespmem:s5+$0x9020];
	_ =	sdelay $0x3  }
0x75b: {  	s2 =	sor.u32 $0x1020, s7  }
0x75c: {  	[tilespmem:s2+$0x0] =	vst.add.f32.msk $0xffff, v1  }
0x75d: {  	v1 =	vld [tilespmem:s5+$0x9030];
	_ =	sdelay $0x3  }
0x75e: {  	s3 =	sor.u32 $0x1030, s7  }
0x75f: {  	[tilespmem:s3+$0x0] =	vst.add.f32.msk $0xffff, v1  }
0x760: {  	v1 =	vld [tilespmem:s5+$0x9040];
	_ =	sdelay $0x3  }
0x761: {  	s4 =	sor.u32 $0x1040, s7  }
0x762: {  	[tilespmem:s4+$0x0] =	vst.add.f32.msk $0xffff, v1  }
0x763: {  	v1 =	vld [tilespmem:s5+$0x9050];
	_ =	sdelay $0x3  }
0x764: {  	s15 =	sor.u32 $0x1050, s7  }
0x765: {  	[tilespmem:s15+$0x0] =	vst.add.f32.msk $0xffff, v1  }
0x766: {  	v1 =	vld [tilespmem:s5+$0x9060];
	_ =	sdelay $0x3  }
0x767: {  	s18 =	sor.u32 $0x1060, s7  }
0x768: {  	[tilespmem:s18+$0x0] =	vst.add.f32.msk $0xffff, v1  }
0x769: {  	v1 =	vld [tilespmem:s5+$0x9070];
	_ =	sdelay $0x3  }
0x76a: {  	s2 =	sor.u32 $0x1070, s7  }
0x76b: {  	[tilespmem:s2+$0x0] =	vst.add.f32.msk $0xffff, v1  }
0x76c: {  	v1 =	vld [tilespmem:s5+$0x9400];
	_ =	sdelay $0x3  }
0x76d: {  	s3 =	sor.u32 $0x1400, s7  }
0x76e: {  	[tilespmem:s3+$0x0] =	vst.add.f32.msk $0xffff, v1  }
0x76f: {  	v1 =	vld [tilespmem:s5+$0x9410];
	_ =	sdelay $0x3  }
0x770: {  	s4 =	sor.u32 $0x1410, s7  }
0x771: {  	[tilespmem:s4+$0x0] =	vst.add.f32.msk $0xffff, v1  }
0x772: {  	v1 =	vld [tilespmem:s5+$0x9420];
	_ =	sdelay $0x3  }
0x773: {  	s15 =	sor.u32 $0x1420, s7  }
0x774: {  	[tilespmem:s15+$0x0] =	vst.add.f32.msk $0xffff, v1  }
0x775: {  	v1 =	vld [tilespmem:s5+$0x9430];
	_ =	sdelay $0x3  }
0x776: {  	s18 =	sor.u32 $0x1430, s7  }
0x777: {  	[tilespmem:s18+$0x0] =	vst.add.f32.msk $0xffff, v1  }
0x778: {  	v1 =	vld [tilespmem:s5+$0x9440];
	_ =	sdelay $0x3  }
0x779: {  	s2 =	sor.u32 $0x1440, s7  }
0x77a: {  	[tilespmem:s2+$0x0] =	vst.add.f32.msk $0xffff, v1  }
0x77b: {  	v1 =	vld [tilespmem:s5+$0x9450];
	_ =	sdelay $0x3  }
0x77c: {  	s3 =	sor.u32 $0x1450, s7  }
0x77d: {  	[tilespmem:s3+$0x0] =	vst.add.f32.msk $0xffff, v1  }
0x77e: {  	v1 =	vld [tilespmem:s5+$0x9460];
	_ =	sdelay $0x3  }
0x77f: {  	s4 =	sor.u32 $0x1460, s7  }
0x780: {  	[tilespmem:s4+$0x0] =	vst.add.f32.msk $0xffff, v1  }
0x781: {  	v1 =	vld [tilespmem:s5+$0x9470];
	_ =	sdelay $0x3  }
0x782: {  	s15 =	sor.u32 $0x1470, s7  }
0x783: {  	[tilespmem:s15+$0x0] =	vst.add.f32.msk $0xffff, v1  }
0x784: {  	v1 =	vld [tilespmem:s5+$0x9800];
	_ =	sdelay $0x3  }
0x785: {  	s18 =	sor.u32 $0x1800, s7  }
0x786: {  	[tilespmem:s18+$0x0] =	vst.add.f32.msk $0xffff, v1  }
0x787: {  	v1 =	vld [tilespmem:s5+$0x9810];
	_ =	sdelay $0x3  }
0x788: {  	s2 =	sor.u32 $0x1810, s7  }
0x789: {  	[tilespmem:s2+$0x0] =	vst.add.f32.msk $0xffff, v1  }
0x78a: {  	v1 =	vld [tilespmem:s5+$0x9820];
	_ =	sdelay $0x3  }
0x78b: {  	s3 =	sor.u32 $0x1820, s7  }
0x78c: {  	[tilespmem:s3+$0x0] =	vst.add.f32.msk $0xffff, v1  }
0x78d: {  	v1 =	vld [tilespmem:s5+$0x9830];
	_ =	sdelay $0x3  }
0x78e: {  	s4 =	sor.u32 $0x1830, s7  }
0x78f: {  	[tilespmem:s4+$0x0] =	vst.add.f32.msk $0xffff, v1  }
0x790: {  	v1 =	vld [tilespmem:s5+$0x9840];
	_ =	sdelay $0x3  }
0x791: {  	s15 =	sor.u32 $0x1840, s7  }
0x792: {  	[tilespmem:s15+$0x0] =	vst.add.f32.msk $0xffff, v1  }
0x793: {  	v1 =	vld [tilespmem:s5+$0x9850];
	_ =	sdelay $0x3  }
0x794: {  	s18 =	sor.u32 $0x1850, s7  }
0x795: {  	[tilespmem:s18+$0x0] =	vst.add.f32.msk $0xffff, v1  }
0x796: {  	v1 =	vld [tilespmem:s5+$0x9860];
	_ =	sdelay $0x3  }
0x797: {  	s2 =	sor.u32 $0x1860, s7  }
0x798: {  	[tilespmem:s2+$0x0] =	vst.add.f32.msk $0xffff, v1  }
0x799: {  	v1 =	vld [tilespmem:s5+$0x9870]  }
0x79a: {  	s6 =	sadd.s32 $0x1, s6  }
0x79b: {  	s3 =	sand.u32 $0x7, s6  }
0x79c: {  	s8 =	sadd.s32 $0x400, s8;
	s0 =	sshll.u32 s3, $0x7  }
0x79d: {  	s4 =	sor.u32 $0x1870, s7;
	s5 =	sadd.s32 s0, s8  }
0x79e: {  	s7 =	sor.u32 $0x1C00, s5;
	[tilespmem:s4+$0x0] =	vst.add.f32.msk $0xffff, v1  }
0x79f: {  	v1 =	vld [tilespmem:s7+$0x8000];
	_ =	sdelay $0x2  }
0x7a0: {  	s4 =	sor.u32 s11, s9  }
0x7a1: {  	s9 =	sor.u32 $0x1C00, s4  }
0x7a2: {  	s11 =	sor.u32 $0x1C10, s5;
	[tilespmem:s9+$0x10000] =	vst.add.f32.msk $0xffff, v1  }
0x7a3: {  	v1 =	vld [tilespmem:s11+$0x8000];
	_ =	sdelay $0x3  }
0x7a4: {  	s15 =	sor.u32 $0x1C10, s4  }
0x7a5: {  	s18 =	sor.u32 $0x1C20, s5;
	[tilespmem:s15+$0x10000] =	vst.add.f32.msk $0xffff, v1  }
0x7a6: {  	v1 =	vld [tilespmem:s18+$0x8000];
	_ =	sdelay $0x3  }
0x7a7: {  	s2 =	sor.u32 $0x1C20, s4  }
0x7a8: {  	s3 =	sor.u32 $0x1C30, s5;
	[tilespmem:s2+$0x10000] =	vst.add.f32.msk $0xffff, v1  }
0x7a9: {  	v1 =	vld [tilespmem:s3+$0x8000];
	_ =	sdelay $0x3  }
0x7aa: {  	s7 =	sor.u32 $0x1C30, s4;
	s18 =	sld [smem:$0x7D3]  }
0x7ab: {  	s1 =	sadd.s32 $0x400, s1;
	s10 =	sadd.s32 $0x1, s10;
	s9 =	sor.u32 $0x1C40, s5;
	[tilespmem:s7+$0x10000] =	vst.add.f32.msk $0xffff, v1  }
0x7ac: {  	p4 =	sge.s32 s10, s30;
	p2 =	sge.s32 s10, s16;
	s0 =	simm.s32 $0x1;
	v1 =	vld [tilespmem:s9+$0x8000]  }
0x7ad: {  	p6 =	sge.s32 s10, s24;
	s0 =	simm.s32 @!p2 $0x0;
	p2 =	seq.s32 s18, $0x1  }
.Ltmp12:
0x7ae: {  	p5 =	sge.s32 s10, s25;
	p0 =	sge.s32 s10, s13;
	(pc) =	sbr.rel @p2 .LBB2_13-.Ltmp12, $4  }
0x7af: {  	p1 =	sge.s32 s10, s17;
	p3 =	sge.s32 s10, s31;
	s2 =	simm.s32 @!p0 $0x0  }
0x7b0: {  	s11 =	sor.u32 $0x1C40, s4;
	s15 =	sor.u32 $0x1C50, s5;
	s2 =	simm.s32 @p0 $0x1  }
0x7b1: {  	p0 =	sge.s32 s10, s19;
	[smem:$0x7D4] =	sst s2;
	s2 =	sor.u32 $0x1C50, s4;
	[tilespmem:s11+$0x10000] =	vst.add.f32.msk $0xffff, v1  }
0x7b2: {  	s7 =	sand.u32 $0x380, s12;
	s12 =	sadd.s32 $0x80, s12;
	s9 =	sadd.s32 $0x8000, s1;
	v1 =	vld [tilespmem:s15+$0x8000]  }
.Ltmp13:
0x7b3: {  	_ = 	snop;
	(pc) =	sbr.rel .LBB2_14-.Ltmp13, $1  }
0x7b4: {  	_ =	sdelay $0x3  }
.LBB2_20:
0x7b5: {  	_ =	sfence.sel $0x180000  }
0x7b6: {  	[bflag:$0x0] =	sbarrier.arrive $0xFFFF  }
0x7b7: {  	_ =	strace $0x90000047  }
0x7b8: {  	s0 =	stileid.u32;
	[bflag:$0x2] =	sbarrier.arrive $0xFFFF  }
0x7b9: {  	p0 =	sne.s32 s0, $0x0;
	s0 =	rddreg [dreg:$0x3]  }
0x7ba: {  	s0 =	sadd.s32 @!p0 $0x100000, s0  }
0x7bb: {  	[sflag:s0] =	ssyncadd.tile.s32 @!p0 $0x1;
	_ =	shalt  }
.Lfunc_end2:
_tile_overlayer_lowered:
.L_overlay_start_2:
0x7bc: {  	(tag) =	ssettag $0x2  }
0x7bd: {  	s0 =	rddreg [dreg:$0x0];
	s2 =	stileid.u32  }
0x7be: {  	s1 =	rddreg [dreg:$0x1];
	p0 =	sne.s32 s2, $0x0  }
0x7bf: {  	s3 =	rddreg [dreg:$0x2];
	[bflag:$0x3] =	sbarrier.arrive $0xFFFF;
	s2 =	simm.s32 @!p0 $0x1C03  }
0x7c0: {  	[timem:s3], [sflag:s2] =	dma.local @!p0 [hbm:s0], s1  }
0x7c1: {  	s0 =	simm.s32 @!p0 $0x3  }
0x7c2: {  	_ =	swait.ge @!p0 [sflag:s0], s1  }
0x7c3: {  	s1 =	ssub.s32 @!p0 $0x0, s1;
	[sflag:s0] =	ssyncset.done @!p0 $0x0  }
0x7c4: {  	[sflag:s0] =	ssyncadd.s32 @!p0 s1  }
0x7c5: {  	[bflag:$0x3] =	sbarrier.arrive $0xFFFF  }
0x7c6: {  	_ =	shalt  }

</sc_bundles>
